<compile_context>
chip_gen: v7x
topology: tpu7x:2x2x1
jax: 0.10.2.dev20260603
libtpu: 0.0.44.dev20260713+nightly
codegen_flags: <defaults>
</compile_context>

<pallas_src>
import functools

import jax
import jax.numpy as jnp
from jax import lax
from jax.experimental import pallas as pl
from jax.experimental.pallas import tpu as pltpu
from jax.experimental.pallas import tpu_sc as plsc

_NUM_CORES = 2
_NUM_SUBCORES = 16
_NW = _NUM_CORES * _NUM_SUBCORES
_LANES = 16


def _make_reformat_kernel(V, D):
  assert D == 64
  NB = V // 128
  REM = V - NB * 128
  assert REM == 64

  mesh = plsc.VectorSubcoreMesh(
      core_axis_name="c", subcore_axis_name="s",
      num_cores=_NUM_CORES, num_subcores=_NUM_SUBCORES)

  @functools.partial(
      pl.kernel,
      mesh=mesh,
      compiler_params=pltpu.CompilerParams(
          use_tc_tiling_on_sc=True, needs_layout_passes=False),
      out_type=jax.ShapeDtypeStruct((V // 2, 2 * D), jnp.float32),
      scratch_types=[
          pltpu.VMEM((2, D, 128), jnp.float32),
          pltpu.VMEM((2, 64, 128), jnp.float32),
          pltpu.VMEM((REM, 128), jnp.float32),
          pltpu.SemaphoreType.DMA,
          pltpu.SemaphoreType.DMA,
          pltpu.SemaphoreType.DMA,
          pltpu.SemaphoreType.DMA,
      ],
  )
  def reformat(tableT_hbm, tail_hbm, out_hbm, inb, outb, tbuf,
               isem0, isem1, osem0, osem1):
    wid = lax.axis_index("s") * _NUM_CORES + lax.axis_index("c")
    isems = (isem0, isem1)
    osems = (osem0, osem1)
    nmine = (NB - wid + _NW - 1) // _NW

    def issue_in(k, slot):
      c = wid + k * _NW
      pltpu.async_copy(
          tableT_hbm.at[:, pl.ds(c * 128, 128)], inb.at[slot], isems[slot])

    def wait_in(slot):
      pltpu.make_async_copy(
          tableT_hbm.at[:, pl.ds(0, 128)], inb.at[slot], isems[slot]).wait()

    def transpose_block(slot):
      col0 = jax.lax.iota(jnp.int32, 16)

      @pl.loop(0, 64, unroll=2)
      def _rows(r):
        for j in range(8):
          feats = col0 + (16 * (j % 4))
          vcol = jnp.full((16,), 0, jnp.int32) + (2 * r + (j // 4))
          vec = plsc.load_gather(inb.at[slot], [feats, vcol])
          outb[slot, r, pl.ds(16 * j, 16)] = vec

    def issue_out(k, slot):
      c = wid + k * _NW
      pltpu.async_copy(outb.at[slot], out_hbm.at[pl.ds(c * 64, 64)],
                       osems[slot])

    def wait_out(slot):
      pltpu.make_async_copy(
          out_hbm.at[pl.ds(0, 64)], outb.at[slot], osems[slot]).wait()

    @pl.when(nmine > 0)
    def _():
      issue_in(0, 0)

      @pl.loop(0, nmine)
      def _blocks(k):
        slot = lax.rem(k, 2)
        for s in range(2):
          @pl.when(slot == s)
          def _():
            @pl.when(k + 1 < nmine)
            def _():
              issue_in(k + 1, 1 - s)
            wait_in(s)
            @pl.when(k >= 2)
            def _():
              wait_out(s)
            transpose_block(s)
            issue_out(k, s)

      for s in range(2):
        @pl.when((nmine > 1) & (lax.rem(nmine, 2) == s))
        def _():
          wait_out(s)
      for s in range(2):
        @pl.when(lax.rem(nmine + 1, 2) == s)
        def _():
          wait_out(s)

    if REM:
      @pl.when(wid == 0)
      def _():
        pltpu.sync_copy(tail_hbm, tbuf)

        @pl.loop(0, REM // 2)
        def _rows(r):
          for j in range(8):
            outb[0, r, pl.ds(16 * j, 16)] = (
                tbuf[2 * r + (j // 4), pl.ds(16 * (j % 4), 16)])
        pltpu.sync_copy(outb.at[0, pl.ds(0, REM // 2)],
                        out_hbm.at[pl.ds(NB * 64, REM // 2)])

  return reformat


def _make_pool_kernel(B, S, V, D):
  assert B % _NW == 0
  b_per_w = B // _NW
  assert D % _LANES == 0
  d_vecs = D // _LANES
  chunks = []
  off = 0
  while off < S:
    n = min(128, S - off)
    chunks.append((off, n))
    off += n
  assert all(o % 8 == 0 for o, _ in chunks)
  assert (S * 4) % 8 == 0

  mesh = plsc.VectorSubcoreMesh(
      core_axis_name="c", subcore_axis_name="s",
      num_cores=_NUM_CORES, num_subcores=_NUM_SUBCORES)

  @functools.partial(
      pl.kernel,
      mesh=mesh,
      compiler_params=pltpu.CompilerParams(use_tc_tiling_on_sc=False),
      out_type=jax.ShapeDtypeStruct((B, D), jnp.float32),
      scratch_types=[
          pltpu.VMEM((b_per_w, S), jnp.int32),
          pltpu.VMEM((2, S, D), jnp.float32),
          pltpu.VMEM((b_per_w, D), jnp.float32),
          pltpu.SemaphoreType.DMA,
          pltpu.SemaphoreType.DMA,
      ],
  )
  def pool(idx_hbm, table_hbm, out_hbm, idx_v, rows_v, out_v, sem0, sem1):
    wid = lax.axis_index("s") * _NUM_CORES + lax.axis_index("c")
    base = wid * b_per_w
    sems = (sem0, sem1)

    pltpu.sync_copy(idx_hbm.at[pl.ds(base, b_per_w)], idx_v)

    def issue(r, slot):
      for off, n in chunks:
        pltpu.async_copy(
            table_hbm.at[idx_v.at[r, pl.ds(off, n)]],
            rows_v.at[slot, pl.ds(off, n)],
            sems[slot])

    def drain(slot):
      pltpu.make_async_copy(
          table_hbm.at[pl.ds(0, S)], rows_v.at[slot], sems[slot]).wait()

    inv_s = jnp.float32(1.0 / S)

    def process(r, slot):
      @pl.when(r + 1 < b_per_w)
      def _():
        issue(r + 1, 1 - slot)

      drain(slot)

      zero = jnp.zeros((_LANES,), jnp.float32)

      @pl.loop(0, S, init_carry=(zero,) * d_vecs, unroll=8)
      def acc_loop(i, carry):
        return tuple(
            carry[j] + rows_v[slot, i, pl.ds(j * _LANES, _LANES)]
            for j in range(d_vecs))

      for j in range(d_vecs):
        out_v[r, pl.ds(j * _LANES, _LANES)] = acc_loop[j] * inv_s

    issue(0, 0)

    @pl.loop(0, b_per_w, step=2)
    def _outer(g):
      for b in range(2):
        process(g + b, b)

    pltpu.sync_copy(out_v, out_hbm.at[pl.ds(base, b_per_w)])

  return pool


def _make_mlp_kernel(B, D, H, CP):
  BLK = 512
  assert B % BLK == 0

  def body(x_ref, w1_ref, b1_ref, w2_ref, b2_ref, o_ref, *, n_cls):
    x = x_ref[...]
    h = jnp.dot(x, w1_ref[...], preferred_element_type=jnp.float32)
    h = jnp.maximum(h + b1_ref[...], 0.0)
    logits = jnp.dot(h, w2_ref[...], preferred_element_type=jnp.float32)
    logits = logits + b2_ref[...]
    col = lax.broadcasted_iota(jnp.int32, logits.shape, 1)
    masked = jnp.where(col < n_cls, logits, -jnp.inf)
    m = jnp.max(masked, axis=1, keepdims=True)
    lse = jnp.log(jnp.sum(jnp.exp(masked - m), axis=1, keepdims=True)) + m
    o_ref[...] = logits - lse

  def mlp(x, w1, b1, w2p, b2p, n_cls):
    return pl.pallas_call(
        functools.partial(body, n_cls=n_cls),
        grid=(B // BLK,),
        in_specs=[
            pl.BlockSpec((BLK, D), lambda i: (i, 0)),
            pl.BlockSpec((D, H), lambda i: (0, 0)),
            pl.BlockSpec((1, H), lambda i: (0, 0)),
            pl.BlockSpec((H, CP), lambda i: (0, 0)),
            pl.BlockSpec((1, CP), lambda i: (0, 0)),
        ],
        out_specs=pl.BlockSpec((BLK, CP), lambda i: (i, 0)),
        out_shape=jax.ShapeDtypeStruct((B, CP), jnp.float32),
    )(x, w1, b1, w2p, b2p)

  return mlp


def kernel(input_text, embeddings, W1, b1, W2, b2):
  B, S = input_text.shape
  V, D = embeddings.shape
  H = W1.shape[1]
  n_cls = W2.shape[1]
  CP = 128

  reformat = _make_reformat_kernel(V, D)
  rem = V % 128
  tail_pad = jnp.pad(embeddings[V - rem:, :], ((0, 0), (0, 128 - D)))
  table_lin = reformat(embeddings.T, tail_pad).reshape(V, D)

  pool = _make_pool_kernel(B, S, V, D)
  pooled = pool(input_text, table_lin)

  w2p = jnp.zeros((H, CP), jnp.float32).at[:, :n_cls].set(W2)
  b2p = jnp.zeros((1, CP), jnp.float32).at[0, :n_cls].set(b2)
  mlp = _make_mlp_kernel(B, D, H, CP)
  out = mlp(pooled, W1, b1.reshape(1, H), w2p, b2p, n_cls)
  return out[:, :n_cls]

# --- scband reference (transcript-rebuilt; emitter-appended) ---
"""Pipeline reference for scband-dan-206158430378 (READ-ONLY COPY).

The authoritative reference and input builder live on the scoring server;
editing this copy changes nothing except your own understanding.
"""

import jax, jax.numpy as jnp
import numpy as np

VOCAB = 1000000
EMBED_DIM = 64
N_HIDDEN = 512
NUM_CLASSES = 5
BATCH = 4096
SEQ = 200

def setup_inputs(seed: int = 0) -> dict:
    key = jax.random.key(seed)
    k_idx, k_emb, k_w1, k_b1, k_w2, k_b2 = jax.random.split(key, 6)
    input_text = jax.random.randint(k_idx, (BATCH, SEQ), 0, VOCAB, dtype=jnp.int64 if jax.config.jax_enable_x64 else jnp.int32).astype(jnp.int32)
    embeddings = jax.random.normal(k_emb, (VOCAB, EMBED_DIM), dtype=jnp.float32) * 0.02
    W1 = jax.random.normal(k_w1, (EMBED_DIM, N_HIDDEN), dtype=jnp.float32) * (1.0 / np.sqrt(EMBED_DIM))
    b1 = jax.random.normal(k_b1, (N_HIDDEN,), dtype=jnp.float32) * 0.01
    W2 = jax.random.normal(k_w2, (N_HIDDEN, NUM_CLASSES), dtype=jnp.float32) * (1.0 / np.sqrt(N_HIDDEN))
    b2 = jax.random.normal(k_b2, (NUM_CLASSES,), dtype=jnp.float32) * 0.01
    return {"input_text": input_text, "embeddings": embeddings, "W1": W1, "b1": b1, "W2": W2, "b2": b2}

def reference(input_text, embeddings, W1, b1, W2, b2):
    # embedding lookup (gather)
    data = jnp.take(embeddings, input_text, axis=0)  # [B, S, D]
    data = data.mean(axis=1)                         # [B, D]
    h = jnp.maximum(data @ W1 + b1, 0.0)             # Linear + ReLU
    logits = h @ W2 + b2                             # Linear
    return jax.nn.log_softmax(logits, axis=1)

if __name__ == "__main__":
    import jax
    _d = setup_inputs()
    print(jax.jit(kernel)(*tuple(_d.values())))

</pallas_src>

<mosaic_0001>
#map = affine_map<(d0, d1) -> (0, 0)>
module attributes {stable_mosaic.version = 14 : i64} {
  func.func @pool(%arg0: i32, %arg1: i32, %arg2: memref<4096x200xi32, #tpu.memory_space<hbm>>, %arg3: memref<1000000x64xf32, #tpu.memory_space<hbm>>, %arg4: memref<4096x64xf32, #tpu.memory_space<hbm>>, %arg5: memref<128x200xi32, #tpu.memory_space<vmem>>, %arg6: memref<2x200x64xf32, #tpu.memory_space<vmem>>, %arg7: memref<128x64xf32, #tpu.memory_space<vmem>>, %arg8: memref<!tpu.dma_semaphore, #tpu.memory_space<semaphore_mem>>, %arg9: memref<!tpu.dma_semaphore, #tpu.memory_space<semaphore_mem>>) attributes {dimension_semantics = [#tpu.dimension_semantics<core_parallel>, #tpu.dimension_semantics<subcore_parallel>], iteration_bounds = array<i64: 2, 16>, scalar_prefetch = 0 : i64, scratch_operands = 5 : i64, tpu.core_type = #tpu.core_type<sc_vector_subcore>, window_params = [{transform_indices = #map}, {transform_indices = #map}, {transform_indices = #map}]} {
    %mul3A = arith.constant 2 : i32
    %mul3A_0 = arith.muli %arg1, %mul3A : i32
    %add3A = arith.addi %mul3A_0, %arg0 : i32
    %mul3A_1 = arith.constant 128 : i32
    %mul3A_2 = arith.muli %add3A, %mul3A_1 : i32
    "tpu.region"() ({
      %run_scoped3A = tpu.sem_alloc : memref<!tpu.dma_semaphore, #tpu.memory_space<semaphore_mem>>
      %dma_start3A_31 = arith.constant 0 : i32
      %dma_start3A_32 = tpu.memref_slice %arg2[%mul3A_2, %dma_start3A_31] : memref<4096x200xi32, #tpu.memory_space<hbm>> -> memref<128x200xi32, #tpu.memory_space<hbm>>
      %dma_start3A_33 = arith.constant 0 : i32
      %dma_start3A_34 = tpu.memref_slice %arg2[%mul3A_2, %dma_start3A_33] : memref<4096x200xi32, #tpu.memory_space<hbm>> -> memref<128x200xi32, #tpu.memory_space<hbm>>
      tpu.enqueue_dma source(%dma_start3A_34 : memref<128x200xi32, #tpu.memory_space<hbm>>) target(%arg5 : memref<128x200xi32, #tpu.memory_space<vmem>>) target_semaphore(%run_scoped3A : memref<!tpu.dma_semaphore, #tpu.memory_space<semaphore_mem>>)
      %dma_wait3A = arith.constant 0 : i32
      %dma_wait3A_35 = tpu.memref_slice %arg2[%mul3A_2, %dma_wait3A] : memref<4096x200xi32, #tpu.memory_space<hbm>> -> memref<128x200xi32, #tpu.memory_space<hbm>>
      %dma_wait3A_36 = arith.constant 0 : i32
      %dma_wait3A_37 = tpu.memref_slice %arg2[%mul3A_2, %dma_wait3A_36] : memref<4096x200xi32, #tpu.memory_space<hbm>> -> memref<128x200xi32, #tpu.memory_space<hbm>>
      tpu.wait_dma2 semaphore(%run_scoped3A : memref<!tpu.dma_semaphore, #tpu.memory_space<semaphore_mem>>) src(%dma_wait3A_37 : memref<128x200xi32, #tpu.memory_space<hbm>>) dst(%arg5 : memref<128x200xi32, #tpu.memory_space<vmem>>)
      tpu.yield
    }) : () -> ()
    %dma_start3A = arith.constant 0 : i32
    %dma_start3A_3 = arith.constant 0 : i32
    %dma_start3A_4 = arith.constant 0 : i32
    %dma_start3A_5 = arith.constant 0 : i32
    %dma_start3A_6 = tpu.memref_slice %arg6[%dma_start3A_3, %dma_start3A_4, %dma_start3A_5] : memref<2x200x64xf32, #tpu.memory_space<vmem>> -> memref<1x128x64xf32, #tpu.memory_space<vmem>>
    %dma_start3A_7 = tpu.memref_squeeze %dma_start3A_6 : memref<1x128x64xf32, #tpu.memory_space<vmem>> -> memref<128x64xf32, #tpu.memory_space<vmem>>
    %dma_start3A_8 = arith.constant 0 : i32
    %dma_start3A_9 = tpu.memref_slice %arg5[%dma_start3A, %dma_start3A_8] : memref<128x200xi32, #tpu.memory_space<vmem>> -> memref<1x128xi32, #tpu.memory_space<vmem>>
    %dma_start3A_10 = tpu.memref_squeeze %dma_start3A_9 : memref<1x128xi32, #tpu.memory_space<vmem>> -> memref<128xi32, #tpu.memory_space<vmem>>
    %dma_start3A_11 = arith.constant 0 : i32
    %dma_start3A_12 = arith.constant 0 : i32
    %dma_start3A_13 = tpu.memref_slice %arg3[%dma_start3A_11, %dma_start3A_12] : memref<1000000x64xf32, #tpu.memory_space<hbm>> -> memref<1000000x64xf32, #tpu.memory_space<hbm>>
    tpu.enqueue_indirect_dma source(%dma_start3A_13 : memref<1000000x64xf32, #tpu.memory_space<hbm>>) target(%dma_start3A_7 : memref<128x64xf32, #tpu.memory_space<vmem>>) offsets(%dma_start3A_10 : memref<128xi32, #tpu.memory_space<vmem>>) semaphore(%arg8 : memref<!tpu.dma_semaphore, #tpu.memory_space<semaphore_mem>>)
    %dma_start3A_14 = arith.constant 0 : i32
    %dma_start3A_15 = arith.constant 0 : i32
    %dma_start3A_16 = arith.constant 128 : i32
    %dma_start3A_17 = arith.constant 0 : i32
    %dma_start3A_18 = tpu.memref_slice %arg6[%dma_start3A_15, %dma_start3A_16, %dma_start3A_17] : memref<2x200x64xf32, #tpu.memory_space<vmem>> -> memref<1x72x64xf32, #tpu.memory_space<vmem>>
    %dma_start3A_19 = tpu.memref_squeeze %dma_start3A_18 : memref<1x72x64xf32, #tpu.memory_space<vmem>> -> memref<72x64xf32, #tpu.memory_space<vmem>>
    %dma_start3A_20 = arith.constant 128 : i32
    %dma_start3A_21 = tpu.memref_slice %arg5[%dma_start3A_14, %dma_start3A_20] : memref<128x200xi32, #tpu.memory_space<vmem>> -> memref<1x72xi32, #tpu.memory_space<vmem>>
    %dma_start3A_22 = tpu.memref_squeeze %dma_start3A_21 : memref<1x72xi32, #tpu.memory_space<vmem>> -> memref<72xi32, #tpu.memory_space<vmem>>
    %dma_start3A_23 = arith.constant 0 : i32
    %dma_start3A_24 = arith.constant 0 : i32
    %dma_start3A_25 = tpu.memref_slice %arg3[%dma_start3A_23, %dma_start3A_24] : memref<1000000x64xf32, #tpu.memory_space<hbm>> -> memref<1000000x64xf32, #tpu.memory_space<hbm>>
    tpu.enqueue_indirect_dma source(%dma_start3A_25 : memref<1000000x64xf32, #tpu.memory_space<hbm>>) target(%dma_start3A_19 : memref<72x64xf32, #tpu.memory_space<vmem>>) offsets(%dma_start3A_22 : memref<72xi32, #tpu.memory_space<vmem>>) semaphore(%arg8 : memref<!tpu.dma_semaphore, #tpu.memory_space<semaphore_mem>>)
    %scan3A = arith.constant 5.000000e-03 : f32
    %scan3A_26 = arith.constant 0 : i32
    %scan3A_27 = arith.constant 64 : i32
    %scan3A_28 = arith.addi %scan3A_26, %scan3A_27 : i32
    %scan3A_29 = arith.constant 1 : i32
    scf.for %scan3A_31 = %scan3A_26 to %scan3A_28 step %scan3A_29  : i32 {
      %mul3A_32 = arith.constant 2 : i32
      %mul3A_33 = arith.muli %scan3A_31, %mul3A_32 : i32
      %add3A_34 = arith.constant 0 : i32
      %add3A_35 = arith.addi %add3A_34, %mul3A_33 : i32
      %add3A_36 = arith.constant 0 : i32
      %add3A_37 = arith.addi %add3A_35, %add3A_36 : i32
      %add3A_38 = arith.constant 1 : i32
      %add3A_39 = arith.addi %add3A_37, %add3A_38 : i32
      %lt3A = arith.constant 128 : i32
      %lt3A_40 = arith.cmpi slt, %add3A_39, %lt3A : i32
      %convert_element_type3A = arith.extui %lt3A_40 : i1 to i32
      %cond3A = arith.constant 0 : i32
      %cond3A_41 = arith.cmpi ne, %convert_element_type3A, %cond3A : i32
      scf.if %cond3A_41 {
        %add3A_150 = arith.constant 1 : i32
        %add3A_151 = arith.addi %add3A_37, %add3A_150 : i32
        %dma_start3A_152 = arith.constant 1 : i32
        %dma_start3A_153 = arith.constant 0 : i32
        %dma_start3A_154 = arith.constant 0 : i32
        %dma_start3A_155 = tpu.memref_slice %arg6[%dma_start3A_152, %dma_start3A_153, %dma_start3A_154] : memref<2x200x64xf32, #tpu.memory_space<vmem>> -> memref<1x128x64xf32, #tpu.memory_space<vmem>>
        %dma_start3A_156 = tpu.memref_squeeze %dma_start3A_155 : memref<1x128x64xf32, #tpu.memory_space<vmem>> -> memref<128x64xf32, #tpu.memory_space<vmem>>
        %dma_start3A_157 = arith.constant 0 : i32
        %dma_start3A_158 = tpu.memref_slice %arg5[%add3A_151, %dma_start3A_157] : memref<128x200xi32, #tpu.memory_space<vmem>> -> memref<1x128xi32, #tpu.memory_space<vmem>>
        %dma_start3A_159 = tpu.memref_squeeze %dma_start3A_158 : memref<1x128xi32, #tpu.memory_space<vmem>> -> memref<128xi32, #tpu.memory_space<vmem>>
        %dma_start3A_160 = arith.constant 0 : i32
        %dma_start3A_161 = arith.constant 0 : i32
        %dma_start3A_162 = tpu.memref_slice %arg3[%dma_start3A_160, %dma_start3A_161] : memref<1000000x64xf32, #tpu.memory_space<hbm>> -> memref<1000000x64xf32, #tpu.memory_space<hbm>>
        tpu.enqueue_indirect_dma source(%dma_start3A_162 : memref<1000000x64xf32, #tpu.memory_space<hbm>>) target(%dma_start3A_156 : memref<128x64xf32, #tpu.memory_space<vmem>>) offsets(%dma_start3A_159 : memref<128xi32, #tpu.memory_space<vmem>>) semaphore(%arg9 : memref<!tpu.dma_semaphore, #tpu.memory_space<semaphore_mem>>)
        %dma_start3A_163 = arith.constant 1 : i32
        %dma_start3A_164 = arith.constant 128 : i32
        %dma_start3A_165 = arith.constant 0 : i32
        %dma_start3A_166 = tpu.memref_slice %arg6[%dma_start3A_163, %dma_start3A_164, %dma_start3A_165] : memref<2x200x64xf32, #tpu.memory_space<vmem>> -> memref<1x72x64xf32, #tpu.memory_space<vmem>>
        %dma_start3A_167 = tpu.memref_squeeze %dma_start3A_166 : memref<1x72x64xf32, #tpu.memory_space<vmem>> -> memref<72x64xf32, #tpu.memory_space<vmem>>
        %dma_start3A_168 = arith.constant 128 : i32
        %dma_start3A_169 = tpu.memref_slice %arg5[%add3A_151, %dma_start3A_168] : memref<128x200xi32, #tpu.memory_space<vmem>> -> memref<1x72xi32, #tpu.memory_space<vmem>>
        %dma_start3A_170 = tpu.memref_squeeze %dma_start3A_169 : memref<1x72xi32, #tpu.memory_space<vmem>> -> memref<72xi32, #tpu.memory_space<vmem>>
        %dma_start3A_171 = arith.constant 0 : i32
        %dma_start3A_172 = arith.constant 0 : i32
        %dma_start3A_173 = tpu.memref_slice %arg3[%dma_start3A_171, %dma_start3A_172] : memref<1000000x64xf32, #tpu.memory_space<hbm>> -> memref<1000000x64xf32, #tpu.memory_space<hbm>>
        tpu.enqueue_indirect_dma source(%dma_start3A_173 : memref<1000000x64xf32, #tpu.memory_space<hbm>>) target(%dma_start3A_167 : memref<72x64xf32, #tpu.memory_space<vmem>>) offsets(%dma_start3A_170 : memref<72xi32, #tpu.memory_space<vmem>>) semaphore(%arg9 : memref<!tpu.dma_semaphore, #tpu.memory_space<semaphore_mem>>)
      } else {
      }
      %dma_wait3A = arith.constant 0 : i32
      %dma_wait3A_42 = arith.constant 0 : i32
      %dma_wait3A_43 = arith.constant 0 : i32
      %dma_wait3A_44 = tpu.memref_slice %arg6[%dma_wait3A, %dma_wait3A_42, %dma_wait3A_43] : memref<2x200x64xf32, #tpu.memory_space<vmem>> -> memref<1x200x64xf32, #tpu.memory_space<vmem>>
      %dma_wait3A_45 = tpu.memref_squeeze %dma_wait3A_44 : memref<1x200x64xf32, #tpu.memory_space<vmem>> -> memref<200x64xf32, #tpu.memory_space<vmem>>
      %dma_wait3A_46 = arith.constant 0 : i32
      %dma_wait3A_47 = arith.constant 0 : i32
      %dma_wait3A_48 = tpu.memref_slice %arg3[%dma_wait3A_46, %dma_wait3A_47] : memref<1000000x64xf32, #tpu.memory_space<hbm>> -> memref<200x64xf32, #tpu.memory_space<hbm>>
      %dma_wait3A_49 = arith.constant 0 : i32
      %dma_wait3A_50 = arith.constant 0 : i32
      %dma_wait3A_51 = tpu.memref_slice %arg6[%dma_wait3A, %dma_wait3A_49, %dma_wait3A_50] : memref<2x200x64xf32, #tpu.memory_space<vmem>> -> memref<1x200x64xf32, #tpu.memory_space<vmem>>
      %dma_wait3A_52 = tpu.memref_squeeze %dma_wait3A_51 : memref<1x200x64xf32, #tpu.memory_space<vmem>> -> memref<200x64xf32, #tpu.memory_space<vmem>>
      %dma_wait3A_53 = arith.constant 0 : i32
      %dma_wait3A_54 = arith.constant 0 : i32
      %dma_wait3A_55 = tpu.memref_slice %arg3[%dma_wait3A_53, %dma_wait3A_54] : memref<1000000x64xf32, #tpu.memory_space<hbm>> -> memref<200x64xf32, #tpu.memory_space<hbm>>
      tpu.wait_dma2 semaphore(%arg8 : memref<!tpu.dma_semaphore, #tpu.memory_space<semaphore_mem>>) src(%dma_wait3A_55 : memref<200x64xf32, #tpu.memory_space<hbm>>) dst(%dma_wait3A_52 : memref<200x64xf32, #tpu.memory_space<vmem>>)
      %broadcast_in_dim3A = arith.constant 0.000000e+00 : f32
      %broadcast_in_dim3A_56 = vector.broadcast %broadcast_in_dim3A : f32 to vector<16xf32>
      %scan3A_57 = arith.constant 0 : i32
      %scan3A_58 = arith.constant 200 : i32
      %scan3A_59 = arith.addi %scan3A_57, %scan3A_58 : i32
      %scan3A_60 = arith.constant 8 : i32
      %scan3A_61:4 = scf.for %scan3A_150 = %scan3A_57 to %scan3A_59 step %scan3A_60 iter_args(%scan3A_151 = %broadcast_in_dim3A_56, %scan3A_152 = %broadcast_in_dim3A_56, %scan3A_153 = %broadcast_in_dim3A_56, %scan3A_154 = %broadcast_in_dim3A_56) -> (vector<16xf32>, vector<16xf32>, vector<16xf32>, vector<16xf32>)  : i32 {
        %mul3A_155 = arith.constant 1 : i32
        %mul3A_156 = arith.muli %scan3A_150, %mul3A_155 : i32
        %add3A_157 = arith.constant 0 : i32
        %add3A_158 = arith.addi %add3A_157, %mul3A_156 : i32
        %get3A = arith.constant 0 : i32
        %get3A_159 = arith.index_cast %get3A : i32 to index
        %get3A_160 = arith.index_cast %add3A_158 : i32 to index
        %get3A_161 = arith.constant 0 : index
        %get3A_162 = tpu.vector_load %arg6[%get3A_159, %get3A_160, %get3A_161] {strides = array<i32>} : memref<2x200x64xf32, #tpu.memory_space<vmem>>, vector<1x1x16xf32>,
        %get3A_163 = vector.shape_cast %get3A_162 : vector<1x1x16xf32> to vector<16xf32>
        %add3A_164 = arith.addf %scan3A_151, %get3A_163 : vector<16xf32>
        %get3A_165 = arith.constant 0 : i32
        %get3A_166 = arith.index_cast %get3A_165 : i32 to index
        %get3A_167 = arith.index_cast %add3A_158 : i32 to index
        %get3A_168 = arith.constant 16 : index
        %get3A_169 = tpu.vector_load %arg6[%get3A_166, %get3A_167, %get3A_168] {strides = array<i32>} : memref<2x200x64xf32, #tpu.memory_space<vmem>>, vector<1x1x16xf32>,
        %get3A_170 = vector.shape_cast %get3A_169 : vector<1x1x16xf32> to vector<16xf32>
        %add3A_171 = arith.addf %scan3A_152, %get3A_170 : vector<16xf32>
        %get3A_172 = arith.constant 0 : i32
        %get3A_173 = arith.index_cast %get3A_172 : i32 to index
        %get3A_174 = arith.index_cast %add3A_158 : i32 to index
        %get3A_175 = arith.constant 32 : index
        %get3A_176 = tpu.vector_load %arg6[%get3A_173, %get3A_174, %get3A_175] {strides = array<i32>} : memref<2x200x64xf32, #tpu.memory_space<vmem>>, vector<1x1x16xf32>,
        %get3A_177 = vector.shape_cast %get3A_176 : vector<1x1x16xf32> to vector<16xf32>
        %add3A_178 = arith.addf %scan3A_153, %get3A_177 : vector<16xf32>
        %get3A_179 = arith.constant 0 : i32
        %get3A_180 = arith.index_cast %get3A_179 : i32 to index
        %get3A_181 = arith.index_cast %add3A_158 : i32 to index
        %get3A_182 = arith.constant 48 : index
        %get3A_183 = tpu.vector_load %arg6[%get3A_180, %get3A_181, %get3A_182] {strides = array<i32>} : memref<2x200x64xf32, #tpu.memory_space<vmem>>, vector<1x1x16xf32>,
        %get3A_184 = vector.shape_cast %get3A_183 : vector<1x1x16xf32> to vector<16xf32>
        %add3A_185 = arith.addf %scan3A_154, %get3A_184 : vector<16xf32>
        %scan3A_186 = arith.constant 1 : i32
        %scan3A_187 = arith.addi %scan3A_150, %scan3A_186 : i32
        %mul3A_188 = arith.constant 1 : i32
        %mul3A_189 = arith.muli %scan3A_187, %mul3A_188 : i32
        %add3A_190 = arith.constant 0 : i32
        %add3A_191 = arith.addi %add3A_190, %mul3A_189 : i32
        %get3A_192 = arith.constant 0 : i32
        %get3A_193 = arith.index_cast %get3A_192 : i32 to index
        %get3A_194 = arith.index_cast %add3A_191 : i32 to index
        %get3A_195 = arith.constant 0 : index
        %get3A_196 = tpu.vector_load %arg6[%get3A_193, %get3A_194, %get3A_195] {strides = array<i32>} : memref<2x200x64xf32, #tpu.memory_space<vmem>>, vector<1x1x16xf32>,
        %get3A_197 = vector.shape_cast %get3A_196 : vector<1x1x16xf32> to vector<16xf32>
        %add3A_198 = arith.addf %add3A_164, %get3A_197 : vector<16xf32>
        %get3A_199 = arith.constant 0 : i32
        %get3A_200 = arith.index_cast %get3A_199 : i32 to index
        %get3A_201 = arith.index_cast %add3A_191 : i32 to index
        %get3A_202 = arith.constant 16 : index
        %get3A_203 = tpu.vector_load %arg6[%get3A_200, %get3A_201, %get3A_202] {strides = array<i32>} : memref<2x200x64xf32, #tpu.memory_space<vmem>>, vector<1x1x16xf32>,
        %get3A_204 = vector.shape_cast %get3A_203 : vector<1x1x16xf32> to vector<16xf32>
        %add3A_205 = arith.addf %add3A_171, %get3A_204 : vector<16xf32>
        %get3A_206 = arith.constant 0 : i32
        %get3A_207 = arith.index_cast %get3A_206 : i32 to index
        %get3A_208 = arith.index_cast %add3A_191 : i32 to index
        %get3A_209 = arith.constant 32 : index
        %get3A_210 = tpu.vector_load %arg6[%get3A_207, %get3A_208, %get3A_209] {strides = array<i32>} : memref<2x200x64xf32, #tpu.memory_space<vmem>>, vector<1x1x16xf32>,
        %get3A_211 = vector.shape_cast %get3A_210 : vector<1x1x16xf32> to vector<16xf32>
        %add3A_212 = arith.addf %add3A_178, %get3A_211 : vector<16xf32>
        %get3A_213 = arith.constant 0 : i32
        %get3A_214 = arith.index_cast %get3A_213 : i32 to index
        %get3A_215 = arith.index_cast %add3A_191 : i32 to index
        %get3A_216 = arith.constant 48 : index
        %get3A_217 = tpu.vector_load %arg6[%get3A_214, %get3A_215, %get3A_216] {strides = array<i32>} : memref<2x200x64xf32, #tpu.memory_space<vmem>>, vector<1x1x16xf32>,
        %get3A_218 = vector.shape_cast %get3A_217 : vector<1x1x16xf32> to vector<16xf32>
        %add3A_219 = arith.addf %add3A_185, %get3A_218 : vector<16xf32>
        %scan3A_220 = arith.constant 2 : i32
        %scan3A_221 = arith.addi %scan3A_150, %scan3A_220 : i32
        %mul3A_222 = arith.constant 1 : i32
        %mul3A_223 = arith.muli %scan3A_221, %mul3A_222 : i32
        %add3A_224 = arith.constant 0 : i32
        %add3A_225 = arith.addi %add3A_224, %mul3A_223 : i32
        %get3A_226 = arith.constant 0 : i32
        %get3A_227 = arith.index_cast %get3A_226 : i32 to index
        %get3A_228 = arith.index_cast %add3A_225 : i32 to index
        %get3A_229 = arith.constant 0 : index
        %get3A_230 = tpu.vector_load %arg6[%get3A_227, %get3A_228, %get3A_229] {strides = array<i32>} : memref<2x200x64xf32, #tpu.memory_space<vmem>>, vector<1x1x16xf32>,
        %get3A_231 = vector.shape_cast %get3A_230 : vector<1x1x16xf32> to vector<16xf32>
        %add3A_232 = arith.addf %add3A_198, %get3A_231 : vector<16xf32>
        %get3A_233 = arith.constant 0 : i32
        %get3A_234 = arith.index_cast %get3A_233 : i32 to index
        %get3A_235 = arith.index_cast %add3A_225 : i32 to index
        %get3A_236 = arith.constant 16 : index
        %get3A_237 = tpu.vector_load %arg6[%get3A_234, %get3A_235, %get3A_236] {strides = array<i32>} : memref<2x200x64xf32, #tpu.memory_space<vmem>>, vector<1x1x16xf32>,
        %get3A_238 = vector.shape_cast %get3A_237 : vector<1x1x16xf32> to vector<16xf32>
        %add3A_239 = arith.addf %add3A_205, %get3A_238 : vector<16xf32>
        %get3A_240 = arith.constant 0 : i32
        %get3A_241 = arith.index_cast %get3A_240 : i32 to index
        %get3A_242 = arith.index_cast %add3A_225 : i32 to index
        %get3A_243 = arith.constant 32 : index
        %get3A_244 = tpu.vector_load %arg6[%get3A_241, %get3A_242, %get3A_243] {strides = array<i32>} : memref<2x200x64xf32, #tpu.memory_space<vmem>>, vector<1x1x16xf32>,
        %get3A_245 = vector.shape_cast %get3A_244 : vector<1x1x16xf32> to vector<16xf32>
        %add3A_246 = arith.addf %add3A_212, %get3A_245 : vector<16xf32>
        %get3A_247 = arith.constant 0 : i32
        %get3A_248 = arith.index_cast %get3A_247 : i32 to index
        %get3A_249 = arith.index_cast %add3A_225 : i32 to index
        %get3A_250 = arith.constant 48 : index
        %get3A_251 = tpu.vector_load %arg6[%get3A_248, %get3A_249, %get3A_250] {strides = array<i32>} : memref<2x200x64xf32, #tpu.memory_space<vmem>>, vector<1x1x16xf32>,
        %get3A_252 = vector.shape_cast %get3A_251 : vector<1x1x16xf32> to vector<16xf32>
        %add3A_253 = arith.addf %add3A_219, %get3A_252 : vector<16xf32>
        %scan3A_254 = arith.constant 3 : i32
        %scan3A_255 = arith.addi %scan3A_150, %scan3A_254 : i32
        %mul3A_256 = arith.constant 1 : i32
        %mul3A_257 = arith.muli %scan3A_255, %mul3A_256 : i32
        %add3A_258 = arith.constant 0 : i32
        %add3A_259 = arith.addi %add3A_258, %mul3A_257 : i32
        %get3A_260 = arith.constant 0 : i32
        %get3A_261 = arith.index_cast %get3A_260 : i32 to index
        %get3A_262 = arith.index_cast %add3A_259 : i32 to index
        %get3A_263 = arith.constant 0 : index
        %get3A_264 = tpu.vector_load %arg6[%get3A_261, %get3A_262, %get3A_263] {strides = array<i32>} : memref<2x200x64xf32, #tpu.memory_space<vmem>>, vector<1x1x16xf32>,
        %get3A_265 = vector.shape_cast %get3A_264 : vector<1x1x16xf32> to vector<16xf32>
        %add3A_266 = arith.addf %add3A_232, %get3A_265 : vector<16xf32>
        %get3A_267 = arith.constant 0 : i32
        %get3A_268 = arith.index_cast %get3A_267 : i32 to index
        %get3A_269 = arith.index_cast %add3A_259 : i32 to index
        %get3A_270 = arith.constant 16 : index
        %get3A_271 = tpu.vector_load %arg6[%get3A_268, %get3A_269, %get3A_270] {strides = array<i32>} : memref<2x200x64xf32, #tpu.memory_space<vmem>>, vector<1x1x16xf32>,
        %get3A_272 = vector.shape_cast %get3A_271 : vector<1x1x16xf32> to vector<16xf32>
        %add3A_273 = arith.addf %add3A_239, %get3A_272 : vector<16xf32>
        %get3A_274 = arith.constant 0 : i32
        %get3A_275 = arith.index_cast %get3A_274 : i32 to index
        %get3A_276 = arith.index_cast %add3A_259 : i32 to index
        %get3A_277 = arith.constant 32 : index
        %get3A_278 = tpu.vector_load %arg6[%get3A_275, %get3A_276, %get3A_277] {strides = array<i32>} : memref<2x200x64xf32, #tpu.memory_space<vmem>>, vector<1x1x16xf32>,
        %get3A_279 = vector.shape_cast %get3A_278 : vector<1x1x16xf32> to vector<16xf32>
        %add3A_280 = arith.addf %add3A_246, %get3A_279 : vector<16xf32>
        %get3A_281 = arith.constant 0 : i32
        %get3A_282 = arith.index_cast %get3A_281 : i32 to index
        %get3A_283 = arith.index_cast %add3A_259 : i32 to index
        %get3A_284 = arith.constant 48 : index
        %get3A_285 = tpu.vector_load %arg6[%get3A_282, %get3A_283, %get3A_284] {strides = array<i32>} : memref<2x200x64xf32, #tpu.memory_space<vmem>>, vector<1x1x16xf32>,
        %get3A_286 = vector.shape_cast %get3A_285 : vector<1x1x16xf32> to vector<16xf32>
        %add3A_287 = arith.addf %add3A_253, %get3A_286 : vector<16xf32>
        %scan3A_288 = arith.constant 4 : i32
        %scan3A_289 = arith.addi %scan3A_150, %scan3A_288 : i32
        %mul3A_290 = arith.constant 1 : i32
        %mul3A_291 = arith.muli %scan3A_289, %mul3A_290 : i32
        %add3A_292 = arith.constant 0 : i32
        %add3A_293 = arith.addi %add3A_292, %mul3A_291 : i32
        %get3A_294 = arith.constant 0 : i32
        %get3A_295 = arith.index_cast %get3A_294 : i32 to index
        %get3A_296 = arith.index_cast %add3A_293 : i32 to index
        %get3A_297 = arith.constant 0 : index
        %get3A_298 = tpu.vector_load %arg6[%get3A_295, %get3A_296, %get3A_297] {strides = array<i32>} : memref<2x200x64xf32, #tpu.memory_space<vmem>>, vector<1x1x16xf32>,
        %get3A_299 = vector.shape_cast %get3A_298 : vector<1x1x16xf32> to vector<16xf32>
        %add3A_300 = arith.addf %add3A_266, %get3A_299 : vector<16xf32>
        %get3A_301 = arith.constant 0 : i32
        %get3A_302 = arith.index_cast %get3A_301 : i32 to index
        %get3A_303 = arith.index_cast %add3A_293 : i32 to index
        %get3A_304 = arith.constant 16 : index
        %get3A_305 = tpu.vector_load %arg6[%get3A_302, %get3A_303, %get3A_304] {strides = array<i32>} : memref<2x200x64xf32, #tpu.memory_space<vmem>>, vector<1x1x16xf32>,
        %get3A_306 = vector.shape_cast %get3A_305 : vector<1x1x16xf32> to vector<16xf32>
        %add3A_307 = arith.addf %add3A_273, %get3A_306 : vector<16xf32>
        %get3A_308 = arith.constant 0 : i32
        %get3A_309 = arith.index_cast %get3A_308 : i32 to index
        %get3A_310 = arith.index_cast %add3A_293 : i32 to index
        %get3A_311 = arith.constant 32 : index
        %get3A_312 = tpu.vector_load %arg6[%get3A_309, %get3A_310, %get3A_311] {strides = array<i32>} : memref<2x200x64xf32, #tpu.memory_space<vmem>>, vector<1x1x16xf32>,
        %get3A_313 = vector.shape_cast %get3A_312 : vector<1x1x16xf32> to vector<16xf32>
        %add3A_314 = arith.addf %add3A_280, %get3A_313 : vector<16xf32>
        %get3A_315 = arith.constant 0 : i32
        %get3A_316 = arith.index_cast %get3A_315 : i32 to index
        %get3A_317 = arith.index_cast %add3A_293 : i32 to index
        %get3A_318 = arith.constant 48 : index
        %get3A_319 = tpu.vector_load %arg6[%get3A_316, %get3A_317, %get3A_318] {strides = array<i32>} : memref<2x200x64xf32, #tpu.memory_space<vmem>>, vector<1x1x16xf32>,
        %get3A_320 = vector.shape_cast %get3A_319 : vector<1x1x16xf32> to vector<16xf32>
        %add3A_321 = arith.addf %add3A_287, %get3A_320 : vector<16xf32>
        %scan3A_322 = arith.constant 5 : i32
        %scan3A_323 = arith.addi %scan3A_150, %scan3A_322 : i32
        %mul3A_324 = arith.constant 1 : i32
        %mul3A_325 = arith.muli %scan3A_323, %mul3A_324 : i32
        %add3A_326 = arith.constant 0 : i32
        %add3A_327 = arith.addi %add3A_326, %mul3A_325 : i32
        %get3A_328 = arith.constant 0 : i32
        %get3A_329 = arith.index_cast %get3A_328 : i32 to index
        %get3A_330 = arith.index_cast %add3A_327 : i32 to index
        %get3A_331 = arith.constant 0 : index
        %get3A_332 = tpu.vector_load %arg6[%get3A_329, %get3A_330, %get3A_331] {strides = array<i32>} : memref<2x200x64xf32, #tpu.memory_space<vmem>>, vector<1x1x16xf32>,
        %get3A_333 = vector.shape_cast %get3A_332 : vector<1x1x16xf32> to vector<16xf32>
        %add3A_334 = arith.addf %add3A_300, %get3A_333 : vector<16xf32>
        %get3A_335 = arith.constant 0 : i32
        %get3A_336 = arith.index_cast %get3A_335 : i32 to index
        %get3A_337 = arith.index_cast %add3A_327 : i32 to index
        %get3A_338 = arith.constant 16 : index
        %get3A_339 = tpu.vector_load %arg6[%get3A_336, %get3A_337, %get3A_338] {strides = array<i32>} : memref<2x200x64xf32, #tpu.memory_space<vmem>>, vector<1x1x16xf32>,
        %get3A_340 = vector.shape_cast %get3A_339 : vector<1x1x16xf32> to vector<16xf32>
        %add3A_341 = arith.addf %add3A_307, %get3A_340 : vector<16xf32>
        %get3A_342 = arith.constant 0 : i32
        %get3A_343 = arith.index_cast %get3A_342 : i32 to index
        %get3A_344 = arith.index_cast %add3A_327 : i32 to index
        %get3A_345 = arith.constant 32 : index
        %get3A_346 = tpu.vector_load %arg6[%get3A_343, %get3A_344, %get3A_345] {strides = array<i32>} : memref<2x200x64xf32, #tpu.memory_space<vmem>>, vector<1x1x16xf32>,
        %get3A_347 = vector.shape_cast %get3A_346 : vector<1x1x16xf32> to vector<16xf32>
        %add3A_348 = arith.addf %add3A_314, %get3A_347 : vector<16xf32>
        %get3A_349 = arith.constant 0 : i32
        %get3A_350 = arith.index_cast %get3A_349 : i32 to index
        %get3A_351 = arith.index_cast %add3A_327 : i32 to index
        %get3A_352 = arith.constant 48 : index
        %get3A_353 = tpu.vector_load %arg6[%get3A_350, %get3A_351, %get3A_352] {strides = array<i32>} : memref<2x200x64xf32, #tpu.memory_space<vmem>>, vector<1x1x16xf32>,
        %get3A_354 = vector.shape_cast %get3A_353 : vector<1x1x16xf32> to vector<16xf32>
        %add3A_355 = arith.addf %add3A_321, %get3A_354 : vector<16xf32>
        %scan3A_356 = arith.constant 6 : i32
        %scan3A_357 = arith.addi %scan3A_150, %scan3A_356 : i32
        %mul3A_358 = arith.constant 1 : i32
        %mul3A_359 = arith.muli %scan3A_357, %mul3A_358 : i32
        %add3A_360 = arith.constant 0 : i32
        %add3A_361 = arith.addi %add3A_360, %mul3A_359 : i32
        %get3A_362 = arith.constant 0 : i32
        %get3A_363 = arith.index_cast %get3A_362 : i32 to index
        %get3A_364 = arith.index_cast %add3A_361 : i32 to index
        %get3A_365 = arith.constant 0 : index
        %get3A_366 = tpu.vector_load %arg6[%get3A_363, %get3A_364, %get3A_365] {strides = array<i32>} : memref<2x200x64xf32, #tpu.memory_space<vmem>>, vector<1x1x16xf32>,
        %get3A_367 = vector.shape_cast %get3A_366 : vector<1x1x16xf32> to vector<16xf32>
        %add3A_368 = arith.addf %add3A_334, %get3A_367 : vector<16xf32>
        %get3A_369 = arith.constant 0 : i32
        %get3A_370 = arith.index_cast %get3A_369 : i32 to index
        %get3A_371 = arith.index_cast %add3A_361 : i32 to index
        %get3A_372 = arith.constant 16 : index
        %get3A_373 = tpu.vector_load %arg6[%get3A_370, %get3A_371, %get3A_372] {strides = array<i32>} : memref<2x200x64xf32, #tpu.memory_space<vmem>>, vector<1x1x16xf32>,
        %get3A_374 = vector.shape_cast %get3A_373 : vector<1x1x16xf32> to vector<16xf32>
        %add3A_375 = arith.addf %add3A_341, %get3A_374 : vector<16xf32>
        %get3A_376 = arith.constant 0 : i32
        %get3A_377 = arith.index_cast %get3A_376 : i32 to index
        %get3A_378 = arith.index_cast %add3A_361 : i32 to index
        %get3A_379 = arith.constant 32 : index
        %get3A_380 = tpu.vector_load %arg6[%get3A_377, %get3A_378, %get3A_379] {strides = array<i32>} : memref<2x200x64xf32, #tpu.memory_space<vmem>>, vector<1x1x16xf32>,
        %get3A_381 = vector.shape_cast %get3A_380 : vector<1x1x16xf32> to vector<16xf32>
        %add3A_382 = arith.addf %add3A_348, %get3A_381 : vector<16xf32>
        %get3A_383 = arith.constant 0 : i32
        %get3A_384 = arith.index_cast %get3A_383 : i32 to index
        %get3A_385 = arith.index_cast %add3A_361 : i32 to index
        %get3A_386 = arith.constant 48 : index
        %get3A_387 = tpu.vector_load %arg6[%get3A_384, %get3A_385, %get3A_386] {strides = array<i32>} : memref<2x200x64xf32, #tpu.memory_space<vmem>>, vector<1x1x16xf32>,
        %get3A_388 = vector.shape_cast %get3A_387 : vector<1x1x16xf32> to vector<16xf32>
        %add3A_389 = arith.addf %add3A_355, %get3A_388 : vector<16xf32>
        %scan3A_390 = arith.constant 7 : i32
        %scan3A_391 = arith.addi %scan3A_150, %scan3A_390 : i32
        %mul3A_392 = arith.constant 1 : i32
        %mul3A_393 = arith.muli %scan3A_391, %mul3A_392 : i32
        %add3A_394 = arith.constant 0 : i32
        %add3A_395 = arith.addi %add3A_394, %mul3A_393 : i32
        %get3A_396 = arith.constant 0 : i32
        %get3A_397 = arith.index_cast %get3A_396 : i32 to index
        %get3A_398 = arith.index_cast %add3A_395 : i32 to index
        %get3A_399 = arith.constant 0 : index
        %get3A_400 = tpu.vector_load %arg6[%get3A_397, %get3A_398, %get3A_399] {strides = array<i32>} : memref<2x200x64xf32, #tpu.memory_space<vmem>>, vector<1x1x16xf32>,
        %get3A_401 = vector.shape_cast %get3A_400 : vector<1x1x16xf32> to vector<16xf32>
        %add3A_402 = arith.addf %add3A_368, %get3A_401 : vector<16xf32>
        %get3A_403 = arith.constant 0 : i32
        %get3A_404 = arith.index_cast %get3A_403 : i32 to index
        %get3A_405 = arith.index_cast %add3A_395 : i32 to index
        %get3A_406 = arith.constant 16 : index
        %get3A_407 = tpu.vector_load %arg6[%get3A_404, %get3A_405, %get3A_406] {strides = array<i32>} : memref<2x200x64xf32, #tpu.memory_space<vmem>>, vector<1x1x16xf32>,
        %get3A_408 = vector.shape_cast %get3A_407 : vector<1x1x16xf32> to vector<16xf32>
        %add3A_409 = arith.addf %add3A_375, %get3A_408 : vector<16xf32>
        %get3A_410 = arith.constant 0 : i32
        %get3A_411 = arith.index_cast %get3A_410 : i32 to index
        %get3A_412 = arith.index_cast %add3A_395 : i32 to index
        %get3A_413 = arith.constant 32 : index
        %get3A_414 = tpu.vector_load %arg6[%get3A_411, %get3A_412, %get3A_413] {strides = array<i32>} : memref<2x200x64xf32, #tpu.memory_space<vmem>>, vector<1x1x16xf32>,
        %get3A_415 = vector.shape_cast %get3A_414 : vector<1x1x16xf32> to vector<16xf32>
        %add3A_416 = arith.addf %add3A_382, %get3A_415 : vector<16xf32>
        %get3A_417 = arith.constant 0 : i32
        %get3A_418 = arith.index_cast %get3A_417 : i32 to index
        %get3A_419 = arith.index_cast %add3A_395 : i32 to index
        %get3A_420 = arith.constant 48 : index
        %get3A_421 = tpu.vector_load %arg6[%get3A_418, %get3A_419, %get3A_420] {strides = array<i32>} : memref<2x200x64xf32, #tpu.memory_space<vmem>>, vector<1x1x16xf32>,
        %get3A_422 = vector.shape_cast %get3A_421 : vector<1x1x16xf32> to vector<16xf32>
        %add3A_423 = arith.addf %add3A_389, %get3A_422 : vector<16xf32>
        scf.yield %add3A_402, %add3A_409, %add3A_416, %add3A_423 : vector<16xf32>, vector<16xf32>, vector<16xf32>, vector<16xf32>
      }
      %scan3A_62 = arith.constant 200 : i32
      %mul3A_63 = vector.broadcast %scan3A : f32 to vector<16xf32>
      %mul3A_64 = arith.mulf %scan3A_61#0, %mul3A_63 : vector<16xf32>
      %swap3A = arith.index_cast %add3A_37 : i32 to index
      %swap3A_65 = arith.constant 0 : index
      %swap3A_66 = tpu.vector_load %arg7[%swap3A, %swap3A_65] {strides = array<i32>} : memref<128x64xf32, #tpu.memory_space<vmem>>, vector<1x16xf32>,
      %swap3A_67 = vector.shape_cast %swap3A_66 : vector<1x16xf32> to vector<16xf32>
      %swap3A_68 = vector.shape_cast %mul3A_64 : vector<16xf32> to vector<1x16xf32>
      tpu.vector_store %arg7[%swap3A, %swap3A_65], %swap3A_68 {strides = array<i32>} : memref<128x64xf32, #tpu.memory_space<vmem>>, vector<1x16xf32>,
      %mul3A_69 = vector.broadcast %scan3A : f32 to vector<16xf32>
      %mul3A_70 = arith.mulf %scan3A_61#1, %mul3A_69 : vector<16xf32>
      %swap3A_71 = arith.index_cast %add3A_37 : i32 to index
      %swap3A_72 = arith.constant 16 : index
      %swap3A_73 = tpu.vector_load %arg7[%swap3A_71, %swap3A_72] {strides = array<i32>} : memref<128x64xf32, #tpu.memory_space<vmem>>, vector<1x16xf32>,
      %swap3A_74 = vector.shape_cast %swap3A_73 : vector<1x16xf32> to vector<16xf32>
      %swap3A_75 = vector.shape_cast %mul3A_70 : vector<16xf32> to vector<1x16xf32>
      tpu.vector_store %arg7[%swap3A_71, %swap3A_72], %swap3A_75 {strides = array<i32>} : memref<128x64xf32, #tpu.memory_space<vmem>>, vector<1x16xf32>,
      %mul3A_76 = vector.broadcast %scan3A : f32 to vector<16xf32>
      %mul3A_77 = arith.mulf %scan3A_61#2, %mul3A_76 : vector<16xf32>
      %swap3A_78 = arith.index_cast %add3A_37 : i32 to index
      %swap3A_79 = arith.constant 32 : index
      %swap3A_80 = tpu.vector_load %arg7[%swap3A_78, %swap3A_79] {strides = array<i32>} : memref<128x64xf32, #tpu.memory_space<vmem>>, vector<1x16xf32>,
      %swap3A_81 = vector.shape_cast %swap3A_80 : vector<1x16xf32> to vector<16xf32>
      %swap3A_82 = vector.shape_cast %mul3A_77 : vector<16xf32> to vector<1x16xf32>
      tpu.vector_store %arg7[%swap3A_78, %swap3A_79], %swap3A_82 {strides = array<i32>} : memref<128x64xf32, #tpu.memory_space<vmem>>, vector<1x16xf32>,
      %mul3A_83 = vector.broadcast %scan3A : f32 to vector<16xf32>
      %mul3A_84 = arith.mulf %scan3A_61#3, %mul3A_83 : vector<16xf32>
      %swap3A_85 = arith.index_cast %add3A_37 : i32 to index
      %swap3A_86 = arith.constant 48 : index
      %swap3A_87 = tpu.vector_load %arg7[%swap3A_85, %swap3A_86] {strides = array<i32>} : memref<128x64xf32, #tpu.memory_space<vmem>>, vector<1x16xf32>,
      %swap3A_88 = vector.shape_cast %swap3A_87 : vector<1x16xf32> to vector<16xf32>
      %swap3A_89 = vector.shape_cast %mul3A_84 : vector<16xf32> to vector<1x16xf32>
      tpu.vector_store %arg7[%swap3A_85, %swap3A_86], %swap3A_89 {strides = array<i32>} : memref<128x64xf32, #tpu.memory_space<vmem>>, vector<1x16xf32>,
      %add3A_90 = arith.constant 1 : i32
      %add3A_91 = arith.addi %add3A_35, %add3A_90 : i32
      %add3A_92 = arith.constant 1 : i32
      %add3A_93 = arith.addi %add3A_91, %add3A_92 : i32
      %lt3A_94 = arith.constant 128 : i32
      %lt3A_95 = arith.cmpi slt, %add3A_93, %lt3A_94 : i32
      %convert_element_type3A_96 = arith.extui %lt3A_95 : i1 to i32
      %cond3A_97 = arith.constant 0 : i32
      %cond3A_98 = arith.cmpi ne, %convert_element_type3A_96, %cond3A_97 : i32
      scf.if %cond3A_98 {
        %add3A_150 = arith.constant 1 : i32
        %add3A_151 = arith.addi %add3A_91, %add3A_150 : i32
        %dma_start3A_152 = arith.constant 0 : i32
        %dma_start3A_153 = arith.constant 0 : i32
        %dma_start3A_154 = arith.constant 0 : i32
        %dma_start3A_155 = tpu.memref_slice %arg6[%dma_start3A_152, %dma_start3A_153, %dma_start3A_154] : memref<2x200x64xf32, #tpu.memory_space<vmem>> -> memref<1x128x64xf32, #tpu.memory_space<vmem>>
        %dma_start3A_156 = tpu.memref_squeeze %dma_start3A_155 : memref<1x128x64xf32, #tpu.memory_space<vmem>> -> memref<128x64xf32, #tpu.memory_space<vmem>>
        %dma_start3A_157 = arith.constant 0 : i32
        %dma_start3A_158 = tpu.memref_slice %arg5[%add3A_151, %dma_start3A_157] : memref<128x200xi32, #tpu.memory_space<vmem>> -> memref<1x128xi32, #tpu.memory_space<vmem>>
        %dma_start3A_159 = tpu.memref_squeeze %dma_start3A_158 : memref<1x128xi32, #tpu.memory_space<vmem>> -> memref<128xi32, #tpu.memory_space<vmem>>
        %dma_start3A_160 = arith.constant 0 : i32
        %dma_start3A_161 = arith.constant 0 : i32
        %dma_start3A_162 = tpu.memref_slice %arg3[%dma_start3A_160, %dma_start3A_161] : memref<1000000x64xf32, #tpu.memory_space<hbm>> -> memref<1000000x64xf32, #tpu.memory_space<hbm>>
        tpu.enqueue_indirect_dma source(%dma_start3A_162 : memref<1000000x64xf32, #tpu.memory_space<hbm>>) target(%dma_start3A_156 : memref<128x64xf32, #tpu.memory_space<vmem>>) offsets(%dma_start3A_159 : memref<128xi32, #tpu.memory_space<vmem>>) semaphore(%arg8 : memref<!tpu.dma_semaphore, #tpu.memory_space<semaphore_mem>>)
        %dma_start3A_163 = arith.constant 0 : i32
        %dma_start3A_164 = arith.constant 128 : i32
        %dma_start3A_165 = arith.constant 0 : i32
        %dma_start3A_166 = tpu.memref_slice %arg6[%dma_start3A_163, %dma_start3A_164, %dma_start3A_165] : memref<2x200x64xf32, #tpu.memory_space<vmem>> -> memref<1x72x64xf32, #tpu.memory_space<vmem>>
        %dma_start3A_167 = tpu.memref_squeeze %dma_start3A_166 : memref<1x72x64xf32, #tpu.memory_space<vmem>> -> memref<72x64xf32, #tpu.memory_space<vmem>>
        %dma_start3A_168 = arith.constant 128 : i32
        %dma_start3A_169 = tpu.memref_slice %arg5[%add3A_151, %dma_start3A_168] : memref<128x200xi32, #tpu.memory_space<vmem>> -> memref<1x72xi32, #tpu.memory_space<vmem>>
        %dma_start3A_170 = tpu.memref_squeeze %dma_start3A_169 : memref<1x72xi32, #tpu.memory_space<vmem>> -> memref<72xi32, #tpu.memory_space<vmem>>
        %dma_start3A_171 = arith.constant 0 : i32
        %dma_start3A_172 = arith.constant 0 : i32
        %dma_start3A_173 = tpu.memref_slice %arg3[%dma_start3A_171, %dma_start3A_172] : memref<1000000x64xf32, #tpu.memory_space<hbm>> -> memref<1000000x64xf32, #tpu.memory_space<hbm>>
        tpu.enqueue_indirect_dma source(%dma_start3A_173 : memref<1000000x64xf32, #tpu.memory_space<hbm>>) target(%dma_start3A_167 : memref<72x64xf32, #tpu.memory_space<vmem>>) offsets(%dma_start3A_170 : memref<72xi32, #tpu.memory_space<vmem>>) semaphore(%arg8 : memref<!tpu.dma_semaphore, #tpu.memory_space<semaphore_mem>>)
      } else {
      }
      %dma_wait3A_99 = arith.constant 1 : i32
      %dma_wait3A_100 = arith.constant 0 : i32
      %dma_wait3A_101 = arith.constant 0 : i32
      %dma_wait3A_102 = tpu.memref_slice %arg6[%dma_wait3A_99, %dma_wait3A_100, %dma_wait3A_101] : memref<2x200x64xf32, #tpu.memory_space<vmem>> -> memref<1x200x64xf32, #tpu.memory_space<vmem>>
      %dma_wait3A_103 = tpu.memref_squeeze %dma_wait3A_102 : memref<1x200x64xf32, #tpu.memory_space<vmem>> -> memref<200x64xf32, #tpu.memory_space<vmem>>
      %dma_wait3A_104 = arith.constant 0 : i32
      %dma_wait3A_105 = arith.constant 0 : i32
      %dma_wait3A_106 = tpu.memref_slice %arg3[%dma_wait3A_104, %dma_wait3A_105] : memref<1000000x64xf32, #tpu.memory_space<hbm>> -> memref<200x64xf32, #tpu.memory_space<hbm>>
      %dma_wait3A_107 = arith.constant 0 : i32
      %dma_wait3A_108 = arith.constant 0 : i32
      %dma_wait3A_109 = tpu.memref_slice %arg6[%dma_wait3A_99, %dma_wait3A_107, %dma_wait3A_108] : memref<2x200x64xf32, #tpu.memory_space<vmem>> -> memref<1x200x64xf32, #tpu.memory_space<vmem>>
      %dma_wait3A_110 = tpu.memref_squeeze %dma_wait3A_109 : memref<1x200x64xf32, #tpu.memory_space<vmem>> -> memref<200x64xf32, #tpu.memory_space<vmem>>
      %dma_wait3A_111 = arith.constant 0 : i32
      %dma_wait3A_112 = arith.constant 0 : i32
      %dma_wait3A_113 = tpu.memref_slice %arg3[%dma_wait3A_111, %dma_wait3A_112] : memref<1000000x64xf32, #tpu.memory_space<hbm>> -> memref<200x64xf32, #tpu.memory_space<hbm>>
      tpu.wait_dma2 semaphore(%arg9 : memref<!tpu.dma_semaphore, #tpu.memory_space<semaphore_mem>>) src(%dma_wait3A_113 : memref<200x64xf32, #tpu.memory_space<hbm>>) dst(%dma_wait3A_110 : memref<200x64xf32, #tpu.memory_space<vmem>>)
      %broadcast_in_dim3A_114 = arith.constant 0.000000e+00 : f32
      %broadcast_in_dim3A_115 = vector.broadcast %broadcast_in_dim3A_114 : f32 to vector<16xf32>
      %scan3A_116 = arith.constant 0 : i32
      %scan3A_117 = arith.constant 200 : i32
      %scan3A_118 = arith.addi %scan3A_116, %scan3A_117 : i32
      %scan3A_119 = arith.constant 8 : i32
      %scan3A_120:4 = scf.for %scan3A_150 = %scan3A_116 to %scan3A_118 step %scan3A_119 iter_args(%scan3A_151 = %broadcast_in_dim3A_115, %scan3A_152 = %broadcast_in_dim3A_115, %scan3A_153 = %broadcast_in_dim3A_115, %scan3A_154 = %broadcast_in_dim3A_115) -> (vector<16xf32>, vector<16xf32>, vector<16xf32>, vector<16xf32>)  : i32 {
        %mul3A_155 = arith.constant 1 : i32
        %mul3A_156 = arith.muli %scan3A_150, %mul3A_155 : i32
        %add3A_157 = arith.constant 0 : i32
        %add3A_158 = arith.addi %add3A_157, %mul3A_156 : i32
        %get3A = arith.constant 1 : i32
        %get3A_159 = arith.index_cast %get3A : i32 to index
        %get3A_160 = arith.index_cast %add3A_158 : i32 to index
        %get3A_161 = arith.constant 0 : index
        %get3A_162 = tpu.vector_load %arg6[%get3A_159, %get3A_160, %get3A_161] {strides = array<i32>} : memref<2x200x64xf32, #tpu.memory_space<vmem>>, vector<1x1x16xf32>,
        %get3A_163 = vector.shape_cast %get3A_162 : vector<1x1x16xf32> to vector<16xf32>
        %add3A_164 = arith.addf %scan3A_151, %get3A_163 : vector<16xf32>
        %get3A_165 = arith.constant 1 : i32
        %get3A_166 = arith.index_cast %get3A_165 : i32 to index
        %get3A_167 = arith.index_cast %add3A_158 : i32 to index
        %get3A_168 = arith.constant 16 : index
        %get3A_169 = tpu.vector_load %arg6[%get3A_166, %get3A_167, %get3A_168] {strides = array<i32>} : memref<2x200x64xf32, #tpu.memory_space<vmem>>, vector<1x1x16xf32>,
        %get3A_170 = vector.shape_cast %get3A_169 : vector<1x1x16xf32> to vector<16xf32>
        %add3A_171 = arith.addf %scan3A_152, %get3A_170 : vector<16xf32>
        %get3A_172 = arith.constant 1 : i32
        %get3A_173 = arith.index_cast %get3A_172 : i32 to index
        %get3A_174 = arith.index_cast %add3A_158 : i32 to index
        %get3A_175 = arith.constant 32 : index
        %get3A_176 = tpu.vector_load %arg6[%get3A_173, %get3A_174, %get3A_175] {strides = array<i32>} : memref<2x200x64xf32, #tpu.memory_space<vmem>>, vector<1x1x16xf32>,
        %get3A_177 = vector.shape_cast %get3A_176 : vector<1x1x16xf32> to vector<16xf32>
        %add3A_178 = arith.addf %scan3A_153, %get3A_177 : vector<16xf32>
        %get3A_179 = arith.constant 1 : i32
        %get3A_180 = arith.index_cast %get3A_179 : i32 to index
        %get3A_181 = arith.index_cast %add3A_158 : i32 to index
        %get3A_182 = arith.constant 48 : index
        %get3A_183 = tpu.vector_load %arg6[%get3A_180, %get3A_181, %get3A_182] {strides = array<i32>} : memref<2x200x64xf32, #tpu.memory_space<vmem>>, vector<1x1x16xf32>,
        %get3A_184 = vector.shape_cast %get3A_183 : vector<1x1x16xf32> to vector<16xf32>
        %add3A_185 = arith.addf %scan3A_154, %get3A_184 : vector<16xf32>
        %scan3A_186 = arith.constant 1 : i32
        %scan3A_187 = arith.addi %scan3A_150, %scan3A_186 : i32
        %mul3A_188 = arith.constant 1 : i32
        %mul3A_189 = arith.muli %scan3A_187, %mul3A_188 : i32
        %add3A_190 = arith.constant 0 : i32
        %add3A_191 = arith.addi %add3A_190, %mul3A_189 : i32
        %get3A_192 = arith.constant 1 : i32
        %get3A_193 = arith.index_cast %get3A_192 : i32 to index
        %get3A_194 = arith.index_cast %add3A_191 : i32 to index
        %get3A_195 = arith.constant 0 : index
        %get3A_196 = tpu.vector_load %arg6[%get3A_193, %get3A_194, %get3A_195] {strides = array<i32>} : memref<2x200x64xf32, #tpu.memory_space<vmem>>, vector<1x1x16xf32>,
        %get3A_197 = vector.shape_cast %get3A_196 : vector<1x1x16xf32> to vector<16xf32>
        %add3A_198 = arith.addf %add3A_164, %get3A_197 : vector<16xf32>
        %get3A_199 = arith.constant 1 : i32
        %get3A_200 = arith.index_cast %get3A_199 : i32 to index
        %get3A_201 = arith.index_cast %add3A_191 : i32 to index
        %get3A_202 = arith.constant 16 : index
        %get3A_203 = tpu.vector_load %arg6[%get3A_200, %get3A_201, %get3A_202] {strides = array<i32>} : memref<2x200x64xf32, #tpu.memory_space<vmem>>, vector<1x1x16xf32>,
        %get3A_204 = vector.shape_cast %get3A_203 : vector<1x1x16xf32> to vector<16xf32>
        %add3A_205 = arith.addf %add3A_171, %get3A_204 : vector<16xf32>
        %get3A_206 = arith.constant 1 : i32
        %get3A_207 = arith.index_cast %get3A_206 : i32 to index
        %get3A_208 = arith.index_cast %add3A_191 : i32 to index
        %get3A_209 = arith.constant 32 : index
        %get3A_210 = tpu.vector_load %arg6[%get3A_207, %get3A_208, %get3A_209] {strides = array<i32>} : memref<2x200x64xf32, #tpu.memory_space<vmem>>, vector<1x1x16xf32>,
        %get3A_211 = vector.shape_cast %get3A_210 : vector<1x1x16xf32> to vector<16xf32>
        %add3A_212 = arith.addf %add3A_178, %get3A_211 : vector<16xf32>
        %get3A_213 = arith.constant 1 : i32
        %get3A_214 = arith.index_cast %get3A_213 : i32 to index
        %get3A_215 = arith.index_cast %add3A_191 : i32 to index
        %get3A_216 = arith.constant 48 : index
        %get3A_217 = tpu.vector_load %arg6[%get3A_214, %get3A_215, %get3A_216] {strides = array<i32>} : memref<2x200x64xf32, #tpu.memory_space<vmem>>, vector<1x1x16xf32>,
        %get3A_218 = vector.shape_cast %get3A_217 : vector<1x1x16xf32> to vector<16xf32>
        %add3A_219 = arith.addf %add3A_185, %get3A_218 : vector<16xf32>
        %scan3A_220 = arith.constant 2 : i32
        %scan3A_221 = arith.addi %scan3A_150, %scan3A_220 : i32
        %mul3A_222 = arith.constant 1 : i32
        %mul3A_223 = arith.muli %scan3A_221, %mul3A_222 : i32
        %add3A_224 = arith.constant 0 : i32
        %add3A_225 = arith.addi %add3A_224, %mul3A_223 : i32
        %get3A_226 = arith.constant 1 : i32
        %get3A_227 = arith.index_cast %get3A_226 : i32 to index
        %get3A_228 = arith.index_cast %add3A_225 : i32 to index
        %get3A_229 = arith.constant 0 : index
        %get3A_230 = tpu.vector_load %arg6[%get3A_227, %get3A_228, %get3A_229] {strides = array<i32>} : memref<2x200x64xf32, #tpu.memory_space<vmem>>, vector<1x1x16xf32>,
        %get3A_231 = vector.shape_cast %get3A_230 : vector<1x1x16xf32> to vector<16xf32>
        %add3A_232 = arith.addf %add3A_198, %get3A_231 : vector<16xf32>
        %get3A_233 = arith.constant 1 : i32
        %get3A_234 = arith.index_cast %get3A_233 : i32 to index
        %get3A_235 = arith.index_cast %add3A_225 : i32 to index
        %get3A_236 = arith.constant 16 : index
        %get3A_237 = tpu.vector_load %arg6[%get3A_234, %get3A_235, %get3A_236] {strides = array<i32>} : memref<2x200x64xf32, #tpu.memory_space<vmem>>, vector<1x1x16xf32>,
        %get3A_238 = vector.shape_cast %get3A_237 : vector<1x1x16xf32> to vector<16xf32>
        %add3A_239 = arith.addf %add3A_205, %get3A_238 : vector<16xf32>
        %get3A_240 = arith.constant 1 : i32
        %get3A_241 = arith.index_cast %get3A_240 : i32 to index
        %get3A_242 = arith.index_cast %add3A_225 : i32 to index
        %get3A_243 = arith.constant 32 : index
        %get3A_244 = tpu.vector_load %arg6[%get3A_241, %get3A_242, %get3A_243] {strides = array<i32>} : memref<2x200x64xf32, #tpu.memory_space<vmem>>, vector<1x1x16xf32>,
        %get3A_245 = vector.shape_cast %get3A_244 : vector<1x1x16xf32> to vector<16xf32>
        %add3A_246 = arith.addf %add3A_212, %get3A_245 : vector<16xf32>
        %get3A_247 = arith.constant 1 : i32
        %get3A_248 = arith.index_cast %get3A_247 : i32 to index
        %get3A_249 = arith.index_cast %add3A_225 : i32 to index
        %get3A_250 = arith.constant 48 : index
        %get3A_251 = tpu.vector_load %arg6[%get3A_248, %get3A_249, %get3A_250] {strides = array<i32>} : memref<2x200x64xf32, #tpu.memory_space<vmem>>, vector<1x1x16xf32>,
        %get3A_252 = vector.shape_cast %get3A_251 : vector<1x1x16xf32> to vector<16xf32>
        %add3A_253 = arith.addf %add3A_219, %get3A_252 : vector<16xf32>
        %scan3A_254 = arith.constant 3 : i32
        %scan3A_255 = arith.addi %scan3A_150, %scan3A_254 : i32
        %mul3A_256 = arith.constant 1 : i32
        %mul3A_257 = arith.muli %scan3A_255, %mul3A_256 : i32
        %add3A_258 = arith.constant 0 : i32
        %add3A_259 = arith.addi %add3A_258, %mul3A_257 : i32
        %get3A_260 = arith.constant 1 : i32
        %get3A_261 = arith.index_cast %get3A_260 : i32 to index
        %get3A_262 = arith.index_cast %add3A_259 : i32 to index
        %get3A_263 = arith.constant 0 : index
        %get3A_264 = tpu.vector_load %arg6[%get3A_261, %get3A_262, %get3A_263] {strides = array<i32>} : memref<2x200x64xf32, #tpu.memory_space<vmem>>, vector<1x1x16xf32>,
        %get3A_265 = vector.shape_cast %get3A_264 : vector<1x1x16xf32> to vector<16xf32>
        %add3A_266 = arith.addf %add3A_232, %get3A_265 : vector<16xf32>
        %get3A_267 = arith.constant 1 : i32
        %get3A_268 = arith.index_cast %get3A_267 : i32 to index
        %get3A_269 = arith.index_cast %add3A_259 : i32 to index
        %get3A_270 = arith.constant 16 : index
        %get3A_271 = tpu.vector_load %arg6[%get3A_268, %get3A_269, %get3A_270] {strides = array<i32>} : memref<2x200x64xf32, #tpu.memory_space<vmem>>, vector<1x1x16xf32>,
        %get3A_272 = vector.shape_cast %get3A_271 : vector<1x1x16xf32> to vector<16xf32>
        %add3A_273 = arith.addf %add3A_239, %get3A_272 : vector<16xf32>
        %get3A_274 = arith.constant 1 : i32
        %get3A_275 = arith.index_cast %get3A_274 : i32 to index
        %get3A_276 = arith.index_cast %add3A_259 : i32 to index
        %get3A_277 = arith.constant 32 : index
        %get3A_278 = tpu.vector_load %arg6[%get3A_275, %get3A_276, %get3A_277] {strides = array<i32>} : memref<2x200x64xf32, #tpu.memory_space<vmem>>, vector<1x1x16xf32>,
        %get3A_279 = vector.shape_cast %get3A_278 : vector<1x1x16xf32> to vector<16xf32>
        %add3A_280 = arith.addf %add3A_246, %get3A_279 : vector<16xf32>
        %get3A_281 = arith.constant 1 : i32
        %get3A_282 = arith.index_cast %get3A_281 : i32 to index
        %get3A_283 = arith.index_cast %add3A_259 : i32 to index
        %get3A_284 = arith.constant 48 : index
        %get3A_285 = tpu.vector_load %arg6[%get3A_282, %get3A_283, %get3A_284] {strides = array<i32>} : memref<2x200x64xf32, #tpu.memory_space<vmem>>, vector<1x1x16xf32>,
        %get3A_286 = vector.shape_cast %get3A_285 : vector<1x1x16xf32> to vector<16xf32>
        %add3A_287 = arith.addf %add3A_253, %get3A_286 : vector<16xf32>
        %scan3A_288 = arith.constant 4 : i32
        %scan3A_289 = arith.addi %scan3A_150, %scan3A_288 : i32
        %mul3A_290 = arith.constant 1 : i32
        %mul3A_291 = arith.muli %scan3A_289, %mul3A_290 : i32
        %add3A_292 = arith.constant 0 : i32
        %add3A_293 = arith.addi %add3A_292, %mul3A_291 : i32
        %get3A_294 = arith.constant 1 : i32
        %get3A_295 = arith.index_cast %get3A_294 : i32 to index
        %get3A_296 = arith.index_cast %add3A_293 : i32 to index
        %get3A_297 = arith.constant 0 : index
        %get3A_298 = tpu.vector_load %arg6[%get3A_295, %get3A_296, %get3A_297] {strides = array<i32>} : memref<2x200x64xf32, #tpu.memory_space<vmem>>, vector<1x1x16xf32>,
        %get3A_299 = vector.shape_cast %get3A_298 : vector<1x1x16xf32> to vector<16xf32>
        %add3A_300 = arith.addf %add3A_266, %get3A_299 : vector<16xf32>
        %get3A_301 = arith.constant 1 : i32
        %get3A_302 = arith.index_cast %get3A_301 : i32 to index
        %get3A_303 = arith.index_cast %add3A_293 : i32 to index
        %get3A_304 = arith.constant 16 : index
        %get3A_305 = tpu.vector_load %arg6[%get3A_302, %get3A_303, %get3A_304] {strides = array<i32>} : memref<2x200x64xf32, #tpu.memory_space<vmem>>, vector<1x1x16xf32>,
        %get3A_306 = vector.shape_cast %get3A_305 : vector<1x1x16xf32> to vector<16xf32>
        %add3A_307 = arith.addf %add3A_273, %get3A_306 : vector<16xf32>
        %get3A_308 = arith.constant 1 : i32
        %get3A_309 = arith.index_cast %get3A_308 : i32 to index
        %get3A_310 = arith.index_cast %add3A_293 : i32 to index
        %get3A_311 = arith.constant 32 : index
        %get3A_312 = tpu.vector_load %arg6[%get3A_309, %get3A_310, %get3A_311] {strides = array<i32>} : memref<2x200x64xf32, #tpu.memory_space<vmem>>, vector<1x1x16xf32>,
        %get3A_313 = vector.shape_cast %get3A_312 : vector<1x1x16xf32> to vector<16xf32>
        %add3A_314 = arith.addf %add3A_280, %get3A_313 : vector<16xf32>
        %get3A_315 = arith.constant 1 : i32
        %get3A_316 = arith.index_cast %get3A_315 : i32 to index
        %get3A_317 = arith.index_cast %add3A_293 : i32 to index
        %get3A_318 = arith.constant 48 : index
        %get3A_319 = tpu.vector_load %arg6[%get3A_316, %get3A_317, %get3A_318] {strides = array<i32>} : memref<2x200x64xf32, #tpu.memory_space<vmem>>, vector<1x1x16xf32>,
        %get3A_320 = vector.shape_cast %get3A_319 : vector<1x1x16xf32> to vector<16xf32>
        %add3A_321 = arith.addf %add3A_287, %get3A_320 : vector<16xf32>
        %scan3A_322 = arith.constant 5 : i32
        %scan3A_323 = arith.addi %scan3A_150, %scan3A_322 : i32
        %mul3A_324 = arith.constant 1 : i32
        %mul3A_325 = arith.muli %scan3A_323, %mul3A_324 : i32
        %add3A_326 = arith.constant 0 : i32
        %add3A_327 = arith.addi %add3A_326, %mul3A_325 : i32
        %get3A_328 = arith.constant 1 : i32
        %get3A_329 = arith.index_cast %get3A_328 : i32 to index
        %get3A_330 = arith.index_cast %add3A_327 : i32 to index
        %get3A_331 = arith.constant 0 : index
        %get3A_332 = tpu.vector_load %arg6[%get3A_329, %get3A_330, %get3A_331] {strides = array<i32>} : memref<2x200x64xf32, #tpu.memory_space<vmem>>, vector<1x1x16xf32>,
        %get3A_333 = vector.shape_cast %get3A_332 : vector<1x1x16xf32> to vector<16xf32>
        %add3A_334 = arith.addf %add3A_300, %get3A_333 : vector<16xf32>
        %get3A_335 = arith.constant 1 : i32
        %get3A_336 = arith.index_cast %get3A_335 : i32 to index
        %get3A_337 = arith.index_cast %add3A_327 : i32 to index
        %get3A_338 = arith.constant 16 : index
        %get3A_339 = tpu.vector_load %arg6[%get3A_336, %get3A_337, %get3A_338] {strides = array<i32>} : memref<2x200x64xf32, #tpu.memory_space<vmem>>, vector<1x1x16xf32>,
        %get3A_340 = vector.shape_cast %get3A_339 : vector<1x1x16xf32> to vector<16xf32>
        %add3A_341 = arith.addf %add3A_307, %get3A_340 : vector<16xf32>
        %get3A_342 = arith.constant 1 : i32
        %get3A_343 = arith.index_cast %get3A_342 : i32 to index
        %get3A_344 = arith.index_cast %add3A_327 : i32 to index
        %get3A_345 = arith.constant 32 : index
        %get3A_346 = tpu.vector_load %arg6[%get3A_343, %get3A_344, %get3A_345] {strides = array<i32>} : memref<2x200x64xf32, #tpu.memory_space<vmem>>, vector<1x1x16xf32>,
        %get3A_347 = vector.shape_cast %get3A_346 : vector<1x1x16xf32> to vector<16xf32>
        %add3A_348 = arith.addf %add3A_314, %get3A_347 : vector<16xf32>
        %get3A_349 = arith.constant 1 : i32
        %get3A_350 = arith.index_cast %get3A_349 : i32 to index
        %get3A_351 = arith.index_cast %add3A_327 : i32 to index
        %get3A_352 = arith.constant 48 : index
        %get3A_353 = tpu.vector_load %arg6[%get3A_350, %get3A_351, %get3A_352] {strides = array<i32>} : memref<2x200x64xf32, #tpu.memory_space<vmem>>, vector<1x1x16xf32>,
        %get3A_354 = vector.shape_cast %get3A_353 : vector<1x1x16xf32> to vector<16xf32>
        %add3A_355 = arith.addf %add3A_321, %get3A_354 : vector<16xf32>
        %scan3A_356 = arith.constant 6 : i32
        %scan3A_357 = arith.addi %scan3A_150, %scan3A_356 : i32
        %mul3A_358 = arith.constant 1 : i32
        %mul3A_359 = arith.muli %scan3A_357, %mul3A_358 : i32
        %add3A_360 = arith.constant 0 : i32
        %add3A_361 = arith.addi %add3A_360, %mul3A_359 : i32
        %get3A_362 = arith.constant 1 : i32
        %get3A_363 = arith.index_cast %get3A_362 : i32 to index
        %get3A_364 = arith.index_cast %add3A_361 : i32 to index
        %get3A_365 = arith.constant 0 : index
        %get3A_366 = tpu.vector_load %arg6[%get3A_363, %get3A_364, %get3A_365] {strides = array<i32>} : memref<2x200x64xf32, #tpu.memory_space<vmem>>, vector<1x1x16xf32>,
        %get3A_367 = vector.shape_cast %get3A_366 : vector<1x1x16xf32> to vector<16xf32>
        %add3A_368 = arith.addf %add3A_334, %get3A_367 : vector<16xf32>
        %get3A_369 = arith.constant 1 : i32
        %get3A_370 = arith.index_cast %get3A_369 : i32 to index
        %get3A_371 = arith.index_cast %add3A_361 : i32 to index
        %get3A_372 = arith.constant 16 : index
        %get3A_373 = tpu.vector_load %arg6[%get3A_370, %get3A_371, %get3A_372] {strides = array<i32>} : memref<2x200x64xf32, #tpu.memory_space<vmem>>, vector<1x1x16xf32>,
        %get3A_374 = vector.shape_cast %get3A_373 : vector<1x1x16xf32> to vector<16xf32>
        %add3A_375 = arith.addf %add3A_341, %get3A_374 : vector<16xf32>
        %get3A_376 = arith.constant 1 : i32
        %get3A_377 = arith.index_cast %get3A_376 : i32 to index
        %get3A_378 = arith.index_cast %add3A_361 : i32 to index
        %get3A_379 = arith.constant 32 : index
        %get3A_380 = tpu.vector_load %arg6[%get3A_377, %get3A_378, %get3A_379] {strides = array<i32>} : memref<2x200x64xf32, #tpu.memory_space<vmem>>, vector<1x1x16xf32>,
        %get3A_381 = vector.shape_cast %get3A_380 : vector<1x1x16xf32> to vector<16xf32>
        %add3A_382 = arith.addf %add3A_348, %get3A_381 : vector<16xf32>
        %get3A_383 = arith.constant 1 : i32
        %get3A_384 = arith.index_cast %get3A_383 : i32 to index
        %get3A_385 = arith.index_cast %add3A_361 : i32 to index
        %get3A_386 = arith.constant 48 : index
        %get3A_387 = tpu.vector_load %arg6[%get3A_384, %get3A_385, %get3A_386] {strides = array<i32>} : memref<2x200x64xf32, #tpu.memory_space<vmem>>, vector<1x1x16xf32>,
        %get3A_388 = vector.shape_cast %get3A_387 : vector<1x1x16xf32> to vector<16xf32>
        %add3A_389 = arith.addf %add3A_355, %get3A_388 : vector<16xf32>
        %scan3A_390 = arith.constant 7 : i32
        %scan3A_391 = arith.addi %scan3A_150, %scan3A_390 : i32
        %mul3A_392 = arith.constant 1 : i32
        %mul3A_393 = arith.muli %scan3A_391, %mul3A_392 : i32
        %add3A_394 = arith.constant 0 : i32
        %add3A_395 = arith.addi %add3A_394, %mul3A_393 : i32
        %get3A_396 = arith.constant 1 : i32
        %get3A_397 = arith.index_cast %get3A_396 : i32 to index
        %get3A_398 = arith.index_cast %add3A_395 : i32 to index
        %get3A_399 = arith.constant 0 : index
        %get3A_400 = tpu.vector_load %arg6[%get3A_397, %get3A_398, %get3A_399] {strides = array<i32>} : memref<2x200x64xf32, #tpu.memory_space<vmem>>, vector<1x1x16xf32>,
        %get3A_401 = vector.shape_cast %get3A_400 : vector<1x1x16xf32> to vector<16xf32>
        %add3A_402 = arith.addf %add3A_368, %get3A_401 : vector<16xf32>
        %get3A_403 = arith.constant 1 : i32
        %get3A_404 = arith.index_cast %get3A_403 : i32 to index
        %get3A_405 = arith.index_cast %add3A_395 : i32 to index
        %get3A_406 = arith.constant 16 : index
        %get3A_407 = tpu.vector_load %arg6[%get3A_404, %get3A_405, %get3A_406] {strides = array<i32>} : memref<2x200x64xf32, #tpu.memory_space<vmem>>, vector<1x1x16xf32>,
        %get3A_408 = vector.shape_cast %get3A_407 : vector<1x1x16xf32> to vector<16xf32>
        %add3A_409 = arith.addf %add3A_375, %get3A_408 : vector<16xf32>
        %get3A_410 = arith.constant 1 : i32
        %get3A_411 = arith.index_cast %get3A_410 : i32 to index
        %get3A_412 = arith.index_cast %add3A_395 : i32 to index
        %get3A_413 = arith.constant 32 : index
        %get3A_414 = tpu.vector_load %arg6[%get3A_411, %get3A_412, %get3A_413] {strides = array<i32>} : memref<2x200x64xf32, #tpu.memory_space<vmem>>, vector<1x1x16xf32>,
        %get3A_415 = vector.shape_cast %get3A_414 : vector<1x1x16xf32> to vector<16xf32>
        %add3A_416 = arith.addf %add3A_382, %get3A_415 : vector<16xf32>
        %get3A_417 = arith.constant 1 : i32
        %get3A_418 = arith.index_cast %get3A_417 : i32 to index
        %get3A_419 = arith.index_cast %add3A_395 : i32 to index
        %get3A_420 = arith.constant 48 : index
        %get3A_421 = tpu.vector_load %arg6[%get3A_418, %get3A_419, %get3A_420] {strides = array<i32>} : memref<2x200x64xf32, #tpu.memory_space<vmem>>, vector<1x1x16xf32>,
        %get3A_422 = vector.shape_cast %get3A_421 : vector<1x1x16xf32> to vector<16xf32>
        %add3A_423 = arith.addf %add3A_389, %get3A_422 : vector<16xf32>
        scf.yield %add3A_402, %add3A_409, %add3A_416, %add3A_423 : vector<16xf32>, vector<16xf32>, vector<16xf32>, vector<16xf32>
      }
      %scan3A_121 = arith.constant 200 : i32
      %mul3A_122 = vector.broadcast %scan3A : f32 to vector<16xf32>
      %mul3A_123 = arith.mulf %scan3A_120#0, %mul3A_122 : vector<16xf32>
      %swap3A_124 = arith.index_cast %add3A_91 : i32 to index
      %swap3A_125 = arith.constant 0 : index
      %swap3A_126 = tpu.vector_load %arg7[%swap3A_124, %swap3A_125] {strides = array<i32>} : memref<128x64xf32, #tpu.memory_space<vmem>>, vector<1x16xf32>,
      %swap3A_127 = vector.shape_cast %swap3A_126 : vector<1x16xf32> to vector<16xf32>
      %swap3A_128 = vector.shape_cast %mul3A_123 : vector<16xf32> to vector<1x16xf32>
      tpu.vector_store %arg7[%swap3A_124, %swap3A_125], %swap3A_128 {strides = array<i32>} : memref<128x64xf32, #tpu.memory_space<vmem>>, vector<1x16xf32>,
      %mul3A_129 = vector.broadcast %scan3A : f32 to vector<16xf32>
      %mul3A_130 = arith.mulf %scan3A_120#1, %mul3A_129 : vector<16xf32>
      %swap3A_131 = arith.index_cast %add3A_91 : i32 to index
      %swap3A_132 = arith.constant 16 : index
      %swap3A_133 = tpu.vector_load %arg7[%swap3A_131, %swap3A_132] {strides = array<i32>} : memref<128x64xf32, #tpu.memory_space<vmem>>, vector<1x16xf32>,
      %swap3A_134 = vector.shape_cast %swap3A_133 : vector<1x16xf32> to vector<16xf32>
      %swap3A_135 = vector.shape_cast %mul3A_130 : vector<16xf32> to vector<1x16xf32>
      tpu.vector_store %arg7[%swap3A_131, %swap3A_132], %swap3A_135 {strides = array<i32>} : memref<128x64xf32, #tpu.memory_space<vmem>>, vector<1x16xf32>,
      %mul3A_136 = vector.broadcast %scan3A : f32 to vector<16xf32>
      %mul3A_137 = arith.mulf %scan3A_120#2, %mul3A_136 : vector<16xf32>
      %swap3A_138 = arith.index_cast %add3A_91 : i32 to index
      %swap3A_139 = arith.constant 32 : index
      %swap3A_140 = tpu.vector_load %arg7[%swap3A_138, %swap3A_139] {strides = array<i32>} : memref<128x64xf32, #tpu.memory_space<vmem>>, vector<1x16xf32>,
      %swap3A_141 = vector.shape_cast %swap3A_140 : vector<1x16xf32> to vector<16xf32>
      %swap3A_142 = vector.shape_cast %mul3A_137 : vector<16xf32> to vector<1x16xf32>
      tpu.vector_store %arg7[%swap3A_138, %swap3A_139], %swap3A_142 {strides = array<i32>} : memref<128x64xf32, #tpu.memory_space<vmem>>, vector<1x16xf32>,
      %mul3A_143 = vector.broadcast %scan3A : f32 to vector<16xf32>
      %mul3A_144 = arith.mulf %scan3A_120#3, %mul3A_143 : vector<16xf32>
      %swap3A_145 = arith.index_cast %add3A_91 : i32 to index
      %swap3A_146 = arith.constant 48 : index
      %swap3A_147 = tpu.vector_load %arg7[%swap3A_145, %swap3A_146] {strides = array<i32>} : memref<128x64xf32, #tpu.memory_space<vmem>>, vector<1x16xf32>,
      %swap3A_148 = vector.shape_cast %swap3A_147 : vector<1x16xf32> to vector<16xf32>
      %swap3A_149 = vector.shape_cast %mul3A_144 : vector<16xf32> to vector<1x16xf32>
      tpu.vector_store %arg7[%swap3A_145, %swap3A_146], %swap3A_149 {strides = array<i32>} : memref<128x64xf32, #tpu.memory_space<vmem>>, vector<1x16xf32>,
    }
    %scan3A_30 = arith.constant 64 : i32
    "tpu.region"() ({
      %run_scoped3A = tpu.sem_alloc : memref<!tpu.dma_semaphore, #tpu.memory_space<semaphore_mem>>
      %dma_start3A_31 = arith.constant 0 : i32
      %dma_start3A_32 = tpu.memref_slice %arg4[%mul3A_2, %dma_start3A_31] : memref<4096x64xf32, #tpu.memory_space<hbm>> -> memref<128x64xf32, #tpu.memory_space<hbm>>
      %dma_start3A_33 = arith.constant 0 : i32
      %dma_start3A_34 = tpu.memref_slice %arg4[%mul3A_2, %dma_start3A_33] : memref<4096x64xf32, #tpu.memory_space<hbm>> -> memref<128x64xf32, #tpu.memory_space<hbm>>
      tpu.enqueue_dma source(%arg7 : memref<128x64xf32, #tpu.memory_space<vmem>>) target(%dma_start3A_34 : memref<128x64xf32, #tpu.memory_space<hbm>>) target_semaphore(%run_scoped3A : memref<!tpu.dma_semaphore, #tpu.memory_space<semaphore_mem>>)
      %dma_wait3A = arith.constant 0 : i32
      %dma_wait3A_35 = tpu.memref_slice %arg4[%mul3A_2, %dma_wait3A] : memref<4096x64xf32, #tpu.memory_space<hbm>> -> memref<128x64xf32, #tpu.memory_space<hbm>>
      %dma_wait3A_36 = arith.constant 0 : i32
      %dma_wait3A_37 = tpu.memref_slice %arg4[%mul3A_2, %dma_wait3A_36] : memref<4096x64xf32, #tpu.memory_space<hbm>> -> memref<128x64xf32, #tpu.memory_space<hbm>>
      tpu.wait_dma2 semaphore(%run_scoped3A : memref<!tpu.dma_semaphore, #tpu.memory_space<semaphore_mem>>) src(%arg7 : memref<128x64xf32, #tpu.memory_space<vmem>>) dst(%dma_wait3A_37 : memref<128x64xf32, #tpu.memory_space<hbm>>)
      tpu.yield
    }) : () -> ()
    return
  }
}

#map = affine_map<(d0, d1) -> (0, 0)>
module attributes {stable_mosaic.version = 14 : i64} {
  func.func @reformat(%arg0: i32, %arg1: i32, %arg2: memref<64x1000000xf32, #tpu.memory_space<hbm>>, %arg3: memref<64x128xf32, #tpu.memory_space<hbm>>, %arg4: memref<500000x128xf32, #tpu.memory_space<hbm>>, %arg5: memref<2x64x128xf32, #tpu.memory_space<vmem>>, %arg6: memref<2x64x128xf32, #tpu.memory_space<vmem>>, %arg7: memref<64x128xf32, #tpu.memory_space<vmem>>, %arg8: memref<!tpu.dma_semaphore, #tpu.memory_space<semaphore_mem>>, %arg9: memref<!tpu.dma_semaphore, #tpu.memory_space<semaphore_mem>>, %arg10: memref<!tpu.dma_semaphore, #tpu.memory_space<semaphore_mem>>, %arg11: memref<!tpu.dma_semaphore, #tpu.memory_space<semaphore_mem>>) attributes {dimension_semantics = [#tpu.dimension_semantics<core_parallel>, #tpu.dimension_semantics<subcore_parallel>], iteration_bounds = array<i64: 2, 16>, scalar_prefetch = 0 : i64, scratch_operands = 7 : i64, tpu.core_type = #tpu.core_type<sc_vector_subcore>, window_params = [{transform_indices = #map}, {transform_indices = #map}, {transform_indices = #map}]} {
    %mul3A = arith.constant 2 : i32
    %mul3A_0 = arith.muli %arg1, %mul3A : i32
    %add3A = arith.addi %mul3A_0, %arg0 : i32
    %sub3A = arith.constant 7812 : i32
    %sub3A_1 = arith.subi %sub3A, %add3A : i32
    %add3A_2 = arith.constant 32 : i32
    %add3A_3 = arith.addi %sub3A_1, %add3A_2 : i32
    %sub3A_4 = arith.constant 1 : i32
    %sub3A_5 = arith.subi %add3A_3, %sub3A_4 : i32
    %jit3A = arith.constant 32 : i32
    %div3A = arith.divsi %sub3A_5, %jit3A : i32
    %sign3A = arith.constant 0 : i32
    %sign3A_6 = arith.cmpi sgt, %sub3A_5, %sign3A : i32
    %sign3A_7 = arith.extui %sign3A_6 : i1 to i32
    %sign3A_8 = arith.constant 0 : i32
    %sign3A_9 = arith.cmpi slt, %sub3A_5, %sign3A_8 : i32
    %sign3A_10 = arith.extui %sign3A_9 : i1 to i32
    %sign3A_11 = arith.subi %sign3A_7, %sign3A_10 : i32
    %sign3A_12 = arith.constant 0 : i32
    %sign3A_13 = arith.cmpi sgt, %jit3A, %sign3A_12 : i32
    %sign3A_14 = arith.extui %sign3A_13 : i1 to i32
    %sign3A_15 = arith.constant 0 : i32
    %sign3A_16 = arith.cmpi slt, %jit3A, %sign3A_15 : i32
    %sign3A_17 = arith.extui %sign3A_16 : i1 to i32
    %sign3A_18 = arith.subi %sign3A_14, %sign3A_17 : i32
    %ne3A = arith.cmpi ne, %sign3A_11, %sign3A_18 : i32
    %rem3A = arith.remsi %sub3A_5, %jit3A : i32
    %ne3A_19 = arith.constant 0 : i32
    %ne3A_20 = arith.cmpi ne, %rem3A, %ne3A_19 : i32
    %and3A = arith.andi %ne3A, %ne3A_20 : i1
    %sub3A_21 = arith.constant 1 : i32
    %sub3A_22 = arith.subi %div3A, %sub3A_21 : i32
    %select_n3A = arith.select %and3A, %sub3A_22, %div3A : i32
    %gt3A = arith.constant 0 : i32
    %gt3A_23 = arith.cmpi sgt, %select_n3A, %gt3A : i32
    %convert_element_type3A = arith.extui %gt3A_23 : i1 to i32
    %cond3A = arith.constant 0 : i32
    %cond3A_24 = arith.cmpi ne, %convert_element_type3A, %cond3A : i32
    scf.if %cond3A_24 {
      %add3A_29 = arith.constant 0 : i32
      %add3A_30 = arith.addi %add3A, %add3A_29 : i32
      %mul3A_31 = arith.constant 128 : i32
      %mul3A_32 = arith.muli %add3A_30, %mul3A_31 : i32
      %dma_start3A = arith.constant 0 : i32
      %dma_start3A_33 = arith.constant 0 : i32
      %dma_start3A_34 = arith.constant 0 : i32
      %dma_start3A_35 = tpu.memref_slice %arg5[%dma_start3A, %dma_start3A_33, %dma_start3A_34] : memref<2x64x128xf32, #tpu.memory_space<vmem>> -> memref<1x64x128xf32, #tpu.memory_space<vmem>>
      %dma_start3A_36 = tpu.memref_squeeze %dma_start3A_35 : memref<1x64x128xf32, #tpu.memory_space<vmem>> -> memref<64x128xf32, #tpu.memory_space<vmem>>
      %dma_start3A_37 = arith.constant 0 : i32
      %dma_start3A_38 = tpu.memref_slice %arg2[%dma_start3A_37, %mul3A_32] : memref<64x1000000xf32, #tpu.memory_space<hbm>> -> memref<64x128xf32, #tpu.memory_space<hbm>>
      %dma_start3A_39 = arith.constant 0 : i32
      %dma_start3A_40 = arith.constant 0 : i32
      %dma_start3A_41 = tpu.memref_slice %arg5[%dma_start3A, %dma_start3A_39, %dma_start3A_40] : memref<2x64x128xf32, #tpu.memory_space<vmem>> -> memref<1x64x128xf32, #tpu.memory_space<vmem>>
      %dma_start3A_42 = tpu.memref_squeeze %dma_start3A_41 : memref<1x64x128xf32, #tpu.memory_space<vmem>> -> memref<64x128xf32, #tpu.memory_space<vmem>>
      %dma_start3A_43 = arith.constant 0 : i32
      %dma_start3A_44 = tpu.memref_slice %arg2[%dma_start3A_43, %mul3A_32] : memref<64x1000000xf32, #tpu.memory_space<hbm>> -> memref<64x128xf32, #tpu.memory_space<hbm>>
      tpu.enqueue_dma source(%dma_start3A_44 : memref<64x128xf32, #tpu.memory_space<hbm>>) target(%dma_start3A_42 : memref<64x128xf32, #tpu.memory_space<vmem>>) target_semaphore(%arg8 : memref<!tpu.dma_semaphore, #tpu.memory_space<semaphore_mem>>)
      %sub3A_45 = arith.constant 0 : i32
      %sub3A_46 = arith.subi %select_n3A, %sub3A_45 : i32
      %sub3A_47 = arith.constant 1 : i32
      %sub3A_48 = arith.constant 1 : i32
      %sub3A_49 = arith.subi %sub3A_47, %sub3A_48 : i32
      %add3A_50 = arith.addi %sub3A_46, %sub3A_49 : i32
      %div3A_51 = arith.constant 1 : i32
      %div3A_52 = arith.divsi %add3A_50, %div3A_51 : i32
      %while3A = arith.constant 1 : i32
      %while3A_53 = arith.constant 0 : i32
      %while3A_54 = arith.constant 0 : i32
      %while3A_55 = arith.subi %div3A_52, %while3A_54 : i32
      %while3A_56 = arith.addi %while3A_54, %while3A_55 : i32
      %while3A_57 = arith.constant 1 : i32
      %while3A_58 = arith.divsi %while3A_55, %while3A_57 : i32
      %while3A_59 = arith.muli %while3A_58, %while3A_57 : i32
      %while3A_60 = arith.addi %while3A_54, %while3A_59 : i32
      %while3A_61 = arith.constant 1 : i32
      scf.for %while3A_101 = %while3A_54 to %while3A_60 step %while3A_61  : i32 {
        %mul3A_102 = arith.muli %while3A_101, %while3A : i32
        %add3A_103 = arith.addi %while3A_53, %mul3A_102 : i32
        %rem3A_104 = arith.constant 2 : i32
        %rem3A_105 = arith.remsi %add3A_103, %rem3A_104 : i32
        %eq3A_106 = arith.constant 0 : i32
        %eq3A_107 = arith.cmpi eq, %rem3A_105, %eq3A_106 : i32
        %convert_element_type3A_108 = arith.extui %eq3A_107 : i1 to i32
        %cond3A_109 = arith.constant 0 : i32
        %cond3A_110 = arith.cmpi ne, %convert_element_type3A_108, %cond3A_109 : i32
        scf.if %cond3A_110 {
          %add3A_116 = arith.constant 1 : i32
          %add3A_117 = arith.addi %add3A_103, %add3A_116 : i32
          %lt3A = arith.cmpi slt, %add3A_117, %select_n3A : i32
          %convert_element_type3A_118 = arith.extui %lt3A : i1 to i32
          %cond3A_119 = arith.constant 0 : i32
          %cond3A_120 = arith.cmpi ne, %convert_element_type3A_118, %cond3A_119 : i32
          scf.if %cond3A_120 {
            %add3A_161 = arith.constant 1 : i32
            %add3A_162 = arith.addi %add3A_103, %add3A_161 : i32
            %mul3A_163 = arith.constant 32 : i32
            %mul3A_164 = arith.muli %add3A_162, %mul3A_163 : i32
            %add3A_165 = arith.addi %add3A, %mul3A_164 : i32
            %mul3A_166 = arith.constant 128 : i32
            %mul3A_167 = arith.muli %add3A_165, %mul3A_166 : i32
            %dma_start3A_168 = arith.constant 1 : i32
            %dma_start3A_169 = arith.constant 0 : i32
            %dma_start3A_170 = arith.constant 0 : i32
            %dma_start3A_171 = tpu.memref_slice %arg5[%dma_start3A_168, %dma_start3A_169, %dma_start3A_170] : memref<2x64x128xf32, #tpu.memory_space<vmem>> -> memref<1x64x128xf32, #tpu.memory_space<vmem>>
            %dma_start3A_172 = tpu.memref_squeeze %dma_start3A_171 : memref<1x64x128xf32, #tpu.memory_space<vmem>> -> memref<64x128xf32, #tpu.memory_space<vmem>>
            %dma_start3A_173 = arith.constant 0 : i32
            %dma_start3A_174 = tpu.memref_slice %arg2[%dma_start3A_173, %mul3A_167] : memref<64x1000000xf32, #tpu.memory_space<hbm>> -> memref<64x128xf32, #tpu.memory_space<hbm>>
            %dma_start3A_175 = arith.constant 0 : i32
            %dma_start3A_176 = arith.constant 0 : i32
            %dma_start3A_177 = tpu.memref_slice %arg5[%dma_start3A_168, %dma_start3A_175, %dma_start3A_176] : memref<2x64x128xf32, #tpu.memory_space<vmem>> -> memref<1x64x128xf32, #tpu.memory_space<vmem>>
            %dma_start3A_178 = tpu.memref_squeeze %dma_start3A_177 : memref<1x64x128xf32, #tpu.memory_space<vmem>> -> memref<64x128xf32, #tpu.memory_space<vmem>>
            %dma_start3A_179 = arith.constant 0 : i32
            %dma_start3A_180 = tpu.memref_slice %arg2[%dma_start3A_179, %mul3A_167] : memref<64x1000000xf32, #tpu.memory_space<hbm>> -> memref<64x128xf32, #tpu.memory_space<hbm>>
            tpu.enqueue_dma source(%dma_start3A_180 : memref<64x128xf32, #tpu.memory_space<hbm>>) target(%dma_start3A_178 : memref<64x128xf32, #tpu.memory_space<vmem>>) target_semaphore(%arg9 : memref<!tpu.dma_semaphore, #tpu.memory_space<semaphore_mem>>)
          } else {
          }
          %dma_wait3A = arith.constant 0 : i32
          %dma_wait3A_121 = arith.constant 0 : i32
          %dma_wait3A_122 = arith.constant 0 : i32
          %dma_wait3A_123 = tpu.memref_slice %arg5[%dma_wait3A, %dma_wait3A_121, %dma_wait3A_122] : memref<2x64x128xf32, #tpu.memory_space<vmem>> -> memref<1x64x128xf32, #tpu.memory_space<vmem>>
          %dma_wait3A_124 = tpu.memref_squeeze %dma_wait3A_123 : memref<1x64x128xf32, #tpu.memory_space<vmem>> -> memref<64x128xf32, #tpu.memory_space<vmem>>
          %dma_wait3A_125 = arith.constant 0 : i32
          %dma_wait3A_126 = arith.constant 0 : i32
          %dma_wait3A_127 = tpu.memref_slice %arg2[%dma_wait3A_125, %dma_wait3A_126] : memref<64x1000000xf32, #tpu.memory_space<hbm>> -> memref<64x128xf32, #tpu.memory_space<hbm>>
          %dma_wait3A_128 = arith.constant 0 : i32
          %dma_wait3A_129 = arith.constant 0 : i32
          %dma_wait3A_130 = tpu.memref_slice %arg5[%dma_wait3A, %dma_wait3A_128, %dma_wait3A_129] : memref<2x64x128xf32, #tpu.memory_space<vmem>> -> memref<1x64x128xf32, #tpu.memory_space<vmem>>
          %dma_wait3A_131 = tpu.memref_squeeze %dma_wait3A_130 : memref<1x64x128xf32, #tpu.memory_space<vmem>> -> memref<64x128xf32, #tpu.memory_space<vmem>>
          %dma_wait3A_132 = arith.constant 0 : i32
          %dma_wait3A_133 = arith.constant 0 : i32
          %dma_wait3A_134 = tpu.memref_slice %arg2[%dma_wait3A_132, %dma_wait3A_133] : memref<64x1000000xf32, #tpu.memory_space<hbm>> -> memref<64x128xf32, #tpu.memory_space<hbm>>
          tpu.wait_dma2 semaphore(%arg8 : memref<!tpu.dma_semaphore, #tpu.memory_space<semaphore_mem>>) src(%dma_wait3A_134 : memref<64x128xf32, #tpu.memory_space<hbm>>) dst(%dma_wait3A_131 : memref<64x128xf32, #tpu.memory_space<vmem>>)
          %ge3A = arith.constant 2 : i32
          %ge3A_135 = arith.cmpi sge, %add3A_103, %ge3A : i32
          %convert_element_type3A_136 = arith.extui %ge3A_135 : i1 to i32
          %cond3A_137 = arith.constant 0 : i32
          %cond3A_138 = arith.cmpi ne, %convert_element_type3A_136, %cond3A_137 : i32
          scf.if %cond3A_138 {
            %dma_wait3A_161 = arith.constant 0 : i32
            %dma_wait3A_162 = arith.constant 0 : i32
            %dma_wait3A_163 = arith.constant 0 : i32
            %dma_wait3A_164 = tpu.memref_slice %arg6[%dma_wait3A_161, %dma_wait3A_162, %dma_wait3A_163] : memref<2x64x128xf32, #tpu.memory_space<vmem>> -> memref<1x64x128xf32, #tpu.memory_space<vmem>>
            %dma_wait3A_165 = tpu.memref_squeeze %dma_wait3A_164 : memref<1x64x128xf32, #tpu.memory_space<vmem>> -> memref<64x128xf32, #tpu.memory_space<vmem>>
            %dma_wait3A_166 = arith.constant 0 : i32
            %dma_wait3A_167 = arith.constant 0 : i32
            %dma_wait3A_168 = tpu.memref_slice %arg4[%dma_wait3A_166, %dma_wait3A_167] : memref<500000x128xf32, #tpu.memory_space<hbm>> -> memref<64x128xf32, #tpu.memory_space<hbm>>
            %dma_wait3A_169 = arith.constant 0 : i32
            %dma_wait3A_170 = arith.constant 0 : i32
            %dma_wait3A_171 = tpu.memref_slice %arg6[%dma_wait3A_161, %dma_wait3A_169, %dma_wait3A_170] : memref<2x64x128xf32, #tpu.memory_space<vmem>> -> memref<1x64x128xf32, #tpu.memory_space<vmem>>
            %dma_wait3A_172 = tpu.memref_squeeze %dma_wait3A_171 : memref<1x64x128xf32, #tpu.memory_space<vmem>> -> memref<64x128xf32, #tpu.memory_space<vmem>>
            %dma_wait3A_173 = arith.constant 0 : i32
            %dma_wait3A_174 = arith.constant 0 : i32
            %dma_wait3A_175 = tpu.memref_slice %arg4[%dma_wait3A_173, %dma_wait3A_174] : memref<500000x128xf32, #tpu.memory_space<hbm>> -> memref<64x128xf32, #tpu.memory_space<hbm>>
            tpu.wait_dma2 semaphore(%arg10 : memref<!tpu.dma_semaphore, #tpu.memory_space<semaphore_mem>>) src(%dma_wait3A_175 : memref<64x128xf32, #tpu.memory_space<hbm>>) dst(%dma_wait3A_172 : memref<64x128xf32, #tpu.memory_space<vmem>>)
          } else {
          }
          %iota3A = tpu.iota {dimensions = array<i32: 0>} : vector<16xi32>
          %scan3A = arith.constant 0 : i32
          %scan3A_139 = arith.constant 64 : i32
          %scan3A_140 = arith.addi %scan3A, %scan3A_139 : i32
          %scan3A_141 = arith.constant 2 : i32
          scf.for %scan3A_161 = %scan3A to %scan3A_140 step %scan3A_141  : i32 {
            %mul3A_162 = arith.constant 1 : i32
            %mul3A_163 = arith.muli %scan3A_161, %mul3A_162 : i32
            %add3A_164 = arith.constant 0 : i32
            %add3A_165 = arith.addi %add3A_164, %mul3A_163 : i32
            %add3A_166 = arith.constant 0 : i32
            %add3A_167 = vector.broadcast %add3A_166 : i32 to vector<16xi32>
            %add3A_168 = arith.addi %iota3A, %add3A_167 : vector<16xi32>
            %broadcast_in_dim3A = arith.constant 0 : i32
            %broadcast_in_dim3A_169 = vector.broadcast %broadcast_in_dim3A : i32 to vector<16xi32>
            %mul3A_170 = arith.constant 2 : i32
            %mul3A_171 = arith.muli %mul3A_170, %add3A_165 : i32
            %add3A_172 = arith.constant 0 : i32
            %add3A_173 = arith.addi %mul3A_171, %add3A_172 : i32
            %add3A_174 = vector.broadcast %add3A_173 : i32 to vector<16xi32>
            %add3A_175 = arith.addi %broadcast_in_dim3A_169, %add3A_174 : vector<16xi32>
            %gather3A = arith.constant 0 : i32
            %gather3A_176 = arith.constant 0 : i32
            %gather3A_177 = arith.constant 0 : i32
            %gather3A_178 = tpu.memref_slice %arg5[%gather3A, %gather3A_176, %gather3A_177] : memref<2x64x128xf32, #tpu.memory_space<vmem>> -> memref<1x64x128xf32, #tpu.memory_space<vmem>>
            %gather3A_179 = tpu.memref_squeeze %gather3A_178 : memref<1x64x128xf32, #tpu.memory_space<vmem>> -> memref<64x128xf32, #tpu.memory_space<vmem>>
            %gather3A_180 = tpu.vector_load_idx %gather3A_179[%add3A_168, %add3A_175] : memref<64x128xf32, #tpu.memory_space<vmem>>[vector<16xi32>, vector<16xi32>], vector<16xf32>,
            %swap3A = arith.constant 0 : i32
            %swap3A_181 = arith.index_cast %swap3A : i32 to index
            %swap3A_182 = arith.index_cast %add3A_165 : i32 to index
            %swap3A_183 = arith.constant 0 : index
            %swap3A_184 = tpu.vector_load %arg6[%swap3A_181, %swap3A_182, %swap3A_183] {strides = array<i32>} : memref<2x64x128xf32, #tpu.memory_space<vmem>>, vector<16xf32>,
            tpu.vector_store %arg6[%swap3A_181, %swap3A_182, %swap3A_183], %gather3A_180 {strides = array<i32>} : memref<2x64x128xf32, #tpu.memory_space<vmem>>, vector<16xf32>,
            %add3A_185 = arith.constant 16 : i32
            %add3A_186 = vector.broadcast %add3A_185 : i32 to vector<16xi32>
            %add3A_187 = arith.addi %iota3A, %add3A_186 : vector<16xi32>
            %broadcast_in_dim3A_188 = arith.constant 0 : i32
            %broadcast_in_dim3A_189 = vector.broadcast %broadcast_in_dim3A_188 : i32 to vector<16xi32>
            %mul3A_190 = arith.constant 2 : i32
            %mul3A_191 = arith.muli %mul3A_190, %add3A_165 : i32
            %add3A_192 = arith.constant 0 : i32
            %add3A_193 = arith.addi %mul3A_191, %add3A_192 : i32
            %add3A_194 = vector.broadcast %add3A_193 : i32 to vector<16xi32>
            %add3A_195 = arith.addi %broadcast_in_dim3A_189, %add3A_194 : vector<16xi32>
            %gather3A_196 = arith.constant 0 : i32
            %gather3A_197 = arith.constant 0 : i32
            %gather3A_198 = arith.constant 0 : i32
            %gather3A_199 = tpu.memref_slice %arg5[%gather3A_196, %gather3A_197, %gather3A_198] : memref<2x64x128xf32, #tpu.memory_space<vmem>> -> memref<1x64x128xf32, #tpu.memory_space<vmem>>
            %gather3A_200 = tpu.memref_squeeze %gather3A_199 : memref<1x64x128xf32, #tpu.memory_space<vmem>> -> memref<64x128xf32, #tpu.memory_space<vmem>>
            %gather3A_201 = tpu.vector_load_idx %gather3A_200[%add3A_187, %add3A_195] : memref<64x128xf32, #tpu.memory_space<vmem>>[vector<16xi32>, vector<16xi32>], vector<16xf32>,
            %swap3A_202 = arith.constant 0 : i32
            %swap3A_203 = arith.index_cast %swap3A_202 : i32 to index
            %swap3A_204 = arith.index_cast %add3A_165 : i32 to index
            %swap3A_205 = arith.constant 16 : index
            %swap3A_206 = tpu.vector_load %arg6[%swap3A_203, %swap3A_204, %swap3A_205] {strides = array<i32>} : memref<2x64x128xf32, #tpu.memory_space<vmem>>, vector<16xf32>,
            tpu.vector_store %arg6[%swap3A_203, %swap3A_204, %swap3A_205], %gather3A_201 {strides = array<i32>} : memref<2x64x128xf32, #tpu.memory_space<vmem>>, vector<16xf32>,
            %add3A_207 = arith.constant 32 : i32
            %add3A_208 = vector.broadcast %add3A_207 : i32 to vector<16xi32>
            %add3A_209 = arith.addi %iota3A, %add3A_208 : vector<16xi32>
            %broadcast_in_dim3A_210 = arith.constant 0 : i32
            %broadcast_in_dim3A_211 = vector.broadcast %broadcast_in_dim3A_210 : i32 to vector<16xi32>
            %mul3A_212 = arith.constant 2 : i32
            %mul3A_213 = arith.muli %mul3A_212, %add3A_165 : i32
            %add3A_214 = arith.constant 0 : i32
            %add3A_215 = arith.addi %mul3A_213, %add3A_214 : i32
            %add3A_216 = vector.broadcast %add3A_215 : i32 to vector<16xi32>
            %add3A_217 = arith.addi %broadcast_in_dim3A_211, %add3A_216 : vector<16xi32>
            %gather3A_218 = arith.constant 0 : i32
            %gather3A_219 = arith.constant 0 : i32
            %gather3A_220 = arith.constant 0 : i32
            %gather3A_221 = tpu.memref_slice %arg5[%gather3A_218, %gather3A_219, %gather3A_220] : memref<2x64x128xf32, #tpu.memory_space<vmem>> -> memref<1x64x128xf32, #tpu.memory_space<vmem>>
            %gather3A_222 = tpu.memref_squeeze %gather3A_221 : memref<1x64x128xf32, #tpu.memory_space<vmem>> -> memref<64x128xf32, #tpu.memory_space<vmem>>
            %gather3A_223 = tpu.vector_load_idx %gather3A_222[%add3A_209, %add3A_217] : memref<64x128xf32, #tpu.memory_space<vmem>>[vector<16xi32>, vector<16xi32>], vector<16xf32>,
            %swap3A_224 = arith.constant 0 : i32
            %swap3A_225 = arith.index_cast %swap3A_224 : i32 to index
            %swap3A_226 = arith.index_cast %add3A_165 : i32 to index
            %swap3A_227 = arith.constant 32 : index
            %swap3A_228 = tpu.vector_load %arg6[%swap3A_225, %swap3A_226, %swap3A_227] {strides = array<i32>} : memref<2x64x128xf32, #tpu.memory_space<vmem>>, vector<16xf32>,
            tpu.vector_store %arg6[%swap3A_225, %swap3A_226, %swap3A_227], %gather3A_223 {strides = array<i32>} : memref<2x64x128xf32, #tpu.memory_space<vmem>>, vector<16xf32>,
            %add3A_229 = arith.constant 48 : i32
            %add3A_230 = vector.broadcast %add3A_229 : i32 to vector<16xi32>
            %add3A_231 = arith.addi %iota3A, %add3A_230 : vector<16xi32>
            %broadcast_in_dim3A_232 = arith.constant 0 : i32
            %broadcast_in_dim3A_233 = vector.broadcast %broadcast_in_dim3A_232 : i32 to vector<16xi32>
            %mul3A_234 = arith.constant 2 : i32
            %mul3A_235 = arith.muli %mul3A_234, %add3A_165 : i32
            %add3A_236 = arith.constant 0 : i32
            %add3A_237 = arith.addi %mul3A_235, %add3A_236 : i32
            %add3A_238 = vector.broadcast %add3A_237 : i32 to vector<16xi32>
            %add3A_239 = arith.addi %broadcast_in_dim3A_233, %add3A_238 : vector<16xi32>
            %gather3A_240 = arith.constant 0 : i32
            %gather3A_241 = arith.constant 0 : i32
            %gather3A_242 = arith.constant 0 : i32
            %gather3A_243 = tpu.memref_slice %arg5[%gather3A_240, %gather3A_241, %gather3A_242] : memref<2x64x128xf32, #tpu.memory_space<vmem>> -> memref<1x64x128xf32, #tpu.memory_space<vmem>>
            %gather3A_244 = tpu.memref_squeeze %gather3A_243 : memref<1x64x128xf32, #tpu.memory_space<vmem>> -> memref<64x128xf32, #tpu.memory_space<vmem>>
            %gather3A_245 = tpu.vector_load_idx %gather3A_244[%add3A_231, %add3A_239] : memref<64x128xf32, #tpu.memory_space<vmem>>[vector<16xi32>, vector<16xi32>], vector<16xf32>,
            %swap3A_246 = arith.constant 0 : i32
            %swap3A_247 = arith.index_cast %swap3A_246 : i32 to index
            %swap3A_248 = arith.index_cast %add3A_165 : i32 to index
            %swap3A_249 = arith.constant 48 : index
            %swap3A_250 = tpu.vector_load %arg6[%swap3A_247, %swap3A_248, %swap3A_249] {strides = array<i32>} : memref<2x64x128xf32, #tpu.memory_space<vmem>>, vector<16xf32>,
            tpu.vector_store %arg6[%swap3A_247, %swap3A_248, %swap3A_249], %gather3A_245 {strides = array<i32>} : memref<2x64x128xf32, #tpu.memory_space<vmem>>, vector<16xf32>,
            %add3A_251 = arith.constant 0 : i32
            %add3A_252 = vector.broadcast %add3A_251 : i32 to vector<16xi32>
            %add3A_253 = arith.addi %iota3A, %add3A_252 : vector<16xi32>
            %broadcast_in_dim3A_254 = arith.constant 0 : i32
            %broadcast_in_dim3A_255 = vector.broadcast %broadcast_in_dim3A_254 : i32 to vector<16xi32>
            %mul3A_256 = arith.constant 2 : i32
            %mul3A_257 = arith.muli %mul3A_256, %add3A_165 : i32
            %add3A_258 = arith.constant 1 : i32
            %add3A_259 = arith.addi %mul3A_257, %add3A_258 : i32
            %add3A_260 = vector.broadcast %add3A_259 : i32 to vector<16xi32>
            %add3A_261 = arith.addi %broadcast_in_dim3A_255, %add3A_260 : vector<16xi32>
            %gather3A_262 = arith.constant 0 : i32
            %gather3A_263 = arith.constant 0 : i32
            %gather3A_264 = arith.constant 0 : i32
            %gather3A_265 = tpu.memref_slice %arg5[%gather3A_262, %gather3A_263, %gather3A_264] : memref<2x64x128xf32, #tpu.memory_space<vmem>> -> memref<1x64x128xf32, #tpu.memory_space<vmem>>
            %gather3A_266 = tpu.memref_squeeze %gather3A_265 : memref<1x64x128xf32, #tpu.memory_space<vmem>> -> memref<64x128xf32, #tpu.memory_space<vmem>>
            %gather3A_267 = tpu.vector_load_idx %gather3A_266[%add3A_253, %add3A_261] : memref<64x128xf32, #tpu.memory_space<vmem>>[vector<16xi32>, vector<16xi32>], vector<16xf32>,
            %swap3A_268 = arith.constant 0 : i32
            %swap3A_269 = arith.index_cast %swap3A_268 : i32 to index
            %swap3A_270 = arith.index_cast %add3A_165 : i32 to index
            %swap3A_271 = arith.constant 64 : index
            %swap3A_272 = tpu.vector_load %arg6[%swap3A_269, %swap3A_270, %swap3A_271] {strides = array<i32>} : memref<2x64x128xf32, #tpu.memory_space<vmem>>, vector<16xf32>,
            tpu.vector_store %arg6[%swap3A_269, %swap3A_270, %swap3A_271], %gather3A_267 {strides = array<i32>} : memref<2x64x128xf32, #tpu.memory_space<vmem>>, vector<16xf32>,
            %add3A_273 = arith.constant 16 : i32
            %add3A_274 = vector.broadcast %add3A_273 : i32 to vector<16xi32>
            %add3A_275 = arith.addi %iota3A, %add3A_274 : vector<16xi32>
            %broadcast_in_dim3A_276 = arith.constant 0 : i32
            %broadcast_in_dim3A_277 = vector.broadcast %broadcast_in_dim3A_276 : i32 to vector<16xi32>
            %mul3A_278 = arith.constant 2 : i32
            %mul3A_279 = arith.muli %mul3A_278, %add3A_165 : i32
            %add3A_280 = arith.constant 1 : i32
            %add3A_281 = arith.addi %mul3A_279, %add3A_280 : i32
            %add3A_282 = vector.broadcast %add3A_281 : i32 to vector<16xi32>
            %add3A_283 = arith.addi %broadcast_in_dim3A_277, %add3A_282 : vector<16xi32>
            %gather3A_284 = arith.constant 0 : i32
            %gather3A_285 = arith.constant 0 : i32
            %gather3A_286 = arith.constant 0 : i32
            %gather3A_287 = tpu.memref_slice %arg5[%gather3A_284, %gather3A_285, %gather3A_286] : memref<2x64x128xf32, #tpu.memory_space<vmem>> -> memref<1x64x128xf32, #tpu.memory_space<vmem>>
            %gather3A_288 = tpu.memref_squeeze %gather3A_287 : memref<1x64x128xf32, #tpu.memory_space<vmem>> -> memref<64x128xf32, #tpu.memory_space<vmem>>
            %gather3A_289 = tpu.vector_load_idx %gather3A_288[%add3A_275, %add3A_283] : memref<64x128xf32, #tpu.memory_space<vmem>>[vector<16xi32>, vector<16xi32>], vector<16xf32>,
            %swap3A_290 = arith.constant 0 : i32
            %swap3A_291 = arith.index_cast %swap3A_290 : i32 to index
            %swap3A_292 = arith.index_cast %add3A_165 : i32 to index
            %swap3A_293 = arith.constant 80 : index
            %swap3A_294 = tpu.vector_load %arg6[%swap3A_291, %swap3A_292, %swap3A_293] {strides = array<i32>} : memref<2x64x128xf32, #tpu.memory_space<vmem>>, vector<16xf32>,
            tpu.vector_store %arg6[%swap3A_291, %swap3A_292, %swap3A_293], %gather3A_289 {strides = array<i32>} : memref<2x64x128xf32, #tpu.memory_space<vmem>>, vector<16xf32>,
            %add3A_295 = arith.constant 32 : i32
            %add3A_296 = vector.broadcast %add3A_295 : i32 to vector<16xi32>
            %add3A_297 = arith.addi %iota3A, %add3A_296 : vector<16xi32>
            %broadcast_in_dim3A_298 = arith.constant 0 : i32
            %broadcast_in_dim3A_299 = vector.broadcast %broadcast_in_dim3A_298 : i32 to vector<16xi32>
            %mul3A_300 = arith.constant 2 : i32
            %mul3A_301 = arith.muli %mul3A_300, %add3A_165 : i32
            %add3A_302 = arith.constant 1 : i32
            %add3A_303 = arith.addi %mul3A_301, %add3A_302 : i32
            %add3A_304 = vector.broadcast %add3A_303 : i32 to vector<16xi32>
            %add3A_305 = arith.addi %broadcast_in_dim3A_299, %add3A_304 : vector<16xi32>
            %gather3A_306 = arith.constant 0 : i32
            %gather3A_307 = arith.constant 0 : i32
            %gather3A_308 = arith.constant 0 : i32
            %gather3A_309 = tpu.memref_slice %arg5[%gather3A_306, %gather3A_307, %gather3A_308] : memref<2x64x128xf32, #tpu.memory_space<vmem>> -> memref<1x64x128xf32, #tpu.memory_space<vmem>>
            %gather3A_310 = tpu.memref_squeeze %gather3A_309 : memref<1x64x128xf32, #tpu.memory_space<vmem>> -> memref<64x128xf32, #tpu.memory_space<vmem>>
            %gather3A_311 = tpu.vector_load_idx %gather3A_310[%add3A_297, %add3A_305] : memref<64x128xf32, #tpu.memory_space<vmem>>[vector<16xi32>, vector<16xi32>], vector<16xf32>,
            %swap3A_312 = arith.constant 0 : i32
            %swap3A_313 = arith.index_cast %swap3A_312 : i32 to index
            %swap3A_314 = arith.index_cast %add3A_165 : i32 to index
            %swap3A_315 = arith.constant 96 : index
            %swap3A_316 = tpu.vector_load %arg6[%swap3A_313, %swap3A_314, %swap3A_315] {strides = array<i32>} : memref<2x64x128xf32, #tpu.memory_space<vmem>>, vector<16xf32>,
            tpu.vector_store %arg6[%swap3A_313, %swap3A_314, %swap3A_315], %gather3A_311 {strides = array<i32>} : memref<2x64x128xf32, #tpu.memory_space<vmem>>, vector<16xf32>,
            %add3A_317 = arith.constant 48 : i32
            %add3A_318 = vector.broadcast %add3A_317 : i32 to vector<16xi32>
            %add3A_319 = arith.addi %iota3A, %add3A_318 : vector<16xi32>
            %broadcast_in_dim3A_320 = arith.constant 0 : i32
            %broadcast_in_dim3A_321 = vector.broadcast %broadcast_in_dim3A_320 : i32 to vector<16xi32>
            %mul3A_322 = arith.constant 2 : i32
            %mul3A_323 = arith.muli %mul3A_322, %add3A_165 : i32
            %add3A_324 = arith.constant 1 : i32
            %add3A_325 = arith.addi %mul3A_323, %add3A_324 : i32
            %add3A_326 = vector.broadcast %add3A_325 : i32 to vector<16xi32>
            %add3A_327 = arith.addi %broadcast_in_dim3A_321, %add3A_326 : vector<16xi32>
            %gather3A_328 = arith.constant 0 : i32
            %gather3A_329 = arith.constant 0 : i32
            %gather3A_330 = arith.constant 0 : i32
            %gather3A_331 = tpu.memref_slice %arg5[%gather3A_328, %gather3A_329, %gather3A_330] : memref<2x64x128xf32, #tpu.memory_space<vmem>> -> memref<1x64x128xf32, #tpu.memory_space<vmem>>
            %gather3A_332 = tpu.memref_squeeze %gather3A_331 : memref<1x64x128xf32, #tpu.memory_space<vmem>> -> memref<64x128xf32, #tpu.memory_space<vmem>>
            %gather3A_333 = tpu.vector_load_idx %gather3A_332[%add3A_319, %add3A_327] : memref<64x128xf32, #tpu.memory_space<vmem>>[vector<16xi32>, vector<16xi32>], vector<16xf32>,
            %swap3A_334 = arith.constant 0 : i32
            %swap3A_335 = arith.index_cast %swap3A_334 : i32 to index
            %swap3A_336 = arith.index_cast %add3A_165 : i32 to index
            %swap3A_337 = arith.constant 112 : index
            %swap3A_338 = tpu.vector_load %arg6[%swap3A_335, %swap3A_336, %swap3A_337] {strides = array<i32>} : memref<2x64x128xf32, #tpu.memory_space<vmem>>, vector<16xf32>,
            tpu.vector_store %arg6[%swap3A_335, %swap3A_336, %swap3A_337], %gather3A_333 {strides = array<i32>} : memref<2x64x128xf32, #tpu.memory_space<vmem>>, vector<16xf32>,
            %scan3A_339 = arith.constant 1 : i32
            %scan3A_340 = arith.addi %scan3A_161, %scan3A_339 : i32
            %mul3A_341 = arith.constant 1 : i32
            %mul3A_342 = arith.muli %scan3A_340, %mul3A_341 : i32
            %add3A_343 = arith.constant 0 : i32
            %add3A_344 = arith.addi %add3A_343, %mul3A_342 : i32
            %add3A_345 = arith.constant 0 : i32
            %add3A_346 = vector.broadcast %add3A_345 : i32 to vector<16xi32>
            %add3A_347 = arith.addi %iota3A, %add3A_346 : vector<16xi32>
            %broadcast_in_dim3A_348 = arith.constant 0 : i32
            %broadcast_in_dim3A_349 = vector.broadcast %broadcast_in_dim3A_348 : i32 to vector<16xi32>
            %mul3A_350 = arith.constant 2 : i32
            %mul3A_351 = arith.muli %mul3A_350, %add3A_344 : i32
            %add3A_352 = arith.constant 0 : i32
            %add3A_353 = arith.addi %mul3A_351, %add3A_352 : i32
            %add3A_354 = vector.broadcast %add3A_353 : i32 to vector<16xi32>
            %add3A_355 = arith.addi %broadcast_in_dim3A_349, %add3A_354 : vector<16xi32>
            %gather3A_356 = arith.constant 0 : i32
            %gather3A_357 = arith.constant 0 : i32
            %gather3A_358 = arith.constant 0 : i32
            %gather3A_359 = tpu.memref_slice %arg5[%gather3A_356, %gather3A_357, %gather3A_358] : memref<2x64x128xf32, #tpu.memory_space<vmem>> -> memref<1x64x128xf32, #tpu.memory_space<vmem>>
            %gather3A_360 = tpu.memref_squeeze %gather3A_359 : memref<1x64x128xf32, #tpu.memory_space<vmem>> -> memref<64x128xf32, #tpu.memory_space<vmem>>
            %gather3A_361 = tpu.vector_load_idx %gather3A_360[%add3A_347, %add3A_355] : memref<64x128xf32, #tpu.memory_space<vmem>>[vector<16xi32>, vector<16xi32>], vector<16xf32>,
            %swap3A_362 = arith.constant 0 : i32
            %swap3A_363 = arith.index_cast %swap3A_362 : i32 to index
            %swap3A_364 = arith.index_cast %add3A_344 : i32 to index
            %swap3A_365 = arith.constant 0 : index
            %swap3A_366 = tpu.vector_load %arg6[%swap3A_363, %swap3A_364, %swap3A_365] {strides = array<i32>} : memref<2x64x128xf32, #tpu.memory_space<vmem>>, vector<16xf32>,
            tpu.vector_store %arg6[%swap3A_363, %swap3A_364, %swap3A_365], %gather3A_361 {strides = array<i32>} : memref<2x64x128xf32, #tpu.memory_space<vmem>>, vector<16xf32>,
            %add3A_367 = arith.constant 16 : i32
            %add3A_368 = vector.broadcast %add3A_367 : i32 to vector<16xi32>
            %add3A_369 = arith.addi %iota3A, %add3A_368 : vector<16xi32>
            %broadcast_in_dim3A_370 = arith.constant 0 : i32
            %broadcast_in_dim3A_371 = vector.broadcast %broadcast_in_dim3A_370 : i32 to vector<16xi32>
            %mul3A_372 = arith.constant 2 : i32
            %mul3A_373 = arith.muli %mul3A_372, %add3A_344 : i32
            %add3A_374 = arith.constant 0 : i32
            %add3A_375 = arith.addi %mul3A_373, %add3A_374 : i32
            %add3A_376 = vector.broadcast %add3A_375 : i32 to vector<16xi32>
            %add3A_377 = arith.addi %broadcast_in_dim3A_371, %add3A_376 : vector<16xi32>
            %gather3A_378 = arith.constant 0 : i32
            %gather3A_379 = arith.constant 0 : i32
            %gather3A_380 = arith.constant 0 : i32
            %gather3A_381 = tpu.memref_slice %arg5[%gather3A_378, %gather3A_379, %gather3A_380] : memref<2x64x128xf32, #tpu.memory_space<vmem>> -> memref<1x64x128xf32, #tpu.memory_space<vmem>>
            %gather3A_382 = tpu.memref_squeeze %gather3A_381 : memref<1x64x128xf32, #tpu.memory_space<vmem>> -> memref<64x128xf32, #tpu.memory_space<vmem>>
            %gather3A_383 = tpu.vector_load_idx %gather3A_382[%add3A_369, %add3A_377] : memref<64x128xf32, #tpu.memory_space<vmem>>[vector<16xi32>, vector<16xi32>], vector<16xf32>,
            %swap3A_384 = arith.constant 0 : i32
            %swap3A_385 = arith.index_cast %swap3A_384 : i32 to index
            %swap3A_386 = arith.index_cast %add3A_344 : i32 to index
            %swap3A_387 = arith.constant 16 : index
            %swap3A_388 = tpu.vector_load %arg6[%swap3A_385, %swap3A_386, %swap3A_387] {strides = array<i32>} : memref<2x64x128xf32, #tpu.memory_space<vmem>>, vector<16xf32>,
            tpu.vector_store %arg6[%swap3A_385, %swap3A_386, %swap3A_387], %gather3A_383 {strides = array<i32>} : memref<2x64x128xf32, #tpu.memory_space<vmem>>, vector<16xf32>,
            %add3A_389 = arith.constant 32 : i32
            %add3A_390 = vector.broadcast %add3A_389 : i32 to vector<16xi32>
            %add3A_391 = arith.addi %iota3A, %add3A_390 : vector<16xi32>
            %broadcast_in_dim3A_392 = arith.constant 0 : i32
            %broadcast_in_dim3A_393 = vector.broadcast %broadcast_in_dim3A_392 : i32 to vector<16xi32>
            %mul3A_394 = arith.constant 2 : i32
            %mul3A_395 = arith.muli %mul3A_394, %add3A_344 : i32
            %add3A_396 = arith.constant 0 : i32
            %add3A_397 = arith.addi %mul3A_395, %add3A_396 : i32
            %add3A_398 = vector.broadcast %add3A_397 : i32 to vector<16xi32>
            %add3A_399 = arith.addi %broadcast_in_dim3A_393, %add3A_398 : vector<16xi32>
            %gather3A_400 = arith.constant 0 : i32
            %gather3A_401 = arith.constant 0 : i32
            %gather3A_402 = arith.constant 0 : i32
            %gather3A_403 = tpu.memref_slice %arg5[%gather3A_400, %gather3A_401, %gather3A_402] : memref<2x64x128xf32, #tpu.memory_space<vmem>> -> memref<1x64x128xf32, #tpu.memory_space<vmem>>
            %gather3A_404 = tpu.memref_squeeze %gather3A_403 : memref<1x64x128xf32, #tpu.memory_space<vmem>> -> memref<64x128xf32, #tpu.memory_space<vmem>>
            %gather3A_405 = tpu.vector_load_idx %gather3A_404[%add3A_391, %add3A_399] : memref<64x128xf32, #tpu.memory_space<vmem>>[vector<16xi32>, vector<16xi32>], vector<16xf32>,
            %swap3A_406 = arith.constant 0 : i32
            %swap3A_407 = arith.index_cast %swap3A_406 : i32 to index
            %swap3A_408 = arith.index_cast %add3A_344 : i32 to index
            %swap3A_409 = arith.constant 32 : index
            %swap3A_410 = tpu.vector_load %arg6[%swap3A_407, %swap3A_408, %swap3A_409] {strides = array<i32>} : memref<2x64x128xf32, #tpu.memory_space<vmem>>, vector<16xf32>,
            tpu.vector_store %arg6[%swap3A_407, %swap3A_408, %swap3A_409], %gather3A_405 {strides = array<i32>} : memref<2x64x128xf32, #tpu.memory_space<vmem>>, vector<16xf32>,
            %add3A_411 = arith.constant 48 : i32
            %add3A_412 = vector.broadcast %add3A_411 : i32 to vector<16xi32>
            %add3A_413 = arith.addi %iota3A, %add3A_412 : vector<16xi32>
            %broadcast_in_dim3A_414 = arith.constant 0 : i32
            %broadcast_in_dim3A_415 = vector.broadcast %broadcast_in_dim3A_414 : i32 to vector<16xi32>
            %mul3A_416 = arith.constant 2 : i32
            %mul3A_417 = arith.muli %mul3A_416, %add3A_344 : i32
            %add3A_418 = arith.constant 0 : i32
            %add3A_419 = arith.addi %mul3A_417, %add3A_418 : i32
            %add3A_420 = vector.broadcast %add3A_419 : i32 to vector<16xi32>
            %add3A_421 = arith.addi %broadcast_in_dim3A_415, %add3A_420 : vector<16xi32>
            %gather3A_422 = arith.constant 0 : i32
            %gather3A_423 = arith.constant 0 : i32
            %gather3A_424 = arith.constant 0 : i32
            %gather3A_425 = tpu.memref_slice %arg5[%gather3A_422, %gather3A_423, %gather3A_424] : memref<2x64x128xf32, #tpu.memory_space<vmem>> -> memref<1x64x128xf32, #tpu.memory_space<vmem>>
            %gather3A_426 = tpu.memref_squeeze %gather3A_425 : memref<1x64x128xf32, #tpu.memory_space<vmem>> -> memref<64x128xf32, #tpu.memory_space<vmem>>
            %gather3A_427 = tpu.vector_load_idx %gather3A_426[%add3A_413, %add3A_421] : memref<64x128xf32, #tpu.memory_space<vmem>>[vector<16xi32>, vector<16xi32>], vector<16xf32>,
            %swap3A_428 = arith.constant 0 : i32
            %swap3A_429 = arith.index_cast %swap3A_428 : i32 to index
            %swap3A_430 = arith.index_cast %add3A_344 : i32 to index
            %swap3A_431 = arith.constant 48 : index
            %swap3A_432 = tpu.vector_load %arg6[%swap3A_429, %swap3A_430, %swap3A_431] {strides = array<i32>} : memref<2x64x128xf32, #tpu.memory_space<vmem>>, vector<16xf32>,
            tpu.vector_store %arg6[%swap3A_429, %swap3A_430, %swap3A_431], %gather3A_427 {strides = array<i32>} : memref<2x64x128xf32, #tpu.memory_space<vmem>>, vector<16xf32>,
            %add3A_433 = arith.constant 0 : i32
            %add3A_434 = vector.broadcast %add3A_433 : i32 to vector<16xi32>
            %add3A_435 = arith.addi %iota3A, %add3A_434 : vector<16xi32>
            %broadcast_in_dim3A_436 = arith.constant 0 : i32
            %broadcast_in_dim3A_437 = vector.broadcast %broadcast_in_dim3A_436 : i32 to vector<16xi32>
            %mul3A_438 = arith.constant 2 : i32
            %mul3A_439 = arith.muli %mul3A_438, %add3A_344 : i32
            %add3A_440 = arith.constant 1 : i32
            %add3A_441 = arith.addi %mul3A_439, %add3A_440 : i32
            %add3A_442 = vector.broadcast %add3A_441 : i32 to vector<16xi32>
            %add3A_443 = arith.addi %broadcast_in_dim3A_437, %add3A_442 : vector<16xi32>
            %gather3A_444 = arith.constant 0 : i32
            %gather3A_445 = arith.constant 0 : i32
            %gather3A_446 = arith.constant 0 : i32
            %gather3A_447 = tpu.memref_slice %arg5[%gather3A_444, %gather3A_445, %gather3A_446] : memref<2x64x128xf32, #tpu.memory_space<vmem>> -> memref<1x64x128xf32, #tpu.memory_space<vmem>>
            %gather3A_448 = tpu.memref_squeeze %gather3A_447 : memref<1x64x128xf32, #tpu.memory_space<vmem>> -> memref<64x128xf32, #tpu.memory_space<vmem>>
            %gather3A_449 = tpu.vector_load_idx %gather3A_448[%add3A_435, %add3A_443] : memref<64x128xf32, #tpu.memory_space<vmem>>[vector<16xi32>, vector<16xi32>], vector<16xf32>,
            %swap3A_450 = arith.constant 0 : i32
            %swap3A_451 = arith.index_cast %swap3A_450 : i32 to index
            %swap3A_452 = arith.index_cast %add3A_344 : i32 to index
            %swap3A_453 = arith.constant 64 : index
            %swap3A_454 = tpu.vector_load %arg6[%swap3A_451, %swap3A_452, %swap3A_453] {strides = array<i32>} : memref<2x64x128xf32, #tpu.memory_space<vmem>>, vector<16xf32>,
            tpu.vector_store %arg6[%swap3A_451, %swap3A_452, %swap3A_453], %gather3A_449 {strides = array<i32>} : memref<2x64x128xf32, #tpu.memory_space<vmem>>, vector<16xf32>,
            %add3A_455 = arith.constant 16 : i32
            %add3A_456 = vector.broadcast %add3A_455 : i32 to vector<16xi32>
            %add3A_457 = arith.addi %iota3A, %add3A_456 : vector<16xi32>
            %broadcast_in_dim3A_458 = arith.constant 0 : i32
            %broadcast_in_dim3A_459 = vector.broadcast %broadcast_in_dim3A_458 : i32 to vector<16xi32>
            %mul3A_460 = arith.constant 2 : i32
            %mul3A_461 = arith.muli %mul3A_460, %add3A_344 : i32
            %add3A_462 = arith.constant 1 : i32
            %add3A_463 = arith.addi %mul3A_461, %add3A_462 : i32
            %add3A_464 = vector.broadcast %add3A_463 : i32 to vector<16xi32>
            %add3A_465 = arith.addi %broadcast_in_dim3A_459, %add3A_464 : vector<16xi32>
            %gather3A_466 = arith.constant 0 : i32
            %gather3A_467 = arith.constant 0 : i32
            %gather3A_468 = arith.constant 0 : i32
            %gather3A_469 = tpu.memref_slice %arg5[%gather3A_466, %gather3A_467, %gather3A_468] : memref<2x64x128xf32, #tpu.memory_space<vmem>> -> memref<1x64x128xf32, #tpu.memory_space<vmem>>
            %gather3A_470 = tpu.memref_squeeze %gather3A_469 : memref<1x64x128xf32, #tpu.memory_space<vmem>> -> memref<64x128xf32, #tpu.memory_space<vmem>>
            %gather3A_471 = tpu.vector_load_idx %gather3A_470[%add3A_457, %add3A_465] : memref<64x128xf32, #tpu.memory_space<vmem>>[vector<16xi32>, vector<16xi32>], vector<16xf32>,
            %swap3A_472 = arith.constant 0 : i32
            %swap3A_473 = arith.index_cast %swap3A_472 : i32 to index
            %swap3A_474 = arith.index_cast %add3A_344 : i32 to index
            %swap3A_475 = arith.constant 80 : index
            %swap3A_476 = tpu.vector_load %arg6[%swap3A_473, %swap3A_474, %swap3A_475] {strides = array<i32>} : memref<2x64x128xf32, #tpu.memory_space<vmem>>, vector<16xf32>,
            tpu.vector_store %arg6[%swap3A_473, %swap3A_474, %swap3A_475], %gather3A_471 {strides = array<i32>} : memref<2x64x128xf32, #tpu.memory_space<vmem>>, vector<16xf32>,
            %add3A_477 = arith.constant 32 : i32
            %add3A_478 = vector.broadcast %add3A_477 : i32 to vector<16xi32>
            %add3A_479 = arith.addi %iota3A, %add3A_478 : vector<16xi32>
            %broadcast_in_dim3A_480 = arith.constant 0 : i32
            %broadcast_in_dim3A_481 = vector.broadcast %broadcast_in_dim3A_480 : i32 to vector<16xi32>
            %mul3A_482 = arith.constant 2 : i32
            %mul3A_483 = arith.muli %mul3A_482, %add3A_344 : i32
            %add3A_484 = arith.constant 1 : i32
            %add3A_485 = arith.addi %mul3A_483, %add3A_484 : i32
            %add3A_486 = vector.broadcast %add3A_485 : i32 to vector<16xi32>
            %add3A_487 = arith.addi %broadcast_in_dim3A_481, %add3A_486 : vector<16xi32>
            %gather3A_488 = arith.constant 0 : i32
            %gather3A_489 = arith.constant 0 : i32
            %gather3A_490 = arith.constant 0 : i32
            %gather3A_491 = tpu.memref_slice %arg5[%gather3A_488, %gather3A_489, %gather3A_490] : memref<2x64x128xf32, #tpu.memory_space<vmem>> -> memref<1x64x128xf32, #tpu.memory_space<vmem>>
            %gather3A_492 = tpu.memref_squeeze %gather3A_491 : memref<1x64x128xf32, #tpu.memory_space<vmem>> -> memref<64x128xf32, #tpu.memory_space<vmem>>
            %gather3A_493 = tpu.vector_load_idx %gather3A_492[%add3A_479, %add3A_487] : memref<64x128xf32, #tpu.memory_space<vmem>>[vector<16xi32>, vector<16xi32>], vector<16xf32>,
            %swap3A_494 = arith.constant 0 : i32
            %swap3A_495 = arith.index_cast %swap3A_494 : i32 to index
            %swap3A_496 = arith.index_cast %add3A_344 : i32 to index
            %swap3A_497 = arith.constant 96 : index
            %swap3A_498 = tpu.vector_load %arg6[%swap3A_495, %swap3A_496, %swap3A_497] {strides = array<i32>} : memref<2x64x128xf32, #tpu.memory_space<vmem>>, vector<16xf32>,
            tpu.vector_store %arg6[%swap3A_495, %swap3A_496, %swap3A_497], %gather3A_493 {strides = array<i32>} : memref<2x64x128xf32, #tpu.memory_space<vmem>>, vector<16xf32>,
            %add3A_499 = arith.constant 48 : i32
            %add3A_500 = vector.broadcast %add3A_499 : i32 to vector<16xi32>
            %add3A_501 = arith.addi %iota3A, %add3A_500 : vector<16xi32>
            %broadcast_in_dim3A_502 = arith.constant 0 : i32
            %broadcast_in_dim3A_503 = vector.broadcast %broadcast_in_dim3A_502 : i32 to vector<16xi32>
            %mul3A_504 = arith.constant 2 : i32
            %mul3A_505 = arith.muli %mul3A_504, %add3A_344 : i32
            %add3A_506 = arith.constant 1 : i32
            %add3A_507 = arith.addi %mul3A_505, %add3A_506 : i32
            %add3A_508 = vector.broadcast %add3A_507 : i32 to vector<16xi32>
            %add3A_509 = arith.addi %broadcast_in_dim3A_503, %add3A_508 : vector<16xi32>
            %gather3A_510 = arith.constant 0 : i32
            %gather3A_511 = arith.constant 0 : i32
            %gather3A_512 = arith.constant 0 : i32
            %gather3A_513 = tpu.memref_slice %arg5[%gather3A_510, %gather3A_511, %gather3A_512] : memref<2x64x128xf32, #tpu.memory_space<vmem>> -> memref<1x64x128xf32, #tpu.memory_space<vmem>>
            %gather3A_514 = tpu.memref_squeeze %gather3A_513 : memref<1x64x128xf32, #tpu.memory_space<vmem>> -> memref<64x128xf32, #tpu.memory_space<vmem>>
            %gather3A_515 = tpu.vector_load_idx %gather3A_514[%add3A_501, %add3A_509] : memref<64x128xf32, #tpu.memory_space<vmem>>[vector<16xi32>, vector<16xi32>], vector<16xf32>,
            %swap3A_516 = arith.constant 0 : i32
            %swap3A_517 = arith.index_cast %swap3A_516 : i32 to index
            %swap3A_518 = arith.index_cast %add3A_344 : i32 to index
            %swap3A_519 = arith.constant 112 : index
            %swap3A_520 = tpu.vector_load %arg6[%swap3A_517, %swap3A_518, %swap3A_519] {strides = array<i32>} : memref<2x64x128xf32, #tpu.memory_space<vmem>>, vector<16xf32>,
            tpu.vector_store %arg6[%swap3A_517, %swap3A_518, %swap3A_519], %gather3A_515 {strides = array<i32>} : memref<2x64x128xf32, #tpu.memory_space<vmem>>, vector<16xf32>,
          }
          %scan3A_142 = arith.constant 64 : i32
          %mul3A_143 = arith.constant 32 : i32
          %mul3A_144 = arith.muli %add3A_103, %mul3A_143 : i32
          %add3A_145 = arith.addi %add3A, %mul3A_144 : i32
          %mul3A_146 = arith.constant 64 : i32
          %mul3A_147 = arith.muli %add3A_145, %mul3A_146 : i32
          %dma_start3A_148 = arith.constant 0 : i32
          %dma_start3A_149 = arith.constant 0 : i32
          %dma_start3A_150 = arith.constant 0 : i32
          %dma_start3A_151 = tpu.memref_slice %arg6[%dma_start3A_148, %dma_start3A_149, %dma_start3A_150] : memref<2x64x128xf32, #tpu.memory_space<vmem>> -> memref<1x64x128xf32, #tpu.memory_space<vmem>>
          %dma_start3A_152 = tpu.memref_squeeze %dma_start3A_151 : memref<1x64x128xf32, #tpu.memory_space<vmem>> -> memref<64x128xf32, #tpu.memory_space<vmem>>
          %dma_start3A_153 = arith.constant 0 : i32
          %dma_start3A_154 = tpu.memref_slice %arg4[%mul3A_147, %dma_start3A_153] : memref<500000x128xf32, #tpu.memory_space<hbm>> -> memref<64x128xf32, #tpu.memory_space<hbm>>
          %dma_start3A_155 = arith.constant 0 : i32
          %dma_start3A_156 = tpu.memref_slice %arg4[%mul3A_147, %dma_start3A_155] : memref<500000x128xf32, #tpu.memory_space<hbm>> -> memref<64x128xf32, #tpu.memory_space<hbm>>
          %dma_start3A_157 = arith.constant 0 : i32
          %dma_start3A_158 = arith.constant 0 : i32
          %dma_start3A_159 = tpu.memref_slice %arg6[%dma_start3A_148, %dma_start3A_157, %dma_start3A_158] : memref<2x64x128xf32, #tpu.memory_space<vmem>> -> memref<1x64x128xf32, #tpu.memory_space<vmem>>
          %dma_start3A_160 = tpu.memref_squeeze %dma_start3A_159 : memref<1x64x128xf32, #tpu.memory_space<vmem>> -> memref<64x128xf32, #tpu.memory_space<vmem>>
          tpu.enqueue_dma source(%dma_start3A_160 : memref<64x128xf32, #tpu.memory_space<vmem>>) target(%dma_start3A_156 : memref<64x128xf32, #tpu.memory_space<hbm>>) target_semaphore(%arg10 : memref<!tpu.dma_semaphore, #tpu.memory_space<semaphore_mem>>)
        } else {
        }
        %eq3A_111 = arith.constant 1 : i32
        %eq3A_112 = arith.cmpi eq, %rem3A_105, %eq3A_111 : i32
        %convert_element_type3A_113 = arith.extui %eq3A_112 : i1 to i32
        %cond3A_114 = arith.constant 0 : i32
        %cond3A_115 = arith.cmpi ne, %convert_element_type3A_113, %cond3A_114 : i32
        scf.if %cond3A_115 {
          %add3A_116 = arith.constant 1 : i32
          %add3A_117 = arith.addi %add3A_103, %add3A_116 : i32
          %lt3A = arith.cmpi slt, %add3A_117, %select_n3A : i32
          %convert_element_type3A_118 = arith.extui %lt3A : i1 to i32
          %cond3A_119 = arith.constant 0 : i32
          %cond3A_120 = arith.cmpi ne, %convert_element_type3A_118, %cond3A_119 : i32
          scf.if %cond3A_120 {
            %add3A_161 = arith.constant 1 : i32
            %add3A_162 = arith.addi %add3A_103, %add3A_161 : i32
            %mul3A_163 = arith.constant 32 : i32
            %mul3A_164 = arith.muli %add3A_162, %mul3A_163 : i32
            %add3A_165 = arith.addi %add3A, %mul3A_164 : i32
            %mul3A_166 = arith.constant 128 : i32
            %mul3A_167 = arith.muli %add3A_165, %mul3A_166 : i32
            %dma_start3A_168 = arith.constant 0 : i32
            %dma_start3A_169 = arith.constant 0 : i32
            %dma_start3A_170 = arith.constant 0 : i32
            %dma_start3A_171 = tpu.memref_slice %arg5[%dma_start3A_168, %dma_start3A_169, %dma_start3A_170] : memref<2x64x128xf32, #tpu.memory_space<vmem>> -> memref<1x64x128xf32, #tpu.memory_space<vmem>>
            %dma_start3A_172 = tpu.memref_squeeze %dma_start3A_171 : memref<1x64x128xf32, #tpu.memory_space<vmem>> -> memref<64x128xf32, #tpu.memory_space<vmem>>
            %dma_start3A_173 = arith.constant 0 : i32
            %dma_start3A_174 = tpu.memref_slice %arg2[%dma_start3A_173, %mul3A_167] : memref<64x1000000xf32, #tpu.memory_space<hbm>> -> memref<64x128xf32, #tpu.memory_space<hbm>>
            %dma_start3A_175 = arith.constant 0 : i32
            %dma_start3A_176 = arith.constant 0 : i32
            %dma_start3A_177 = tpu.memref_slice %arg5[%dma_start3A_168, %dma_start3A_175, %dma_start3A_176] : memref<2x64x128xf32, #tpu.memory_space<vmem>> -> memref<1x64x128xf32, #tpu.memory_space<vmem>>
            %dma_start3A_178 = tpu.memref_squeeze %dma_start3A_177 : memref<1x64x128xf32, #tpu.memory_space<vmem>> -> memref<64x128xf32, #tpu.memory_space<vmem>>
            %dma_start3A_179 = arith.constant 0 : i32
            %dma_start3A_180 = tpu.memref_slice %arg2[%dma_start3A_179, %mul3A_167] : memref<64x1000000xf32, #tpu.memory_space<hbm>> -> memref<64x128xf32, #tpu.memory_space<hbm>>
            tpu.enqueue_dma source(%dma_start3A_180 : memref<64x128xf32, #tpu.memory_space<hbm>>) target(%dma_start3A_178 : memref<64x128xf32, #tpu.memory_space<vmem>>) target_semaphore(%arg8 : memref<!tpu.dma_semaphore, #tpu.memory_space<semaphore_mem>>)
          } else {
          }
          %dma_wait3A = arith.constant 1 : i32
          %dma_wait3A_121 = arith.constant 0 : i32
          %dma_wait3A_122 = arith.constant 0 : i32
          %dma_wait3A_123 = tpu.memref_slice %arg5[%dma_wait3A, %dma_wait3A_121, %dma_wait3A_122] : memref<2x64x128xf32, #tpu.memory_space<vmem>> -> memref<1x64x128xf32, #tpu.memory_space<vmem>>
          %dma_wait3A_124 = tpu.memref_squeeze %dma_wait3A_123 : memref<1x64x128xf32, #tpu.memory_space<vmem>> -> memref<64x128xf32, #tpu.memory_space<vmem>>
          %dma_wait3A_125 = arith.constant 0 : i32
          %dma_wait3A_126 = arith.constant 0 : i32
          %dma_wait3A_127 = tpu.memref_slice %arg2[%dma_wait3A_125, %dma_wait3A_126] : memref<64x1000000xf32, #tpu.memory_space<hbm>> -> memref<64x128xf32, #tpu.memory_space<hbm>>
          %dma_wait3A_128 = arith.constant 0 : i32
          %dma_wait3A_129 = arith.constant 0 : i32
          %dma_wait3A_130 = tpu.memref_slice %arg5[%dma_wait3A, %dma_wait3A_128, %dma_wait3A_129] : memref<2x64x128xf32, #tpu.memory_space<vmem>> -> memref<1x64x128xf32, #tpu.memory_space<vmem>>
          %dma_wait3A_131 = tpu.memref_squeeze %dma_wait3A_130 : memref<1x64x128xf32, #tpu.memory_space<vmem>> -> memref<64x128xf32, #tpu.memory_space<vmem>>
          %dma_wait3A_132 = arith.constant 0 : i32
          %dma_wait3A_133 = arith.constant 0 : i32
          %dma_wait3A_134 = tpu.memref_slice %arg2[%dma_wait3A_132, %dma_wait3A_133] : memref<64x1000000xf32, #tpu.memory_space<hbm>> -> memref<64x128xf32, #tpu.memory_space<hbm>>
          tpu.wait_dma2 semaphore(%arg9 : memref<!tpu.dma_semaphore, #tpu.memory_space<semaphore_mem>>) src(%dma_wait3A_134 : memref<64x128xf32, #tpu.memory_space<hbm>>) dst(%dma_wait3A_131 : memref<64x128xf32, #tpu.memory_space<vmem>>)
          %ge3A = arith.constant 2 : i32
          %ge3A_135 = arith.cmpi sge, %add3A_103, %ge3A : i32
          %convert_element_type3A_136 = arith.extui %ge3A_135 : i1 to i32
          %cond3A_137 = arith.constant 0 : i32
          %cond3A_138 = arith.cmpi ne, %convert_element_type3A_136, %cond3A_137 : i32
          scf.if %cond3A_138 {
            %dma_wait3A_161 = arith.constant 1 : i32
            %dma_wait3A_162 = arith.constant 0 : i32
            %dma_wait3A_163 = arith.constant 0 : i32
            %dma_wait3A_164 = tpu.memref_slice %arg6[%dma_wait3A_161, %dma_wait3A_162, %dma_wait3A_163] : memref<2x64x128xf32, #tpu.memory_space<vmem>> -> memref<1x64x128xf32, #tpu.memory_space<vmem>>
            %dma_wait3A_165 = tpu.memref_squeeze %dma_wait3A_164 : memref<1x64x128xf32, #tpu.memory_space<vmem>> -> memref<64x128xf32, #tpu.memory_space<vmem>>
            %dma_wait3A_166 = arith.constant 0 : i32
            %dma_wait3A_167 = arith.constant 0 : i32
            %dma_wait3A_168 = tpu.memref_slice %arg4[%dma_wait3A_166, %dma_wait3A_167] : memref<500000x128xf32, #tpu.memory_space<hbm>> -> memref<64x128xf32, #tpu.memory_space<hbm>>
            %dma_wait3A_169 = arith.constant 0 : i32
            %dma_wait3A_170 = arith.constant 0 : i32
            %dma_wait3A_171 = tpu.memref_slice %arg6[%dma_wait3A_161, %dma_wait3A_169, %dma_wait3A_170] : memref<2x64x128xf32, #tpu.memory_space<vmem>> -> memref<1x64x128xf32, #tpu.memory_space<vmem>>
            %dma_wait3A_172 = tpu.memref_squeeze %dma_wait3A_171 : memref<1x64x128xf32, #tpu.memory_space<vmem>> -> memref<64x128xf32, #tpu.memory_space<vmem>>
            %dma_wait3A_173 = arith.constant 0 : i32
            %dma_wait3A_174 = arith.constant 0 : i32
            %dma_wait3A_175 = tpu.memref_slice %arg4[%dma_wait3A_173, %dma_wait3A_174] : memref<500000x128xf32, #tpu.memory_space<hbm>> -> memref<64x128xf32, #tpu.memory_space<hbm>>
            tpu.wait_dma2 semaphore(%arg11 : memref<!tpu.dma_semaphore, #tpu.memory_space<semaphore_mem>>) src(%dma_wait3A_175 : memref<64x128xf32, #tpu.memory_space<hbm>>) dst(%dma_wait3A_172 : memref<64x128xf32, #tpu.memory_space<vmem>>)
          } else {
          }
          %iota3A = tpu.iota {dimensions = array<i32: 0>} : vector<16xi32>
          %scan3A = arith.constant 0 : i32
          %scan3A_139 = arith.constant 64 : i32
          %scan3A_140 = arith.addi %scan3A, %scan3A_139 : i32
          %scan3A_141 = arith.constant 2 : i32
          scf.for %scan3A_161 = %scan3A to %scan3A_140 step %scan3A_141  : i32 {
            %mul3A_162 = arith.constant 1 : i32
            %mul3A_163 = arith.muli %scan3A_161, %mul3A_162 : i32
            %add3A_164 = arith.constant 0 : i32
            %add3A_165 = arith.addi %add3A_164, %mul3A_163 : i32
            %add3A_166 = arith.constant 0 : i32
            %add3A_167 = vector.broadcast %add3A_166 : i32 to vector<16xi32>
            %add3A_168 = arith.addi %iota3A, %add3A_167 : vector<16xi32>
            %broadcast_in_dim3A = arith.constant 0 : i32
            %broadcast_in_dim3A_169 = vector.broadcast %broadcast_in_dim3A : i32 to vector<16xi32>
            %mul3A_170 = arith.constant 2 : i32
            %mul3A_171 = arith.muli %mul3A_170, %add3A_165 : i32
            %add3A_172 = arith.constant 0 : i32
            %add3A_173 = arith.addi %mul3A_171, %add3A_172 : i32
            %add3A_174 = vector.broadcast %add3A_173 : i32 to vector<16xi32>
            %add3A_175 = arith.addi %broadcast_in_dim3A_169, %add3A_174 : vector<16xi32>
            %gather3A = arith.constant 1 : i32
            %gather3A_176 = arith.constant 0 : i32
            %gather3A_177 = arith.constant 0 : i32
            %gather3A_178 = tpu.memref_slice %arg5[%gather3A, %gather3A_176, %gather3A_177] : memref<2x64x128xf32, #tpu.memory_space<vmem>> -> memref<1x64x128xf32, #tpu.memory_space<vmem>>
            %gather3A_179 = tpu.memref_squeeze %gather3A_178 : memref<1x64x128xf32, #tpu.memory_space<vmem>> -> memref<64x128xf32, #tpu.memory_space<vmem>>
            %gather3A_180 = tpu.vector_load_idx %gather3A_179[%add3A_168, %add3A_175] : memref<64x128xf32, #tpu.memory_space<vmem>>[vector<16xi32>, vector<16xi32>], vector<16xf32>,
            %swap3A = arith.constant 1 : i32
            %swap3A_181 = arith.index_cast %swap3A : i32 to index
            %swap3A_182 = arith.index_cast %add3A_165 : i32 to index
            %swap3A_183 = arith.constant 0 : index
            %swap3A_184 = tpu.vector_load %arg6[%swap3A_181, %swap3A_182, %swap3A_183] {strides = array<i32>} : memref<2x64x128xf32, #tpu.memory_space<vmem>>, vector<16xf32>,
            tpu.vector_store %arg6[%swap3A_181, %swap3A_182, %swap3A_183], %gather3A_180 {strides = array<i32>} : memref<2x64x128xf32, #tpu.memory_space<vmem>>, vector<16xf32>,
            %add3A_185 = arith.constant 16 : i32
            %add3A_186 = vector.broadcast %add3A_185 : i32 to vector<16xi32>
            %add3A_187 = arith.addi %iota3A, %add3A_186 : vector<16xi32>
            %broadcast_in_dim3A_188 = arith.constant 0 : i32
            %broadcast_in_dim3A_189 = vector.broadcast %broadcast_in_dim3A_188 : i32 to vector<16xi32>
            %mul3A_190 = arith.constant 2 : i32
            %mul3A_191 = arith.muli %mul3A_190, %add3A_165 : i32
            %add3A_192 = arith.constant 0 : i32
            %add3A_193 = arith.addi %mul3A_191, %add3A_192 : i32
            %add3A_194 = vector.broadcast %add3A_193 : i32 to vector<16xi32>
            %add3A_195 = arith.addi %broadcast_in_dim3A_189, %add3A_194 : vector<16xi32>
            %gather3A_196 = arith.constant 1 : i32
            %gather3A_197 = arith.constant 0 : i32
            %gather3A_198 = arith.constant 0 : i32
            %gather3A_199 = tpu.memref_slice %arg5[%gather3A_196, %gather3A_197, %gather3A_198] : memref<2x64x128xf32, #tpu.memory_space<vmem>> -> memref<1x64x128xf32, #tpu.memory_space<vmem>>
            %gather3A_200 = tpu.memref_squeeze %gather3A_199 : memref<1x64x128xf32, #tpu.memory_space<vmem>> -> memref<64x128xf32, #tpu.memory_space<vmem>>
            %gather3A_201 = tpu.vector_load_idx %gather3A_200[%add3A_187, %add3A_195] : memref<64x128xf32, #tpu.memory_space<vmem>>[vector<16xi32>, vector<16xi32>], vector<16xf32>,
            %swap3A_202 = arith.constant 1 : i32
            %swap3A_203 = arith.index_cast %swap3A_202 : i32 to index
            %swap3A_204 = arith.index_cast %add3A_165 : i32 to index
            %swap3A_205 = arith.constant 16 : index
            %swap3A_206 = tpu.vector_load %arg6[%swap3A_203, %swap3A_204, %swap3A_205] {strides = array<i32>} : memref<2x64x128xf32, #tpu.memory_space<vmem>>, vector<16xf32>,
            tpu.vector_store %arg6[%swap3A_203, %swap3A_204, %swap3A_205], %gather3A_201 {strides = array<i32>} : memref<2x64x128xf32, #tpu.memory_space<vmem>>, vector<16xf32>,
            %add3A_207 = arith.constant 32 : i32
            %add3A_208 = vector.broadcast %add3A_207 : i32 to vector<16xi32>
            %add3A_209 = arith.addi %iota3A, %add3A_208 : vector<16xi32>
            %broadcast_in_dim3A_210 = arith.constant 0 : i32
            %broadcast_in_dim3A_211 = vector.broadcast %broadcast_in_dim3A_210 : i32 to vector<16xi32>
            %mul3A_212 = arith.constant 2 : i32
            %mul3A_213 = arith.muli %mul3A_212, %add3A_165 : i32
            %add3A_214 = arith.constant 0 : i32
            %add3A_215 = arith.addi %mul3A_213, %add3A_214 : i32
            %add3A_216 = vector.broadcast %add3A_215 : i32 to vector<16xi32>
            %add3A_217 = arith.addi %broadcast_in_dim3A_211, %add3A_216 : vector<16xi32>
            %gather3A_218 = arith.constant 1 : i32
            %gather3A_219 = arith.constant 0 : i32
            %gather3A_220 = arith.constant 0 : i32
            %gather3A_221 = tpu.memref_slice %arg5[%gather3A_218, %gather3A_219, %gather3A_220] : memref<2x64x128xf32, #tpu.memory_space<vmem>> -> memref<1x64x128xf32, #tpu.memory_space<vmem>>
            %gather3A_222 = tpu.memref_squeeze %gather3A_221 : memref<1x64x128xf32, #tpu.memory_space<vmem>> -> memref<64x128xf32, #tpu.memory_space<vmem>>
            %gather3A_223 = tpu.vector_load_idx %gather3A_222[%add3A_209, %add3A_217] : memref<64x128xf32, #tpu.memory_space<vmem>>[vector<16xi32>, vector<16xi32>], vector<16xf32>,
            %swap3A_224 = arith.constant 1 : i32
            %swap3A_225 = arith.index_cast %swap3A_224 : i32 to index
            %swap3A_226 = arith.index_cast %add3A_165 : i32 to index
            %swap3A_227 = arith.constant 32 : index
            %swap3A_228 = tpu.vector_load %arg6[%swap3A_225, %swap3A_226, %swap3A_227] {strides = array<i32>} : memref<2x64x128xf32, #tpu.memory_space<vmem>>, vector<16xf32>,
            tpu.vector_store %arg6[%swap3A_225, %swap3A_226, %swap3A_227], %gather3A_223 {strides = array<i32>} : memref<2x64x128xf32, #tpu.memory_space<vmem>>, vector<16xf32>,
            %add3A_229 = arith.constant 48 : i32
            %add3A_230 = vector.broadcast %add3A_229 : i32 to vector<16xi32>
            %add3A_231 = arith.addi %iota3A, %add3A_230 : vector<16xi32>
            %broadcast_in_dim3A_232 = arith.constant 0 : i32
            %broadcast_in_dim3A_233 = vector.broadcast %broadcast_in_dim3A_232 : i32 to vector<16xi32>
            %mul3A_234 = arith.constant 2 : i32
            %mul3A_235 = arith.muli %mul3A_234, %add3A_165 : i32
            %add3A_236 = arith.constant 0 : i32
            %add3A_237 = arith.addi %mul3A_235, %add3A_236 : i32
            %add3A_238 = vector.broadcast %add3A_237 : i32 to vector<16xi32>
            %add3A_239 = arith.addi %broadcast_in_dim3A_233, %add3A_238 : vector<16xi32>
            %gather3A_240 = arith.constant 1 : i32
            %gather3A_241 = arith.constant 0 : i32
            %gather3A_242 = arith.constant 0 : i32
            %gather3A_243 = tpu.memref_slice %arg5[%gather3A_240, %gather3A_241, %gather3A_242] : memref<2x64x128xf32, #tpu.memory_space<vmem>> -> memref<1x64x128xf32, #tpu.memory_space<vmem>>
            %gather3A_244 = tpu.memref_squeeze %gather3A_243 : memref<1x64x128xf32, #tpu.memory_space<vmem>> -> memref<64x128xf32, #tpu.memory_space<vmem>>
            %gather3A_245 = tpu.vector_load_idx %gather3A_244[%add3A_231, %add3A_239] : memref<64x128xf32, #tpu.memory_space<vmem>>[vector<16xi32>, vector<16xi32>], vector<16xf32>,
            %swap3A_246 = arith.constant 1 : i32
            %swap3A_247 = arith.index_cast %swap3A_246 : i32 to index
            %swap3A_248 = arith.index_cast %add3A_165 : i32 to index
            %swap3A_249 = arith.constant 48 : index
            %swap3A_250 = tpu.vector_load %arg6[%swap3A_247, %swap3A_248, %swap3A_249] {strides = array<i32>} : memref<2x64x128xf32, #tpu.memory_space<vmem>>, vector<16xf32>,
            tpu.vector_store %arg6[%swap3A_247, %swap3A_248, %swap3A_249], %gather3A_245 {strides = array<i32>} : memref<2x64x128xf32, #tpu.memory_space<vmem>>, vector<16xf32>,
            %add3A_251 = arith.constant 0 : i32
            %add3A_252 = vector.broadcast %add3A_251 : i32 to vector<16xi32>
            %add3A_253 = arith.addi %iota3A, %add3A_252 : vector<16xi32>
            %broadcast_in_dim3A_254 = arith.constant 0 : i32
            %broadcast_in_dim3A_255 = vector.broadcast %broadcast_in_dim3A_254 : i32 to vector<16xi32>
            %mul3A_256 = arith.constant 2 : i32
            %mul3A_257 = arith.muli %mul3A_256, %add3A_165 : i32
            %add3A_258 = arith.constant 1 : i32
            %add3A_259 = arith.addi %mul3A_257, %add3A_258 : i32
            %add3A_260 = vector.broadcast %add3A_259 : i32 to vector<16xi32>
            %add3A_261 = arith.addi %broadcast_in_dim3A_255, %add3A_260 : vector<16xi32>
            %gather3A_262 = arith.constant 1 : i32
            %gather3A_263 = arith.constant 0 : i32
            %gather3A_264 = arith.constant 0 : i32
            %gather3A_265 = tpu.memref_slice %arg5[%gather3A_262, %gather3A_263, %gather3A_264] : memref<2x64x128xf32, #tpu.memory_space<vmem>> -> memref<1x64x128xf32, #tpu.memory_space<vmem>>
            %gather3A_266 = tpu.memref_squeeze %gather3A_265 : memref<1x64x128xf32, #tpu.memory_space<vmem>> -> memref<64x128xf32, #tpu.memory_space<vmem>>
            %gather3A_267 = tpu.vector_load_idx %gather3A_266[%add3A_253, %add3A_261] : memref<64x128xf32, #tpu.memory_space<vmem>>[vector<16xi32>, vector<16xi32>], vector<16xf32>,
            %swap3A_268 = arith.constant 1 : i32
            %swap3A_269 = arith.index_cast %swap3A_268 : i32 to index
            %swap3A_270 = arith.index_cast %add3A_165 : i32 to index
            %swap3A_271 = arith.constant 64 : index
            %swap3A_272 = tpu.vector_load %arg6[%swap3A_269, %swap3A_270, %swap3A_271] {strides = array<i32>} : memref<2x64x128xf32, #tpu.memory_space<vmem>>, vector<16xf32>,
            tpu.vector_store %arg6[%swap3A_269, %swap3A_270, %swap3A_271], %gather3A_267 {strides = array<i32>} : memref<2x64x128xf32, #tpu.memory_space<vmem>>, vector<16xf32>,
            %add3A_273 = arith.constant 16 : i32
            %add3A_274 = vector.broadcast %add3A_273 : i32 to vector<16xi32>
            %add3A_275 = arith.addi %iota3A, %add3A_274 : vector<16xi32>
            %broadcast_in_dim3A_276 = arith.constant 0 : i32
            %broadcast_in_dim3A_277 = vector.broadcast %broadcast_in_dim3A_276 : i32 to vector<16xi32>
            %mul3A_278 = arith.constant 2 : i32
            %mul3A_279 = arith.muli %mul3A_278, %add3A_165 : i32
            %add3A_280 = arith.constant 1 : i32
            %add3A_281 = arith.addi %mul3A_279, %add3A_280 : i32
            %add3A_282 = vector.broadcast %add3A_281 : i32 to vector<16xi32>
            %add3A_283 = arith.addi %broadcast_in_dim3A_277, %add3A_282 : vector<16xi32>
            %gather3A_284 = arith.constant 1 : i32
            %gather3A_285 = arith.constant 0 : i32
            %gather3A_286 = arith.constant 0 : i32
            %gather3A_287 = tpu.memref_slice %arg5[%gather3A_284, %gather3A_285, %gather3A_286] : memref<2x64x128xf32, #tpu.memory_space<vmem>> -> memref<1x64x128xf32, #tpu.memory_space<vmem>>
            %gather3A_288 = tpu.memref_squeeze %gather3A_287 : memref<1x64x128xf32, #tpu.memory_space<vmem>> -> memref<64x128xf32, #tpu.memory_space<vmem>>
            %gather3A_289 = tpu.vector_load_idx %gather3A_288[%add3A_275, %add3A_283] : memref<64x128xf32, #tpu.memory_space<vmem>>[vector<16xi32>, vector<16xi32>], vector<16xf32>,
            %swap3A_290 = arith.constant 1 : i32
            %swap3A_291 = arith.index_cast %swap3A_290 : i32 to index
            %swap3A_292 = arith.index_cast %add3A_165 : i32 to index
            %swap3A_293 = arith.constant 80 : index
            %swap3A_294 = tpu.vector_load %arg6[%swap3A_291, %swap3A_292, %swap3A_293] {strides = array<i32>} : memref<2x64x128xf32, #tpu.memory_space<vmem>>, vector<16xf32>,
            tpu.vector_store %arg6[%swap3A_291, %swap3A_292, %swap3A_293], %gather3A_289 {strides = array<i32>} : memref<2x64x128xf32, #tpu.memory_space<vmem>>, vector<16xf32>,
            %add3A_295 = arith.constant 32 : i32
            %add3A_296 = vector.broadcast %add3A_295 : i32 to vector<16xi32>
            %add3A_297 = arith.addi %iota3A, %add3A_296 : vector<16xi32>
            %broadcast_in_dim3A_298 = arith.constant 0 : i32
            %broadcast_in_dim3A_299 = vector.broadcast %broadcast_in_dim3A_298 : i32 to vector<16xi32>
            %mul3A_300 = arith.constant 2 : i32
            %mul3A_301 = arith.muli %mul3A_300, %add3A_165 : i32
            %add3A_302 = arith.constant 1 : i32
            %add3A_303 = arith.addi %mul3A_301, %add3A_302 : i32
            %add3A_304 = vector.broadcast %add3A_303 : i32 to vector<16xi32>
            %add3A_305 = arith.addi %broadcast_in_dim3A_299, %add3A_304 : vector<16xi32>
            %gather3A_306 = arith.constant 1 : i32
            %gather3A_307 = arith.constant 0 : i32
            %gather3A_308 = arith.constant 0 : i32
            %gather3A_309 = tpu.memref_slice %arg5[%gather3A_306, %gather3A_307, %gather3A_308] : memref<2x64x128xf32, #tpu.memory_space<vmem>> -> memref<1x64x128xf32, #tpu.memory_space<vmem>>
            %gather3A_310 = tpu.memref_squeeze %gather3A_309 : memref<1x64x128xf32, #tpu.memory_space<vmem>> -> memref<64x128xf32, #tpu.memory_space<vmem>>
            %gather3A_311 = tpu.vector_load_idx %gather3A_310[%add3A_297, %add3A_305] : memref<64x128xf32, #tpu.memory_space<vmem>>[vector<16xi32>, vector<16xi32>], vector<16xf32>,
            %swap3A_312 = arith.constant 1 : i32
            %swap3A_313 = arith.index_cast %swap3A_312 : i32 to index
            %swap3A_314 = arith.index_cast %add3A_165 : i32 to index
            %swap3A_315 = arith.constant 96 : index
            %swap3A_316 = tpu.vector_load %arg6[%swap3A_313, %swap3A_314, %swap3A_315] {strides = array<i32>} : memref<2x64x128xf32, #tpu.memory_space<vmem>>, vector<16xf32>,
            tpu.vector_store %arg6[%swap3A_313, %swap3A_314, %swap3A_315], %gather3A_311 {strides = array<i32>} : memref<2x64x128xf32, #tpu.memory_space<vmem>>, vector<16xf32>,
            %add3A_317 = arith.constant 48 : i32
            %add3A_318 = vector.broadcast %add3A_317 : i32 to vector<16xi32>
            %add3A_319 = arith.addi %iota3A, %add3A_318 : vector<16xi32>
            %broadcast_in_dim3A_320 = arith.constant 0 : i32
            %broadcast_in_dim3A_321 = vector.broadcast %broadcast_in_dim3A_320 : i32 to vector<16xi32>
            %mul3A_322 = arith.constant 2 : i32
            %mul3A_323 = arith.muli %mul3A_322, %add3A_165 : i32
            %add3A_324 = arith.constant 1 : i32
            %add3A_325 = arith.addi %mul3A_323, %add3A_324 : i32
            %add3A_326 = vector.broadcast %add3A_325 : i32 to vector<16xi32>
            %add3A_327 = arith.addi %broadcast_in_dim3A_321, %add3A_326 : vector<16xi32>
            %gather3A_328 = arith.constant 1 : i32
            %gather3A_329 = arith.constant 0 : i32
            %gather3A_330 = arith.constant 0 : i32
            %gather3A_331 = tpu.memref_slice %arg5[%gather3A_328, %gather3A_329, %gather3A_330] : memref<2x64x128xf32, #tpu.memory_space<vmem>> -> memref<1x64x128xf32, #tpu.memory_space<vmem>>
            %gather3A_332 = tpu.memref_squeeze %gather3A_331 : memref<1x64x128xf32, #tpu.memory_space<vmem>> -> memref<64x128xf32, #tpu.memory_space<vmem>>
            %gather3A_333 = tpu.vector_load_idx %gather3A_332[%add3A_319, %add3A_327] : memref<64x128xf32, #tpu.memory_space<vmem>>[vector<16xi32>, vector<16xi32>], vector<16xf32>,
            %swap3A_334 = arith.constant 1 : i32
            %swap3A_335 = arith.index_cast %swap3A_334 : i32 to index
            %swap3A_336 = arith.index_cast %add3A_165 : i32 to index
            %swap3A_337 = arith.constant 112 : index
            %swap3A_338 = tpu.vector_load %arg6[%swap3A_335, %swap3A_336, %swap3A_337] {strides = array<i32>} : memref<2x64x128xf32, #tpu.memory_space<vmem>>, vector<16xf32>,
            tpu.vector_store %arg6[%swap3A_335, %swap3A_336, %swap3A_337], %gather3A_333 {strides = array<i32>} : memref<2x64x128xf32, #tpu.memory_space<vmem>>, vector<16xf32>,
            %scan3A_339 = arith.constant 1 : i32
            %scan3A_340 = arith.addi %scan3A_161, %scan3A_339 : i32
            %mul3A_341 = arith.constant 1 : i32
            %mul3A_342 = arith.muli %scan3A_340, %mul3A_341 : i32
            %add3A_343 = arith.constant 0 : i32
            %add3A_344 = arith.addi %add3A_343, %mul3A_342 : i32
            %add3A_345 = arith.constant 0 : i32
            %add3A_346 = vector.broadcast %add3A_345 : i32 to vector<16xi32>
            %add3A_347 = arith.addi %iota3A, %add3A_346 : vector<16xi32>
            %broadcast_in_dim3A_348 = arith.constant 0 : i32
            %broadcast_in_dim3A_349 = vector.broadcast %broadcast_in_dim3A_348 : i32 to vector<16xi32>
            %mul3A_350 = arith.constant 2 : i32
            %mul3A_351 = arith.muli %mul3A_350, %add3A_344 : i32
            %add3A_352 = arith.constant 0 : i32
            %add3A_353 = arith.addi %mul3A_351, %add3A_352 : i32
            %add3A_354 = vector.broadcast %add3A_353 : i32 to vector<16xi32>
            %add3A_355 = arith.addi %broadcast_in_dim3A_349, %add3A_354 : vector<16xi32>
            %gather3A_356 = arith.constant 1 : i32
            %gather3A_357 = arith.constant 0 : i32
            %gather3A_358 = arith.constant 0 : i32
            %gather3A_359 = tpu.memref_slice %arg5[%gather3A_356, %gather3A_357, %gather3A_358] : memref<2x64x128xf32, #tpu.memory_space<vmem>> -> memref<1x64x128xf32, #tpu.memory_space<vmem>>
            %gather3A_360 = tpu.memref_squeeze %gather3A_359 : memref<1x64x128xf32, #tpu.memory_space<vmem>> -> memref<64x128xf32, #tpu.memory_space<vmem>>
            %gather3A_361 = tpu.vector_load_idx %gather3A_360[%add3A_347, %add3A_355] : memref<64x128xf32, #tpu.memory_space<vmem>>[vector<16xi32>, vector<16xi32>], vector<16xf32>,
            %swap3A_362 = arith.constant 1 : i32
            %swap3A_363 = arith.index_cast %swap3A_362 : i32 to index
            %swap3A_364 = arith.index_cast %add3A_344 : i32 to index
            %swap3A_365 = arith.constant 0 : index
            %swap3A_366 = tpu.vector_load %arg6[%swap3A_363, %swap3A_364, %swap3A_365] {strides = array<i32>} : memref<2x64x128xf32, #tpu.memory_space<vmem>>, vector<16xf32>,
            tpu.vector_store %arg6[%swap3A_363, %swap3A_364, %swap3A_365], %gather3A_361 {strides = array<i32>} : memref<2x64x128xf32, #tpu.memory_space<vmem>>, vector<16xf32>,
            %add3A_367 = arith.constant 16 : i32
            %add3A_368 = vector.broadcast %add3A_367 : i32 to vector<16xi32>
            %add3A_369 = arith.addi %iota3A, %add3A_368 : vector<16xi32>
            %broadcast_in_dim3A_370 = arith.constant 0 : i32
            %broadcast_in_dim3A_371 = vector.broadcast %broadcast_in_dim3A_370 : i32 to vector<16xi32>
            %mul3A_372 = arith.constant 2 : i32
            %mul3A_373 = arith.muli %mul3A_372, %add3A_344 : i32
            %add3A_374 = arith.constant 0 : i32
            %add3A_375 = arith.addi %mul3A_373, %add3A_374 : i32
            %add3A_376 = vector.broadcast %add3A_375 : i32 to vector<16xi32>
            %add3A_377 = arith.addi %broadcast_in_dim3A_371, %add3A_376 : vector<16xi32>
            %gather3A_378 = arith.constant 1 : i32
            %gather3A_379 = arith.constant 0 : i32
            %gather3A_380 = arith.constant 0 : i32
            %gather3A_381 = tpu.memref_slice %arg5[%gather3A_378, %gather3A_379, %gather3A_380] : memref<2x64x128xf32, #tpu.memory_space<vmem>> -> memref<1x64x128xf32, #tpu.memory_space<vmem>>
            %gather3A_382 = tpu.memref_squeeze %gather3A_381 : memref<1x64x128xf32, #tpu.memory_space<vmem>> -> memref<64x128xf32, #tpu.memory_space<vmem>>
            %gather3A_383 = tpu.vector_load_idx %gather3A_382[%add3A_369, %add3A_377] : memref<64x128xf32, #tpu.memory_space<vmem>>[vector<16xi32>, vector<16xi32>], vector<16xf32>,
            %swap3A_384 = arith.constant 1 : i32
            %swap3A_385 = arith.index_cast %swap3A_384 : i32 to index
            %swap3A_386 = arith.index_cast %add3A_344 : i32 to index
            %swap3A_387 = arith.constant 16 : index
            %swap3A_388 = tpu.vector_load %arg6[%swap3A_385, %swap3A_386, %swap3A_387] {strides = array<i32>} : memref<2x64x128xf32, #tpu.memory_space<vmem>>, vector<16xf32>,
            tpu.vector_store %arg6[%swap3A_385, %swap3A_386, %swap3A_387], %gather3A_383 {strides = array<i32>} : memref<2x64x128xf32, #tpu.memory_space<vmem>>, vector<16xf32>,
            %add3A_389 = arith.constant 32 : i32
            %add3A_390 = vector.broadcast %add3A_389 : i32 to vector<16xi32>
            %add3A_391 = arith.addi %iota3A, %add3A_390 : vector<16xi32>
            %broadcast_in_dim3A_392 = arith.constant 0 : i32
            %broadcast_in_dim3A_393 = vector.broadcast %broadcast_in_dim3A_392 : i32 to vector<16xi32>
            %mul3A_394 = arith.constant 2 : i32
            %mul3A_395 = arith.muli %mul3A_394, %add3A_344 : i32
            %add3A_396 = arith.constant 0 : i32
            %add3A_397 = arith.addi %mul3A_395, %add3A_396 : i32
            %add3A_398 = vector.broadcast %add3A_397 : i32 to vector<16xi32>
            %add3A_399 = arith.addi %broadcast_in_dim3A_393, %add3A_398 : vector<16xi32>
            %gather3A_400 = arith.constant 1 : i32
            %gather3A_401 = arith.constant 0 : i32
            %gather3A_402 = arith.constant 0 : i32
            %gather3A_403 = tpu.memref_slice %arg5[%gather3A_400, %gather3A_401, %gather3A_402] : memref<2x64x128xf32, #tpu.memory_space<vmem>> -> memref<1x64x128xf32, #tpu.memory_space<vmem>>
            %gather3A_404 = tpu.memref_squeeze %gather3A_403 : memref<1x64x128xf32, #tpu.memory_space<vmem>> -> memref<64x128xf32, #tpu.memory_space<vmem>>
            %gather3A_405 = tpu.vector_load_idx %gather3A_404[%add3A_391, %add3A_399] : memref<64x128xf32, #tpu.memory_space<vmem>>[vector<16xi32>, vector<16xi32>], vector<16xf32>,
            %swap3A_406 = arith.constant 1 : i32
            %swap3A_407 = arith.index_cast %swap3A_406 : i32 to index
            %swap3A_408 = arith.index_cast %add3A_344 : i32 to index
            %swap3A_409 = arith.constant 32 : index
            %swap3A_410 = tpu.vector_load %arg6[%swap3A_407, %swap3A_408, %swap3A_409] {strides = array<i32>} : memref<2x64x128xf32, #tpu.memory_space<vmem>>, vector<16xf32>,
            tpu.vector_store %arg6[%swap3A_407, %swap3A_408, %swap3A_409], %gather3A_405 {strides = array<i32>} : memref<2x64x128xf32, #tpu.memory_space<vmem>>, vector<16xf32>,
            %add3A_411 = arith.constant 48 : i32
            %add3A_412 = vector.broadcast %add3A_411 : i32 to vector<16xi32>
            %add3A_413 = arith.addi %iota3A, %add3A_412 : vector<16xi32>
            %broadcast_in_dim3A_414 = arith.constant 0 : i32
            %broadcast_in_dim3A_415 = vector.broadcast %broadcast_in_dim3A_414 : i32 to vector<16xi32>
            %mul3A_416 = arith.constant 2 : i32
            %mul3A_417 = arith.muli %mul3A_416, %add3A_344 : i32
            %add3A_418 = arith.constant 0 : i32
            %add3A_419 = arith.addi %mul3A_417, %add3A_418 : i32
            %add3A_420 = vector.broadcast %add3A_419 : i32 to vector<16xi32>
            %add3A_421 = arith.addi %broadcast_in_dim3A_415, %add3A_420 : vector<16xi32>
            %gather3A_422 = arith.constant 1 : i32
            %gather3A_423 = arith.constant 0 : i32
            %gather3A_424 = arith.constant 0 : i32
            %gather3A_425 = tpu.memref_slice %arg5[%gather3A_422, %gather3A_423, %gather3A_424] : memref<2x64x128xf32, #tpu.memory_space<vmem>> -> memref<1x64x128xf32, #tpu.memory_space<vmem>>
            %gather3A_426 = tpu.memref_squeeze %gather3A_425 : memref<1x64x128xf32, #tpu.memory_space<vmem>> -> memref<64x128xf32, #tpu.memory_space<vmem>>
            %gather3A_427 = tpu.vector_load_idx %gather3A_426[%add3A_413, %add3A_421] : memref<64x128xf32, #tpu.memory_space<vmem>>[vector<16xi32>, vector<16xi32>], vector<16xf32>,
            %swap3A_428 = arith.constant 1 : i32
            %swap3A_429 = arith.index_cast %swap3A_428 : i32 to index
            %swap3A_430 = arith.index_cast %add3A_344 : i32 to index
            %swap3A_431 = arith.constant 48 : index
            %swap3A_432 = tpu.vector_load %arg6[%swap3A_429, %swap3A_430, %swap3A_431] {strides = array<i32>} : memref<2x64x128xf32, #tpu.memory_space<vmem>>, vector<16xf32>,
            tpu.vector_store %arg6[%swap3A_429, %swap3A_430, %swap3A_431], %gather3A_427 {strides = array<i32>} : memref<2x64x128xf32, #tpu.memory_space<vmem>>, vector<16xf32>,
            %add3A_433 = arith.constant 0 : i32
            %add3A_434 = vector.broadcast %add3A_433 : i32 to vector<16xi32>
            %add3A_435 = arith.addi %iota3A, %add3A_434 : vector<16xi32>
            %broadcast_in_dim3A_436 = arith.constant 0 : i32
            %broadcast_in_dim3A_437 = vector.broadcast %broadcast_in_dim3A_436 : i32 to vector<16xi32>
            %mul3A_438 = arith.constant 2 : i32
            %mul3A_439 = arith.muli %mul3A_438, %add3A_344 : i32
            %add3A_440 = arith.constant 1 : i32
            %add3A_441 = arith.addi %mul3A_439, %add3A_440 : i32
            %add3A_442 = vector.broadcast %add3A_441 : i32 to vector<16xi32>
            %add3A_443 = arith.addi %broadcast_in_dim3A_437, %add3A_442 : vector<16xi32>
            %gather3A_444 = arith.constant 1 : i32
            %gather3A_445 = arith.constant 0 : i32
            %gather3A_446 = arith.constant 0 : i32
            %gather3A_447 = tpu.memref_slice %arg5[%gather3A_444, %gather3A_445, %gather3A_446] : memref<2x64x128xf32, #tpu.memory_space<vmem>> -> memref<1x64x128xf32, #tpu.memory_space<vmem>>
            %gather3A_448 = tpu.memref_squeeze %gather3A_447 : memref<1x64x128xf32, #tpu.memory_space<vmem>> -> memref<64x128xf32, #tpu.memory_space<vmem>>
            %gather3A_449 = tpu.vector_load_idx %gather3A_448[%add3A_435, %add3A_443] : memref<64x128xf32, #tpu.memory_space<vmem>>[vector<16xi32>, vector<16xi32>], vector<16xf32>,
            %swap3A_450 = arith.constant 1 : i32
            %swap3A_451 = arith.index_cast %swap3A_450 : i32 to index
            %swap3A_452 = arith.index_cast %add3A_344 : i32 to index
            %swap3A_453 = arith.constant 64 : index
            %swap3A_454 = tpu.vector_load %arg6[%swap3A_451, %swap3A_452, %swap3A_453] {strides = array<i32>} : memref<2x64x128xf32, #tpu.memory_space<vmem>>, vector<16xf32>,
            tpu.vector_store %arg6[%swap3A_451, %swap3A_452, %swap3A_453], %gather3A_449 {strides = array<i32>} : memref<2x64x128xf32, #tpu.memory_space<vmem>>, vector<16xf32>,
            %add3A_455 = arith.constant 16 : i32
            %add3A_456 = vector.broadcast %add3A_455 : i32 to vector<16xi32>
            %add3A_457 = arith.addi %iota3A, %add3A_456 : vector<16xi32>
            %broadcast_in_dim3A_458 = arith.constant 0 : i32
            %broadcast_in_dim3A_459 = vector.broadcast %broadcast_in_dim3A_458 : i32 to vector<16xi32>
            %mul3A_460 = arith.constant 2 : i32
            %mul3A_461 = arith.muli %mul3A_460, %add3A_344 : i32
            %add3A_462 = arith.constant 1 : i32
            %add3A_463 = arith.addi %mul3A_461, %add3A_462 : i32
            %add3A_464 = vector.broadcast %add3A_463 : i32 to vector<16xi32>
            %add3A_465 = arith.addi %broadcast_in_dim3A_459, %add3A_464 : vector<16xi32>
            %gather3A_466 = arith.constant 1 : i32
            %gather3A_467 = arith.constant 0 : i32
            %gather3A_468 = arith.constant 0 : i32
            %gather3A_469 = tpu.memref_slice %arg5[%gather3A_466, %gather3A_467, %gather3A_468] : memref<2x64x128xf32, #tpu.memory_space<vmem>> -> memref<1x64x128xf32, #tpu.memory_space<vmem>>
            %gather3A_470 = tpu.memref_squeeze %gather3A_469 : memref<1x64x128xf32, #tpu.memory_space<vmem>> -> memref<64x128xf32, #tpu.memory_space<vmem>>
            %gather3A_471 = tpu.vector_load_idx %gather3A_470[%add3A_457, %add3A_465] : memref<64x128xf32, #tpu.memory_space<vmem>>[vector<16xi32>, vector<16xi32>], vector<16xf32>,
            %swap3A_472 = arith.constant 1 : i32
            %swap3A_473 = arith.index_cast %swap3A_472 : i32 to index
            %swap3A_474 = arith.index_cast %add3A_344 : i32 to index
            %swap3A_475 = arith.constant 80 : index
            %swap3A_476 = tpu.vector_load %arg6[%swap3A_473, %swap3A_474, %swap3A_475] {strides = array<i32>} : memref<2x64x128xf32, #tpu.memory_space<vmem>>, vector<16xf32>,
            tpu.vector_store %arg6[%swap3A_473, %swap3A_474, %swap3A_475], %gather3A_471 {strides = array<i32>} : memref<2x64x128xf32, #tpu.memory_space<vmem>>, vector<16xf32>,
            %add3A_477 = arith.constant 32 : i32
            %add3A_478 = vector.broadcast %add3A_477 : i32 to vector<16xi32>
            %add3A_479 = arith.addi %iota3A, %add3A_478 : vector<16xi32>
            %broadcast_in_dim3A_480 = arith.constant 0 : i32
            %broadcast_in_dim3A_481 = vector.broadcast %broadcast_in_dim3A_480 : i32 to vector<16xi32>
            %mul3A_482 = arith.constant 2 : i32
            %mul3A_483 = arith.muli %mul3A_482, %add3A_344 : i32
            %add3A_484 = arith.constant 1 : i32
            %add3A_485 = arith.addi %mul3A_483, %add3A_484 : i32
            %add3A_486 = vector.broadcast %add3A_485 : i32 to vector<16xi32>
            %add3A_487 = arith.addi %broadcast_in_dim3A_481, %add3A_486 : vector<16xi32>
            %gather3A_488 = arith.constant 1 : i32
            %gather3A_489 = arith.constant 0 : i32
            %gather3A_490 = arith.constant 0 : i32
            %gather3A_491 = tpu.memref_slice %arg5[%gather3A_488, %gather3A_489, %gather3A_490] : memref<2x64x128xf32, #tpu.memory_space<vmem>> -> memref<1x64x128xf32, #tpu.memory_space<vmem>>
            %gather3A_492 = tpu.memref_squeeze %gather3A_491 : memref<1x64x128xf32, #tpu.memory_space<vmem>> -> memref<64x128xf32, #tpu.memory_space<vmem>>
            %gather3A_493 = tpu.vector_load_idx %gather3A_492[%add3A_479, %add3A_487] : memref<64x128xf32, #tpu.memory_space<vmem>>[vector<16xi32>, vector<16xi32>], vector<16xf32>,
            %swap3A_494 = arith.constant 1 : i32
            %swap3A_495 = arith.index_cast %swap3A_494 : i32 to index
            %swap3A_496 = arith.index_cast %add3A_344 : i32 to index
            %swap3A_497 = arith.constant 96 : index
            %swap3A_498 = tpu.vector_load %arg6[%swap3A_495, %swap3A_496, %swap3A_497] {strides = array<i32>} : memref<2x64x128xf32, #tpu.memory_space<vmem>>, vector<16xf32>,
            tpu.vector_store %arg6[%swap3A_495, %swap3A_496, %swap3A_497], %gather3A_493 {strides = array<i32>} : memref<2x64x128xf32, #tpu.memory_space<vmem>>, vector<16xf32>,
            %add3A_499 = arith.constant 48 : i32
            %add3A_500 = vector.broadcast %add3A_499 : i32 to vector<16xi32>
            %add3A_501 = arith.addi %iota3A, %add3A_500 : vector<16xi32>
            %broadcast_in_dim3A_502 = arith.constant 0 : i32
            %broadcast_in_dim3A_503 = vector.broadcast %broadcast_in_dim3A_502 : i32 to vector<16xi32>
            %mul3A_504 = arith.constant 2 : i32
            %mul3A_505 = arith.muli %mul3A_504, %add3A_344 : i32
            %add3A_506 = arith.constant 1 : i32
            %add3A_507 = arith.addi %mul3A_505, %add3A_506 : i32
            %add3A_508 = vector.broadcast %add3A_507 : i32 to vector<16xi32>
            %add3A_509 = arith.addi %broadcast_in_dim3A_503, %add3A_508 : vector<16xi32>
            %gather3A_510 = arith.constant 1 : i32
            %gather3A_511 = arith.constant 0 : i32
            %gather3A_512 = arith.constant 0 : i32
            %gather3A_513 = tpu.memref_slice %arg5[%gather3A_510, %gather3A_511, %gather3A_512] : memref<2x64x128xf32, #tpu.memory_space<vmem>> -> memref<1x64x128xf32, #tpu.memory_space<vmem>>
            %gather3A_514 = tpu.memref_squeeze %gather3A_513 : memref<1x64x128xf32, #tpu.memory_space<vmem>> -> memref<64x128xf32, #tpu.memory_space<vmem>>
            %gather3A_515 = tpu.vector_load_idx %gather3A_514[%add3A_501, %add3A_509] : memref<64x128xf32, #tpu.memory_space<vmem>>[vector<16xi32>, vector<16xi32>], vector<16xf32>,
            %swap3A_516 = arith.constant 1 : i32
            %swap3A_517 = arith.index_cast %swap3A_516 : i32 to index
            %swap3A_518 = arith.index_cast %add3A_344 : i32 to index
            %swap3A_519 = arith.constant 112 : index
            %swap3A_520 = tpu.vector_load %arg6[%swap3A_517, %swap3A_518, %swap3A_519] {strides = array<i32>} : memref<2x64x128xf32, #tpu.memory_space<vmem>>, vector<16xf32>,
            tpu.vector_store %arg6[%swap3A_517, %swap3A_518, %swap3A_519], %gather3A_515 {strides = array<i32>} : memref<2x64x128xf32, #tpu.memory_space<vmem>>, vector<16xf32>,
          }
          %scan3A_142 = arith.constant 64 : i32
          %mul3A_143 = arith.constant 32 : i32
          %mul3A_144 = arith.muli %add3A_103, %mul3A_143 : i32
          %add3A_145 = arith.addi %add3A, %mul3A_144 : i32
          %mul3A_146 = arith.constant 64 : i32
          %mul3A_147 = arith.muli %add3A_145, %mul3A_146 : i32
          %dma_start3A_148 = arith.constant 1 : i32
          %dma_start3A_149 = arith.constant 0 : i32
          %dma_start3A_150 = arith.constant 0 : i32
          %dma_start3A_151 = tpu.memref_slice %arg6[%dma_start3A_148, %dma_start3A_149, %dma_start3A_150] : memref<2x64x128xf32, #tpu.memory_space<vmem>> -> memref<1x64x128xf32, #tpu.memory_space<vmem>>
          %dma_start3A_152 = tpu.memref_squeeze %dma_start3A_151 : memref<1x64x128xf32, #tpu.memory_space<vmem>> -> memref<64x128xf32, #tpu.memory_space<vmem>>
          %dma_start3A_153 = arith.constant 0 : i32
          %dma_start3A_154 = tpu.memref_slice %arg4[%mul3A_147, %dma_start3A_153] : memref<500000x128xf32, #tpu.memory_space<hbm>> -> memref<64x128xf32, #tpu.memory_space<hbm>>
          %dma_start3A_155 = arith.constant 0 : i32
          %dma_start3A_156 = tpu.memref_slice %arg4[%mul3A_147, %dma_start3A_155] : memref<500000x128xf32, #tpu.memory_space<hbm>> -> memref<64x128xf32, #tpu.memory_space<hbm>>
          %dma_start3A_157 = arith.constant 0 : i32
          %dma_start3A_158 = arith.constant 0 : i32
          %dma_start3A_159 = tpu.memref_slice %arg6[%dma_start3A_148, %dma_start3A_157, %dma_start3A_158] : memref<2x64x128xf32, #tpu.memory_space<vmem>> -> memref<1x64x128xf32, #tpu.memory_space<vmem>>
          %dma_start3A_160 = tpu.memref_squeeze %dma_start3A_159 : memref<1x64x128xf32, #tpu.memory_space<vmem>> -> memref<64x128xf32, #tpu.memory_space<vmem>>
          tpu.enqueue_dma source(%dma_start3A_160 : memref<64x128xf32, #tpu.memory_space<vmem>>) target(%dma_start3A_156 : memref<64x128xf32, #tpu.memory_space<hbm>>) target_semaphore(%arg11 : memref<!tpu.dma_semaphore, #tpu.memory_space<semaphore_mem>>)
        } else {
        }
      }
      %while3A_62 = arith.constant 1 : i32
      scf.for %while3A_101 = %while3A_60 to %while3A_56 step %while3A_62  : i32 {
        %mul3A_102 = arith.muli %while3A_101, %while3A : i32
        %add3A_103 = arith.addi %while3A_53, %mul3A_102 : i32
        %rem3A_104 = arith.constant 2 : i32
        %rem3A_105 = arith.remsi %add3A_103, %rem3A_104 : i32
        %eq3A_106 = arith.constant 0 : i32
        %eq3A_107 = arith.cmpi eq, %rem3A_105, %eq3A_106 : i32
        %convert_element_type3A_108 = arith.extui %eq3A_107 : i1 to i32
        %cond3A_109 = arith.constant 0 : i32
        %cond3A_110 = arith.cmpi ne, %convert_element_type3A_108, %cond3A_109 : i32
        scf.if %cond3A_110 {
          %add3A_116 = arith.constant 1 : i32
          %add3A_117 = arith.addi %add3A_103, %add3A_116 : i32
          %lt3A = arith.cmpi slt, %add3A_117, %select_n3A : i32
          %convert_element_type3A_118 = arith.extui %lt3A : i1 to i32
          %cond3A_119 = arith.constant 0 : i32
          %cond3A_120 = arith.cmpi ne, %convert_element_type3A_118, %cond3A_119 : i32
          scf.if %cond3A_120 {
            %add3A_161 = arith.constant 1 : i32
            %add3A_162 = arith.addi %add3A_103, %add3A_161 : i32
            %mul3A_163 = arith.constant 32 : i32
            %mul3A_164 = arith.muli %add3A_162, %mul3A_163 : i32
            %add3A_165 = arith.addi %add3A, %mul3A_164 : i32
            %mul3A_166 = arith.constant 128 : i32
            %mul3A_167 = arith.muli %add3A_165, %mul3A_166 : i32
            %dma_start3A_168 = arith.constant 1 : i32
            %dma_start3A_169 = arith.constant 0 : i32
            %dma_start3A_170 = arith.constant 0 : i32
            %dma_start3A_171 = tpu.memref_slice %arg5[%dma_start3A_168, %dma_start3A_169, %dma_start3A_170] : memref<2x64x128xf32, #tpu.memory_space<vmem>> -> memref<1x64x128xf32, #tpu.memory_space<vmem>>
            %dma_start3A_172 = tpu.memref_squeeze %dma_start3A_171 : memref<1x64x128xf32, #tpu.memory_space<vmem>> -> memref<64x128xf32, #tpu.memory_space<vmem>>
            %dma_start3A_173 = arith.constant 0 : i32
            %dma_start3A_174 = tpu.memref_slice %arg2[%dma_start3A_173, %mul3A_167] : memref<64x1000000xf32, #tpu.memory_space<hbm>> -> memref<64x128xf32, #tpu.memory_space<hbm>>
            %dma_start3A_175 = arith.constant 0 : i32
            %dma_start3A_176 = arith.constant 0 : i32
            %dma_start3A_177 = tpu.memref_slice %arg5[%dma_start3A_168, %dma_start3A_175, %dma_start3A_176] : memref<2x64x128xf32, #tpu.memory_space<vmem>> -> memref<1x64x128xf32, #tpu.memory_space<vmem>>
            %dma_start3A_178 = tpu.memref_squeeze %dma_start3A_177 : memref<1x64x128xf32, #tpu.memory_space<vmem>> -> memref<64x128xf32, #tpu.memory_space<vmem>>
            %dma_start3A_179 = arith.constant 0 : i32
            %dma_start3A_180 = tpu.memref_slice %arg2[%dma_start3A_179, %mul3A_167] : memref<64x1000000xf32, #tpu.memory_space<hbm>> -> memref<64x128xf32, #tpu.memory_space<hbm>>
            tpu.enqueue_dma source(%dma_start3A_180 : memref<64x128xf32, #tpu.memory_space<hbm>>) target(%dma_start3A_178 : memref<64x128xf32, #tpu.memory_space<vmem>>) target_semaphore(%arg9 : memref<!tpu.dma_semaphore, #tpu.memory_space<semaphore_mem>>)
          } else {
          }
          %dma_wait3A = arith.constant 0 : i32
          %dma_wait3A_121 = arith.constant 0 : i32
          %dma_wait3A_122 = arith.constant 0 : i32
          %dma_wait3A_123 = tpu.memref_slice %arg5[%dma_wait3A, %dma_wait3A_121, %dma_wait3A_122] : memref<2x64x128xf32, #tpu.memory_space<vmem>> -> memref<1x64x128xf32, #tpu.memory_space<vmem>>
          %dma_wait3A_124 = tpu.memref_squeeze %dma_wait3A_123 : memref<1x64x128xf32, #tpu.memory_space<vmem>> -> memref<64x128xf32, #tpu.memory_space<vmem>>
          %dma_wait3A_125 = arith.constant 0 : i32
          %dma_wait3A_126 = arith.constant 0 : i32
          %dma_wait3A_127 = tpu.memref_slice %arg2[%dma_wait3A_125, %dma_wait3A_126] : memref<64x1000000xf32, #tpu.memory_space<hbm>> -> memref<64x128xf32, #tpu.memory_space<hbm>>
          %dma_wait3A_128 = arith.constant 0 : i32
          %dma_wait3A_129 = arith.constant 0 : i32
          %dma_wait3A_130 = tpu.memref_slice %arg5[%dma_wait3A, %dma_wait3A_128, %dma_wait3A_129] : memref<2x64x128xf32, #tpu.memory_space<vmem>> -> memref<1x64x128xf32, #tpu.memory_space<vmem>>
          %dma_wait3A_131 = tpu.memref_squeeze %dma_wait3A_130 : memref<1x64x128xf32, #tpu.memory_space<vmem>> -> memref<64x128xf32, #tpu.memory_space<vmem>>
          %dma_wait3A_132 = arith.constant 0 : i32
          %dma_wait3A_133 = arith.constant 0 : i32
          %dma_wait3A_134 = tpu.memref_slice %arg2[%dma_wait3A_132, %dma_wait3A_133] : memref<64x1000000xf32, #tpu.memory_space<hbm>> -> memref<64x128xf32, #tpu.memory_space<hbm>>
          tpu.wait_dma2 semaphore(%arg8 : memref<!tpu.dma_semaphore, #tpu.memory_space<semaphore_mem>>) src(%dma_wait3A_134 : memref<64x128xf32, #tpu.memory_space<hbm>>) dst(%dma_wait3A_131 : memref<64x128xf32, #tpu.memory_space<vmem>>)
          %ge3A = arith.constant 2 : i32
          %ge3A_135 = arith.cmpi sge, %add3A_103, %ge3A : i32
          %convert_element_type3A_136 = arith.extui %ge3A_135 : i1 to i32
          %cond3A_137 = arith.constant 0 : i32
          %cond3A_138 = arith.cmpi ne, %convert_element_type3A_136, %cond3A_137 : i32
          scf.if %cond3A_138 {
            %dma_wait3A_161 = arith.constant 0 : i32
            %dma_wait3A_162 = arith.constant 0 : i32
            %dma_wait3A_163 = arith.constant 0 : i32
            %dma_wait3A_164 = tpu.memref_slice %arg6[%dma_wait3A_161, %dma_wait3A_162, %dma_wait3A_163] : memref<2x64x128xf32, #tpu.memory_space<vmem>> -> memref<1x64x128xf32, #tpu.memory_space<vmem>>
            %dma_wait3A_165 = tpu.memref_squeeze %dma_wait3A_164 : memref<1x64x128xf32, #tpu.memory_space<vmem>> -> memref<64x128xf32, #tpu.memory_space<vmem>>
            %dma_wait3A_166 = arith.constant 0 : i32
            %dma_wait3A_167 = arith.constant 0 : i32
            %dma_wait3A_168 = tpu.memref_slice %arg4[%dma_wait3A_166, %dma_wait3A_167] : memref<500000x128xf32, #tpu.memory_space<hbm>> -> memref<64x128xf32, #tpu.memory_space<hbm>>
            %dma_wait3A_169 = arith.constant 0 : i32
            %dma_wait3A_170 = arith.constant 0 : i32
            %dma_wait3A_171 = tpu.memref_slice %arg6[%dma_wait3A_161, %dma_wait3A_169, %dma_wait3A_170] : memref<2x64x128xf32, #tpu.memory_space<vmem>> -> memref<1x64x128xf32, #tpu.memory_space<vmem>>
            %dma_wait3A_172 = tpu.memref_squeeze %dma_wait3A_171 : memref<1x64x128xf32, #tpu.memory_space<vmem>> -> memref<64x128xf32, #tpu.memory_space<vmem>>
            %dma_wait3A_173 = arith.constant 0 : i32
            %dma_wait3A_174 = arith.constant 0 : i32
            %dma_wait3A_175 = tpu.memref_slice %arg4[%dma_wait3A_173, %dma_wait3A_174] : memref<500000x128xf32, #tpu.memory_space<hbm>> -> memref<64x128xf32, #tpu.memory_space<hbm>>
            tpu.wait_dma2 semaphore(%arg10 : memref<!tpu.dma_semaphore, #tpu.memory_space<semaphore_mem>>) src(%dma_wait3A_175 : memref<64x128xf32, #tpu.memory_space<hbm>>) dst(%dma_wait3A_172 : memref<64x128xf32, #tpu.memory_space<vmem>>)
          } else {
          }
          %iota3A = tpu.iota {dimensions = array<i32: 0>} : vector<16xi32>
          %scan3A = arith.constant 0 : i32
          %scan3A_139 = arith.constant 64 : i32
          %scan3A_140 = arith.addi %scan3A, %scan3A_139 : i32
          %scan3A_141 = arith.constant 2 : i32
          scf.for %scan3A_161 = %scan3A to %scan3A_140 step %scan3A_141  : i32 {
            %mul3A_162 = arith.constant 1 : i32
            %mul3A_163 = arith.muli %scan3A_161, %mul3A_162 : i32
            %add3A_164 = arith.constant 0 : i32
            %add3A_165 = arith.addi %add3A_164, %mul3A_163 : i32
            %add3A_166 = arith.constant 0 : i32
            %add3A_167 = vector.broadcast %add3A_166 : i32 to vector<16xi32>
            %add3A_168 = arith.addi %iota3A, %add3A_167 : vector<16xi32>
            %broadcast_in_dim3A = arith.constant 0 : i32
            %broadcast_in_dim3A_169 = vector.broadcast %broadcast_in_dim3A : i32 to vector<16xi32>
            %mul3A_170 = arith.constant 2 : i32
            %mul3A_171 = arith.muli %mul3A_170, %add3A_165 : i32
            %add3A_172 = arith.constant 0 : i32
            %add3A_173 = arith.addi %mul3A_171, %add3A_172 : i32
            %add3A_174 = vector.broadcast %add3A_173 : i32 to vector<16xi32>
            %add3A_175 = arith.addi %broadcast_in_dim3A_169, %add3A_174 : vector<16xi32>
            %gather3A = arith.constant 0 : i32
            %gather3A_176 = arith.constant 0 : i32
            %gather3A_177 = arith.constant 0 : i32
            %gather3A_178 = tpu.memref_slice %arg5[%gather3A, %gather3A_176, %gather3A_177] : memref<2x64x128xf32, #tpu.memory_space<vmem>> -> memref<1x64x128xf32, #tpu.memory_space<vmem>>
            %gather3A_179 = tpu.memref_squeeze %gather3A_178 : memref<1x64x128xf32, #tpu.memory_space<vmem>> -> memref<64x128xf32, #tpu.memory_space<vmem>>
            %gather3A_180 = tpu.vector_load_idx %gather3A_179[%add3A_168, %add3A_175] : memref<64x128xf32, #tpu.memory_space<vmem>>[vector<16xi32>, vector<16xi32>], vector<16xf32>,
            %swap3A = arith.constant 0 : i32
            %swap3A_181 = arith.index_cast %swap3A : i32 to index
            %swap3A_182 = arith.index_cast %add3A_165 : i32 to index
            %swap3A_183 = arith.constant 0 : index
            %swap3A_184 = tpu.vector_load %arg6[%swap3A_181, %swap3A_182, %swap3A_183] {strides = array<i32>} : memref<2x64x128xf32, #tpu.memory_space<vmem>>, vector<16xf32>,
            tpu.vector_store %arg6[%swap3A_181, %swap3A_182, %swap3A_183], %gather3A_180 {strides = array<i32>} : memref<2x64x128xf32, #tpu.memory_space<vmem>>, vector<16xf32>,
            %add3A_185 = arith.constant 16 : i32
            %add3A_186 = vector.broadcast %add3A_185 : i32 to vector<16xi32>
            %add3A_187 = arith.addi %iota3A, %add3A_186 : vector<16xi32>
            %broadcast_in_dim3A_188 = arith.constant 0 : i32
            %broadcast_in_dim3A_189 = vector.broadcast %broadcast_in_dim3A_188 : i32 to vector<16xi32>
            %mul3A_190 = arith.constant 2 : i32
            %mul3A_191 = arith.muli %mul3A_190, %add3A_165 : i32
            %add3A_192 = arith.constant 0 : i32
            %add3A_193 = arith.addi %mul3A_191, %add3A_192 : i32
            %add3A_194 = vector.broadcast %add3A_193 : i32 to vector<16xi32>
            %add3A_195 = arith.addi %broadcast_in_dim3A_189, %add3A_194 : vector<16xi32>
            %gather3A_196 = arith.constant 0 : i32
            %gather3A_197 = arith.constant 0 : i32
            %gather3A_198 = arith.constant 0 : i32
            %gather3A_199 = tpu.memref_slice %arg5[%gather3A_196, %gather3A_197, %gather3A_198] : memref<2x64x128xf32, #tpu.memory_space<vmem>> -> memref<1x64x128xf32, #tpu.memory_space<vmem>>
            %gather3A_200 = tpu.memref_squeeze %gather3A_199 : memref<1x64x128xf32, #tpu.memory_space<vmem>> -> memref<64x128xf32, #tpu.memory_space<vmem>>
            %gather3A_201 = tpu.vector_load_idx %gather3A_200[%add3A_187, %add3A_195] : memref<64x128xf32, #tpu.memory_space<vmem>>[vector<16xi32>, vector<16xi32>], vector<16xf32>,
            %swap3A_202 = arith.constant 0 : i32
            %swap3A_203 = arith.index_cast %swap3A_202 : i32 to index
            %swap3A_204 = arith.index_cast %add3A_165 : i32 to index
            %swap3A_205 = arith.constant 16 : index
            %swap3A_206 = tpu.vector_load %arg6[%swap3A_203, %swap3A_204, %swap3A_205] {strides = array<i32>} : memref<2x64x128xf32, #tpu.memory_space<vmem>>, vector<16xf32>,
            tpu.vector_store %arg6[%swap3A_203, %swap3A_204, %swap3A_205], %gather3A_201 {strides = array<i32>} : memref<2x64x128xf32, #tpu.memory_space<vmem>>, vector<16xf32>,
            %add3A_207 = arith.constant 32 : i32
            %add3A_208 = vector.broadcast %add3A_207 : i32 to vector<16xi32>
            %add3A_209 = arith.addi %iota3A, %add3A_208 : vector<16xi32>
            %broadcast_in_dim3A_210 = arith.constant 0 : i32
            %broadcast_in_dim3A_211 = vector.broadcast %broadcast_in_dim3A_210 : i32 to vector<16xi32>
            %mul3A_212 = arith.constant 2 : i32
            %mul3A_213 = arith.muli %mul3A_212, %add3A_165 : i32
            %add3A_214 = arith.constant 0 : i32
            %add3A_215 = arith.addi %mul3A_213, %add3A_214 : i32
            %add3A_216 = vector.broadcast %add3A_215 : i32 to vector<16xi32>
            %add3A_217 = arith.addi %broadcast_in_dim3A_211, %add3A_216 : vector<16xi32>
            %gather3A_218 = arith.constant 0 : i32
            %gather3A_219 = arith.constant 0 : i32
            %gather3A_220 = arith.constant 0 : i32
            %gather3A_221 = tpu.memref_slice %arg5[%gather3A_218, %gather3A_219, %gather3A_220] : memref<2x64x128xf32, #tpu.memory_space<vmem>> -> memref<1x64x128xf32, #tpu.memory_space<vmem>>
            %gather3A_222 = tpu.memref_squeeze %gather3A_221 : memref<1x64x128xf32, #tpu.memory_space<vmem>> -> memref<64x128xf32, #tpu.memory_space<vmem>>
            %gather3A_223 = tpu.vector_load_idx %gather3A_222[%add3A_209, %add3A_217] : memref<64x128xf32, #tpu.memory_space<vmem>>[vector<16xi32>, vector<16xi32>], vector<16xf32>,
            %swap3A_224 = arith.constant 0 : i32
            %swap3A_225 = arith.index_cast %swap3A_224 : i32 to index
            %swap3A_226 = arith.index_cast %add3A_165 : i32 to index
            %swap3A_227 = arith.constant 32 : index
            %swap3A_228 = tpu.vector_load %arg6[%swap3A_225, %swap3A_226, %swap3A_227] {strides = array<i32>} : memref<2x64x128xf32, #tpu.memory_space<vmem>>, vector<16xf32>,
            tpu.vector_store %arg6[%swap3A_225, %swap3A_226, %swap3A_227], %gather3A_223 {strides = array<i32>} : memref<2x64x128xf32, #tpu.memory_space<vmem>>, vector<16xf32>,
            %add3A_229 = arith.constant 48 : i32
            %add3A_230 = vector.broadcast %add3A_229 : i32 to vector<16xi32>
            %add3A_231 = arith.addi %iota3A, %add3A_230 : vector<16xi32>
            %broadcast_in_dim3A_232 = arith.constant 0 : i32
            %broadcast_in_dim3A_233 = vector.broadcast %broadcast_in_dim3A_232 : i32 to vector<16xi32>
            %mul3A_234 = arith.constant 2 : i32
            %mul3A_235 = arith.muli %mul3A_234, %add3A_165 : i32
            %add3A_236 = arith.constant 0 : i32
            %add3A_237 = arith.addi %mul3A_235, %add3A_236 : i32
            %add3A_238 = vector.broadcast %add3A_237 : i32 to vector<16xi32>
            %add3A_239 = arith.addi %broadcast_in_dim3A_233, %add3A_238 : vector<16xi32>
            %gather3A_240 = arith.constant 0 : i32
            %gather3A_241 = arith.constant 0 : i32
            %gather3A_242 = arith.constant 0 : i32
            %gather3A_243 = tpu.memref_slice %arg5[%gather3A_240, %gather3A_241, %gather3A_242] : memref<2x64x128xf32, #tpu.memory_space<vmem>> -> memref<1x64x128xf32, #tpu.memory_space<vmem>>
            %gather3A_244 = tpu.memref_squeeze %gather3A_243 : memref<1x64x128xf32, #tpu.memory_space<vmem>> -> memref<64x128xf32, #tpu.memory_space<vmem>>
            %gather3A_245 = tpu.vector_load_idx %gather3A_244[%add3A_231, %add3A_239] : memref<64x128xf32, #tpu.memory_space<vmem>>[vector<16xi32>, vector<16xi32>], vector<16xf32>,
            %swap3A_246 = arith.constant 0 : i32
            %swap3A_247 = arith.index_cast %swap3A_246 : i32 to index
            %swap3A_248 = arith.index_cast %add3A_165 : i32 to index
            %swap3A_249 = arith.constant 48 : index
            %swap3A_250 = tpu.vector_load %arg6[%swap3A_247, %swap3A_248, %swap3A_249] {strides = array<i32>} : memref<2x64x128xf32, #tpu.memory_space<vmem>>, vector<16xf32>,
            tpu.vector_store %arg6[%swap3A_247, %swap3A_248, %swap3A_249], %gather3A_245 {strides = array<i32>} : memref<2x64x128xf32, #tpu.memory_space<vmem>>, vector<16xf32>,
            %add3A_251 = arith.constant 0 : i32
            %add3A_252 = vector.broadcast %add3A_251 : i32 to vector<16xi32>
            %add3A_253 = arith.addi %iota3A, %add3A_252 : vector<16xi32>
            %broadcast_in_dim3A_254 = arith.constant 0 : i32
            %broadcast_in_dim3A_255 = vector.broadcast %broadcast_in_dim3A_254 : i32 to vector<16xi32>
            %mul3A_256 = arith.constant 2 : i32
            %mul3A_257 = arith.muli %mul3A_256, %add3A_165 : i32
            %add3A_258 = arith.constant 1 : i32
            %add3A_259 = arith.addi %mul3A_257, %add3A_258 : i32
            %add3A_260 = vector.broadcast %add3A_259 : i32 to vector<16xi32>
            %add3A_261 = arith.addi %broadcast_in_dim3A_255, %add3A_260 : vector<16xi32>
            %gather3A_262 = arith.constant 0 : i32
            %gather3A_263 = arith.constant 0 : i32
            %gather3A_264 = arith.constant 0 : i32
            %gather3A_265 = tpu.memref_slice %arg5[%gather3A_262, %gather3A_263, %gather3A_264] : memref<2x64x128xf32, #tpu.memory_space<vmem>> -> memref<1x64x128xf32, #tpu.memory_space<vmem>>
            %gather3A_266 = tpu.memref_squeeze %gather3A_265 : memref<1x64x128xf32, #tpu.memory_space<vmem>> -> memref<64x128xf32, #tpu.memory_space<vmem>>
            %gather3A_267 = tpu.vector_load_idx %gather3A_266[%add3A_253, %add3A_261] : memref<64x128xf32, #tpu.memory_space<vmem>>[vector<16xi32>, vector<16xi32>], vector<16xf32>,
            %swap3A_268 = arith.constant 0 : i32
            %swap3A_269 = arith.index_cast %swap3A_268 : i32 to index
            %swap3A_270 = arith.index_cast %add3A_165 : i32 to index
            %swap3A_271 = arith.constant 64 : index
            %swap3A_272 = tpu.vector_load %arg6[%swap3A_269, %swap3A_270, %swap3A_271] {strides = array<i32>} : memref<2x64x128xf32, #tpu.memory_space<vmem>>, vector<16xf32>,
            tpu.vector_store %arg6[%swap3A_269, %swap3A_270, %swap3A_271], %gather3A_267 {strides = array<i32>} : memref<2x64x128xf32, #tpu.memory_space<vmem>>, vector<16xf32>,
            %add3A_273 = arith.constant 16 : i32
            %add3A_274 = vector.broadcast %add3A_273 : i32 to vector<16xi32>
            %add3A_275 = arith.addi %iota3A, %add3A_274 : vector<16xi32>
            %broadcast_in_dim3A_276 = arith.constant 0 : i32
            %broadcast_in_dim3A_277 = vector.broadcast %broadcast_in_dim3A_276 : i32 to vector<16xi32>
            %mul3A_278 = arith.constant 2 : i32
            %mul3A_279 = arith.muli %mul3A_278, %add3A_165 : i32
            %add3A_280 = arith.constant 1 : i32
            %add3A_281 = arith.addi %mul3A_279, %add3A_280 : i32
            %add3A_282 = vector.broadcast %add3A_281 : i32 to vector<16xi32>
            %add3A_283 = arith.addi %broadcast_in_dim3A_277, %add3A_282 : vector<16xi32>
            %gather3A_284 = arith.constant 0 : i32
            %gather3A_285 = arith.constant 0 : i32
            %gather3A_286 = arith.constant 0 : i32
            %gather3A_287 = tpu.memref_slice %arg5[%gather3A_284, %gather3A_285, %gather3A_286] : memref<2x64x128xf32, #tpu.memory_space<vmem>> -> memref<1x64x128xf32, #tpu.memory_space<vmem>>
            %gather3A_288 = tpu.memref_squeeze %gather3A_287 : memref<1x64x128xf32, #tpu.memory_space<vmem>> -> memref<64x128xf32, #tpu.memory_space<vmem>>
            %gather3A_289 = tpu.vector_load_idx %gather3A_288[%add3A_275, %add3A_283] : memref<64x128xf32, #tpu.memory_space<vmem>>[vector<16xi32>, vector<16xi32>], vector<16xf32>,
            %swap3A_290 = arith.constant 0 : i32
            %swap3A_291 = arith.index_cast %swap3A_290 : i32 to index
            %swap3A_292 = arith.index_cast %add3A_165 : i32 to index
            %swap3A_293 = arith.constant 80 : index
            %swap3A_294 = tpu.vector_load %arg6[%swap3A_291, %swap3A_292, %swap3A_293] {strides = array<i32>} : memref<2x64x128xf32, #tpu.memory_space<vmem>>, vector<16xf32>,
            tpu.vector_store %arg6[%swap3A_291, %swap3A_292, %swap3A_293], %gather3A_289 {strides = array<i32>} : memref<2x64x128xf32, #tpu.memory_space<vmem>>, vector<16xf32>,
            %add3A_295 = arith.constant 32 : i32
            %add3A_296 = vector.broadcast %add3A_295 : i32 to vector<16xi32>
            %add3A_297 = arith.addi %iota3A, %add3A_296 : vector<16xi32>
            %broadcast_in_dim3A_298 = arith.constant 0 : i32
            %broadcast_in_dim3A_299 = vector.broadcast %broadcast_in_dim3A_298 : i32 to vector<16xi32>
            %mul3A_300 = arith.constant 2 : i32
            %mul3A_301 = arith.muli %mul3A_300, %add3A_165 : i32
            %add3A_302 = arith.constant 1 : i32
            %add3A_303 = arith.addi %mul3A_301, %add3A_302 : i32
            %add3A_304 = vector.broadcast %add3A_303 : i32 to vector<16xi32>
            %add3A_305 = arith.addi %broadcast_in_dim3A_299, %add3A_304 : vector<16xi32>
            %gather3A_306 = arith.constant 0 : i32
            %gather3A_307 = arith.constant 0 : i32
            %gather3A_308 = arith.constant 0 : i32
            %gather3A_309 = tpu.memref_slice %arg5[%gather3A_306, %gather3A_307, %gather3A_308] : memref<2x64x128xf32, #tpu.memory_space<vmem>> -> memref<1x64x128xf32, #tpu.memory_space<vmem>>
            %gather3A_310 = tpu.memref_squeeze %gather3A_309 : memref<1x64x128xf32, #tpu.memory_space<vmem>> -> memref<64x128xf32, #tpu.memory_space<vmem>>
            %gather3A_311 = tpu.vector_load_idx %gather3A_310[%add3A_297, %add3A_305] : memref<64x128xf32, #tpu.memory_space<vmem>>[vector<16xi32>, vector<16xi32>], vector<16xf32>,
            %swap3A_312 = arith.constant 0 : i32
            %swap3A_313 = arith.index_cast %swap3A_312 : i32 to index
            %swap3A_314 = arith.index_cast %add3A_165 : i32 to index
            %swap3A_315 = arith.constant 96 : index
            %swap3A_316 = tpu.vector_load %arg6[%swap3A_313, %swap3A_314, %swap3A_315] {strides = array<i32>} : memref<2x64x128xf32, #tpu.memory_space<vmem>>, vector<16xf32>,
            tpu.vector_store %arg6[%swap3A_313, %swap3A_314, %swap3A_315], %gather3A_311 {strides = array<i32>} : memref<2x64x128xf32, #tpu.memory_space<vmem>>, vector<16xf32>,
            %add3A_317 = arith.constant 48 : i32
            %add3A_318 = vector.broadcast %add3A_317 : i32 to vector<16xi32>
            %add3A_319 = arith.addi %iota3A, %add3A_318 : vector<16xi32>
            %broadcast_in_dim3A_320 = arith.constant 0 : i32
            %broadcast_in_dim3A_321 = vector.broadcast %broadcast_in_dim3A_320 : i32 to vector<16xi32>
            %mul3A_322 = arith.constant 2 : i32
            %mul3A_323 = arith.muli %mul3A_322, %add3A_165 : i32
            %add3A_324 = arith.constant 1 : i32
            %add3A_325 = arith.addi %mul3A_323, %add3A_324 : i32
            %add3A_326 = vector.broadcast %add3A_325 : i32 to vector<16xi32>
            %add3A_327 = arith.addi %broadcast_in_dim3A_321, %add3A_326 : vector<16xi32>
            %gather3A_328 = arith.constant 0 : i32
            %gather3A_329 = arith.constant 0 : i32
            %gather3A_330 = arith.constant 0 : i32
            %gather3A_331 = tpu.memref_slice %arg5[%gather3A_328, %gather3A_329, %gather3A_330] : memref<2x64x128xf32, #tpu.memory_space<vmem>> -> memref<1x64x128xf32, #tpu.memory_space<vmem>>
            %gather3A_332 = tpu.memref_squeeze %gather3A_331 : memref<1x64x128xf32, #tpu.memory_space<vmem>> -> memref<64x128xf32, #tpu.memory_space<vmem>>
            %gather3A_333 = tpu.vector_load_idx %gather3A_332[%add3A_319, %add3A_327] : memref<64x128xf32, #tpu.memory_space<vmem>>[vector<16xi32>, vector<16xi32>], vector<16xf32>,
            %swap3A_334 = arith.constant 0 : i32
            %swap3A_335 = arith.index_cast %swap3A_334 : i32 to index
            %swap3A_336 = arith.index_cast %add3A_165 : i32 to index
            %swap3A_337 = arith.constant 112 : index
            %swap3A_338 = tpu.vector_load %arg6[%swap3A_335, %swap3A_336, %swap3A_337] {strides = array<i32>} : memref<2x64x128xf32, #tpu.memory_space<vmem>>, vector<16xf32>,
            tpu.vector_store %arg6[%swap3A_335, %swap3A_336, %swap3A_337], %gather3A_333 {strides = array<i32>} : memref<2x64x128xf32, #tpu.memory_space<vmem>>, vector<16xf32>,
            %scan3A_339 = arith.constant 1 : i32
            %scan3A_340 = arith.addi %scan3A_161, %scan3A_339 : i32
            %mul3A_341 = arith.constant 1 : i32
            %mul3A_342 = arith.muli %scan3A_340, %mul3A_341 : i32
            %add3A_343 = arith.constant 0 : i32
            %add3A_344 = arith.addi %add3A_343, %mul3A_342 : i32
            %add3A_345 = arith.constant 0 : i32
            %add3A_346 = vector.broadcast %add3A_345 : i32 to vector<16xi32>
            %add3A_347 = arith.addi %iota3A, %add3A_346 : vector<16xi32>
            %broadcast_in_dim3A_348 = arith.constant 0 : i32
            %broadcast_in_dim3A_349 = vector.broadcast %broadcast_in_dim3A_348 : i32 to vector<16xi32>
            %mul3A_350 = arith.constant 2 : i32
            %mul3A_351 = arith.muli %mul3A_350, %add3A_344 : i32
            %add3A_352 = arith.constant 0 : i32
            %add3A_353 = arith.addi %mul3A_351, %add3A_352 : i32
            %add3A_354 = vector.broadcast %add3A_353 : i32 to vector<16xi32>
            %add3A_355 = arith.addi %broadcast_in_dim3A_349, %add3A_354 : vector<16xi32>
            %gather3A_356 = arith.constant 0 : i32
            %gather3A_357 = arith.constant 0 : i32
            %gather3A_358 = arith.constant 0 : i32
            %gather3A_359 = tpu.memref_slice %arg5[%gather3A_356, %gather3A_357, %gather3A_358] : memref<2x64x128xf32, #tpu.memory_space<vmem>> -> memref<1x64x128xf32, #tpu.memory_space<vmem>>
            %gather3A_360 = tpu.memref_squeeze %gather3A_359 : memref<1x64x128xf32, #tpu.memory_space<vmem>> -> memref<64x128xf32, #tpu.memory_space<vmem>>
            %gather3A_361 = tpu.vector_load_idx %gather3A_360[%add3A_347, %add3A_355] : memref<64x128xf32, #tpu.memory_space<vmem>>[vector<16xi32>, vector<16xi32>], vector<16xf32>,
            %swap3A_362 = arith.constant 0 : i32
            %swap3A_363 = arith.index_cast %swap3A_362 : i32 to index
            %swap3A_364 = arith.index_cast %add3A_344 : i32 to index
            %swap3A_365 = arith.constant 0 : index
            %swap3A_366 = tpu.vector_load %arg6[%swap3A_363, %swap3A_364, %swap3A_365] {strides = array<i32>} : memref<2x64x128xf32, #tpu.memory_space<vmem>>, vector<16xf32>,
            tpu.vector_store %arg6[%swap3A_363, %swap3A_364, %swap3A_365], %gather3A_361 {strides = array<i32>} : memref<2x64x128xf32, #tpu.memory_space<vmem>>, vector<16xf32>,
            %add3A_367 = arith.constant 16 : i32
            %add3A_368 = vector.broadcast %add3A_367 : i32 to vector<16xi32>
            %add3A_369 = arith.addi %iota3A, %add3A_368 : vector<16xi32>
            %broadcast_in_dim3A_370 = arith.constant 0 : i32
            %broadcast_in_dim3A_371 = vector.broadcast %broadcast_in_dim3A_370 : i32 to vector<16xi32>
            %mul3A_372 = arith.constant 2 : i32
            %mul3A_373 = arith.muli %mul3A_372, %add3A_344 : i32
            %add3A_374 = arith.constant 0 : i32
            %add3A_375 = arith.addi %mul3A_373, %add3A_374 : i32
            %add3A_376 = vector.broadcast %add3A_375 : i32 to vector<16xi32>
            %add3A_377 = arith.addi %broadcast_in_dim3A_371, %add3A_376 : vector<16xi32>
            %gather3A_378 = arith.constant 0 : i32
            %gather3A_379 = arith.constant 0 : i32
            %gather3A_380 = arith.constant 0 : i32
            %gather3A_381 = tpu.memref_slice %arg5[%gather3A_378, %gather3A_379, %gather3A_380] : memref<2x64x128xf32, #tpu.memory_space<vmem>> -> memref<1x64x128xf32, #tpu.memory_space<vmem>>
            %gather3A_382 = tpu.memref_squeeze %gather3A_381 : memref<1x64x128xf32, #tpu.memory_space<vmem>> -> memref<64x128xf32, #tpu.memory_space<vmem>>
            %gather3A_383 = tpu.vector_load_idx %gather3A_382[%add3A_369, %add3A_377] : memref<64x128xf32, #tpu.memory_space<vmem>>[vector<16xi32>, vector<16xi32>], vector<16xf32>,
            %swap3A_384 = arith.constant 0 : i32
            %swap3A_385 = arith.index_cast %swap3A_384 : i32 to index
            %swap3A_386 = arith.index_cast %add3A_344 : i32 to index
            %swap3A_387 = arith.constant 16 : index
            %swap3A_388 = tpu.vector_load %arg6[%swap3A_385, %swap3A_386, %swap3A_387] {strides = array<i32>} : memref<2x64x128xf32, #tpu.memory_space<vmem>>, vector<16xf32>,
            tpu.vector_store %arg6[%swap3A_385, %swap3A_386, %swap3A_387], %gather3A_383 {strides = array<i32>} : memref<2x64x128xf32, #tpu.memory_space<vmem>>, vector<16xf32>,
            %add3A_389 = arith.constant 32 : i32
            %add3A_390 = vector.broadcast %add3A_389 : i32 to vector<16xi32>
            %add3A_391 = arith.addi %iota3A, %add3A_390 : vector<16xi32>
            %broadcast_in_dim3A_392 = arith.constant 0 : i32
            %broadcast_in_dim3A_393 = vector.broadcast %broadcast_in_dim3A_392 : i32 to vector<16xi32>
            %mul3A_394 = arith.constant 2 : i32
            %mul3A_395 = arith.muli %mul3A_394, %add3A_344 : i32
            %add3A_396 = arith.constant 0 : i32
            %add3A_397 = arith.addi %mul3A_395, %add3A_396 : i32
            %add3A_398 = vector.broadcast %add3A_397 : i32 to vector<16xi32>
            %add3A_399 = arith.addi %broadcast_in_dim3A_393, %add3A_398 : vector<16xi32>
            %gather3A_400 = arith.constant 0 : i32
            %gather3A_401 = arith.constant 0 : i32
            %gather3A_402 = arith.constant 0 : i32
            %gather3A_403 = tpu.memref_slice %arg5[%gather3A_400, %gather3A_401, %gather3A_402] : memref<2x64x128xf32, #tpu.memory_space<vmem>> -> memref<1x64x128xf32, #tpu.memory_space<vmem>>
            %gather3A_404 = tpu.memref_squeeze %gather3A_403 : memref<1x64x128xf32, #tpu.memory_space<vmem>> -> memref<64x128xf32, #tpu.memory_space<vmem>>
            %gather3A_405 = tpu.vector_load_idx %gather3A_404[%add3A_391, %add3A_399] : memref<64x128xf32, #tpu.memory_space<vmem>>[vector<16xi32>, vector<16xi32>], vector<16xf32>,
            %swap3A_406 = arith.constant 0 : i32
            %swap3A_407 = arith.index_cast %swap3A_406 : i32 to index
            %swap3A_408 = arith.index_cast %add3A_344 : i32 to index
            %swap3A_409 = arith.constant 32 : index
            %swap3A_410 = tpu.vector_load %arg6[%swap3A_407, %swap3A_408, %swap3A_409] {strides = array<i32>} : memref<2x64x128xf32, #tpu.memory_space<vmem>>, vector<16xf32>,
            tpu.vector_store %arg6[%swap3A_407, %swap3A_408, %swap3A_409], %gather3A_405 {strides = array<i32>} : memref<2x64x128xf32, #tpu.memory_space<vmem>>, vector<16xf32>,
            %add3A_411 = arith.constant 48 : i32
            %add3A_412 = vector.broadcast %add3A_411 : i32 to vector<16xi32>
            %add3A_413 = arith.addi %iota3A, %add3A_412 : vector<16xi32>
            %broadcast_in_dim3A_414 = arith.constant 0 : i32
            %broadcast_in_dim3A_415 = vector.broadcast %broadcast_in_dim3A_414 : i32 to vector<16xi32>
            %mul3A_416 = arith.constant 2 : i32
            %mul3A_417 = arith.muli %mul3A_416, %add3A_344 : i32
            %add3A_418 = arith.constant 0 : i32
            %add3A_419 = arith.addi %mul3A_417, %add3A_418 : i32
            %add3A_420 = vector.broadcast %add3A_419 : i32 to vector<16xi32>
            %add3A_421 = arith.addi %broadcast_in_dim3A_415, %add3A_420 : vector<16xi32>
            %gather3A_422 = arith.constant 0 : i32
            %gather3A_423 = arith.constant 0 : i32
            %gather3A_424 = arith.constant 0 : i32
            %gather3A_425 = tpu.memref_slice %arg5[%gather3A_422, %gather3A_423, %gather3A_424] : memref<2x64x128xf32, #tpu.memory_space<vmem>> -> memref<1x64x128xf32, #tpu.memory_space<vmem>>
            %gather3A_426 = tpu.memref_squeeze %gather3A_425 : memref<1x64x128xf32, #tpu.memory_space<vmem>> -> memref<64x128xf32, #tpu.memory_space<vmem>>
            %gather3A_427 = tpu.vector_load_idx %gather3A_426[%add3A_413, %add3A_421] : memref<64x128xf32, #tpu.memory_space<vmem>>[vector<16xi32>, vector<16xi32>], vector<16xf32>,
            %swap3A_428 = arith.constant 0 : i32
            %swap3A_429 = arith.index_cast %swap3A_428 : i32 to index
            %swap3A_430 = arith.index_cast %add3A_344 : i32 to index
            %swap3A_431 = arith.constant 48 : index
            %swap3A_432 = tpu.vector_load %arg6[%swap3A_429, %swap3A_430, %swap3A_431] {strides = array<i32>} : memref<2x64x128xf32, #tpu.memory_space<vmem>>, vector<16xf32>,
            tpu.vector_store %arg6[%swap3A_429, %swap3A_430, %swap3A_431], %gather3A_427 {strides = array<i32>} : memref<2x64x128xf32, #tpu.memory_space<vmem>>, vector<16xf32>,
            %add3A_433 = arith.constant 0 : i32
            %add3A_434 = vector.broadcast %add3A_433 : i32 to vector<16xi32>
            %add3A_435 = arith.addi %iota3A, %add3A_434 : vector<16xi32>
            %broadcast_in_dim3A_436 = arith.constant 0 : i32
            %broadcast_in_dim3A_437 = vector.broadcast %broadcast_in_dim3A_436 : i32 to vector<16xi32>
            %mul3A_438 = arith.constant 2 : i32
            %mul3A_439 = arith.muli %mul3A_438, %add3A_344 : i32
            %add3A_440 = arith.constant 1 : i32
            %add3A_441 = arith.addi %mul3A_439, %add3A_440 : i32
            %add3A_442 = vector.broadcast %add3A_441 : i32 to vector<16xi32>
            %add3A_443 = arith.addi %broadcast_in_dim3A_437, %add3A_442 : vector<16xi32>
            %gather3A_444 = arith.constant 0 : i32
            %gather3A_445 = arith.constant 0 : i32
            %gather3A_446 = arith.constant 0 : i32
            %gather3A_447 = tpu.memref_slice %arg5[%gather3A_444, %gather3A_445, %gather3A_446] : memref<2x64x128xf32, #tpu.memory_space<vmem>> -> memref<1x64x128xf32, #tpu.memory_space<vmem>>
            %gather3A_448 = tpu.memref_squeeze %gather3A_447 : memref<1x64x128xf32, #tpu.memory_space<vmem>> -> memref<64x128xf32, #tpu.memory_space<vmem>>
            %gather3A_449 = tpu.vector_load_idx %gather3A_448[%add3A_435, %add3A_443] : memref<64x128xf32, #tpu.memory_space<vmem>>[vector<16xi32>, vector<16xi32>], vector<16xf32>,
            %swap3A_450 = arith.constant 0 : i32
            %swap3A_451 = arith.index_cast %swap3A_450 : i32 to index
            %swap3A_452 = arith.index_cast %add3A_344 : i32 to index
            %swap3A_453 = arith.constant 64 : index
            %swap3A_454 = tpu.vector_load %arg6[%swap3A_451, %swap3A_452, %swap3A_453] {strides = array<i32>} : memref<2x64x128xf32, #tpu.memory_space<vmem>>, vector<16xf32>,
            tpu.vector_store %arg6[%swap3A_451, %swap3A_452, %swap3A_453], %gather3A_449 {strides = array<i32>} : memref<2x64x128xf32, #tpu.memory_space<vmem>>, vector<16xf32>,
            %add3A_455 = arith.constant 16 : i32
            %add3A_456 = vector.broadcast %add3A_455 : i32 to vector<16xi32>
            %add3A_457 = arith.addi %iota3A, %add3A_456 : vector<16xi32>
            %broadcast_in_dim3A_458 = arith.constant 0 : i32
            %broadcast_in_dim3A_459 = vector.broadcast %broadcast_in_dim3A_458 : i32 to vector<16xi32>
            %mul3A_460 = arith.constant 2 : i32
            %mul3A_461 = arith.muli %mul3A_460, %add3A_344 : i32
            %add3A_462 = arith.constant 1 : i32
            %add3A_463 = arith.addi %mul3A_461, %add3A_462 : i32
            %add3A_464 = vector.broadcast %add3A_463 : i32 to vector<16xi32>
            %add3A_465 = arith.addi %broadcast_in_dim3A_459, %add3A_464 : vector<16xi32>
            %gather3A_466 = arith.constant 0 : i32
            %gather3A_467 = arith.constant 0 : i32
            %gather3A_468 = arith.constant 0 : i32
            %gather3A_469 = tpu.memref_slice %arg5[%gather3A_466, %gather3A_467, %gather3A_468] : memref<2x64x128xf32, #tpu.memory_space<vmem>> -> memref<1x64x128xf32, #tpu.memory_space<vmem>>
            %gather3A_470 = tpu.memref_squeeze %gather3A_469 : memref<1x64x128xf32, #tpu.memory_space<vmem>> -> memref<64x128xf32, #tpu.memory_space<vmem>>
            %gather3A_471 = tpu.vector_load_idx %gather3A_470[%add3A_457, %add3A_465] : memref<64x128xf32, #tpu.memory_space<vmem>>[vector<16xi32>, vector<16xi32>], vector<16xf32>,
            %swap3A_472 = arith.constant 0 : i32
            %swap3A_473 = arith.index_cast %swap3A_472 : i32 to index
            %swap3A_474 = arith.index_cast %add3A_344 : i32 to index
            %swap3A_475 = arith.constant 80 : index
            %swap3A_476 = tpu.vector_load %arg6[%swap3A_473, %swap3A_474, %swap3A_475] {strides = array<i32>} : memref<2x64x128xf32, #tpu.memory_space<vmem>>, vector<16xf32>,
            tpu.vector_store %arg6[%swap3A_473, %swap3A_474, %swap3A_475], %gather3A_471 {strides = array<i32>} : memref<2x64x128xf32, #tpu.memory_space<vmem>>, vector<16xf32>,
            %add3A_477 = arith.constant 32 : i32
            %add3A_478 = vector.broadcast %add3A_477 : i32 to vector<16xi32>
            %add3A_479 = arith.addi %iota3A, %add3A_478 : vector<16xi32>
            %broadcast_in_dim3A_480 = arith.constant 0 : i32
            %broadcast_in_dim3A_481 = vector.broadcast %broadcast_in_dim3A_480 : i32 to vector<16xi32>
            %mul3A_482 = arith.constant 2 : i32
            %mul3A_483 = arith.muli %mul3A_482, %add3A_344 : i32
            %add3A_484 = arith.constant 1 : i32
            %add3A_485 = arith.addi %mul3A_483, %add3A_484 : i32
            %add3A_486 = vector.broadcast %add3A_485 : i32 to vector<16xi32>
            %add3A_487 = arith.addi %broadcast_in_dim3A_481, %add3A_486 : vector<16xi32>
            %gather3A_488 = arith.constant 0 : i32
            %gather3A_489 = arith.constant 0 : i32
            %gather3A_490 = arith.constant 0 : i32
            %gather3A_491 = tpu.memref_slice %arg5[%gather3A_488, %gather3A_489, %gather3A_490] : memref<2x64x128xf32, #tpu.memory_space<vmem>> -> memref<1x64x128xf32, #tpu.memory_space<vmem>>
            %gather3A_492 = tpu.memref_squeeze %gather3A_491 : memref<1x64x128xf32, #tpu.memory_space<vmem>> -> memref<64x128xf32, #tpu.memory_space<vmem>>
            %gather3A_493 = tpu.vector_load_idx %gather3A_492[%add3A_479, %add3A_487] : memref<64x128xf32, #tpu.memory_space<vmem>>[vector<16xi32>, vector<16xi32>], vector<16xf32>,
            %swap3A_494 = arith.constant 0 : i32
            %swap3A_495 = arith.index_cast %swap3A_494 : i32 to index
            %swap3A_496 = arith.index_cast %add3A_344 : i32 to index
            %swap3A_497 = arith.constant 96 : index
            %swap3A_498 = tpu.vector_load %arg6[%swap3A_495, %swap3A_496, %swap3A_497] {strides = array<i32>} : memref<2x64x128xf32, #tpu.memory_space<vmem>>, vector<16xf32>,
            tpu.vector_store %arg6[%swap3A_495, %swap3A_496, %swap3A_497], %gather3A_493 {strides = array<i32>} : memref<2x64x128xf32, #tpu.memory_space<vmem>>, vector<16xf32>,
            %add3A_499 = arith.constant 48 : i32
            %add3A_500 = vector.broadcast %add3A_499 : i32 to vector<16xi32>
            %add3A_501 = arith.addi %iota3A, %add3A_500 : vector<16xi32>
            %broadcast_in_dim3A_502 = arith.constant 0 : i32
            %broadcast_in_dim3A_503 = vector.broadcast %broadcast_in_dim3A_502 : i32 to vector<16xi32>
            %mul3A_504 = arith.constant 2 : i32
            %mul3A_505 = arith.muli %mul3A_504, %add3A_344 : i32
            %add3A_506 = arith.constant 1 : i32
            %add3A_507 = arith.addi %mul3A_505, %add3A_506 : i32
            %add3A_508 = vector.broadcast %add3A_507 : i32 to vector<16xi32>
            %add3A_509 = arith.addi %broadcast_in_dim3A_503, %add3A_508 : vector<16xi32>
            %gather3A_510 = arith.constant 0 : i32
            %gather3A_511 = arith.constant 0 : i32
            %gather3A_512 = arith.constant 0 : i32
            %gather3A_513 = tpu.memref_slice %arg5[%gather3A_510, %gather3A_511, %gather3A_512] : memref<2x64x128xf32, #tpu.memory_space<vmem>> -> memref<1x64x128xf32, #tpu.memory_space<vmem>>
            %gather3A_514 = tpu.memref_squeeze %gather3A_513 : memref<1x64x128xf32, #tpu.memory_space<vmem>> -> memref<64x128xf32, #tpu.memory_space<vmem>>
            %gather3A_515 = tpu.vector_load_idx %gather3A_514[%add3A_501, %add3A_509] : memref<64x128xf32, #tpu.memory_space<vmem>>[vector<16xi32>, vector<16xi32>], vector<16xf32>,
            %swap3A_516 = arith.constant 0 : i32
            %swap3A_517 = arith.index_cast %swap3A_516 : i32 to index
            %swap3A_518 = arith.index_cast %add3A_344 : i32 to index
            %swap3A_519 = arith.constant 112 : index
            %swap3A_520 = tpu.vector_load %arg6[%swap3A_517, %swap3A_518, %swap3A_519] {strides = array<i32>} : memref<2x64x128xf32, #tpu.memory_space<vmem>>, vector<16xf32>,
            tpu.vector_store %arg6[%swap3A_517, %swap3A_518, %swap3A_519], %gather3A_515 {strides = array<i32>} : memref<2x64x128xf32, #tpu.memory_space<vmem>>, vector<16xf32>,
          }
          %scan3A_142 = arith.constant 64 : i32
          %mul3A_143 = arith.constant 32 : i32
          %mul3A_144 = arith.muli %add3A_103, %mul3A_143 : i32
          %add3A_145 = arith.addi %add3A, %mul3A_144 : i32
          %mul3A_146 = arith.constant 64 : i32
          %mul3A_147 = arith.muli %add3A_145, %mul3A_146 : i32
          %dma_start3A_148 = arith.constant 0 : i32
          %dma_start3A_149 = arith.constant 0 : i32
          %dma_start3A_150 = arith.constant 0 : i32
          %dma_start3A_151 = tpu.memref_slice %arg6[%dma_start3A_148, %dma_start3A_149, %dma_start3A_150] : memref<2x64x128xf32, #tpu.memory_space<vmem>> -> memref<1x64x128xf32, #tpu.memory_space<vmem>>
          %dma_start3A_152 = tpu.memref_squeeze %dma_start3A_151 : memref<1x64x128xf32, #tpu.memory_space<vmem>> -> memref<64x128xf32, #tpu.memory_space<vmem>>
          %dma_start3A_153 = arith.constant 0 : i32
          %dma_start3A_154 = tpu.memref_slice %arg4[%mul3A_147, %dma_start3A_153] : memref<500000x128xf32, #tpu.memory_space<hbm>> -> memref<64x128xf32, #tpu.memory_space<hbm>>
          %dma_start3A_155 = arith.constant 0 : i32
          %dma_start3A_156 = tpu.memref_slice %arg4[%mul3A_147, %dma_start3A_155] : memref<500000x128xf32, #tpu.memory_space<hbm>> -> memref<64x128xf32, #tpu.memory_space<hbm>>
          %dma_start3A_157 = arith.constant 0 : i32
          %dma_start3A_158 = arith.constant 0 : i32
          %dma_start3A_159 = tpu.memref_slice %arg6[%dma_start3A_148, %dma_start3A_157, %dma_start3A_158] : memref<2x64x128xf32, #tpu.memory_space<vmem>> -> memref<1x64x128xf32, #tpu.memory_space<vmem>>
          %dma_start3A_160 = tpu.memref_squeeze %dma_start3A_159 : memref<1x64x128xf32, #tpu.memory_space<vmem>> -> memref<64x128xf32, #tpu.memory_space<vmem>>
          tpu.enqueue_dma source(%dma_start3A_160 : memref<64x128xf32, #tpu.memory_space<vmem>>) target(%dma_start3A_156 : memref<64x128xf32, #tpu.memory_space<hbm>>) target_semaphore(%arg10 : memref<!tpu.dma_semaphore, #tpu.memory_space<semaphore_mem>>)
        } else {
        }
        %eq3A_111 = arith.constant 1 : i32
        %eq3A_112 = arith.cmpi eq, %rem3A_105, %eq3A_111 : i32
        %convert_element_type3A_113 = arith.extui %eq3A_112 : i1 to i32
        %cond3A_114 = arith.constant 0 : i32
        %cond3A_115 = arith.cmpi ne, %convert_element_type3A_113, %cond3A_114 : i32
        scf.if %cond3A_115 {
          %add3A_116 = arith.constant 1 : i32
          %add3A_117 = arith.addi %add3A_103, %add3A_116 : i32
          %lt3A = arith.cmpi slt, %add3A_117, %select_n3A : i32
          %convert_element_type3A_118 = arith.extui %lt3A : i1 to i32
          %cond3A_119 = arith.constant 0 : i32
          %cond3A_120 = arith.cmpi ne, %convert_element_type3A_118, %cond3A_119 : i32
          scf.if %cond3A_120 {
            %add3A_161 = arith.constant 1 : i32
            %add3A_162 = arith.addi %add3A_103, %add3A_161 : i32
            %mul3A_163 = arith.constant 32 : i32
            %mul3A_164 = arith.muli %add3A_162, %mul3A_163 : i32
            %add3A_165 = arith.addi %add3A, %mul3A_164 : i32
            %mul3A_166 = arith.constant 128 : i32
            %mul3A_167 = arith.muli %add3A_165, %mul3A_166 : i32
            %dma_start3A_168 = arith.constant 0 : i32
            %dma_start3A_169 = arith.constant 0 : i32
            %dma_start3A_170 = arith.constant 0 : i32
            %dma_start3A_171 = tpu.memref_slice %arg5[%dma_start3A_168, %dma_start3A_169, %dma_start3A_170] : memref<2x64x128xf32, #tpu.memory_space<vmem>> -> memref<1x64x128xf32, #tpu.memory_space<vmem>>
            %dma_start3A_172 = tpu.memref_squeeze %dma_start3A_171 : memref<1x64x128xf32, #tpu.memory_space<vmem>> -> memref<64x128xf32, #tpu.memory_space<vmem>>
            %dma_start3A_173 = arith.constant 0 : i32
            %dma_start3A_174 = tpu.memref_slice %arg2[%dma_start3A_173, %mul3A_167] : memref<64x1000000xf32, #tpu.memory_space<hbm>> -> memref<64x128xf32, #tpu.memory_space<hbm>>
            %dma_start3A_175 = arith.constant 0 : i32
            %dma_start3A_176 = arith.constant 0 : i32
            %dma_start3A_177 = tpu.memref_slice %arg5[%dma_start3A_168, %dma_start3A_175, %dma_start3A_176] : memref<2x64x128xf32, #tpu.memory_space<vmem>> -> memref<1x64x128xf32, #tpu.memory_space<vmem>>
            %dma_start3A_178 = tpu.memref_squeeze %dma_start3A_177 : memref<1x64x128xf32, #tpu.memory_space<vmem>> -> memref<64x128xf32, #tpu.memory_space<vmem>>
            %dma_start3A_179 = arith.constant 0 : i32
            %dma_start3A_180 = tpu.memref_slice %arg2[%dma_start3A_179, %mul3A_167] : memref<64x1000000xf32, #tpu.memory_space<hbm>> -> memref<64x128xf32, #tpu.memory_space<hbm>>
            tpu.enqueue_dma source(%dma_start3A_180 : memref<64x128xf32, #tpu.memory_space<hbm>>) target(%dma_start3A_178 : memref<64x128xf32, #tpu.memory_space<vmem>>) target_semaphore(%arg8 : memref<!tpu.dma_semaphore, #tpu.memory_space<semaphore_mem>>)
          } else {
          }
          %dma_wait3A = arith.constant 1 : i32
          %dma_wait3A_121 = arith.constant 0 : i32
          %dma_wait3A_122 = arith.constant 0 : i32
          %dma_wait3A_123 = tpu.memref_slice %arg5[%dma_wait3A, %dma_wait3A_121, %dma_wait3A_122] : memref<2x64x128xf32, #tpu.memory_space<vmem>> -> memref<1x64x128xf32, #tpu.memory_space<vmem>>
          %dma_wait3A_124 = tpu.memref_squeeze %dma_wait3A_123 : memref<1x64x128xf32, #tpu.memory_space<vmem>> -> memref<64x128xf32, #tpu.memory_space<vmem>>
          %dma_wait3A_125 = arith.constant 0 : i32
          %dma_wait3A_126 = arith.constant 0 : i32
          %dma_wait3A_127 = tpu.memref_slice %arg2[%dma_wait3A_125, %dma_wait3A_126] : memref<64x1000000xf32, #tpu.memory_space<hbm>> -> memref<64x128xf32, #tpu.memory_space<hbm>>
          %dma_wait3A_128 = arith.constant 0 : i32
          %dma_wait3A_129 = arith.constant 0 : i32
          %dma_wait3A_130 = tpu.memref_slice %arg5[%dma_wait3A, %dma_wait3A_128, %dma_wait3A_129] : memref<2x64x128xf32, #tpu.memory_space<vmem>> -> memref<1x64x128xf32, #tpu.memory_space<vmem>>
          %dma_wait3A_131 = tpu.memref_squeeze %dma_wait3A_130 : memref<1x64x128xf32, #tpu.memory_space<vmem>> -> memref<64x128xf32, #tpu.memory_space<vmem>>
          %dma_wait3A_132 = arith.constant 0 : i32
          %dma_wait3A_133 = arith.constant 0 : i32
          %dma_wait3A_134 = tpu.memref_slice %arg2[%dma_wait3A_132, %dma_wait3A_133] : memref<64x1000000xf32, #tpu.memory_space<hbm>> -> memref<64x128xf32, #tpu.memory_space<hbm>>
          tpu.wait_dma2 semaphore(%arg9 : memref<!tpu.dma_semaphore, #tpu.memory_space<semaphore_mem>>) src(%dma_wait3A_134 : memref<64x128xf32, #tpu.memory_space<hbm>>) dst(%dma_wait3A_131 : memref<64x128xf32, #tpu.memory_space<vmem>>)
          %ge3A = arith.constant 2 : i32
          %ge3A_135 = arith.cmpi sge, %add3A_103, %ge3A : i32
          %convert_element_type3A_136 = arith.extui %ge3A_135 : i1 to i32
          %cond3A_137 = arith.constant 0 : i32
          %cond3A_138 = arith.cmpi ne, %convert_element_type3A_136, %cond3A_137 : i32
          scf.if %cond3A_138 {
            %dma_wait3A_161 = arith.constant 1 : i32
            %dma_wait3A_162 = arith.constant 0 : i32
            %dma_wait3A_163 = arith.constant 0 : i32
            %dma_wait3A_164 = tpu.memref_slice %arg6[%dma_wait3A_161, %dma_wait3A_162, %dma_wait3A_163] : memref<2x64x128xf32, #tpu.memory_space<vmem>> -> memref<1x64x128xf32, #tpu.memory_space<vmem>>
            %dma_wait3A_165 = tpu.memref_squeeze %dma_wait3A_164 : memref<1x64x128xf32, #tpu.memory_space<vmem>> -> memref<64x128xf32, #tpu.memory_space<vmem>>
            %dma_wait3A_166 = arith.constant 0 : i32
            %dma_wait3A_167 = arith.constant 0 : i32
            %dma_wait3A_168 = tpu.memref_slice %arg4[%dma_wait3A_166, %dma_wait3A_167] : memref<500000x128xf32, #tpu.memory_space<hbm>> -> memref<64x128xf32, #tpu.memory_space<hbm>>
            %dma_wait3A_169 = arith.constant 0 : i32
            %dma_wait3A_170 = arith.constant 0 : i32
            %dma_wait3A_171 = tpu.memref_slice %arg6[%dma_wait3A_161, %dma_wait3A_169, %dma_wait3A_170] : memref<2x64x128xf32, #tpu.memory_space<vmem>> -> memref<1x64x128xf32, #tpu.memory_space<vmem>>
            %dma_wait3A_172 = tpu.memref_squeeze %dma_wait3A_171 : memref<1x64x128xf32, #tpu.memory_space<vmem>> -> memref<64x128xf32, #tpu.memory_space<vmem>>
            %dma_wait3A_173 = arith.constant 0 : i32
            %dma_wait3A_174 = arith.constant 0 : i32
            %dma_wait3A_175 = tpu.memref_slice %arg4[%dma_wait3A_173, %dma_wait3A_174] : memref<500000x128xf32, #tpu.memory_space<hbm>> -> memref<64x128xf32, #tpu.memory_space<hbm>>
            tpu.wait_dma2 semaphore(%arg11 : memref<!tpu.dma_semaphore, #tpu.memory_space<semaphore_mem>>) src(%dma_wait3A_175 : memref<64x128xf32, #tpu.memory_space<hbm>>) dst(%dma_wait3A_172 : memref<64x128xf32, #tpu.memory_space<vmem>>)
          } else {
          }
          %iota3A = tpu.iota {dimensions = array<i32: 0>} : vector<16xi32>
          %scan3A = arith.constant 0 : i32
          %scan3A_139 = arith.constant 64 : i32
          %scan3A_140 = arith.addi %scan3A, %scan3A_139 : i32
          %scan3A_141 = arith.constant 2 : i32
          scf.for %scan3A_161 = %scan3A to %scan3A_140 step %scan3A_141  : i32 {
            %mul3A_162 = arith.constant 1 : i32
            %mul3A_163 = arith.muli %scan3A_161, %mul3A_162 : i32
            %add3A_164 = arith.constant 0 : i32
            %add3A_165 = arith.addi %add3A_164, %mul3A_163 : i32
            %add3A_166 = arith.constant 0 : i32
            %add3A_167 = vector.broadcast %add3A_166 : i32 to vector<16xi32>
            %add3A_168 = arith.addi %iota3A, %add3A_167 : vector<16xi32>
            %broadcast_in_dim3A = arith.constant 0 : i32
            %broadcast_in_dim3A_169 = vector.broadcast %broadcast_in_dim3A : i32 to vector<16xi32>
            %mul3A_170 = arith.constant 2 : i32
            %mul3A_171 = arith.muli %mul3A_170, %add3A_165 : i32
            %add3A_172 = arith.constant 0 : i32
            %add3A_173 = arith.addi %mul3A_171, %add3A_172 : i32
            %add3A_174 = vector.broadcast %add3A_173 : i32 to vector<16xi32>
            %add3A_175 = arith.addi %broadcast_in_dim3A_169, %add3A_174 : vector<16xi32>
            %gather3A = arith.constant 1 : i32
            %gather3A_176 = arith.constant 0 : i32
            %gather3A_177 = arith.constant 0 : i32
            %gather3A_178 = tpu.memref_slice %arg5[%gather3A, %gather3A_176, %gather3A_177] : memref<2x64x128xf32, #tpu.memory_space<vmem>> -> memref<1x64x128xf32, #tpu.memory_space<vmem>>
            %gather3A_179 = tpu.memref_squeeze %gather3A_178 : memref<1x64x128xf32, #tpu.memory_space<vmem>> -> memref<64x128xf32, #tpu.memory_space<vmem>>
            %gather3A_180 = tpu.vector_load_idx %gather3A_179[%add3A_168, %add3A_175] : memref<64x128xf32, #tpu.memory_space<vmem>>[vector<16xi32>, vector<16xi32>], vector<16xf32>,
            %swap3A = arith.constant 1 : i32
            %swap3A_181 = arith.index_cast %swap3A : i32 to index
            %swap3A_182 = arith.index_cast %add3A_165 : i32 to index
            %swap3A_183 = arith.constant 0 : index
            %swap3A_184 = tpu.vector_load %arg6[%swap3A_181, %swap3A_182, %swap3A_183] {strides = array<i32>} : memref<2x64x128xf32, #tpu.memory_space<vmem>>, vector<16xf32>,
            tpu.vector_store %arg6[%swap3A_181, %swap3A_182, %swap3A_183], %gather3A_180 {strides = array<i32>} : memref<2x64x128xf32, #tpu.memory_space<vmem>>, vector<16xf32>,
            %add3A_185 = arith.constant 16 : i32
            %add3A_186 = vector.broadcast %add3A_185 : i32 to vector<16xi32>
            %add3A_187 = arith.addi %iota3A, %add3A_186 : vector<16xi32>
            %broadcast_in_dim3A_188 = arith.constant 0 : i32
            %broadcast_in_dim3A_189 = vector.broadcast %broadcast_in_dim3A_188 : i32 to vector<16xi32>
            %mul3A_190 = arith.constant 2 : i32
            %mul3A_191 = arith.muli %mul3A_190, %add3A_165 : i32
            %add3A_192 = arith.constant 0 : i32
            %add3A_193 = arith.addi %mul3A_191, %add3A_192 : i32
            %add3A_194 = vector.broadcast %add3A_193 : i32 to vector<16xi32>
            %add3A_195 = arith.addi %broadcast_in_dim3A_189, %add3A_194 : vector<16xi32>
            %gather3A_196 = arith.constant 1 : i32
            %gather3A_197 = arith.constant 0 : i32
            %gather3A_198 = arith.constant 0 : i32
            %gather3A_199 = tpu.memref_slice %arg5[%gather3A_196, %gather3A_197, %gather3A_198] : memref<2x64x128xf32, #tpu.memory_space<vmem>> -> memref<1x64x128xf32, #tpu.memory_space<vmem>>
            %gather3A_200 = tpu.memref_squeeze %gather3A_199 : memref<1x64x128xf32, #tpu.memory_space<vmem>> -> memref<64x128xf32, #tpu.memory_space<vmem>>
            %gather3A_201 = tpu.vector_load_idx %gather3A_200[%add3A_187, %add3A_195] : memref<64x128xf32, #tpu.memory_space<vmem>>[vector<16xi32>, vector<16xi32>], vector<16xf32>,
            %swap3A_202 = arith.constant 1 : i32
            %swap3A_203 = arith.index_cast %swap3A_202 : i32 to index
            %swap3A_204 = arith.index_cast %add3A_165 : i32 to index
            %swap3A_205 = arith.constant 16 : index
            %swap3A_206 = tpu.vector_load %arg6[%swap3A_203, %swap3A_204, %swap3A_205] {strides = array<i32>} : memref<2x64x128xf32, #tpu.memory_space<vmem>>, vector<16xf32>,
            tpu.vector_store %arg6[%swap3A_203, %swap3A_204, %swap3A_205], %gather3A_201 {strides = array<i32>} : memref<2x64x128xf32, #tpu.memory_space<vmem>>, vector<16xf32>,
            %add3A_207 = arith.constant 32 : i32
            %add3A_208 = vector.broadcast %add3A_207 : i32 to vector<16xi32>
            %add3A_209 = arith.addi %iota3A, %add3A_208 : vector<16xi32>
            %broadcast_in_dim3A_210 = arith.constant 0 : i32
            %broadcast_in_dim3A_211 = vector.broadcast %broadcast_in_dim3A_210 : i32 to vector<16xi32>
            %mul3A_212 = arith.constant 2 : i32
            %mul3A_213 = arith.muli %mul3A_212, %add3A_165 : i32
            %add3A_214 = arith.constant 0 : i32
            %add3A_215 = arith.addi %mul3A_213, %add3A_214 : i32
            %add3A_216 = vector.broadcast %add3A_215 : i32 to vector<16xi32>
            %add3A_217 = arith.addi %broadcast_in_dim3A_211, %add3A_216 : vector<16xi32>
            %gather3A_218 = arith.constant 1 : i32
            %gather3A_219 = arith.constant 0 : i32
            %gather3A_220 = arith.constant 0 : i32
            %gather3A_221 = tpu.memref_slice %arg5[%gather3A_218, %gather3A_219, %gather3A_220] : memref<2x64x128xf32, #tpu.memory_space<vmem>> -> memref<1x64x128xf32, #tpu.memory_space<vmem>>
            %gather3A_222 = tpu.memref_squeeze %gather3A_221 : memref<1x64x128xf32, #tpu.memory_space<vmem>> -> memref<64x128xf32, #tpu.memory_space<vmem>>
            %gather3A_223 = tpu.vector_load_idx %gather3A_222[%add3A_209, %add3A_217] : memref<64x128xf32, #tpu.memory_space<vmem>>[vector<16xi32>, vector<16xi32>], vector<16xf32>,
            %swap3A_224 = arith.constant 1 : i32
            %swap3A_225 = arith.index_cast %swap3A_224 : i32 to index
            %swap3A_226 = arith.index_cast %add3A_165 : i32 to index
            %swap3A_227 = arith.constant 32 : index
            %swap3A_228 = tpu.vector_load %arg6[%swap3A_225, %swap3A_226, %swap3A_227] {strides = array<i32>} : memref<2x64x128xf32, #tpu.memory_space<vmem>>, vector<16xf32>,
            tpu.vector_store %arg6[%swap3A_225, %swap3A_226, %swap3A_227], %gather3A_223 {strides = array<i32>} : memref<2x64x128xf32, #tpu.memory_space<vmem>>, vector<16xf32>,
            %add3A_229 = arith.constant 48 : i32
            %add3A_230 = vector.broadcast %add3A_229 : i32 to vector<16xi32>
            %add3A_231 = arith.addi %iota3A, %add3A_230 : vector<16xi32>
            %broadcast_in_dim3A_232 = arith.constant 0 : i32
            %broadcast_in_dim3A_233 = vector.broadcast %broadcast_in_dim3A_232 : i32 to vector<16xi32>
            %mul3A_234 = arith.constant 2 : i32
            %mul3A_235 = arith.muli %mul3A_234, %add3A_165 : i32
            %add3A_236 = arith.constant 0 : i32
            %add3A_237 = arith.addi %mul3A_235, %add3A_236 : i32
            %add3A_238 = vector.broadcast %add3A_237 : i32 to vector<16xi32>
            %add3A_239 = arith.addi %broadcast_in_dim3A_233, %add3A_238 : vector<16xi32>
            %gather3A_240 = arith.constant 1 : i32
            %gather3A_241 = arith.constant 0 : i32
            %gather3A_242 = arith.constant 0 : i32
            %gather3A_243 = tpu.memref_slice %arg5[%gather3A_240, %gather3A_241, %gather3A_242] : memref<2x64x128xf32, #tpu.memory_space<vmem>> -> memref<1x64x128xf32, #tpu.memory_space<vmem>>
            %gather3A_244 = tpu.memref_squeeze %gather3A_243 : memref<1x64x128xf32, #tpu.memory_space<vmem>> -> memref<64x128xf32, #tpu.memory_space<vmem>>
            %gather3A_245 = tpu.vector_load_idx %gather3A_244[%add3A_231, %add3A_239] : memref<64x128xf32, #tpu.memory_space<vmem>>[vector<16xi32>, vector<16xi32>], vector<16xf32>,
            %swap3A_246 = arith.constant 1 : i32
            %swap3A_247 = arith.index_cast %swap3A_246 : i32 to index
            %swap3A_248 = arith.index_cast %add3A_165 : i32 to index
            %swap3A_249 = arith.constant 48 : index
            %swap3A_250 = tpu.vector_load %arg6[%swap3A_247, %swap3A_248, %swap3A_249] {strides = array<i32>} : memref<2x64x128xf32, #tpu.memory_space<vmem>>, vector<16xf32>,
            tpu.vector_store %arg6[%swap3A_247, %swap3A_248, %swap3A_249], %gather3A_245 {strides = array<i32>} : memref<2x64x128xf32, #tpu.memory_space<vmem>>, vector<16xf32>,
            %add3A_251 = arith.constant 0 : i32
            %add3A_252 = vector.broadcast %add3A_251 : i32 to vector<16xi32>
            %add3A_253 = arith.addi %iota3A, %add3A_252 : vector<16xi32>
            %broadcast_in_dim3A_254 = arith.constant 0 : i32
            %broadcast_in_dim3A_255 = vector.broadcast %broadcast_in_dim3A_254 : i32 to vector<16xi32>
            %mul3A_256 = arith.constant 2 : i32
            %mul3A_257 = arith.muli %mul3A_256, %add3A_165 : i32
            %add3A_258 = arith.constant 1 : i32
            %add3A_259 = arith.addi %mul3A_257, %add3A_258 : i32
            %add3A_260 = vector.broadcast %add3A_259 : i32 to vector<16xi32>
            %add3A_261 = arith.addi %broadcast_in_dim3A_255, %add3A_260 : vector<16xi32>
            %gather3A_262 = arith.constant 1 : i32
            %gather3A_263 = arith.constant 0 : i32
            %gather3A_264 = arith.constant 0 : i32
            %gather3A_265 = tpu.memref_slice %arg5[%gather3A_262, %gather3A_263, %gather3A_264] : memref<2x64x128xf32, #tpu.memory_space<vmem>> -> memref<1x64x128xf32, #tpu.memory_space<vmem>>
            %gather3A_266 = tpu.memref_squeeze %gather3A_265 : memref<1x64x128xf32, #tpu.memory_space<vmem>> -> memref<64x128xf32, #tpu.memory_space<vmem>>
            %gather3A_267 = tpu.vector_load_idx %gather3A_266[%add3A_253, %add3A_261] : memref<64x128xf32, #tpu.memory_space<vmem>>[vector<16xi32>, vector<16xi32>], vector<16xf32>,
            %swap3A_268 = arith.constant 1 : i32
            %swap3A_269 = arith.index_cast %swap3A_268 : i32 to index
            %swap3A_270 = arith.index_cast %add3A_165 : i32 to index
            %swap3A_271 = arith.constant 64 : index
            %swap3A_272 = tpu.vector_load %arg6[%swap3A_269, %swap3A_270, %swap3A_271] {strides = array<i32>} : memref<2x64x128xf32, #tpu.memory_space<vmem>>, vector<16xf32>,
            tpu.vector_store %arg6[%swap3A_269, %swap3A_270, %swap3A_271], %gather3A_267 {strides = array<i32>} : memref<2x64x128xf32, #tpu.memory_space<vmem>>, vector<16xf32>,
            %add3A_273 = arith.constant 16 : i32
            %add3A_274 = vector.broadcast %add3A_273 : i32 to vector<16xi32>
            %add3A_275 = arith.addi %iota3A, %add3A_274 : vector<16xi32>
            %broadcast_in_dim3A_276 = arith.constant 0 : i32
            %broadcast_in_dim3A_277 = vector.broadcast %broadcast_in_dim3A_276 : i32 to vector<16xi32>
            %mul3A_278 = arith.constant 2 : i32
            %mul3A_279 = arith.muli %mul3A_278, %add3A_165 : i32
            %add3A_280 = arith.constant 1 : i32
            %add3A_281 = arith.addi %mul3A_279, %add3A_280 : i32
            %add3A_282 = vector.broadcast %add3A_281 : i32 to vector<16xi32>
            %add3A_283 = arith.addi %broadcast_in_dim3A_277, %add3A_282 : vector<16xi32>
            %gather3A_284 = arith.constant 1 : i32
            %gather3A_285 = arith.constant 0 : i32
            %gather3A_286 = arith.constant 0 : i32
            %gather3A_287 = tpu.memref_slice %arg5[%gather3A_284, %gather3A_285, %gather3A_286] : memref<2x64x128xf32, #tpu.memory_space<vmem>> -> memref<1x64x128xf32, #tpu.memory_space<vmem>>
            %gather3A_288 = tpu.memref_squeeze %gather3A_287 : memref<1x64x128xf32, #tpu.memory_space<vmem>> -> memref<64x128xf32, #tpu.memory_space<vmem>>
            %gather3A_289 = tpu.vector_load_idx %gather3A_288[%add3A_275, %add3A_283] : memref<64x128xf32, #tpu.memory_space<vmem>>[vector<16xi32>, vector<16xi32>], vector<16xf32>,
            %swap3A_290 = arith.constant 1 : i32
            %swap3A_291 = arith.index_cast %swap3A_290 : i32 to index
            %swap3A_292 = arith.index_cast %add3A_165 : i32 to index
            %swap3A_293 = arith.constant 80 : index
            %swap3A_294 = tpu.vector_load %arg6[%swap3A_291, %swap3A_292, %swap3A_293] {strides = array<i32>} : memref<2x64x128xf32, #tpu.memory_space<vmem>>, vector<16xf32>,
            tpu.vector_store %arg6[%swap3A_291, %swap3A_292, %swap3A_293], %gather3A_289 {strides = array<i32>} : memref<2x64x128xf32, #tpu.memory_space<vmem>>, vector<16xf32>,
            %add3A_295 = arith.constant 32 : i32
            %add3A_296 = vector.broadcast %add3A_295 : i32 to vector<16xi32>
            %add3A_297 = arith.addi %iota3A, %add3A_296 : vector<16xi32>
            %broadcast_in_dim3A_298 = arith.constant 0 : i32
            %broadcast_in_dim3A_299 = vector.broadcast %broadcast_in_dim3A_298 : i32 to vector<16xi32>
            %mul3A_300 = arith.constant 2 : i32
            %mul3A_301 = arith.muli %mul3A_300, %add3A_165 : i32
            %add3A_302 = arith.constant 1 : i32
            %add3A_303 = arith.addi %mul3A_301, %add3A_302 : i32
            %add3A_304 = vector.broadcast %add3A_303 : i32 to vector<16xi32>
            %add3A_305 = arith.addi %broadcast_in_dim3A_299, %add3A_304 : vector<16xi32>
            %gather3A_306 = arith.constant 1 : i32
            %gather3A_307 = arith.constant 0 : i32
            %gather3A_308 = arith.constant 0 : i32
            %gather3A_309 = tpu.memref_slice %arg5[%gather3A_306, %gather3A_307, %gather3A_308] : memref<2x64x128xf32, #tpu.memory_space<vmem>> -> memref<1x64x128xf32, #tpu.memory_space<vmem>>
            %gather3A_310 = tpu.memref_squeeze %gather3A_309 : memref<1x64x128xf32, #tpu.memory_space<vmem>> -> memref<64x128xf32, #tpu.memory_space<vmem>>
            %gather3A_311 = tpu.vector_load_idx %gather3A_310[%add3A_297, %add3A_305] : memref<64x128xf32, #tpu.memory_space<vmem>>[vector<16xi32>, vector<16xi32>], vector<16xf32>,
            %swap3A_312 = arith.constant 1 : i32
            %swap3A_313 = arith.index_cast %swap3A_312 : i32 to index
            %swap3A_314 = arith.index_cast %add3A_165 : i32 to index
            %swap3A_315 = arith.constant 96 : index
            %swap3A_316 = tpu.vector_load %arg6[%swap3A_313, %swap3A_314, %swap3A_315] {strides = array<i32>} : memref<2x64x128xf32, #tpu.memory_space<vmem>>, vector<16xf32>,
            tpu.vector_store %arg6[%swap3A_313, %swap3A_314, %swap3A_315], %gather3A_311 {strides = array<i32>} : memref<2x64x128xf32, #tpu.memory_space<vmem>>, vector<16xf32>,
            %add3A_317 = arith.constant 48 : i32
            %add3A_318 = vector.broadcast %add3A_317 : i32 to vector<16xi32>
            %add3A_319 = arith.addi %iota3A, %add3A_318 : vector<16xi32>
            %broadcast_in_dim3A_320 = arith.constant 0 : i32
            %broadcast_in_dim3A_321 = vector.broadcast %broadcast_in_dim3A_320 : i32 to vector<16xi32>
            %mul3A_322 = arith.constant 2 : i32
            %mul3A_323 = arith.muli %mul3A_322, %add3A_165 : i32
            %add3A_324 = arith.constant 1 : i32
            %add3A_325 = arith.addi %mul3A_323, %add3A_324 : i32
            %add3A_326 = vector.broadcast %add3A_325 : i32 to vector<16xi32>
            %add3A_327 = arith.addi %broadcast_in_dim3A_321, %add3A_326 : vector<16xi32>
            %gather3A_328 = arith.constant 1 : i32
            %gather3A_329 = arith.constant 0 : i32
            %gather3A_330 = arith.constant 0 : i32
            %gather3A_331 = tpu.memref_slice %arg5[%gather3A_328, %gather3A_329, %gather3A_330] : memref<2x64x128xf32, #tpu.memory_space<vmem>> -> memref<1x64x128xf32, #tpu.memory_space<vmem>>
            %gather3A_332 = tpu.memref_squeeze %gather3A_331 : memref<1x64x128xf32, #tpu.memory_space<vmem>> -> memref<64x128xf32, #tpu.memory_space<vmem>>
            %gather3A_333 = tpu.vector_load_idx %gather3A_332[%add3A_319, %add3A_327] : memref<64x128xf32, #tpu.memory_space<vmem>>[vector<16xi32>, vector<16xi32>], vector<16xf32>,
            %swap3A_334 = arith.constant 1 : i32
            %swap3A_335 = arith.index_cast %swap3A_334 : i32 to index
            %swap3A_336 = arith.index_cast %add3A_165 : i32 to index
            %swap3A_337 = arith.constant 112 : index
            %swap3A_338 = tpu.vector_load %arg6[%swap3A_335, %swap3A_336, %swap3A_337] {strides = array<i32>} : memref<2x64x128xf32, #tpu.memory_space<vmem>>, vector<16xf32>,
            tpu.vector_store %arg6[%swap3A_335, %swap3A_336, %swap3A_337], %gather3A_333 {strides = array<i32>} : memref<2x64x128xf32, #tpu.memory_space<vmem>>, vector<16xf32>,
            %scan3A_339 = arith.constant 1 : i32
            %scan3A_340 = arith.addi %scan3A_161, %scan3A_339 : i32
            %mul3A_341 = arith.constant 1 : i32
            %mul3A_342 = arith.muli %scan3A_340, %mul3A_341 : i32
            %add3A_343 = arith.constant 0 : i32
            %add3A_344 = arith.addi %add3A_343, %mul3A_342 : i32
            %add3A_345 = arith.constant 0 : i32
            %add3A_346 = vector.broadcast %add3A_345 : i32 to vector<16xi32>
            %add3A_347 = arith.addi %iota3A, %add3A_346 : vector<16xi32>
            %broadcast_in_dim3A_348 = arith.constant 0 : i32
            %broadcast_in_dim3A_349 = vector.broadcast %broadcast_in_dim3A_348 : i32 to vector<16xi32>
            %mul3A_350 = arith.constant 2 : i32
            %mul3A_351 = arith.muli %mul3A_350, %add3A_344 : i32
            %add3A_352 = arith.constant 0 : i32
            %add3A_353 = arith.addi %mul3A_351, %add3A_352 : i32
            %add3A_354 = vector.broadcast %add3A_353 : i32 to vector<16xi32>
            %add3A_355 = arith.addi %broadcast_in_dim3A_349, %add3A_354 : vector<16xi32>
            %gather3A_356 = arith.constant 1 : i32
            %gather3A_357 = arith.constant 0 : i32
            %gather3A_358 = arith.constant 0 : i32
            %gather3A_359 = tpu.memref_slice %arg5[%gather3A_356, %gather3A_357, %gather3A_358] : memref<2x64x128xf32, #tpu.memory_space<vmem>> -> memref<1x64x128xf32, #tpu.memory_space<vmem>>
            %gather3A_360 = tpu.memref_squeeze %gather3A_359 : memref<1x64x128xf32, #tpu.memory_space<vmem>> -> memref<64x128xf32, #tpu.memory_space<vmem>>
            %gather3A_361 = tpu.vector_load_idx %gather3A_360[%add3A_347, %add3A_355] : memref<64x128xf32, #tpu.memory_space<vmem>>[vector<16xi32>, vector<16xi32>], vector<16xf32>,
            %swap3A_362 = arith.constant 1 : i32
            %swap3A_363 = arith.index_cast %swap3A_362 : i32 to index
            %swap3A_364 = arith.index_cast %add3A_344 : i32 to index
            %swap3A_365 = arith.constant 0 : index
            %swap3A_366 = tpu.vector_load %arg6[%swap3A_363, %swap3A_364, %swap3A_365] {strides = array<i32>} : memref<2x64x128xf32, #tpu.memory_space<vmem>>, vector<16xf32>,
            tpu.vector_store %arg6[%swap3A_363, %swap3A_364, %swap3A_365], %gather3A_361 {strides = array<i32>} : memref<2x64x128xf32, #tpu.memory_space<vmem>>, vector<16xf32>,
            %add3A_367 = arith.constant 16 : i32
            %add3A_368 = vector.broadcast %add3A_367 : i32 to vector<16xi32>
            %add3A_369 = arith.addi %iota3A, %add3A_368 : vector<16xi32>
            %broadcast_in_dim3A_370 = arith.constant 0 : i32
            %broadcast_in_dim3A_371 = vector.broadcast %broadcast_in_dim3A_370 : i32 to vector<16xi32>
            %mul3A_372 = arith.constant 2 : i32
            %mul3A_373 = arith.muli %mul3A_372, %add3A_344 : i32
            %add3A_374 = arith.constant 0 : i32
            %add3A_375 = arith.addi %mul3A_373, %add3A_374 : i32
            %add3A_376 = vector.broadcast %add3A_375 : i32 to vector<16xi32>
            %add3A_377 = arith.addi %broadcast_in_dim3A_371, %add3A_376 : vector<16xi32>
            %gather3A_378 = arith.constant 1 : i32
            %gather3A_379 = arith.constant 0 : i32
            %gather3A_380 = arith.constant 0 : i32
            %gather3A_381 = tpu.memref_slice %arg5[%gather3A_378, %gather3A_379, %gather3A_380] : memref<2x64x128xf32, #tpu.memory_space<vmem>> -> memref<1x64x128xf32, #tpu.memory_space<vmem>>
            %gather3A_382 = tpu.memref_squeeze %gather3A_381 : memref<1x64x128xf32, #tpu.memory_space<vmem>> -> memref<64x128xf32, #tpu.memory_space<vmem>>
            %gather3A_383 = tpu.vector_load_idx %gather3A_382[%add3A_369, %add3A_377] : memref<64x128xf32, #tpu.memory_space<vmem>>[vector<16xi32>, vector<16xi32>], vector<16xf32>,
            %swap3A_384 = arith.constant 1 : i32
            %swap3A_385 = arith.index_cast %swap3A_384 : i32 to index
            %swap3A_386 = arith.index_cast %add3A_344 : i32 to index
            %swap3A_387 = arith.constant 16 : index
            %swap3A_388 = tpu.vector_load %arg6[%swap3A_385, %swap3A_386, %swap3A_387] {strides = array<i32>} : memref<2x64x128xf32, #tpu.memory_space<vmem>>, vector<16xf32>,
            tpu.vector_store %arg6[%swap3A_385, %swap3A_386, %swap3A_387], %gather3A_383 {strides = array<i32>} : memref<2x64x128xf32, #tpu.memory_space<vmem>>, vector<16xf32>,
            %add3A_389 = arith.constant 32 : i32
            %add3A_390 = vector.broadcast %add3A_389 : i32 to vector<16xi32>
            %add3A_391 = arith.addi %iota3A, %add3A_390 : vector<16xi32>
            %broadcast_in_dim3A_392 = arith.constant 0 : i32
            %broadcast_in_dim3A_393 = vector.broadcast %broadcast_in_dim3A_392 : i32 to vector<16xi32>
            %mul3A_394 = arith.constant 2 : i32
            %mul3A_395 = arith.muli %mul3A_394, %add3A_344 : i32
            %add3A_396 = arith.constant 0 : i32
            %add3A_397 = arith.addi %mul3A_395, %add3A_396 : i32
            %add3A_398 = vector.broadcast %add3A_397 : i32 to vector<16xi32>
            %add3A_399 = arith.addi %broadcast_in_dim3A_393, %add3A_398 : vector<16xi32>
            %gather3A_400 = arith.constant 1 : i32
            %gather3A_401 = arith.constant 0 : i32
            %gather3A_402 = arith.constant 0 : i32
            %gather3A_403 = tpu.memref_slice %arg5[%gather3A_400, %gather3A_401, %gather3A_402] : memref<2x64x128xf32, #tpu.memory_space<vmem>> -> memref<1x64x128xf32, #tpu.memory_space<vmem>>
            %gather3A_404 = tpu.memref_squeeze %gather3A_403 : memref<1x64x128xf32, #tpu.memory_space<vmem>> -> memref<64x128xf32, #tpu.memory_space<vmem>>
            %gather3A_405 = tpu.vector_load_idx %gather3A_404[%add3A_391, %add3A_399] : memref<64x128xf32, #tpu.memory_space<vmem>>[vector<16xi32>, vector<16xi32>], vector<16xf32>,
            %swap3A_406 = arith.constant 1 : i32
            %swap3A_407 = arith.index_cast %swap3A_406 : i32 to index
            %swap3A_408 = arith.index_cast %add3A_344 : i32 to index
            %swap3A_409 = arith.constant 32 : index
            %swap3A_410 = tpu.vector_load %arg6[%swap3A_407, %swap3A_408, %swap3A_409] {strides = array<i32>} : memref<2x64x128xf32, #tpu.memory_space<vmem>>, vector<16xf32>,
            tpu.vector_store %arg6[%swap3A_407, %swap3A_408, %swap3A_409], %gather3A_405 {strides = array<i32>} : memref<2x64x128xf32, #tpu.memory_space<vmem>>, vector<16xf32>,
            %add3A_411 = arith.constant 48 : i32
            %add3A_412 = vector.broadcast %add3A_411 : i32 to vector<16xi32>
            %add3A_413 = arith.addi %iota3A, %add3A_412 : vector<16xi32>
            %broadcast_in_dim3A_414 = arith.constant 0 : i32
            %broadcast_in_dim3A_415 = vector.broadcast %broadcast_in_dim3A_414 : i32 to vector<16xi32>
            %mul3A_416 = arith.constant 2 : i32
            %mul3A_417 = arith.muli %mul3A_416, %add3A_344 : i32
            %add3A_418 = arith.constant 0 : i32
            %add3A_419 = arith.addi %mul3A_417, %add3A_418 : i32
            %add3A_420 = vector.broadcast %add3A_419 : i32 to vector<16xi32>
            %add3A_421 = arith.addi %broadcast_in_dim3A_415, %add3A_420 : vector<16xi32>
            %gather3A_422 = arith.constant 1 : i32
            %gather3A_423 = arith.constant 0 : i32
            %gather3A_424 = arith.constant 0 : i32
            %gather3A_425 = tpu.memref_slice %arg5[%gather3A_422, %gather3A_423, %gather3A_424] : memref<2x64x128xf32, #tpu.memory_space<vmem>> -> memref<1x64x128xf32, #tpu.memory_space<vmem>>
            %gather3A_426 = tpu.memref_squeeze %gather3A_425 : memref<1x64x128xf32, #tpu.memory_space<vmem>> -> memref<64x128xf32, #tpu.memory_space<vmem>>
            %gather3A_427 = tpu.vector_load_idx %gather3A_426[%add3A_413, %add3A_421] : memref<64x128xf32, #tpu.memory_space<vmem>>[vector<16xi32>, vector<16xi32>], vector<16xf32>,
            %swap3A_428 = arith.constant 1 : i32
            %swap3A_429 = arith.index_cast %swap3A_428 : i32 to index
            %swap3A_430 = arith.index_cast %add3A_344 : i32 to index
            %swap3A_431 = arith.constant 48 : index
            %swap3A_432 = tpu.vector_load %arg6[%swap3A_429, %swap3A_430, %swap3A_431] {strides = array<i32>} : memref<2x64x128xf32, #tpu.memory_space<vmem>>, vector<16xf32>,
            tpu.vector_store %arg6[%swap3A_429, %swap3A_430, %swap3A_431], %gather3A_427 {strides = array<i32>} : memref<2x64x128xf32, #tpu.memory_space<vmem>>, vector<16xf32>,
            %add3A_433 = arith.constant 0 : i32
            %add3A_434 = vector.broadcast %add3A_433 : i32 to vector<16xi32>
            %add3A_435 = arith.addi %iota3A, %add3A_434 : vector<16xi32>
            %broadcast_in_dim3A_436 = arith.constant 0 : i32
            %broadcast_in_dim3A_437 = vector.broadcast %broadcast_in_dim3A_436 : i32 to vector<16xi32>
            %mul3A_438 = arith.constant 2 : i32
            %mul3A_439 = arith.muli %mul3A_438, %add3A_344 : i32
            %add3A_440 = arith.constant 1 : i32
            %add3A_441 = arith.addi %mul3A_439, %add3A_440 : i32
            %add3A_442 = vector.broadcast %add3A_441 : i32 to vector<16xi32>
            %add3A_443 = arith.addi %broadcast_in_dim3A_437, %add3A_442 : vector<16xi32>
            %gather3A_444 = arith.constant 1 : i32
            %gather3A_445 = arith.constant 0 : i32
            %gather3A_446 = arith.constant 0 : i32
            %gather3A_447 = tpu.memref_slice %arg5[%gather3A_444, %gather3A_445, %gather3A_446] : memref<2x64x128xf32, #tpu.memory_space<vmem>> -> memref<1x64x128xf32, #tpu.memory_space<vmem>>
            %gather3A_448 = tpu.memref_squeeze %gather3A_447 : memref<1x64x128xf32, #tpu.memory_space<vmem>> -> memref<64x128xf32, #tpu.memory_space<vmem>>
            %gather3A_449 = tpu.vector_load_idx %gather3A_448[%add3A_435, %add3A_443] : memref<64x128xf32, #tpu.memory_space<vmem>>[vector<16xi32>, vector<16xi32>], vector<16xf32>,
            %swap3A_450 = arith.constant 1 : i32
            %swap3A_451 = arith.index_cast %swap3A_450 : i32 to index
            %swap3A_452 = arith.index_cast %add3A_344 : i32 to index
            %swap3A_453 = arith.constant 64 : index
            %swap3A_454 = tpu.vector_load %arg6[%swap3A_451, %swap3A_452, %swap3A_453] {strides = array<i32>} : memref<2x64x128xf32, #tpu.memory_space<vmem>>, vector<16xf32>,
            tpu.vector_store %arg6[%swap3A_451, %swap3A_452, %swap3A_453], %gather3A_449 {strides = array<i32>} : memref<2x64x128xf32, #tpu.memory_space<vmem>>, vector<16xf32>,
            %add3A_455 = arith.constant 16 : i32
            %add3A_456 = vector.broadcast %add3A_455 : i32 to vector<16xi32>
            %add3A_457 = arith.addi %iota3A, %add3A_456 : vector<16xi32>
            %broadcast_in_dim3A_458 = arith.constant 0 : i32
            %broadcast_in_dim3A_459 = vector.broadcast %broadcast_in_dim3A_458 : i32 to vector<16xi32>
            %mul3A_460 = arith.constant 2 : i32
            %mul3A_461 = arith.muli %mul3A_460, %add3A_344 : i32
            %add3A_462 = arith.constant 1 : i32
            %add3A_463 = arith.addi %mul3A_461, %add3A_462 : i32
            %add3A_464 = vector.broadcast %add3A_463 : i32 to vector<16xi32>
            %add3A_465 = arith.addi %broadcast_in_dim3A_459, %add3A_464 : vector<16xi32>
            %gather3A_466 = arith.constant 1 : i32
            %gather3A_467 = arith.constant 0 : i32
            %gather3A_468 = arith.constant 0 : i32
            %gather3A_469 = tpu.memref_slice %arg5[%gather3A_466, %gather3A_467, %gather3A_468] : memref<2x64x128xf32, #tpu.memory_space<vmem>> -> memref<1x64x128xf32, #tpu.memory_space<vmem>>
            %gather3A_470 = tpu.memref_squeeze %gather3A_469 : memref<1x64x128xf32, #tpu.memory_space<vmem>> -> memref<64x128xf32, #tpu.memory_space<vmem>>
            %gather3A_471 = tpu.vector_load_idx %gather3A_470[%add3A_457, %add3A_465] : memref<64x128xf32, #tpu.memory_space<vmem>>[vector<16xi32>, vector<16xi32>], vector<16xf32>,
            %swap3A_472 = arith.constant 1 : i32
            %swap3A_473 = arith.index_cast %swap3A_472 : i32 to index
            %swap3A_474 = arith.index_cast %add3A_344 : i32 to index
            %swap3A_475 = arith.constant 80 : index
            %swap3A_476 = tpu.vector_load %arg6[%swap3A_473, %swap3A_474, %swap3A_475] {strides = array<i32>} : memref<2x64x128xf32, #tpu.memory_space<vmem>>, vector<16xf32>,
            tpu.vector_store %arg6[%swap3A_473, %swap3A_474, %swap3A_475], %gather3A_471 {strides = array<i32>} : memref<2x64x128xf32, #tpu.memory_space<vmem>>, vector<16xf32>,
            %add3A_477 = arith.constant 32 : i32
            %add3A_478 = vector.broadcast %add3A_477 : i32 to vector<16xi32>
            %add3A_479 = arith.addi %iota3A, %add3A_478 : vector<16xi32>
            %broadcast_in_dim3A_480 = arith.constant 0 : i32
            %broadcast_in_dim3A_481 = vector.broadcast %broadcast_in_dim3A_480 : i32 to vector<16xi32>
            %mul3A_482 = arith.constant 2 : i32
            %mul3A_483 = arith.muli %mul3A_482, %add3A_344 : i32
            %add3A_484 = arith.constant 1 : i32
            %add3A_485 = arith.addi %mul3A_483, %add3A_484 : i32
            %add3A_486 = vector.broadcast %add3A_485 : i32 to vector<16xi32>
            %add3A_487 = arith.addi %broadcast_in_dim3A_481, %add3A_486 : vector<16xi32>
            %gather3A_488 = arith.constant 1 : i32
            %gather3A_489 = arith.constant 0 : i32
            %gather3A_490 = arith.constant 0 : i32
            %gather3A_491 = tpu.memref_slice %arg5[%gather3A_488, %gather3A_489, %gather3A_490] : memref<2x64x128xf32, #tpu.memory_space<vmem>> -> memref<1x64x128xf32, #tpu.memory_space<vmem>>
            %gather3A_492 = tpu.memref_squeeze %gather3A_491 : memref<1x64x128xf32, #tpu.memory_space<vmem>> -> memref<64x128xf32, #tpu.memory_space<vmem>>
            %gather3A_493 = tpu.vector_load_idx %gather3A_492[%add3A_479, %add3A_487] : memref<64x128xf32, #tpu.memory_space<vmem>>[vector<16xi32>, vector<16xi32>], vector<16xf32>,
            %swap3A_494 = arith.constant 1 : i32
            %swap3A_495 = arith.index_cast %swap3A_494 : i32 to index
            %swap3A_496 = arith.index_cast %add3A_344 : i32 to index
            %swap3A_497 = arith.constant 96 : index
            %swap3A_498 = tpu.vector_load %arg6[%swap3A_495, %swap3A_496, %swap3A_497] {strides = array<i32>} : memref<2x64x128xf32, #tpu.memory_space<vmem>>, vector<16xf32>,
            tpu.vector_store %arg6[%swap3A_495, %swap3A_496, %swap3A_497], %gather3A_493 {strides = array<i32>} : memref<2x64x128xf32, #tpu.memory_space<vmem>>, vector<16xf32>,
            %add3A_499 = arith.constant 48 : i32
            %add3A_500 = vector.broadcast %add3A_499 : i32 to vector<16xi32>
            %add3A_501 = arith.addi %iota3A, %add3A_500 : vector<16xi32>
            %broadcast_in_dim3A_502 = arith.constant 0 : i32
            %broadcast_in_dim3A_503 = vector.broadcast %broadcast_in_dim3A_502 : i32 to vector<16xi32>
            %mul3A_504 = arith.constant 2 : i32
            %mul3A_505 = arith.muli %mul3A_504, %add3A_344 : i32
            %add3A_506 = arith.constant 1 : i32
            %add3A_507 = arith.addi %mul3A_505, %add3A_506 : i32
            %add3A_508 = vector.broadcast %add3A_507 : i32 to vector<16xi32>
            %add3A_509 = arith.addi %broadcast_in_dim3A_503, %add3A_508 : vector<16xi32>
            %gather3A_510 = arith.constant 1 : i32
            %gather3A_511 = arith.constant 0 : i32
            %gather3A_512 = arith.constant 0 : i32
            %gather3A_513 = tpu.memref_slice %arg5[%gather3A_510, %gather3A_511, %gather3A_512] : memref<2x64x128xf32, #tpu.memory_space<vmem>> -> memref<1x64x128xf32, #tpu.memory_space<vmem>>
            %gather3A_514 = tpu.memref_squeeze %gather3A_513 : memref<1x64x128xf32, #tpu.memory_space<vmem>> -> memref<64x128xf32, #tpu.memory_space<vmem>>
            %gather3A_515 = tpu.vector_load_idx %gather3A_514[%add3A_501, %add3A_509] : memref<64x128xf32, #tpu.memory_space<vmem>>[vector<16xi32>, vector<16xi32>], vector<16xf32>,
            %swap3A_516 = arith.constant 1 : i32
            %swap3A_517 = arith.index_cast %swap3A_516 : i32 to index
            %swap3A_518 = arith.index_cast %add3A_344 : i32 to index
            %swap3A_519 = arith.constant 112 : index
            %swap3A_520 = tpu.vector_load %arg6[%swap3A_517, %swap3A_518, %swap3A_519] {strides = array<i32>} : memref<2x64x128xf32, #tpu.memory_space<vmem>>, vector<16xf32>,
            tpu.vector_store %arg6[%swap3A_517, %swap3A_518, %swap3A_519], %gather3A_515 {strides = array<i32>} : memref<2x64x128xf32, #tpu.memory_space<vmem>>, vector<16xf32>,
          }
          %scan3A_142 = arith.constant 64 : i32
          %mul3A_143 = arith.constant 32 : i32
          %mul3A_144 = arith.muli %add3A_103, %mul3A_143 : i32
          %add3A_145 = arith.addi %add3A, %mul3A_144 : i32
          %mul3A_146 = arith.constant 64 : i32
          %mul3A_147 = arith.muli %add3A_145, %mul3A_146 : i32
          %dma_start3A_148 = arith.constant 1 : i32
          %dma_start3A_149 = arith.constant 0 : i32
          %dma_start3A_150 = arith.constant 0 : i32
          %dma_start3A_151 = tpu.memref_slice %arg6[%dma_start3A_148, %dma_start3A_149, %dma_start3A_150] : memref<2x64x128xf32, #tpu.memory_space<vmem>> -> memref<1x64x128xf32, #tpu.memory_space<vmem>>
          %dma_start3A_152 = tpu.memref_squeeze %dma_start3A_151 : memref<1x64x128xf32, #tpu.memory_space<vmem>> -> memref<64x128xf32, #tpu.memory_space<vmem>>
          %dma_start3A_153 = arith.constant 0 : i32
          %dma_start3A_154 = tpu.memref_slice %arg4[%mul3A_147, %dma_start3A_153] : memref<500000x128xf32, #tpu.memory_space<hbm>> -> memref<64x128xf32, #tpu.memory_space<hbm>>
          %dma_start3A_155 = arith.constant 0 : i32
          %dma_start3A_156 = tpu.memref_slice %arg4[%mul3A_147, %dma_start3A_155] : memref<500000x128xf32, #tpu.memory_space<hbm>> -> memref<64x128xf32, #tpu.memory_space<hbm>>
          %dma_start3A_157 = arith.constant 0 : i32
          %dma_start3A_158 = arith.constant 0 : i32
          %dma_start3A_159 = tpu.memref_slice %arg6[%dma_start3A_148, %dma_start3A_157, %dma_start3A_158] : memref<2x64x128xf32, #tpu.memory_space<vmem>> -> memref<1x64x128xf32, #tpu.memory_space<vmem>>
          %dma_start3A_160 = tpu.memref_squeeze %dma_start3A_159 : memref<1x64x128xf32, #tpu.memory_space<vmem>> -> memref<64x128xf32, #tpu.memory_space<vmem>>
          tpu.enqueue_dma source(%dma_start3A_160 : memref<64x128xf32, #tpu.memory_space<vmem>>) target(%dma_start3A_156 : memref<64x128xf32, #tpu.memory_space<hbm>>) target_semaphore(%arg11 : memref<!tpu.dma_semaphore, #tpu.memory_space<semaphore_mem>>)
        } else {
        }
      }
      %gt3A_63 = arith.constant 1 : i32
      %gt3A_64 = arith.cmpi sgt, %select_n3A, %gt3A_63 : i32
      %rem3A_65 = arith.constant 2 : i32
      %rem3A_66 = arith.remsi %select_n3A, %rem3A_65 : i32
      %eq3A_67 = arith.constant 0 : i32
      %eq3A_68 = arith.cmpi eq, %rem3A_66, %eq3A_67 : i32
      %and3A_69 = arith.andi %gt3A_64, %eq3A_68 : i1
      %convert_element_type3A_70 = arith.extui %and3A_69 : i1 to i32
      %cond3A_71 = arith.constant 0 : i32
      %cond3A_72 = arith.cmpi ne, %convert_element_type3A_70, %cond3A_71 : i32
      scf.if %cond3A_72 {
        %dma_wait3A = arith.constant 0 : i32
        %dma_wait3A_101 = arith.constant 0 : i32
        %dma_wait3A_102 = arith.constant 0 : i32
        %dma_wait3A_103 = tpu.memref_slice %arg6[%dma_wait3A, %dma_wait3A_101, %dma_wait3A_102] : memref<2x64x128xf32, #tpu.memory_space<vmem>> -> memref<1x64x128xf32, #tpu.memory_space<vmem>>
        %dma_wait3A_104 = tpu.memref_squeeze %dma_wait3A_103 : memref<1x64x128xf32, #tpu.memory_space<vmem>> -> memref<64x128xf32, #tpu.memory_space<vmem>>
        %dma_wait3A_105 = arith.constant 0 : i32
        %dma_wait3A_106 = arith.constant 0 : i32
        %dma_wait3A_107 = tpu.memref_slice %arg4[%dma_wait3A_105, %dma_wait3A_106] : memref<500000x128xf32, #tpu.memory_space<hbm>> -> memref<64x128xf32, #tpu.memory_space<hbm>>
        %dma_wait3A_108 = arith.constant 0 : i32
        %dma_wait3A_109 = arith.constant 0 : i32
        %dma_wait3A_110 = tpu.memref_slice %arg6[%dma_wait3A, %dma_wait3A_108, %dma_wait3A_109] : memref<2x64x128xf32, #tpu.memory_space<vmem>> -> memref<1x64x128xf32, #tpu.memory_space<vmem>>
        %dma_wait3A_111 = tpu.memref_squeeze %dma_wait3A_110 : memref<1x64x128xf32, #tpu.memory_space<vmem>> -> memref<64x128xf32, #tpu.memory_space<vmem>>
        %dma_wait3A_112 = arith.constant 0 : i32
        %dma_wait3A_113 = arith.constant 0 : i32
        %dma_wait3A_114 = tpu.memref_slice %arg4[%dma_wait3A_112, %dma_wait3A_113] : memref<500000x128xf32, #tpu.memory_space<hbm>> -> memref<64x128xf32, #tpu.memory_space<hbm>>
        tpu.wait_dma2 semaphore(%arg10 : memref<!tpu.dma_semaphore, #tpu.memory_space<semaphore_mem>>) src(%dma_wait3A_114 : memref<64x128xf32, #tpu.memory_space<hbm>>) dst(%dma_wait3A_111 : memref<64x128xf32, #tpu.memory_space<vmem>>)
      } else {
      }
      %gt3A_73 = arith.constant 1 : i32
      %gt3A_74 = arith.cmpi sgt, %select_n3A, %gt3A_73 : i32
      %rem3A_75 = arith.constant 2 : i32
      %rem3A_76 = arith.remsi %select_n3A, %rem3A_75 : i32
      %eq3A_77 = arith.constant 1 : i32
      %eq3A_78 = arith.cmpi eq, %rem3A_76, %eq3A_77 : i32
      %and3A_79 = arith.andi %gt3A_74, %eq3A_78 : i1
      %convert_element_type3A_80 = arith.extui %and3A_79 : i1 to i32
      %cond3A_81 = arith.constant 0 : i32
      %cond3A_82 = arith.cmpi ne, %convert_element_type3A_80, %cond3A_81 : i32
      scf.if %cond3A_82 {
        %dma_wait3A = arith.constant 1 : i32
        %dma_wait3A_101 = arith.constant 0 : i32
        %dma_wait3A_102 = arith.constant 0 : i32
        %dma_wait3A_103 = tpu.memref_slice %arg6[%dma_wait3A, %dma_wait3A_101, %dma_wait3A_102] : memref<2x64x128xf32, #tpu.memory_space<vmem>> -> memref<1x64x128xf32, #tpu.memory_space<vmem>>
        %dma_wait3A_104 = tpu.memref_squeeze %dma_wait3A_103 : memref<1x64x128xf32, #tpu.memory_space<vmem>> -> memref<64x128xf32, #tpu.memory_space<vmem>>
        %dma_wait3A_105 = arith.constant 0 : i32
        %dma_wait3A_106 = arith.constant 0 : i32
        %dma_wait3A_107 = tpu.memref_slice %arg4[%dma_wait3A_105, %dma_wait3A_106] : memref<500000x128xf32, #tpu.memory_space<hbm>> -> memref<64x128xf32, #tpu.memory_space<hbm>>
        %dma_wait3A_108 = arith.constant 0 : i32
        %dma_wait3A_109 = arith.constant 0 : i32
        %dma_wait3A_110 = tpu.memref_slice %arg6[%dma_wait3A, %dma_wait3A_108, %dma_wait3A_109] : memref<2x64x128xf32, #tpu.memory_space<vmem>> -> memref<1x64x128xf32, #tpu.memory_space<vmem>>
        %dma_wait3A_111 = tpu.memref_squeeze %dma_wait3A_110 : memref<1x64x128xf32, #tpu.memory_space<vmem>> -> memref<64x128xf32, #tpu.memory_space<vmem>>
        %dma_wait3A_112 = arith.constant 0 : i32
        %dma_wait3A_113 = arith.constant 0 : i32
        %dma_wait3A_114 = tpu.memref_slice %arg4[%dma_wait3A_112, %dma_wait3A_113] : memref<500000x128xf32, #tpu.memory_space<hbm>> -> memref<64x128xf32, #tpu.memory_space<hbm>>
        tpu.wait_dma2 semaphore(%arg11 : memref<!tpu.dma_semaphore, #tpu.memory_space<semaphore_mem>>) src(%dma_wait3A_114 : memref<64x128xf32, #tpu.memory_space<hbm>>) dst(%dma_wait3A_111 : memref<64x128xf32, #tpu.memory_space<vmem>>)
      } else {
      }
      %add3A_83 = arith.constant 1 : i32
      %add3A_84 = arith.addi %select_n3A, %add3A_83 : i32
      %rem3A_85 = arith.constant 2 : i32
      %rem3A_86 = arith.remsi %add3A_84, %rem3A_85 : i32
      %eq3A_87 = arith.constant 0 : i32
      %eq3A_88 = arith.cmpi eq, %rem3A_86, %eq3A_87 : i32
      %convert_element_type3A_89 = arith.extui %eq3A_88 : i1 to i32
      %cond3A_90 = arith.constant 0 : i32
      %cond3A_91 = arith.cmpi ne, %convert_element_type3A_89, %cond3A_90 : i32
      scf.if %cond3A_91 {
        %dma_wait3A = arith.constant 0 : i32
        %dma_wait3A_101 = arith.constant 0 : i32
        %dma_wait3A_102 = arith.constant 0 : i32
        %dma_wait3A_103 = tpu.memref_slice %arg6[%dma_wait3A, %dma_wait3A_101, %dma_wait3A_102] : memref<2x64x128xf32, #tpu.memory_space<vmem>> -> memref<1x64x128xf32, #tpu.memory_space<vmem>>
        %dma_wait3A_104 = tpu.memref_squeeze %dma_wait3A_103 : memref<1x64x128xf32, #tpu.memory_space<vmem>> -> memref<64x128xf32, #tpu.memory_space<vmem>>
        %dma_wait3A_105 = arith.constant 0 : i32
        %dma_wait3A_106 = arith.constant 0 : i32
        %dma_wait3A_107 = tpu.memref_slice %arg4[%dma_wait3A_105, %dma_wait3A_106] : memref<500000x128xf32, #tpu.memory_space<hbm>> -> memref<64x128xf32, #tpu.memory_space<hbm>>
        %dma_wait3A_108 = arith.constant 0 : i32
        %dma_wait3A_109 = arith.constant 0 : i32
        %dma_wait3A_110 = tpu.memref_slice %arg6[%dma_wait3A, %dma_wait3A_108, %dma_wait3A_109] : memref<2x64x128xf32, #tpu.memory_space<vmem>> -> memref<1x64x128xf32, #tpu.memory_space<vmem>>
        %dma_wait3A_111 = tpu.memref_squeeze %dma_wait3A_110 : memref<1x64x128xf32, #tpu.memory_space<vmem>> -> memref<64x128xf32, #tpu.memory_space<vmem>>
        %dma_wait3A_112 = arith.constant 0 : i32
        %dma_wait3A_113 = arith.constant 0 : i32
        %dma_wait3A_114 = tpu.memref_slice %arg4[%dma_wait3A_112, %dma_wait3A_113] : memref<500000x128xf32, #tpu.memory_space<hbm>> -> memref<64x128xf32, #tpu.memory_space<hbm>>
        tpu.wait_dma2 semaphore(%arg10 : memref<!tpu.dma_semaphore, #tpu.memory_space<semaphore_mem>>) src(%dma_wait3A_114 : memref<64x128xf32, #tpu.memory_space<hbm>>) dst(%dma_wait3A_111 : memref<64x128xf32, #tpu.memory_space<vmem>>)
      } else {
      }
      %add3A_92 = arith.constant 1 : i32
      %add3A_93 = arith.addi %select_n3A, %add3A_92 : i32
      %rem3A_94 = arith.constant 2 : i32
      %rem3A_95 = arith.remsi %add3A_93, %rem3A_94 : i32
      %eq3A_96 = arith.constant 1 : i32
      %eq3A_97 = arith.cmpi eq, %rem3A_95, %eq3A_96 : i32
      %convert_element_type3A_98 = arith.extui %eq3A_97 : i1 to i32
      %cond3A_99 = arith.constant 0 : i32
      %cond3A_100 = arith.cmpi ne, %convert_element_type3A_98, %cond3A_99 : i32
      scf.if %cond3A_100 {
        %dma_wait3A = arith.constant 1 : i32
        %dma_wait3A_101 = arith.constant 0 : i32
        %dma_wait3A_102 = arith.constant 0 : i32
        %dma_wait3A_103 = tpu.memref_slice %arg6[%dma_wait3A, %dma_wait3A_101, %dma_wait3A_102] : memref<2x64x128xf32, #tpu.memory_space<vmem>> -> memref<1x64x128xf32, #tpu.memory_space<vmem>>
        %dma_wait3A_104 = tpu.memref_squeeze %dma_wait3A_103 : memref<1x64x128xf32, #tpu.memory_space<vmem>> -> memref<64x128xf32, #tpu.memory_space<vmem>>
        %dma_wait3A_105 = arith.constant 0 : i32
        %dma_wait3A_106 = arith.constant 0 : i32
        %dma_wait3A_107 = tpu.memref_slice %arg4[%dma_wait3A_105, %dma_wait3A_106] : memref<500000x128xf32, #tpu.memory_space<hbm>> -> memref<64x128xf32, #tpu.memory_space<hbm>>
        %dma_wait3A_108 = arith.constant 0 : i32
        %dma_wait3A_109 = arith.constant 0 : i32
        %dma_wait3A_110 = tpu.memref_slice %arg6[%dma_wait3A, %dma_wait3A_108, %dma_wait3A_109] : memref<2x64x128xf32, #tpu.memory_space<vmem>> -> memref<1x64x128xf32, #tpu.memory_space<vmem>>
        %dma_wait3A_111 = tpu.memref_squeeze %dma_wait3A_110 : memref<1x64x128xf32, #tpu.memory_space<vmem>> -> memref<64x128xf32, #tpu.memory_space<vmem>>
        %dma_wait3A_112 = arith.constant 0 : i32
        %dma_wait3A_113 = arith.constant 0 : i32
        %dma_wait3A_114 = tpu.memref_slice %arg4[%dma_wait3A_112, %dma_wait3A_113] : memref<500000x128xf32, #tpu.memory_space<hbm>> -> memref<64x128xf32, #tpu.memory_space<hbm>>
        tpu.wait_dma2 semaphore(%arg11 : memref<!tpu.dma_semaphore, #tpu.memory_space<semaphore_mem>>) src(%dma_wait3A_114 : memref<64x128xf32, #tpu.memory_space<hbm>>) dst(%dma_wait3A_111 : memref<64x128xf32, #tpu.memory_space<vmem>>)
      } else {
      }
    } else {
    }
    %eq3A = arith.constant 0 : i32
    %eq3A_25 = arith.cmpi eq, %add3A, %eq3A : i32
    %convert_element_type3A_26 = arith.extui %eq3A_25 : i1 to i32
    %cond3A_27 = arith.constant 0 : i32
    %cond3A_28 = arith.cmpi ne, %convert_element_type3A_26, %cond3A_27 : i32
    scf.if %cond3A_28 {
      "tpu.region"() ({
        %run_scoped3A_33 = tpu.sem_alloc : memref<!tpu.dma_semaphore, #tpu.memory_space<semaphore_mem>>
        tpu.enqueue_dma source(%arg3 : memref<64x128xf32, #tpu.memory_space<hbm>>) target(%arg7 : memref<64x128xf32, #tpu.memory_space<vmem>>) target_semaphore(%run_scoped3A_33 : memref<!tpu.dma_semaphore, #tpu.memory_space<semaphore_mem>>)
        tpu.wait_dma2 semaphore(%run_scoped3A_33 : memref<!tpu.dma_semaphore, #tpu.memory_space<semaphore_mem>>) src(%arg3 : memref<64x128xf32, #tpu.memory_space<hbm>>) dst(%arg7 : memref<64x128xf32, #tpu.memory_space<vmem>>)
        tpu.yield
      }) : () -> ()
      %scan3A = arith.constant 0 : i32
      %scan3A_29 = arith.constant 32 : i32
      %scan3A_30 = arith.addi %scan3A, %scan3A_29 : i32
      %scan3A_31 = arith.constant 1 : i32
      scf.for %scan3A_33 = %scan3A to %scan3A_30 step %scan3A_31  : i32 {
        %mul3A_34 = arith.constant 1 : i32
        %mul3A_35 = arith.muli %scan3A_33, %mul3A_34 : i32
        %add3A_36 = arith.constant 0 : i32
        %add3A_37 = arith.addi %add3A_36, %mul3A_35 : i32
        %mul3A_38 = arith.constant 2 : i32
        %mul3A_39 = arith.muli %mul3A_38, %add3A_37 : i32
        %add3A_40 = arith.constant 0 : i32
        %add3A_41 = arith.addi %mul3A_39, %add3A_40 : i32
        %get3A = arith.index_cast %add3A_41 : i32 to index
        %get3A_42 = arith.constant 0 : index
        %get3A_43 = tpu.vector_load %arg7[%get3A, %get3A_42] {strides = array<i32>} : memref<64x128xf32, #tpu.memory_space<vmem>>, vector<16xf32>,
        %swap3A = arith.constant 0 : i32
        %swap3A_44 = arith.index_cast %swap3A : i32 to index
        %swap3A_45 = arith.index_cast %add3A_37 : i32 to index
        %swap3A_46 = arith.constant 0 : index
        %swap3A_47 = tpu.vector_load %arg6[%swap3A_44, %swap3A_45, %swap3A_46] {strides = array<i32>} : memref<2x64x128xf32, #tpu.memory_space<vmem>>, vector<16xf32>,
        tpu.vector_store %arg6[%swap3A_44, %swap3A_45, %swap3A_46], %get3A_43 {strides = array<i32>} : memref<2x64x128xf32, #tpu.memory_space<vmem>>, vector<16xf32>,
        %mul3A_48 = arith.constant 2 : i32
        %mul3A_49 = arith.muli %mul3A_48, %add3A_37 : i32
        %add3A_50 = arith.constant 0 : i32
        %add3A_51 = arith.addi %mul3A_49, %add3A_50 : i32
        %get3A_52 = arith.index_cast %add3A_51 : i32 to index
        %get3A_53 = arith.constant 16 : index
        %get3A_54 = tpu.vector_load %arg7[%get3A_52, %get3A_53] {strides = array<i32>} : memref<64x128xf32, #tpu.memory_space<vmem>>, vector<16xf32>,
        %swap3A_55 = arith.constant 0 : i32
        %swap3A_56 = arith.index_cast %swap3A_55 : i32 to index
        %swap3A_57 = arith.index_cast %add3A_37 : i32 to index
        %swap3A_58 = arith.constant 16 : index
        %swap3A_59 = tpu.vector_load %arg6[%swap3A_56, %swap3A_57, %swap3A_58] {strides = array<i32>} : memref<2x64x128xf32, #tpu.memory_space<vmem>>, vector<16xf32>,
        tpu.vector_store %arg6[%swap3A_56, %swap3A_57, %swap3A_58], %get3A_54 {strides = array<i32>} : memref<2x64x128xf32, #tpu.memory_space<vmem>>, vector<16xf32>,
        %mul3A_60 = arith.constant 2 : i32
        %mul3A_61 = arith.muli %mul3A_60, %add3A_37 : i32
        %add3A_62 = arith.constant 0 : i32
        %add3A_63 = arith.addi %mul3A_61, %add3A_62 : i32
        %get3A_64 = arith.index_cast %add3A_63 : i32 to index
        %get3A_65 = arith.constant 32 : index
        %get3A_66 = tpu.vector_load %arg7[%get3A_64, %get3A_65] {strides = array<i32>} : memref<64x128xf32, #tpu.memory_space<vmem>>, vector<16xf32>,
        %swap3A_67 = arith.constant 0 : i32
        %swap3A_68 = arith.index_cast %swap3A_67 : i32 to index
        %swap3A_69 = arith.index_cast %add3A_37 : i32 to index
        %swap3A_70 = arith.constant 32 : index
        %swap3A_71 = tpu.vector_load %arg6[%swap3A_68, %swap3A_69, %swap3A_70] {strides = array<i32>} : memref<2x64x128xf32, #tpu.memory_space<vmem>>, vector<16xf32>,
        tpu.vector_store %arg6[%swap3A_68, %swap3A_69, %swap3A_70], %get3A_66 {strides = array<i32>} : memref<2x64x128xf32, #tpu.memory_space<vmem>>, vector<16xf32>,
        %mul3A_72 = arith.constant 2 : i32
        %mul3A_73 = arith.muli %mul3A_72, %add3A_37 : i32
        %add3A_74 = arith.constant 0 : i32
        %add3A_75 = arith.addi %mul3A_73, %add3A_74 : i32
        %get3A_76 = arith.index_cast %add3A_75 : i32 to index
        %get3A_77 = arith.constant 48 : index
        %get3A_78 = tpu.vector_load %arg7[%get3A_76, %get3A_77] {strides = array<i32>} : memref<64x128xf32, #tpu.memory_space<vmem>>, vector<16xf32>,
        %swap3A_79 = arith.constant 0 : i32
        %swap3A_80 = arith.index_cast %swap3A_79 : i32 to index
        %swap3A_81 = arith.index_cast %add3A_37 : i32 to index
        %swap3A_82 = arith.constant 48 : index
        %swap3A_83 = tpu.vector_load %arg6[%swap3A_80, %swap3A_81, %swap3A_82] {strides = array<i32>} : memref<2x64x128xf32, #tpu.memory_space<vmem>>, vector<16xf32>,
        tpu.vector_store %arg6[%swap3A_80, %swap3A_81, %swap3A_82], %get3A_78 {strides = array<i32>} : memref<2x64x128xf32, #tpu.memory_space<vmem>>, vector<16xf32>,
        %mul3A_84 = arith.constant 2 : i32
        %mul3A_85 = arith.muli %mul3A_84, %add3A_37 : i32
        %add3A_86 = arith.constant 1 : i32
        %add3A_87 = arith.addi %mul3A_85, %add3A_86 : i32
        %get3A_88 = arith.index_cast %add3A_87 : i32 to index
        %get3A_89 = arith.constant 0 : index
        %get3A_90 = tpu.vector_load %arg7[%get3A_88, %get3A_89] {strides = array<i32>} : memref<64x128xf32, #tpu.memory_space<vmem>>, vector<16xf32>,
        %swap3A_91 = arith.constant 0 : i32
        %swap3A_92 = arith.index_cast %swap3A_91 : i32 to index
        %swap3A_93 = arith.index_cast %add3A_37 : i32 to index
        %swap3A_94 = arith.constant 64 : index
        %swap3A_95 = tpu.vector_load %arg6[%swap3A_92, %swap3A_93, %swap3A_94] {strides = array<i32>} : memref<2x64x128xf32, #tpu.memory_space<vmem>>, vector<16xf32>,
        tpu.vector_store %arg6[%swap3A_92, %swap3A_93, %swap3A_94], %get3A_90 {strides = array<i32>} : memref<2x64x128xf32, #tpu.memory_space<vmem>>, vector<16xf32>,
        %mul3A_96 = arith.constant 2 : i32
        %mul3A_97 = arith.muli %mul3A_96, %add3A_37 : i32
        %add3A_98 = arith.constant 1 : i32
        %add3A_99 = arith.addi %mul3A_97, %add3A_98 : i32
        %get3A_100 = arith.index_cast %add3A_99 : i32 to index
        %get3A_101 = arith.constant 16 : index
        %get3A_102 = tpu.vector_load %arg7[%get3A_100, %get3A_101] {strides = array<i32>} : memref<64x128xf32, #tpu.memory_space<vmem>>, vector<16xf32>,
        %swap3A_103 = arith.constant 0 : i32
        %swap3A_104 = arith.index_cast %swap3A_103 : i32 to index
        %swap3A_105 = arith.index_cast %add3A_37 : i32 to index
        %swap3A_106 = arith.constant 80 : index
        %swap3A_107 = tpu.vector_load %arg6[%swap3A_104, %swap3A_105, %swap3A_106] {strides = array<i32>} : memref<2x64x128xf32, #tpu.memory_space<vmem>>, vector<16xf32>,
        tpu.vector_store %arg6[%swap3A_104, %swap3A_105, %swap3A_106], %get3A_102 {strides = array<i32>} : memref<2x64x128xf32, #tpu.memory_space<vmem>>, vector<16xf32>,
        %mul3A_108 = arith.constant 2 : i32
        %mul3A_109 = arith.muli %mul3A_108, %add3A_37 : i32
        %add3A_110 = arith.constant 1 : i32
        %add3A_111 = arith.addi %mul3A_109, %add3A_110 : i32
        %get3A_112 = arith.index_cast %add3A_111 : i32 to index
        %get3A_113 = arith.constant 32 : index
        %get3A_114 = tpu.vector_load %arg7[%get3A_112, %get3A_113] {strides = array<i32>} : memref<64x128xf32, #tpu.memory_space<vmem>>, vector<16xf32>,
        %swap3A_115 = arith.constant 0 : i32
        %swap3A_116 = arith.index_cast %swap3A_115 : i32 to index
        %swap3A_117 = arith.index_cast %add3A_37 : i32 to index
        %swap3A_118 = arith.constant 96 : index
        %swap3A_119 = tpu.vector_load %arg6[%swap3A_116, %swap3A_117, %swap3A_118] {strides = array<i32>} : memref<2x64x128xf32, #tpu.memory_space<vmem>>, vector<16xf32>,
        tpu.vector_store %arg6[%swap3A_116, %swap3A_117, %swap3A_118], %get3A_114 {strides = array<i32>} : memref<2x64x128xf32, #tpu.memory_space<vmem>>, vector<16xf32>,
        %mul3A_120 = arith.constant 2 : i32
        %mul3A_121 = arith.muli %mul3A_120, %add3A_37 : i32
        %add3A_122 = arith.constant 1 : i32
        %add3A_123 = arith.addi %mul3A_121, %add3A_122 : i32
        %get3A_124 = arith.index_cast %add3A_123 : i32 to index
        %get3A_125 = arith.constant 48 : index
        %get3A_126 = tpu.vector_load %arg7[%get3A_124, %get3A_125] {strides = array<i32>} : memref<64x128xf32, #tpu.memory_space<vmem>>, vector<16xf32>,
        %swap3A_127 = arith.constant 0 : i32
        %swap3A_128 = arith.index_cast %swap3A_127 : i32 to index
        %swap3A_129 = arith.index_cast %add3A_37 : i32 to index
        %swap3A_130 = arith.constant 112 : index
        %swap3A_131 = tpu.vector_load %arg6[%swap3A_128, %swap3A_129, %swap3A_130] {strides = array<i32>} : memref<2x64x128xf32, #tpu.memory_space<vmem>>, vector<16xf32>,
        tpu.vector_store %arg6[%swap3A_128, %swap3A_129, %swap3A_130], %get3A_126 {strides = array<i32>} : memref<2x64x128xf32, #tpu.memory_space<vmem>>, vector<16xf32>,
      }
      %scan3A_32 = arith.constant 32 : i32
      %run_scoped3A = arith.constant 0 : i32
      "tpu.region"() ({
        %run_scoped3A_33 = tpu.sem_alloc : memref<!tpu.dma_semaphore, #tpu.memory_space<semaphore_mem>>
        %dma_start3A = arith.constant 0 : i32
        %dma_start3A_34 = arith.constant 0 : i32
        %dma_start3A_35 = tpu.memref_slice %arg6[%run_scoped3A, %dma_start3A, %dma_start3A_34] : memref<2x64x128xf32, #tpu.memory_space<vmem>> -> memref<1x32x128xf32, #tpu.memory_space<vmem>>
        %dma_start3A_36 = tpu.memref_squeeze %dma_start3A_35 : memref<1x32x128xf32, #tpu.memory_space<vmem>> -> memref<32x128xf32, #tpu.memory_space<vmem>>
        %dma_start3A_37 = arith.constant 499968 : i32
        %dma_start3A_38 = arith.constant 0 : i32
        %dma_start3A_39 = tpu.memref_slice %arg4[%dma_start3A_37, %dma_start3A_38] : memref<500000x128xf32, #tpu.memory_space<hbm>> -> memref<32x128xf32, #tpu.memory_space<hbm>>
        %dma_start3A_40 = arith.constant 499968 : i32
        %dma_start3A_41 = arith.constant 0 : i32
        %dma_start3A_42 = tpu.memref_slice %arg4[%dma_start3A_40, %dma_start3A_41] : memref<500000x128xf32, #tpu.memory_space<hbm>> -> memref<32x128xf32, #tpu.memory_space<hbm>>
        %dma_start3A_43 = arith.constant 0 : i32
        %dma_start3A_44 = arith.constant 0 : i32
        %dma_start3A_45 = tpu.memref_slice %arg6[%run_scoped3A, %dma_start3A_43, %dma_start3A_44] : memref<2x64x128xf32, #tpu.memory_space<vmem>> -> memref<1x32x128xf32, #tpu.memory_space<vmem>>
        %dma_start3A_46 = tpu.memref_squeeze %dma_start3A_45 : memref<1x32x128xf32, #tpu.memory_space<vmem>> -> memref<32x128xf32, #tpu.memory_space<vmem>>
        tpu.enqueue_dma source(%dma_start3A_46 : memref<32x128xf32, #tpu.memory_space<vmem>>) target(%dma_start3A_42 : memref<32x128xf32, #tpu.memory_space<hbm>>) target_semaphore(%run_scoped3A_33 : memref<!tpu.dma_semaphore, #tpu.memory_space<semaphore_mem>>)
        %dma_wait3A = arith.constant 0 : i32
        %dma_wait3A_47 = arith.constant 0 : i32
        %dma_wait3A_48 = tpu.memref_slice %arg6[%run_scoped3A, %dma_wait3A, %dma_wait3A_47] : memref<2x64x128xf32, #tpu.memory_space<vmem>> -> memref<1x32x128xf32, #tpu.memory_space<vmem>>
        %dma_wait3A_49 = tpu.memref_squeeze %dma_wait3A_48 : memref<1x32x128xf32, #tpu.memory_space<vmem>> -> memref<32x128xf32, #tpu.memory_space<vmem>>
        %dma_wait3A_50 = arith.constant 499968 : i32
        %dma_wait3A_51 = arith.constant 0 : i32
        %dma_wait3A_52 = tpu.memref_slice %arg4[%dma_wait3A_50, %dma_wait3A_51] : memref<500000x128xf32, #tpu.memory_space<hbm>> -> memref<32x128xf32, #tpu.memory_space<hbm>>
        %dma_wait3A_53 = arith.constant 499968 : i32
        %dma_wait3A_54 = arith.constant 0 : i32
        %dma_wait3A_55 = tpu.memref_slice %arg4[%dma_wait3A_53, %dma_wait3A_54] : memref<500000x128xf32, #tpu.memory_space<hbm>> -> memref<32x128xf32, #tpu.memory_space<hbm>>
        %dma_wait3A_56 = arith.constant 0 : i32
        %dma_wait3A_57 = arith.constant 0 : i32
        %dma_wait3A_58 = tpu.memref_slice %arg6[%run_scoped3A, %dma_wait3A_56, %dma_wait3A_57] : memref<2x64x128xf32, #tpu.memory_space<vmem>> -> memref<1x32x128xf32, #tpu.memory_space<vmem>>
        %dma_wait3A_59 = tpu.memref_squeeze %dma_wait3A_58 : memref<1x32x128xf32, #tpu.memory_space<vmem>> -> memref<32x128xf32, #tpu.memory_space<vmem>>
        tpu.wait_dma2 semaphore(%run_scoped3A_33 : memref<!tpu.dma_semaphore, #tpu.memory_space<semaphore_mem>>) src(%dma_wait3A_59 : memref<32x128xf32, #tpu.memory_space<vmem>>) dst(%dma_wait3A_55 : memref<32x128xf32, #tpu.memory_space<hbm>>)
        tpu.yield
      }) : () -> ()
    } else {
    }
    return
  }
}

module attributes {stable_mosaic.version = 14 : i64} {
  func.func @body(%arg0: i32, %arg1: memref<512x64xf32, #tpu.memory_space<vmem>>, %arg2: memref<64x512xf32, #tpu.memory_space<vmem>>, %arg3: memref<1x512xf32, #tpu.memory_space<vmem>>, %arg4: memref<512x128xf32, #tpu.memory_space<vmem>>, %arg5: memref<1x128xf32, #tpu.memory_space<vmem>>, %arg6: memref<512x128xf32, #tpu.memory_space<vmem>>) attributes {dimension_semantics = [#tpu.dimension_semantics<arbitrary>], iteration_bounds = array<i64: 8>, scalar_prefetch = 0 : i64, scratch_operands = 0 : i64, tpu.core_type = #tpu.core_type<tc>, window_params = [{transform_indices = @transform_0, window_bounds = array<i64: 512, 64>}, {pipeline_mode = #tpu.pipeline_mode<synchronous>, transform_indices = @transform_1, window_bounds = array<i64: 64, 512>}, {pipeline_mode = #tpu.pipeline_mode<synchronous>, transform_indices = @transform_2, window_bounds = array<i64: 1, 512>}, {pipeline_mode = #tpu.pipeline_mode<synchronous>, transform_indices = @transform_3, window_bounds = array<i64: 512, 128>}, {pipeline_mode = #tpu.pipeline_mode<synchronous>, transform_indices = @transform_4, window_bounds = array<i64: 1, 128>}, {transform_indices = @transform_5, window_bounds = array<i64: 512, 128>}]} {
    %get3A = arith.constant 0 : index
    %get3A_0 = arith.constant 0 : index
    %get3A_1 = vector.load %arg1[%get3A, %get3A_0] : memref<512x64xf32, #tpu.memory_space<vmem>>, vector<512x64xf32>
    %get3A_2 = arith.constant 0 : index
    %get3A_3 = arith.constant 0 : index
    %get3A_4 = vector.load %arg2[%get3A_2, %get3A_3] : memref<64x512xf32, #tpu.memory_space<vmem>>, vector<64x512xf32>
    %dot_general3A = arith.constant dense<0.000000e+00> : vector<512x512xf32>
    %dot_general3A_5 = tpu.matmul %get3A_1, %get3A_4, %dot_general3A {dimension_numbers = #tpu.dot_dimension_numbers<[1], [0], [0], [1], [0, 0, 1, 1], [], []>, transpose_lhs_hint = false} : vector<512x64xf32>, vector<64x512xf32>, vector<512x512xf32> -> vector<512x512xf32>
    %get3A_6 = arith.constant 0 : index
    %get3A_7 = arith.constant 0 : index
    %get3A_8 = vector.load %arg3[%get3A_6, %get3A_7] : memref<1x512xf32, #tpu.memory_space<vmem>>, vector<1x512xf32>
    %add3A = vector.broadcast %get3A_8 : vector<1x512xf32> to vector<512x512xf32>
    %add3A_9 = arith.addf %dot_general3A_5, %add3A : vector<512x512xf32>
    %max3A = arith.constant 0.000000e+00 : f32
    %max3A_10 = vector.broadcast %max3A : f32 to vector<512x512xf32>
    %max3A_11 = arith.maximumf %add3A_9, %max3A_10 : vector<512x512xf32>
    %get3A_12 = arith.constant 0 : index
    %get3A_13 = arith.constant 0 : index
    %get3A_14 = vector.load %arg4[%get3A_12, %get3A_13] : memref<512x128xf32, #tpu.memory_space<vmem>>, vector<512x128xf32>
    %dot_general3A_15 = arith.constant dense<0.000000e+00> : vector<512x128xf32>
    %dot_general3A_16 = tpu.matmul %max3A_11, %get3A_14, %dot_general3A_15 {dimension_numbers = #tpu.dot_dimension_numbers<[1], [0], [0], [1], [0, 0, 1, 1], [], []>, transpose_lhs_hint = false} : vector<512x512xf32>, vector<512x128xf32>, vector<512x128xf32> -> vector<512x128xf32>
    %get3A_17 = arith.constant 0 : index
    %get3A_18 = arith.constant 0 : index
    %get3A_19 = vector.load %arg5[%get3A_17, %get3A_18] : memref<1x128xf32, #tpu.memory_space<vmem>>, vector<1x128xf32>
    %add3A_20 = vector.broadcast %get3A_19 : vector<1x128xf32> to vector<512x128xf32>
    %add3A_21 = arith.addf %dot_general3A_16, %add3A_20 : vector<512x128xf32>
    %iota3A = tpu.iota {dimensions = array<i32: 1>} : vector<512x128xi32>
    %lt3A = arith.constant 5 : i32
    %lt3A_22 = vector.broadcast %lt3A : i32 to vector<512x128xi32>
    %lt3A_23 = arith.cmpi slt, %iota3A, %lt3A_22 : vector<512x128xi32>
    %jit3A = arith.constant 0xFF800000 : f32
    %broadcast_in_dim3A = vector.broadcast %jit3A : f32 to vector<512x128xf32>
    %select_n3A = arith.select %lt3A_23, %add3A_21, %broadcast_in_dim3A : vector<512x128xi1>, vector<512x128xf32>
    %reduce_max3A = arith.constant dense<0xFF800000> : vector<512xf32>
    %reduce_max3A_24 = vector.multi_reduction <maximumf>, %select_n3A, %reduce_max3A [1] : vector<512x128xf32> to vector<512xf32>
    %broadcast_in_dim3A_25 = vector.shape_cast %reduce_max3A_24 : vector<512xf32> to vector<512x1xf32>
    %sub3A = vector.broadcast %broadcast_in_dim3A_25 : vector<512x1xf32> to vector<512x128xf32>
    %sub3A_26 = arith.subf %select_n3A, %sub3A : vector<512x128xf32>
    %exp3A = math.exp %sub3A_26 : vector<512x128xf32>
    %reduce_sum3A = arith.constant dense<0.000000e+00> : vector<512xf32>
    %reduce_sum3A_27 = vector.multi_reduction <add>, %exp3A, %reduce_sum3A [1] : vector<512x128xf32> to vector<512xf32>
    %broadcast_in_dim3A_28 = vector.shape_cast %reduce_sum3A_27 : vector<512xf32> to vector<512x1xf32>
    %log3A = math.log %broadcast_in_dim3A_28 : vector<512x1xf32>
    %add3A_29 = arith.addf %log3A, %broadcast_in_dim3A_25 : vector<512x1xf32>
    %sub3A_30 = vector.broadcast %add3A_29 : vector<512x1xf32> to vector<512x128xf32>
    %sub3A_31 = arith.subf %add3A_21, %sub3A_30 : vector<512x128xf32>
    %swap3A = arith.constant 0 : index
    %swap3A_32 = arith.constant 0 : index
    %swap3A_33 = vector.load %arg6[%swap3A, %swap3A_32] : memref<512x128xf32, #tpu.memory_space<vmem>>, vector<512x128xf32>
    tpu.vector_store %arg6[%swap3A, %swap3A_32], %sub3A_31 {strides = array<i32>} : memref<512x128xf32, #tpu.memory_space<vmem>>, vector<512x128xf32>,
    return
  }
  func.func @transform_0(%arg0: i32) -> (i32, i32) {
    %c0_i32 = arith.constant 0 : i32
    %c0_i32_0 = arith.constant 0 : i32
    return %arg0, %c0_i32 : i32, i32
  }
  func.func @transform_1(%arg0: i32) -> (i32, i32) {
    %c0_i32 = arith.constant 0 : i32
    %c0_i32_0 = arith.constant 0 : i32
    %c0_i32_1 = arith.constant 0 : i32
    return %c0_i32, %c0_i32_0 : i32, i32
  }
  func.func @transform_2(%arg0: i32) -> (i32, i32) {
    %c0_i32 = arith.constant 0 : i32
    %c0_i32_0 = arith.constant 0 : i32
    %c0_i32_1 = arith.constant 0 : i32
    return %c0_i32, %c0_i32_0 : i32, i32
  }
  func.func @transform_3(%arg0: i32) -> (i32, i32) {
    %c0_i32 = arith.constant 0 : i32
    %c0_i32_0 = arith.constant 0 : i32
    %c0_i32_1 = arith.constant 0 : i32
    return %c0_i32, %c0_i32_0 : i32, i32
  }
  func.func @transform_4(%arg0: i32) -> (i32, i32) {
    %c0_i32 = arith.constant 0 : i32
    %c0_i32_0 = arith.constant 0 : i32
    %c0_i32_1 = arith.constant 0 : i32
    return %c0_i32, %c0_i32_0 : i32, i32
  }
  func.func @transform_5(%arg0: i32) -> (i32, i32) {
    %c0_i32 = arith.constant 0 : i32
    %c0_i32_0 = arith.constant 0 : i32
    return %arg0, %c0_i32 : i32, i32
  }
}

</mosaic_0001>

<sc_bundles>
// kernel: kernel.5.cloned.1.call-start
scs
__scs_entry_jumppad:
0x0: {  	(pc) =	sbr.rel $0x88, $3  }
0x1: {  	(tag) =	ssettag $0x0;
	lr =	simm.s32 $0x1  }
0x2: {  	[smem:$0x3F9B] =	sst lr;
	_ =	strace $0xD0000000  }
0x3: {  	_ = 	snop  }
0x4: {  	_ = 	snop  }
0x5: {  	_ = 	snop  }
0x6: {  	_ = 	snop  }
0x7: {  	_ = 	snop  }
__scs_overlays_trampoline_lowered:
0x8: {  	[smem:$0x3FAA] =	sst s0  }
0x9: {  	[smem:$0x3FAB] =	sst s1  }
0xa: {  	[smem:$0x3FAC] =	sst s2  }
0xb: {  	[smem:$0x3FAD] =	sst s3  }
0xc: {  	[smem:$0x3FAE] =	sst s4  }
0xd: {  	[smem:$0x3FAF] =	sst s5  }
0xe: {  	[smem:$0x3FB0] =	sst s6  }
0xf: {  	[smem:$0x3FB1] =	sst s7  }
0x10: {  	[smem:$0x3FB2] =	sst s8  }
0x11: {  	[smem:$0x3FB3] =	sst s9;
	s0 =	simm.s32 @!p0 $0x0  }
0x12: {  	s1 =	sld [smem:$0x3F99];
	s0 =	simm.s32 @p0 $0x1  }
0x13: {  	[smem:$0x3FB4] =	sst s0;
	s0 =	simm.s32 @!p1 $0x0  }
0x14: {  	s2 =	sld [smem:$0x3F98];
	s0 =	simm.s32 @p1 $0x1  }
0x15: {  	[smem:$0x3FB5] =	sst s0;
	s0 =	simm.s32 @!p2 $0x0  }
0x16: {  	s3 =	sld [smem:$0x3FDB];
	s0 =	simm.s32 @p2 $0x1  }
0x17: {  	s4 =	simm.s32 $0x1BF5;
	[smem:$0x3FB7] =	sst s0  }
0x18: {  	s0 =	sld [smem:$0x3F9A];
	_ =	swait.ge [sflag:s4], $0x0  }
0x19: {  	s7 =	sld [smem:$0x3F9B]  }
0x1a: {  	s8 =	sadd.s32 $0xFFFFE003, lr  }
0x1b: {  	s9 =	sadd.s32 $0xFFFFFEF7, lr;
	s5 =	simm.s32 $0xFFFFFFFF;
	p2 =	slt.u32 s8, $0xFFFFF086  }
0x1c: {  	p1 =	slt.u32 s9, $0xF7A;
	s5 =	simm.s32 @!p2 $0x0  }
0x1d: {  	s5 =	simm.s32 @p1 $0x1;
	p0 =	seq.s32 s7, s2  }
0x1e: {  	s7 =	smul.u32 @!p0 $0xF7A, s2;
	p2 =	seq.s32 @!p0 s5, $0x0  }
0x1f: {  	s9 =	smul.u32 $0xF7A, s1;
	s8 =	simm.s32 @!p0 $0x1BF5;
	p2 =	por !p2, p0  }
0x20: {  	[sflag:s8] =	ssyncset.s32 @!p0 $0xFFFFF086;
	s6 =	sadd.s32 @!p0 s3, s7;
	s7 =	simm.s32 @!p0 $0x108  }
0x21: {  	s3 =	sadd.s32 s3, s9;
	s6 =	sadd.s32 @!p0 $0x88, s6;
	s7 =	simm.s32 @p2 $0x1082  }
0x22: {  	[simem:s7], [sflag:s8] =	dma.local @!p0 [hbm:s6], $0xF7A  }
0x23: {  	s9 =	sor.u32 $0xD0000000, s2;
	s6 =	simm.s32 $0x108;
	_ =	swait.ge @!p0 [sflag:s8], $0x0  }
0x24: {  	s3 =	sadd.s32 $0x88, s3;
	s6 =	simm.s32 @!p1 $0x1082;
	[sflag:s4] =	ssyncset.s32 $0xFFFFF086  }
0x25: {  	[simem:s6], [sflag:s4] =	dma.local [hbm:s3], $0xF7A  }
0x26: {  	[smem:$0x3F9B] =	sst s1;
	(tag) =	ssettag s2;
	_ =	strace s9  }
0x27: {  	s1 =	sld [smem:$0x3FAB]  }
0x28: {  	s2 =	sld [smem:$0x3FAC]  }
0x29: {  	s4 =	sld [smem:$0x3FAE]  }
0x2a: {  	p0 =	seq.s32 s5, $0x0;
	s5 =	sld [smem:$0x3FAF]  }
0x2b: {  	s6 =	sld [smem:$0x3FB0]  }
0x2c: {  	s7 =	sld [smem:$0x3FB1]  }
0x2d: {  	s3 =	simm.s32 $0x108;
	s8 =	sld [smem:$0x3FB2]  }
0x2e: {  	s3 =	simm.s32 @!p0 $0x1082;
	s9 =	sld [smem:$0x3FB3]  }
0x2f: {  	lr =	sadd.s32 s0, s3;
	s0 =	sld [smem:$0x3FAA]  }
0x30: {  	s3 =	sld [smem:$0x3FAD]  }
0x31: {  	[smem:$0x3FB6] =	sst s10  }
0x32: {  	s10 =	sld [smem:$0x3FB4];
	_ =	sdelay $0x3  }
0x33: {  	p0 =	seq.s32 s10, $0x1;
	s10 =	sld [smem:$0x3FB6];
	_ =	sdelay $0x3  }
0x34: {  	[smem:$0x3FB6] =	sst s10  }
0x35: {  	s10 =	sld [smem:$0x3FB5];
	_ =	sdelay $0x3  }
0x36: {  	p1 =	seq.s32 s10, $0x1;
	s10 =	sld [smem:$0x3FB6];
	_ =	sdelay $0x3  }
0x37: {  	[smem:$0x3FB6] =	sst s10  }
0x38: {  	s10 =	sld [smem:$0x3FB7]  }
0x39: {  	_ = 	snop;
	(pc) =	sbr.ind lr, $3  }
0x3a: {  	_ = 	snop  }
0x3b: {  	_ = 	snop  }
0x3c: {  	p2 =	seq.s32 s10, $0x1;
	s10 =	sld [smem:$0x3FB6]  }
0x3d: {  	_ =	shalt  }
0x3e: {  	_ =	shalt  }
0x3f: {  	_ =	shalt  }
0x40: {  	_ =	shalt  }
0x41: {  	_ =	shalt  }
0x42: {  	_ =	shalt  }
0x43: {  	_ =	shalt  }
0x44: {  	_ =	shalt  }
0x45: {  	_ =	shalt  }
0x46: {  	_ =	shalt  }
0x47: {  	_ =	shalt  }
0x48: {  	_ =	shalt  }
0x49: {  	_ =	shalt  }
0x4a: {  	_ =	shalt  }
0x4b: {  	_ =	shalt  }
0x4c: {  	_ =	shalt  }
0x4d: {  	_ =	shalt  }
0x4e: {  	_ =	shalt  }
0x4f: {  	_ =	shalt  }
0x50: {  	_ =	shalt  }
0x51: {  	_ =	shalt  }
0x52: {  	_ =	shalt  }
0x53: {  	_ =	shalt  }
0x54: {  	_ =	shalt  }
0x55: {  	_ =	shalt  }
0x56: {  	_ =	shalt  }
0x57: {  	_ =	shalt  }
0x58: {  	_ =	shalt  }
0x59: {  	_ =	shalt  }
0x5a: {  	_ =	shalt  }
0x5b: {  	_ =	shalt  }
0x5c: {  	_ =	shalt  }
0x5d: {  	_ =	shalt  }
0x5e: {  	_ =	shalt  }
0x5f: {  	_ =	shalt  }
0x60: {  	_ =	shalt  }
0x61: {  	_ =	shalt  }
0x62: {  	_ =	shalt  }
0x63: {  	_ =	shalt  }
0x64: {  	_ =	shalt  }
0x65: {  	_ =	shalt  }
0x66: {  	_ =	shalt  }
0x67: {  	_ =	shalt  }
0x68: {  	_ =	shalt  }
0x69: {  	_ =	shalt  }
0x6a: {  	_ =	shalt  }
0x6b: {  	_ =	shalt  }
0x6c: {  	_ =	shalt  }
0x6d: {  	_ =	shalt  }
0x6e: {  	_ =	shalt  }
0x6f: {  	_ =	shalt  }
0x70: {  	_ =	shalt  }
0x71: {  	_ =	shalt  }
0x72: {  	_ =	shalt  }
0x73: {  	_ =	shalt  }
0x74: {  	_ =	shalt  }
0x75: {  	_ =	shalt  }
0x76: {  	_ =	shalt  }
0x77: {  	_ =	shalt  }
0x78: {  	_ =	shalt  }
0x79: {  	_ =	shalt  }
0x7a: {  	_ =	shalt  }
0x7b: {  	_ =	shalt  }
0x7c: {  	_ =	shalt  }
0x7d: {  	_ =	shalt  }
0x7e: {  	_ =	shalt  }
0x7f: {  	_ =	shalt  }
0x80: {  	_ =	shalt  }
0x81: {  	_ =	shalt  }
0x82: {  	_ =	shalt  }
0x83: {  	_ =	shalt  }
0x84: {  	_ =	shalt  }
0x85: {  	_ =	shalt  }
0x86: {  	_ =	shalt  }
0x87: {  	_ =	shalt  }
.Lfunc_end0:
.L_simem_size_0:
called_computation_lowered:
.L_overlay_start_0:
0x88: {  	s2 =	sld [smem:$0x3FD9]  }
0x89: {  	s3 =	sld [smem:$0x3FFE];
	_ =	sdelay $0x1  }
0x8a: {  	s1 =	srdreg.scid  }
0x8b: {  	s0 =	sand.u32 $0x1, s1  }
0x8c: {  	s17 =	sshll.u32 s0, $0xA;
	s2 =	sadd.s32 s3, s2  }
0x8d: {  	s2 =	sadd.s32 s2, s17  }
0x8e: {  	[smem:$0x3FC2] =	sst s2  }
0x8f: {  	_ = 	snop  }
0x90: {  	s2 =	sld [smem:$0x3FC8]  }
0x91: {  	s18 =	sld [smem:$0x3FD0];
	(tm) =	ssettm $0x1  }
0x92: {  	s4 =	sld [smem:$0x3FFB];
	_ =	sdelay $0x3  }
0x93: {  	_ =	strace s4  }
0x94: {  	s4 =	sld [smem:$0x3FFC];
	_ =	sdelay $0x3  }
0x95: {  	_ =	strace s4  }
0x96: {  	s4 =	sld [smem:$0x3FFD];
	_ =	sdelay $0x3  }
0x97: {  	_ =	strace s4  }
0x98: {  	_ =	strace $0x8FFFFFFF  }
0x99: {  	s19 =	sld [smem:$0x3FDB];
	_ =	sdelay $0x1  }
0x9a: {  	s5 =	simm.s32 $_scs_section_size  }
0x9b: {  	s6 =	simm.s32 $_size__tile_overlayer_lowered;
	s7 =	simm.s32 $_tile_overlayer_lowered  }
0x9c: {  	s22 =	simm.s32 $0x1BFF;
	s21 =	sshll.u32 s7, $0x1;
	s4 =	sadd.s32 s5, s19  }
0x9d: {  	s8 =	simm.s32 $0x0;
	s20 =	sshll.u32 s6, $0x1;
	s6 =	sadd.s32 s21, s4  }
0x9e: {  	[timem:s8], [sflag:s22] =	dma.local [hbm:s6], s20  }
0x9f: {  	_ =	swait.ge [sflag:s22], s20  }
0xa0: {  	s5 =	ssub.s32 $0x0, s20;
	[sflag:s22] =	ssyncset.done $0x0  }
0xa1: {  	[sflag:s22] =	ssyncadd.s32 s5;
	_ =	sdelay $0x1  }
0xa2: {  	s23 =	simm.s32 $0x1B8B  }
0xa3: {  	_ =	swait.ge [sflag:s23], $0x1  }
0xa4: {  	[sflag:s23] =	ssyncset.done $0x0  }
0xa5: {  	s25 =	simm.s32 $0x1B8E;
	s24 =	sld [smem:$0x3FFE];
	[sflag:s23] =	ssyncadd.s32 $0xFFFFFFFF  }
0xa6: {  	s26 =	simm.s32 $execute0_lowered;
	[smem:$0x3FD2] =	sst s25  }
0xa7: {  	s6 =	sshll.u32 s26, $0x1;
	_ =	strace $0x80000046;
	[dreg:$0x1] =	wrdreg $0xFFFFFFFF  }
0xa8: {  	s28 =	simm.s32 $_size_execute0_lowered;
	s4 =	sadd.s32 s4, s6;
	[dreg:$0x0] =	wrdreg $0x0  }
0xa9: {  	s6 =	sshll.u32 s28, $0x1;
	[dreg:$0x2] =	wrdreg s4  }
0xaa: {  	[dreg:$0x3] =	wrdreg s6  }
0xab: {  	[dreg:$0x4] =	wrdreg $0xC0  }
0xac: {  	_ =	task [dreg:s8], $0x5FFFF  }
0xad: {  	[dreg:$0x1] =	wrdreg $0xFFFFFFFF  }
0xae: {  	[dreg:$0x0] =	wrdreg $0x60  }
0xaf: {  	[dreg:$0x2] =	wrdreg s2  }
0xb0: {  	[dreg:$0x3] =	wrdreg s18  }
0xb1: {  	[dreg:$0x4] =	wrdreg s24  }
0xb2: {  	[dreg:$0x5] =	wrdreg $0x9  }
0xb3: {  	_ =	task.clear_ibuf [dreg:s8], $0x6FFFF;
	_ =	strace $0x90000046  }
0xb4: {  	s29 =	simm.s32 $0x9;
	_ =	strace $0x80000048  }
0xb5: {  	_ =	swait.ge [sflag:s29], $0x1  }
0xb6: {  	[sflag:s29] =	ssyncadd.s32 $0xFFFFFFFF  }
0xb7: {  	_ =	strace $0x90000048  }
0xb8: {  	_ =	sfence  }
0xb9: {  	s30 =	sld [smem:$0x0];
	_ =	sdelay $0x2  }
0xba: {  	s31 =	sshll.u32 s1, $0xD;
	s1 =	sshrl.u32 s1, $0x2  }
0xbb: {  	s3 =	sand.u32 $0x4000, s31;
	s1 =	sadd.s32 s1, s30  }
0xbc: {  	s0 =	sor.u32 s3, s0;
	s1 =	sshll.u32 s1, $0x11  }
0xbd: {  	s0 =	sor.u32 s1, s0  }
0xbe: {  	s0 =	sadd.s32 $0x8F2B, s0  }
0xbf: {  	[sflag:s0] =	ssyncadd.remote.s32 $0x1  }
0xc0: {  	_ =	sfence.sel $0xFFFF  }
0xc1: {  	[dreg:$0x0] =	wrdreg $0xFFFFFFFF;
	(pc) =	sbr.abs _section_cstart, $3  }
0xc2: {  	[dreg:$0x1] =	wrdreg $0xFFFFFFFF  }
0xc3: {  	_ =	task.clear_ibuf [dreg:s8], $0x2FFFF;
	_ =	strace $0x9FFFFFFF  }
0xc4: {  	(tm) =	ssettm $0x7FFFFFFF  }
0xc5: {  	_ =	shalt  }
tec
execute0_lowered:
.L_overlay_start_1:
0x0: {  	(tag) =	ssettag $0x1  }
0x1: {  	s1 =	rddreg [dreg:$0x0]  }
0x2: {  	s2 =	rddreg [dreg:$0x1]  }
0x3: {  	s10 =	rddreg [dreg:$0x2]  }
0x4: {  	s0 =	rddreg [dreg:$0x3];
	s4 =	simm.s32 $0x0  }
0x5: {  	s5 =	srdreg.scid;
	s3 =	stileid.u32;
	s14 =	simm.s32 $0x2  }
0x6: {  	s15 =	simm.s32 $0x2000;
	s16 =	simm.s32 $0x6000;
	s19 =	simm.s32 $0x5  }
0x7: {  	s20 =	simm.s32 $0x4000;
	s21 =	simm.s32 $0x1;
	s22 =	simm.s32 $0x0  }
0x8: {  	[smem:$0x7FF] =	sst s4;
	s5 =	sand.u32 $0x1, s5;
	s6 =	sshll.u32 s3, $0x1  }
0x9: {  	_ =	strace $0x80000047;
	s7 =	ssub.s32 $0x2, s5;
	s18 =	sor.u32 s5, s6  }
0xa: {  	s5 =	sadd.s32 $0xE00, s10;
	s10 =	sadd.s32 $0x7A1E00, s10;
	s30 =	sshrl.u32 s7, $0x1  }
0xb: {  	s11 =	ssub.s32 $0x1EA3, s18;
	s31 =	sshll.u32 s18, $0x7;
	s8 =	sshll.u32 s18, $0xA  }
.Ltmp0:
0xc: {  	s9 =	sshll.u32 s18, $0xD;
	p2 =	sne.s32 s18, $0x0;
	(pc) =	sbr.rel .LBB2_1-.Ltmp0, $4  }
0xd: {  	v0 =	vlaneseq.u32;
	s18 =	simm.s32 $0x8000;
	s12 =	ssub.s32 s7, s30;
	s6 =	sshrl.u32 s11, $0x5  }
0xe: {  	v0 =	vmul.u32 $0x80, v0;
	s7 =	sadd.s32 s1, s31;
	s17 =	sand.u32 $0x20, s11;
	s13 =	sand.u32 $0x1, s6  }
0xf: {  	s11 =	smax.u32 s12, $0x1;
	s12 =	simm.s32 $0x400;
	p1 =	sne.s32 s17, $0x0  }
0x10: {  	v1 =	vor.u32 $0x800, v0;
	v2 =	vor.u32 $0x1000, v0;
	v3 =	vor.u32 $0x1800, v0;
	s17 =	simm.s32 $0x4;
	p0 =	seq.s32 s13, $0x1;
	s13 =	simm.s32 $0x7A1400  }
.LBB2_10:
0x11: {  	s23 =	simm.s32 @!p1 $0x3  }
0x12: {  	_ =	swait.ge @!p1 [sflag:s23], $0x2000  }
0x13: {  	[sflag:s23] =	ssyncset.done @!p1 $0x0  }
0x14: {  	[sflag:s23] =	ssyncadd.s32 @!p1 $0xFFFFE000  }
0x15: {  	_ =	swait.ge [sflag:s17], $0x2000  }
.Ltmp1:
0x16: {  	[sflag:s17] =	ssyncset.done $0x0;
	(pc) =	sbr.rel @!p2 .LBB2_11-.Ltmp1, $4  }
0x17: {  	s23 =	simm.s32 @p0 $0x3;
	[sflag:s17] =	ssyncadd.s32 $0xFFFFE000  }
0x18: {  	_ =	swait.ge @p0 [sflag:s23], $0x2000  }
0x19: {  	[sflag:s23] =	ssyncset.done @p0 $0x0  }
0x1a: {  	[sflag:s23] =	ssyncadd.s32 @p0 $0xFFFFE000  }
.LBB2_14:
0x1b: {  	s22 =	sadd.s32 $0x1, s22  }
0x1c: {  	p3 =	sne.s32 s22, s11  }
.Ltmp2:
0x1d: {  	_ = 	snop;
	(pc) =	sbr.rel @!p3 .LBB2_15-.Ltmp2, $1  }
0x1e: {  	_ =	sdelay $0x3  }
.LBB2_1:
.Ltmp3:
0x1f: {  	(pc) =	sbr.rel .LBB2_2-.Ltmp3, $3  }
0x20: {  	_ =	sdelay $0x1  }
0x21: {  	[tilespmem:s4], [sflag:$0x1] =	stream.strided.gather [hbm4b:s7+s12], $0x2000, s13, s12, $0x38;
	[tilespmem:$0xA000] =	vst v63  }
0x22: {  	s24 =	simm.s32 $0x0  }
.LBB2_5:
0x23: {  	_ =	sdelay $0x2  }
0x24: {  	[tilespmem:s25+$0x60] =	vst v4  }
0x25: {  	v4 =	vld.idx.msk [tilespmem:v5+s4+$0x0], $0xffff;
	_ =	sdelay $0x1  }
0x26: {  	s24 =	sshll.u32 s24, $0x12  }
0x27: {  	s24 =	sor.u32 s9, s24  }
0x28: {  	s24 =	sshrl.u32 s24, $0x3  }
0x29: {  	s24 =	sadd.s32 s5, s24;
	[tilespmem:s25+$0x70] =	vst v4  }
0x2a: {  	[hbm4b:s24+s4] =	stream.linear.scatter [tilespmem:s20], [sflag:$0x3], $0x2000, $0x38;
	[tilespmem:$0xA000] =	vst v63  }
.LBB2_9:
0x2b: {  	p3 =	sne.s32 s23, s6  }
.Ltmp4:
0x2c: {  	_ = 	snop;
	(pc) =	sbr.rel @!p3 .LBB2_10-.Ltmp4, $2  }
0x2d: {  	_ =	sdelay $0x2  }
0x2e: {  	s24 =	smov.u32 s23  }
.LBB2_2:
0x2f: {  	s23 =	sand.u32 $0x1, s24  }
0x30: {  	p3 =	seq.s32 s23, $0x1  }
.Ltmp5:
0x31: {  	_ = 	snop;
	(pc) =	sbr.rel @!p3 .LBB2_3-.Ltmp5, $1  }
0x32: {  	_ =	sdelay $0x3  }
0x33: {  	s23 =	sadd.s32 $0x1, s24  }
0x34: {  	p3 =	sge.u32 s23, s6  }
0x35: {  	s25 =	sshll.u32 @!p3 s23, $0xF  }
0x36: {  	s26 =	simm.s32 $0x0;
	s25 =	sor.u32 @!p3 s8, s25  }
0x37: {  	v4 =	vmov s26;
	s26 =	simm.s32 @!p3 $0x400;
	s25 =	sshrl.u32 @!p3 s25, $0x3  }
0x38: {  	s28 =	simm.s32 @!p3 $0x7A1400;
	s29 =	simm.s32 @!p3 $0x0;
	v4 =	vand.u32 $0x7C, v4;
	s25 =	sadd.s32 @!p3 s1, s25  }
0x39: {  	v4 =	vbroadcast v4, $0x0;
	[tilespmem:s29], [sflag:$0x1] =	stream.strided.gather @!p3 [hbm4b:s25+s26], $0x2000, s28, s26, $0x38;
	[tilespmem:$0xA000] =	vst v63  }
0x3a: {  	_ =	swait.ge [sflag:s14], $0x2000  }
0x3b: {  	v5 =	vor.u32 v0, v4;
	p3 =	slt.u32 s24, $0x2;
	[sflag:s14] =	ssyncset.done $0x0  }
0x3c: {  	s25 =	simm.s32 @!p3 $0x4;
	[sflag:s14] =	ssyncadd.s32 $0xFFFFE000  }
0x3d: {  	_ =	swait.ge @!p3 [sflag:s25], $0x2000  }
0x3e: {  	[sflag:s25] =	ssyncset.done @!p3 $0x0  }
0x3f: {  	[sflag:s25] =	ssyncadd.s32 @!p3 $0xFFFFE000  }
0x40: {  	v5 =	vld.idx.msk [tilespmem:v5+s15+$0x0], $0xffff  }
0x41: {  	v6 =	vor.u32 v1, v4;
	_ =	sdelay $0x2  }
0x42: {  	s25 =	simm.s32 $0x60F0  }
0x43: {  	[tilespmem:s25+$0xFFFFFF10] =	vst v5  }
0x44: {  	v5 =	vld.idx.msk [tilespmem:v6+s15+$0x0], $0xffff  }
0x45: {  	v6 =	vor.u32 v2, v4;
	_ =	sdelay $0x3  }
0x46: {  	[tilespmem:s25+$0xFFFFFF20] =	vst v5  }
0x47: {  	v5 =	vld.idx.msk [tilespmem:v6+s15+$0x0], $0xffff  }
0x48: {  	v4 =	vor.u32 v3, v4  }
0x49: {  	s29 =	simm.s32 $0x1  }
0x4a: {  	v6 =	vmov s29  }
0x4b: {  	v6 =	vand.u32 $0x7D, v6  }
0x4c: {  	[tilespmem:s25+$0xFFFFFF30] =	vst v5;
	v5 =	vbroadcast v6, $0x0  }
0x4d: {  	v4 =	vld.idx.msk [tilespmem:v4+s15+$0x0], $0xffff  }
0x4e: {  	v6 =	vor.u32 v0, v5;
	_ =	sdelay $0x3  }
0x4f: {  	[tilespmem:s25+$0xFFFFFF40] =	vst v4  }
0x50: {  	v4 =	vld.idx.msk [tilespmem:v6+s15+$0x0], $0xffff  }
0x51: {  	v6 =	vor.u32 v1, v5;
	_ =	sdelay $0x3  }
0x52: {  	[tilespmem:s25+$0xFFFFFF50] =	vst v4  }
0x53: {  	v4 =	vld.idx.msk [tilespmem:v6+s15+$0x0], $0xffff  }
0x54: {  	v6 =	vor.u32 v2, v5;
	_ =	sdelay $0x3  }
0x55: {  	[tilespmem:s25+$0xFFFFFF60] =	vst v4  }
0x56: {  	v4 =	vld.idx.msk [tilespmem:v6+s15+$0x0], $0xffff  }
0x57: {  	v5 =	vor.u32 v3, v5  }
0x58: {  	s30 =	simm.s32 $0x2  }
0x59: {  	v6 =	vmov s30  }
0x5a: {  	v6 =	vand.u32 $0x7E, v6  }
0x5b: {  	[tilespmem:s25+$0xFFFFFF70] =	vst v4;
	v4 =	vbroadcast v6, $0x0  }
0x5c: {  	v5 =	vld.idx.msk [tilespmem:v5+s15+$0x0], $0xffff  }
0x5d: {  	v6 =	vor.u32 v0, v4;
	_ =	sdelay $0x3  }
0x5e: {  	[tilespmem:s25+$0xFFFFFF80] =	vst v5  }
0x5f: {  	v5 =	vld.idx.msk [tilespmem:v6+s15+$0x0], $0xffff  }
0x60: {  	v6 =	vor.u32 v1, v4;
	_ =	sdelay $0x3  }
0x61: {  	[tilespmem:s25+$0xFFFFFF90] =	vst v5  }
0x62: {  	v5 =	vld.idx.msk [tilespmem:v6+s15+$0x0], $0xffff  }
0x63: {  	v6 =	vor.u32 v2, v4;
	_ =	sdelay $0x3  }
0x64: {  	[tilespmem:s25+$0xFFFFFFA0] =	vst v5  }
0x65: {  	v5 =	vld.idx.msk [tilespmem:v6+s15+$0x0], $0xffff  }
0x66: {  	v4 =	vor.u32 v3, v4  }
0x67: {  	s31 =	simm.s32 $0x3  }
0x68: {  	v6 =	vmov s31  }
0x69: {  	v6 =	vand.u32 $0x7F, v6  }
0x6a: {  	[tilespmem:s25+$0xFFFFFFB0] =	vst v5;
	v5 =	vbroadcast v6, $0x0  }
0x6b: {  	v4 =	vld.idx.msk [tilespmem:v4+s15+$0x0], $0xffff  }
0x6c: {  	v6 =	vor.u32 v0, v5;
	_ =	sdelay $0x3  }
0x6d: {  	[tilespmem:s25+$0xFFFFFFC0] =	vst v4  }
0x6e: {  	v4 =	vld.idx.msk [tilespmem:v6+s15+$0x0], $0xffff  }
0x6f: {  	v6 =	vor.u32 v1, v5;
	_ =	sdelay $0x3  }
0x70: {  	[tilespmem:s25+$0xFFFFFFD0] =	vst v4  }
0x71: {  	v4 =	vld.idx.msk [tilespmem:v6+s15+$0x0], $0xffff  }
0x72: {  	v6 =	vor.u32 v2, v5;
	_ =	sdelay $0x3  }
0x73: {  	[tilespmem:s25+$0xFFFFFFE0] =	vst v4  }
0x74: {  	v4 =	vld.idx.msk [tilespmem:v6+s15+$0x0], $0xffff  }
0x75: {  	v5 =	vor.u32 v3, v5;
	_ =	sdelay $0x1  }
0x76: {  	s26 =	simm.s32 $0x0;
	s28 =	simm.s32 $0x4  }
.LBB2_7:
0x77: {  	v6 =	vmov s28;
	s26 =	sadd.s32 $0x2, s26  }
0x78: {  	v6 =	vand.u32 $0x7C, v6;
	p3 =	slt.u32 s26, $0x3E;
	[tilespmem:s25+$0xFFFFFFF0] =	vst v4  }
0x79: {  	v4 =	vbroadcast v6, $0x0;
	v5 =	vld.idx.msk [tilespmem:v5+s15+$0x0], $0xffff;
	_ =	sdelay $0x1  }
0x7a: {  	v6 =	vor.u32 v0, v4;
	_ =	sdelay $0x3  }
0x7b: {  	[tilespmem:s25+$0x0] =	vst v5  }
0x7c: {  	v5 =	vld.idx.msk [tilespmem:v6+s15+$0x0], $0xffff;
	_ =	sdelay $0x1  }
0x7d: {  	v6 =	vor.u32 v1, v4;
	_ =	sdelay $0x2  }
0x7e: {  	s25 =	sadd.s32 $0x100, s25  }
0x7f: {  	[tilespmem:s25+$0xFFFFFF10] =	vst v5  }
0x80: {  	v5 =	vld.idx.msk [tilespmem:v6+s15+$0x0], $0xffff;
	_ =	sdelay $0x1  }
0x81: {  	v6 =	vor.u32 v2, v4;
	_ =	sdelay $0x3  }
0x82: {  	[tilespmem:s25+$0xFFFFFF20] =	vst v5  }
0x83: {  	v5 =	vld.idx.msk [tilespmem:v6+s15+$0x0], $0xffff;
	_ =	sdelay $0x1  }
0x84: {  	v4 =	vor.u32 v3, v4;
	_ =	sdelay $0x1  }
0x85: {  	s29 =	sadd.s32 $0x1, s28  }
0x86: {  	v6 =	vmov s29  }
0x87: {  	[tilespmem:s25+$0xFFFFFF30] =	vst v5;
	v5 =	vand.u32 $0x7D, v6  }
0x88: {  	v4 =	vld.idx.msk [tilespmem:v4+s15+$0x0], $0xffff;
	v5 =	vbroadcast v5, $0x0;
	_ =	sdelay $0x1  }
0x89: {  	v6 =	vor.u32 v0, v5;
	_ =	sdelay $0x3  }
0x8a: {  	[tilespmem:s25+$0xFFFFFF40] =	vst v4  }
0x8b: {  	v4 =	vld.idx.msk [tilespmem:v6+s15+$0x0], $0xffff;
	_ =	sdelay $0x1  }
0x8c: {  	v6 =	vor.u32 v1, v5;
	_ =	sdelay $0x3  }
0x8d: {  	[tilespmem:s25+$0xFFFFFF50] =	vst v4  }
0x8e: {  	v4 =	vld.idx.msk [tilespmem:v6+s15+$0x0], $0xffff;
	_ =	sdelay $0x1  }
0x8f: {  	v6 =	vor.u32 v2, v5;
	_ =	sdelay $0x3  }
0x90: {  	[tilespmem:s25+$0xFFFFFF60] =	vst v4  }
0x91: {  	v4 =	vld.idx.msk [tilespmem:v6+s15+$0x0], $0xffff;
	_ =	sdelay $0x1  }
0x92: {  	v5 =	vor.u32 v3, v5;
	_ =	sdelay $0x1  }
0x93: {  	s29 =	sadd.s32 $0x2, s28  }
0x94: {  	v6 =	vmov s29  }
0x95: {  	[tilespmem:s25+$0xFFFFFF70] =	vst v4;
	v4 =	vand.u32 $0x7E, v6  }
0x96: {  	v5 =	vld.idx.msk [tilespmem:v5+s15+$0x0], $0xffff;
	v4 =	vbroadcast v4, $0x0;
	_ =	sdelay $0x1  }
0x97: {  	v6 =	vor.u32 v0, v4;
	_ =	sdelay $0x3  }
0x98: {  	[tilespmem:s25+$0xFFFFFF80] =	vst v5  }
0x99: {  	v5 =	vld.idx.msk [tilespmem:v6+s15+$0x0], $0xffff;
	_ =	sdelay $0x1  }
0x9a: {  	v6 =	vor.u32 v1, v4;
	_ =	sdelay $0x3  }
0x9b: {  	[tilespmem:s25+$0xFFFFFF90] =	vst v5  }
0x9c: {  	v5 =	vld.idx.msk [tilespmem:v6+s15+$0x0], $0xffff;
	_ =	sdelay $0x1  }
0x9d: {  	v6 =	vor.u32 v2, v4;
	_ =	sdelay $0x3  }
0x9e: {  	[tilespmem:s25+$0xFFFFFFA0] =	vst v5  }
0x9f: {  	v5 =	vld.idx.msk [tilespmem:v6+s15+$0x0], $0xffff;
	_ =	sdelay $0x1  }
0xa0: {  	v4 =	vor.u32 v3, v4;
	_ =	sdelay $0x1  }
0xa1: {  	s29 =	sadd.s32 $0x3, s28  }
0xa2: {  	v6 =	vmov s29  }
0xa3: {  	[tilespmem:s25+$0xFFFFFFB0] =	vst v5;
	v5 =	vand.u32 $0x7F, v6  }
0xa4: {  	v4 =	vld.idx.msk [tilespmem:v4+s15+$0x0], $0xffff;
	v5 =	vbroadcast v5, $0x0;
	_ =	sdelay $0x1  }
0xa5: {  	v6 =	vor.u32 v0, v5;
	_ =	sdelay $0x3  }
0xa6: {  	[tilespmem:s25+$0xFFFFFFC0] =	vst v4  }
0xa7: {  	v4 =	vld.idx.msk [tilespmem:v6+s15+$0x0], $0xffff;
	_ =	sdelay $0x1  }
0xa8: {  	v6 =	vor.u32 v1, v5;
	_ =	sdelay $0x3  }
0xa9: {  	[tilespmem:s25+$0xFFFFFFD0] =	vst v4  }
0xaa: {  	v4 =	vld.idx.msk [tilespmem:v6+s15+$0x0], $0xffff;
	_ =	sdelay $0x1  }
0xab: {  	v6 =	vor.u32 v2, v5;
	_ =	sdelay $0x3  }
0xac: {  	[tilespmem:s25+$0xFFFFFFE0] =	vst v4  }
.Ltmp6:
0xad: {  	v4 =	vld.idx.msk [tilespmem:v6+s15+$0x0], $0xffff;
	(pc) =	sbr.rel @p3 .LBB2_7-.Ltmp6, $3  }
0xae: {  	_ = 	snop  }
0xaf: {  	v5 =	vor.u32 v3, v5;
	_ =	sdelay $0x1  }
0xb0: {  	s28 =	sadd.s32 $0x4, s28  }
0xb1: {  	_ =	sdelay $0x2  }
0xb2: {  	[tilespmem:s25+$0xFFFFFFF0] =	vst v4  }
0xb3: {  	v4 =	vld.idx.msk [tilespmem:v5+s15+$0x0], $0xffff;
	_ =	sdelay $0x1  }
.Ltmp7:
0xb4: {  	s24 =	sshll.u32 s24, $0x12;
	(pc) =	sbr.rel .LBB2_9-.Ltmp7, $4  }
0xb5: {  	s24 =	sor.u32 s9, s24  }
0xb6: {  	s24 =	sshrl.u32 s24, $0x3  }
0xb7: {  	s24 =	sadd.s32 s5, s24;
	[tilespmem:s25+$0x0] =	vst v4  }
0xb8: {  	[hbm4b:s24+s4] =	stream.linear.scatter [tilespmem:s16], [sflag:$0x4], $0x2000, $0x38;
	[tilespmem:$0xA000] =	vst v63  }
.LBB2_3:
0xb9: {  	s23 =	sor.u32 $0x1, s24  }
0xba: {  	p3 =	sge.u32 s23, s6  }
0xbb: {  	s25 =	sshll.u32 @!p3 s23, $0xF  }
0xbc: {  	s26 =	simm.s32 $0x0;
	s25 =	sor.u32 @!p3 s8, s25  }
0xbd: {  	v4 =	vmov s26;
	s26 =	simm.s32 @!p3 $0x400;
	s25 =	sshrl.u32 @!p3 s25, $0x3  }
0xbe: {  	s28 =	simm.s32 @!p3 $0x7A1400;
	s29 =	simm.s32 @!p3 $0x2000;
	v4 =	vand.u32 $0x7C, v4;
	s25 =	sadd.s32 @!p3 s1, s25  }
0xbf: {  	v4 =	vbroadcast v4, $0x0;
	[tilespmem:s29], [sflag:$0x2] =	stream.strided.gather @!p3 [hbm4b:s25+s26], $0x2000, s28, s26, $0x38;
	[tilespmem:$0xA000] =	vst v63  }
0xc0: {  	_ =	swait.ge [sflag:s21], $0x2000  }
0xc1: {  	v5 =	vor.u32 v0, v4;
	p3 =	slt.u32 s24, $0x2;
	[sflag:s21] =	ssyncset.done $0x0  }
0xc2: {  	s25 =	simm.s32 @!p3 $0x3;
	[sflag:s21] =	ssyncadd.s32 $0xFFFFE000  }
0xc3: {  	_ =	swait.ge @!p3 [sflag:s25], $0x2000  }
0xc4: {  	[sflag:s25] =	ssyncset.done @!p3 $0x0  }
0xc5: {  	[sflag:s25] =	ssyncadd.s32 @!p3 $0xFFFFE000  }
0xc6: {  	v5 =	vld.idx.msk [tilespmem:v5+s4+$0x0], $0xffff  }
0xc7: {  	v6 =	vor.u32 v1, v4;
	_ =	sdelay $0x2  }
0xc8: {  	s25 =	simm.s32 $0x4080  }
0xc9: {  	[tilespmem:s25+$0xFFFFFF80] =	vst v5  }
0xca: {  	v5 =	vld.idx.msk [tilespmem:v6+s4+$0x0], $0xffff  }
0xcb: {  	v6 =	vor.u32 v2, v4;
	_ =	sdelay $0x3  }
0xcc: {  	[tilespmem:s25+$0xFFFFFF90] =	vst v5  }
0xcd: {  	v5 =	vld.idx.msk [tilespmem:v6+s4+$0x0], $0xffff  }
0xce: {  	v4 =	vor.u32 v3, v4  }
0xcf: {  	s29 =	simm.s32 $0x1  }
0xd0: {  	v6 =	vmov s29  }
0xd1: {  	v6 =	vand.u32 $0x7D, v6  }
0xd2: {  	[tilespmem:s25+$0xFFFFFFA0] =	vst v5;
	v5 =	vbroadcast v6, $0x0  }
0xd3: {  	v4 =	vld.idx.msk [tilespmem:v4+s4+$0x0], $0xffff  }
0xd4: {  	v6 =	vor.u32 v0, v5;
	_ =	sdelay $0x3  }
0xd5: {  	[tilespmem:s25+$0xFFFFFFB0] =	vst v4  }
0xd6: {  	v4 =	vld.idx.msk [tilespmem:v6+s4+$0x0], $0xffff  }
0xd7: {  	v6 =	vor.u32 v1, v5;
	_ =	sdelay $0x3  }
0xd8: {  	[tilespmem:s25+$0xFFFFFFC0] =	vst v4  }
0xd9: {  	v4 =	vld.idx.msk [tilespmem:v6+s4+$0x0], $0xffff  }
0xda: {  	v6 =	vor.u32 v2, v5;
	_ =	sdelay $0x3  }
0xdb: {  	[tilespmem:s25+$0xFFFFFFD0] =	vst v4  }
0xdc: {  	v4 =	vld.idx.msk [tilespmem:v6+s4+$0x0], $0xffff  }
0xdd: {  	v5 =	vor.u32 v3, v5  }
0xde: {  	s30 =	simm.s32 $0x2  }
0xdf: {  	v6 =	vmov s30  }
0xe0: {  	v6 =	vand.u32 $0x7E, v6  }
0xe1: {  	[tilespmem:s25+$0xFFFFFFE0] =	vst v4;
	v4 =	vbroadcast v6, $0x0  }
0xe2: {  	v5 =	vld.idx.msk [tilespmem:v5+s4+$0x0], $0xffff  }
0xe3: {  	v6 =	vor.u32 v0, v4;
	_ =	sdelay $0x3  }
0xe4: {  	[tilespmem:s25+$0xFFFFFFF0] =	vst v5  }
0xe5: {  	v5 =	vld.idx.msk [tilespmem:v6+s4+$0x0], $0xffff  }
0xe6: {  	v6 =	vor.u32 v1, v4;
	_ =	sdelay $0x3  }
0xe7: {  	[tilespmem:s25+$0x0] =	vst v5  }
0xe8: {  	v5 =	vld.idx.msk [tilespmem:v6+s4+$0x0], $0xffff  }
0xe9: {  	v6 =	vor.u32 v2, v4;
	_ =	sdelay $0x3  }
0xea: {  	[tilespmem:s25+$0x10] =	vst v5  }
0xeb: {  	v5 =	vld.idx.msk [tilespmem:v6+s4+$0x0], $0xffff  }
0xec: {  	v4 =	vor.u32 v3, v4  }
0xed: {  	s31 =	simm.s32 $0x3  }
0xee: {  	v6 =	vmov s31  }
0xef: {  	v6 =	vand.u32 $0x7F, v6  }
0xf0: {  	[tilespmem:s25+$0x20] =	vst v5;
	v5 =	vbroadcast v6, $0x0  }
0xf1: {  	v4 =	vld.idx.msk [tilespmem:v4+s4+$0x0], $0xffff  }
0xf2: {  	v6 =	vor.u32 v0, v5;
	_ =	sdelay $0x3  }
0xf3: {  	[tilespmem:s25+$0x30] =	vst v4  }
0xf4: {  	v4 =	vld.idx.msk [tilespmem:v6+s4+$0x0], $0xffff  }
0xf5: {  	v6 =	vor.u32 v1, v5;
	_ =	sdelay $0x3  }
0xf6: {  	[tilespmem:s25+$0x40] =	vst v4  }
0xf7: {  	v4 =	vld.idx.msk [tilespmem:v6+s4+$0x0], $0xffff  }
0xf8: {  	v6 =	vor.u32 v2, v5;
	_ =	sdelay $0x3  }
0xf9: {  	[tilespmem:s25+$0x50] =	vst v4  }
0xfa: {  	v4 =	vld.idx.msk [tilespmem:v6+s4+$0x0], $0xffff  }
0xfb: {  	v5 =	vor.u32 v3, v5;
	_ =	sdelay $0x1  }
0xfc: {  	s26 =	simm.s32 $0x0;
	s28 =	simm.s32 $0x4  }
.LBB2_4:
0xfd: {  	v6 =	vmov s28;
	s26 =	sadd.s32 $0x2, s26  }
0xfe: {  	v6 =	vand.u32 $0x7C, v6;
	p3 =	slt.u32 s26, $0x3E;
	[tilespmem:s25+$0x60] =	vst v4  }
0xff: {  	v4 =	vbroadcast v6, $0x0;
	v5 =	vld.idx.msk [tilespmem:v5+s4+$0x0], $0xffff;
	_ =	sdelay $0x1  }
0x100: {  	v6 =	vor.u32 v0, v4;
	_ =	sdelay $0x3  }
0x101: {  	[tilespmem:s25+$0x70] =	vst v5  }
0x102: {  	v5 =	vld.idx.msk [tilespmem:v6+s4+$0x0], $0xffff;
	_ =	sdelay $0x1  }
0x103: {  	v6 =	vor.u32 v1, v4;
	_ =	sdelay $0x2  }
0x104: {  	s25 =	sadd.s32 $0x100, s25  }
0x105: {  	[tilespmem:s25+$0xFFFFFF80] =	vst v5  }
0x106: {  	v5 =	vld.idx.msk [tilespmem:v6+s4+$0x0], $0xffff;
	_ =	sdelay $0x1  }
0x107: {  	v6 =	vor.u32 v2, v4;
	_ =	sdelay $0x3  }
0x108: {  	[tilespmem:s25+$0xFFFFFF90] =	vst v5  }
0x109: {  	v5 =	vld.idx.msk [tilespmem:v6+s4+$0x0], $0xffff;
	_ =	sdelay $0x1  }
0x10a: {  	v4 =	vor.u32 v3, v4;
	_ =	sdelay $0x1  }
0x10b: {  	s29 =	sadd.s32 $0x1, s28  }
0x10c: {  	v6 =	vmov s29  }
0x10d: {  	[tilespmem:s25+$0xFFFFFFA0] =	vst v5;
	v5 =	vand.u32 $0x7D, v6  }
0x10e: {  	v4 =	vld.idx.msk [tilespmem:v4+s4+$0x0], $0xffff;
	v5 =	vbroadcast v5, $0x0;
	_ =	sdelay $0x1  }
0x10f: {  	v6 =	vor.u32 v0, v5;
	_ =	sdelay $0x3  }
0x110: {  	[tilespmem:s25+$0xFFFFFFB0] =	vst v4  }
0x111: {  	v4 =	vld.idx.msk [tilespmem:v6+s4+$0x0], $0xffff;
	_ =	sdelay $0x1  }
0x112: {  	v6 =	vor.u32 v1, v5;
	_ =	sdelay $0x3  }
0x113: {  	[tilespmem:s25+$0xFFFFFFC0] =	vst v4  }
0x114: {  	v4 =	vld.idx.msk [tilespmem:v6+s4+$0x0], $0xffff;
	_ =	sdelay $0x1  }
0x115: {  	v6 =	vor.u32 v2, v5;
	_ =	sdelay $0x3  }
0x116: {  	[tilespmem:s25+$0xFFFFFFD0] =	vst v4  }
0x117: {  	v4 =	vld.idx.msk [tilespmem:v6+s4+$0x0], $0xffff;
	_ =	sdelay $0x1  }
0x118: {  	v5 =	vor.u32 v3, v5;
	_ =	sdelay $0x1  }
0x119: {  	s29 =	sadd.s32 $0x2, s28  }
0x11a: {  	v6 =	vmov s29  }
0x11b: {  	[tilespmem:s25+$0xFFFFFFE0] =	vst v4;
	v4 =	vand.u32 $0x7E, v6  }
0x11c: {  	v5 =	vld.idx.msk [tilespmem:v5+s4+$0x0], $0xffff;
	v4 =	vbroadcast v4, $0x0;
	_ =	sdelay $0x1  }
0x11d: {  	v6 =	vor.u32 v0, v4;
	_ =	sdelay $0x3  }
0x11e: {  	[tilespmem:s25+$0xFFFFFFF0] =	vst v5  }
0x11f: {  	v5 =	vld.idx.msk [tilespmem:v6+s4+$0x0], $0xffff;
	_ =	sdelay $0x1  }
0x120: {  	v6 =	vor.u32 v1, v4;
	_ =	sdelay $0x3  }
0x121: {  	[tilespmem:s25+$0x0] =	vst v5  }
0x122: {  	v5 =	vld.idx.msk [tilespmem:v6+s4+$0x0], $0xffff;
	_ =	sdelay $0x1  }
0x123: {  	v6 =	vor.u32 v2, v4;
	_ =	sdelay $0x3  }
0x124: {  	[tilespmem:s25+$0x10] =	vst v5  }
0x125: {  	v5 =	vld.idx.msk [tilespmem:v6+s4+$0x0], $0xffff;
	_ =	sdelay $0x1  }
0x126: {  	v4 =	vor.u32 v3, v4;
	_ =	sdelay $0x1  }
0x127: {  	s29 =	sadd.s32 $0x3, s28  }
0x128: {  	v6 =	vmov s29  }
0x129: {  	[tilespmem:s25+$0x20] =	vst v5;
	v5 =	vand.u32 $0x7F, v6  }
0x12a: {  	v4 =	vld.idx.msk [tilespmem:v4+s4+$0x0], $0xffff;
	v5 =	vbroadcast v5, $0x0;
	_ =	sdelay $0x1  }
0x12b: {  	v6 =	vor.u32 v0, v5;
	_ =	sdelay $0x3  }
0x12c: {  	[tilespmem:s25+$0x30] =	vst v4  }
0x12d: {  	v4 =	vld.idx.msk [tilespmem:v6+s4+$0x0], $0xffff;
	_ =	sdelay $0x1  }
0x12e: {  	v6 =	vor.u32 v1, v5;
	_ =	sdelay $0x3  }
0x12f: {  	[tilespmem:s25+$0x40] =	vst v4  }
0x130: {  	v4 =	vld.idx.msk [tilespmem:v6+s4+$0x0], $0xffff;
	_ =	sdelay $0x1  }
0x131: {  	v6 =	vor.u32 v2, v5;
	_ =	sdelay $0x3  }
0x132: {  	[tilespmem:s25+$0x50] =	vst v4  }
.Ltmp8:
0x133: {  	v4 =	vld.idx.msk [tilespmem:v6+s4+$0x0], $0xffff;
	(pc) =	sbr.rel @p3 .LBB2_4-.Ltmp8, $3  }
0x134: {  	_ = 	snop  }
0x135: {  	v5 =	vor.u32 v3, v5;
	_ =	sdelay $0x1  }
0x136: {  	s28 =	sadd.s32 $0x4, s28  }
.Ltmp9:
0x137: {  	_ = 	snop;
	(pc) =	sbr.rel .LBB2_5-.Ltmp9, $1  }
0x138: {  	_ =	sdelay $0x3  }
.LBB2_11:
0x139: {  	s23 =	simm.s32 $0x0  }
0x13a: {  	[tilespmem:s18], [sflag:$0x5] =	stream.linear.gather [hbm4b:s2+s23], $0x2000, $0x38;
	[tilespmem:$0xA000] =	vst v63  }
0x13b: {  	_ =	swait.ge [sflag:s19], $0x2000  }
0x13c: {  	[sflag:s19] =	ssyncset.done $0x0  }
0x13d: {  	s24 =	simm.s32 $0x0;
	[sflag:s19] =	ssyncadd.s32 $0xFFFFE000  }
0x13e: {  	v4 =	vld [tilespmem:s24+$0x8000];
	_ =	sdelay $0x3  }
0x13f: {  	s23 =	simm.s32 $0x4040  }
0x140: {  	[tilespmem:s23+$0xFFFFFFC0] =	vst v4  }
0x141: {  	v4 =	vld [tilespmem:s24+$0x8010];
	_ =	sdelay $0x4  }
0x142: {  	[tilespmem:s23+$0xFFFFFFD0] =	vst v4  }
0x143: {  	v4 =	vld [tilespmem:s24+$0x8020];
	_ =	sdelay $0x4  }
0x144: {  	[tilespmem:s23+$0xFFFFFFE0] =	vst v4  }
0x145: {  	v4 =	vld [tilespmem:s24+$0x8030];
	_ =	sdelay $0x4  }
0x146: {  	[tilespmem:s23+$0xFFFFFFF0] =	vst v4  }
0x147: {  	v4 =	vld [tilespmem:s24+$0x8080];
	_ =	sdelay $0x4  }
0x148: {  	[tilespmem:s23+$0x0] =	vst v4  }
0x149: {  	v4 =	vld [tilespmem:s24+$0x8090];
	_ =	sdelay $0x4  }
0x14a: {  	[tilespmem:s23+$0x10] =	vst v4  }
0x14b: {  	v4 =	vld [tilespmem:s24+$0x80A0];
	_ =	sdelay $0x4  }
0x14c: {  	[tilespmem:s23+$0x20] =	vst v4  }
0x14d: {  	v4 =	vld [tilespmem:s24+$0x80B0];
	_ =	sdelay $0x4  }
0x14e: {  	s25 =	simm.s32 $0x800;
	s24 =	simm.s32 $0x100;
	[tilespmem:s23+$0x30] =	vst v4  }
.LBB2_12:
0x14f: {  	p3 =	sne.s32 s25, $0x7C00;
	v4 =	vld [tilespmem:s24+$0x8000];
	_ =	sdelay $0x3  }
0x150: {  	s23 =	sadd.s32 $0x80, s23  }
0x151: {  	[tilespmem:s23+$0xFFFFFFC0] =	vst v4  }
0x152: {  	v4 =	vld [tilespmem:s24+$0x8010];
	_ =	sdelay $0x4  }
0x153: {  	[tilespmem:s23+$0xFFFFFFD0] =	vst v4  }
0x154: {  	v4 =	vld [tilespmem:s24+$0x8020];
	_ =	sdelay $0x4  }
0x155: {  	[tilespmem:s23+$0xFFFFFFE0] =	vst v4  }
0x156: {  	v4 =	vld [tilespmem:s24+$0x8030];
	_ =	sdelay $0x4  }
0x157: {  	[tilespmem:s23+$0xFFFFFFF0] =	vst v4  }
0x158: {  	v4 =	vld [tilespmem:s24+$0x8080];
	_ =	sdelay $0x4  }
0x159: {  	[tilespmem:s23+$0x0] =	vst v4  }
0x15a: {  	v4 =	vld [tilespmem:s24+$0x8090];
	_ =	sdelay $0x4  }
0x15b: {  	[tilespmem:s23+$0x10] =	vst v4  }
0x15c: {  	v4 =	vld [tilespmem:s24+$0x80A0];
	_ =	sdelay $0x4  }
0x15d: {  	[tilespmem:s23+$0x20] =	vst v4  }
0x15e: {  	v4 =	vld [tilespmem:s24+$0x80B0]  }
.Ltmp10:
0x15f: {  	(pc) =	sbr.rel @p3 .LBB2_12-.Ltmp10, $2  }
0x160: {  	_ =	sdelay $0x2  }
0x161: {  	s24 =	sshra.s32 s25, $0x2;
	s25 =	sadd.s32 $0x400, s25;
	[tilespmem:s23+$0x30] =	vst v4  }
0x162: {  	v4 =	vld [tilespmem:s24+$0x8000];
	_ =	sdelay $0x3  }
0x163: {  	s23 =	sadd.s32 $0x80, s23  }
0x164: {  	[tilespmem:s23+$0xFFFFFFC0] =	vst v4  }
0x165: {  	v4 =	vld [tilespmem:s24+$0x8010];
	_ =	sdelay $0x4  }
0x166: {  	[tilespmem:s23+$0xFFFFFFD0] =	vst v4  }
0x167: {  	v4 =	vld [tilespmem:s24+$0x8020];
	_ =	sdelay $0x4  }
0x168: {  	[tilespmem:s23+$0xFFFFFFE0] =	vst v4  }
0x169: {  	v4 =	vld [tilespmem:s24+$0x8030];
	_ =	sdelay $0x4  }
0x16a: {  	[tilespmem:s23+$0xFFFFFFF0] =	vst v4  }
0x16b: {  	v4 =	vld [tilespmem:s24+$0x8080];
	_ =	sdelay $0x4  }
0x16c: {  	[tilespmem:s23+$0x0] =	vst v4  }
0x16d: {  	v4 =	vld [tilespmem:s24+$0x8090];
	_ =	sdelay $0x4  }
0x16e: {  	[tilespmem:s23+$0x10] =	vst v4  }
0x16f: {  	v4 =	vld [tilespmem:s24+$0x80A0];
	_ =	sdelay $0x4  }
0x170: {  	[tilespmem:s23+$0x20] =	vst v4  }
0x171: {  	v4 =	vld [tilespmem:s24+$0x80B0];
	_ =	sdelay $0x4  }
.Ltmp11:
0x172: {  	[tilespmem:s23+$0x30] =	vst v4;
	(pc) =	sbr.rel .LBB2_14-.Ltmp11, $4  }
0x173: {  	[hbm4b:s10+s4] =	stream.linear.scatter [tilespmem:s20], [sflag:$0x5], $0x1000, $0x38;
	[tilespmem:$0xA000] =	vst v63  }
0x174: {  	_ =	swait.ge [sflag:s19], $0x1000  }
0x175: {  	[sflag:s19] =	ssyncset.done $0x0  }
0x176: {  	[sflag:s19] =	ssyncadd.s32 $0xFFFFF000  }
.LBB2_15:
0x177: {  	_ =	sfence.sel $0x180000  }
0x178: {  	[bflag:$0x0] =	sbarrier.arrive $0xFFFF  }
0x179: {  	p0 =	sne.s32 s3, $0x0;
	_ =	strace $0x90000047  }
0x17a: {  	s0 =	sadd.s32 @!p0 $0x100000, s0;
	[bflag:$0x2] =	sbarrier.arrive $0xFFFF  }
0x17b: {  	[sflag:s0] =	ssyncadd.tile.s32 @!p0 $0x1;
	_ =	shalt  }
.Lfunc_end2:
_tile_overlayer_lowered:
.L_overlay_start_2:
0x17c: {  	(tag) =	ssettag $0x2  }
0x17d: {  	s0 =	rddreg [dreg:$0x0];
	s2 =	stileid.u32  }
0x17e: {  	s1 =	rddreg [dreg:$0x1];
	p0 =	sne.s32 s2, $0x0  }
0x17f: {  	s3 =	rddreg [dreg:$0x2];
	[bflag:$0x3] =	sbarrier.arrive $0xFFFF;
	s2 =	simm.s32 @!p0 $0x1C05  }
0x180: {  	[timem:s3], [sflag:s2] =	dma.local @!p0 [hbm:s0], s1  }
0x181: {  	s0 =	simm.s32 @!p0 $0x5  }
0x182: {  	_ =	swait.ge @!p0 [sflag:s0], s1  }
0x183: {  	s1 =	ssub.s32 @!p0 $0x0, s1;
	[sflag:s0] =	ssyncset.done @!p0 $0x0  }
0x184: {  	[sflag:s0] =	ssyncadd.s32 @!p0 s1  }
0x185: {  	[bflag:$0x3] =	sbarrier.arrive $0xFFFF  }
0x186: {  	_ =	shalt  }

// kernel: kernel.8.cloned.1.call-start
scs
__scs_entry_jumppad:
0x0: {  	(pc) =	sbr.rel $0x88, $3  }
0x1: {  	(tag) =	ssettag $0x0;
	lr =	simm.s32 $0x1  }
0x2: {  	[smem:$0x3F9B] =	sst lr;
	_ =	strace $0xD0000000  }
0x3: {  	_ = 	snop  }
0x4: {  	_ = 	snop  }
0x5: {  	_ = 	snop  }
0x6: {  	_ = 	snop  }
0x7: {  	_ = 	snop  }
__scs_overlays_trampoline_lowered:
0x8: {  	[smem:$0x3FAA] =	sst s0  }
0x9: {  	[smem:$0x3FAB] =	sst s1  }
0xa: {  	[smem:$0x3FAC] =	sst s2  }
0xb: {  	[smem:$0x3FAD] =	sst s3  }
0xc: {  	[smem:$0x3FAE] =	sst s4  }
0xd: {  	[smem:$0x3FAF] =	sst s5  }
0xe: {  	[smem:$0x3FB0] =	sst s6  }
0xf: {  	[smem:$0x3FB1] =	sst s7  }
0x10: {  	[smem:$0x3FB2] =	sst s8  }
0x11: {  	[smem:$0x3FB3] =	sst s9;
	s0 =	simm.s32 @!p0 $0x0  }
0x12: {  	s1 =	sld [smem:$0x3F99];
	s0 =	simm.s32 @p0 $0x1  }
0x13: {  	[smem:$0x3FB4] =	sst s0;
	s0 =	simm.s32 @!p1 $0x0  }
0x14: {  	s2 =	sld [smem:$0x3F98];
	s0 =	simm.s32 @p1 $0x1  }
0x15: {  	[smem:$0x3FB5] =	sst s0;
	s0 =	simm.s32 @!p2 $0x0  }
0x16: {  	s3 =	sld [smem:$0x3FDB];
	s0 =	simm.s32 @p2 $0x1  }
0x17: {  	s4 =	simm.s32 $0x1BF5;
	[smem:$0x3FB7] =	sst s0  }
0x18: {  	s0 =	sld [smem:$0x3F9A];
	_ =	swait.ge [sflag:s4], $0x0  }
0x19: {  	s7 =	sld [smem:$0x3F9B]  }
0x1a: {  	s8 =	sadd.s32 $0xFFFFE003, lr  }
0x1b: {  	s9 =	sadd.s32 $0xFFFFFEF7, lr;
	s5 =	simm.s32 $0xFFFFFFFF;
	p2 =	slt.u32 s8, $0xFFFFF086  }
0x1c: {  	p1 =	slt.u32 s9, $0xF7A;
	s5 =	simm.s32 @!p2 $0x0  }
0x1d: {  	s5 =	simm.s32 @p1 $0x1;
	p0 =	seq.s32 s7, s2  }
0x1e: {  	s7 =	smul.u32 @!p0 $0xF7A, s2;
	p2 =	seq.s32 @!p0 s5, $0x0  }
0x1f: {  	s9 =	smul.u32 $0xF7A, s1;
	s8 =	simm.s32 @!p0 $0x1BF5;
	p2 =	por !p2, p0  }
0x20: {  	[sflag:s8] =	ssyncset.s32 @!p0 $0xFFFFF086;
	s6 =	sadd.s32 @!p0 s3, s7;
	s7 =	simm.s32 @!p0 $0x108  }
0x21: {  	s3 =	sadd.s32 s3, s9;
	s6 =	sadd.s32 @!p0 $0x88, s6;
	s7 =	simm.s32 @p2 $0x1082  }
0x22: {  	[simem:s7], [sflag:s8] =	dma.local @!p0 [hbm:s6], $0xF7A  }
0x23: {  	s9 =	sor.u32 $0xD0000000, s2;
	s6 =	simm.s32 $0x108;
	_ =	swait.ge @!p0 [sflag:s8], $0x0  }
0x24: {  	s3 =	sadd.s32 $0x88, s3;
	s6 =	simm.s32 @!p1 $0x1082;
	[sflag:s4] =	ssyncset.s32 $0xFFFFF086  }
0x25: {  	[simem:s6], [sflag:s4] =	dma.local [hbm:s3], $0xF7A  }
0x26: {  	[smem:$0x3F9B] =	sst s1;
	(tag) =	ssettag s2;
	_ =	strace s9  }
0x27: {  	s1 =	sld [smem:$0x3FAB]  }
0x28: {  	s2 =	sld [smem:$0x3FAC]  }
0x29: {  	s4 =	sld [smem:$0x3FAE]  }
0x2a: {  	p0 =	seq.s32 s5, $0x0;
	s5 =	sld [smem:$0x3FAF]  }
0x2b: {  	s6 =	sld [smem:$0x3FB0]  }
0x2c: {  	s7 =	sld [smem:$0x3FB1]  }
0x2d: {  	s3 =	simm.s32 $0x108;
	s8 =	sld [smem:$0x3FB2]  }
0x2e: {  	s3 =	simm.s32 @!p0 $0x1082;
	s9 =	sld [smem:$0x3FB3]  }
0x2f: {  	lr =	sadd.s32 s0, s3;
	s0 =	sld [smem:$0x3FAA]  }
0x30: {  	s3 =	sld [smem:$0x3FAD]  }
0x31: {  	[smem:$0x3FB6] =	sst s10  }
0x32: {  	s10 =	sld [smem:$0x3FB4];
	_ =	sdelay $0x3  }
0x33: {  	p0 =	seq.s32 s10, $0x1;
	s10 =	sld [smem:$0x3FB6];
	_ =	sdelay $0x3  }
0x34: {  	[smem:$0x3FB6] =	sst s10  }
0x35: {  	s10 =	sld [smem:$0x3FB5];
	_ =	sdelay $0x3  }
0x36: {  	p1 =	seq.s32 s10, $0x1;
	s10 =	sld [smem:$0x3FB6];
	_ =	sdelay $0x3  }
0x37: {  	[smem:$0x3FB6] =	sst s10  }
0x38: {  	s10 =	sld [smem:$0x3FB7]  }
0x39: {  	_ = 	snop;
	(pc) =	sbr.ind lr, $3  }
0x3a: {  	_ = 	snop  }
0x3b: {  	_ = 	snop  }
0x3c: {  	p2 =	seq.s32 s10, $0x1;
	s10 =	sld [smem:$0x3FB6]  }
0x3d: {  	_ =	shalt  }
0x3e: {  	_ =	shalt  }
0x3f: {  	_ =	shalt  }
0x40: {  	_ =	shalt  }
0x41: {  	_ =	shalt  }
0x42: {  	_ =	shalt  }
0x43: {  	_ =	shalt  }
0x44: {  	_ =	shalt  }
0x45: {  	_ =	shalt  }
0x46: {  	_ =	shalt  }
0x47: {  	_ =	shalt  }
0x48: {  	_ =	shalt  }
0x49: {  	_ =	shalt  }
0x4a: {  	_ =	shalt  }
0x4b: {  	_ =	shalt  }
0x4c: {  	_ =	shalt  }
0x4d: {  	_ =	shalt  }
0x4e: {  	_ =	shalt  }
0x4f: {  	_ =	shalt  }
0x50: {  	_ =	shalt  }
0x51: {  	_ =	shalt  }
0x52: {  	_ =	shalt  }
0x53: {  	_ =	shalt  }
0x54: {  	_ =	shalt  }
0x55: {  	_ =	shalt  }
0x56: {  	_ =	shalt  }
0x57: {  	_ =	shalt  }
0x58: {  	_ =	shalt  }
0x59: {  	_ =	shalt  }
0x5a: {  	_ =	shalt  }
0x5b: {  	_ =	shalt  }
0x5c: {  	_ =	shalt  }
0x5d: {  	_ =	shalt  }
0x5e: {  	_ =	shalt  }
0x5f: {  	_ =	shalt  }
0x60: {  	_ =	shalt  }
0x61: {  	_ =	shalt  }
0x62: {  	_ =	shalt  }
0x63: {  	_ =	shalt  }
0x64: {  	_ =	shalt  }
0x65: {  	_ =	shalt  }
0x66: {  	_ =	shalt  }
0x67: {  	_ =	shalt  }
0x68: {  	_ =	shalt  }
0x69: {  	_ =	shalt  }
0x6a: {  	_ =	shalt  }
0x6b: {  	_ =	shalt  }
0x6c: {  	_ =	shalt  }
0x6d: {  	_ =	shalt  }
0x6e: {  	_ =	shalt  }
0x6f: {  	_ =	shalt  }
0x70: {  	_ =	shalt  }
0x71: {  	_ =	shalt  }
0x72: {  	_ =	shalt  }
0x73: {  	_ =	shalt  }
0x74: {  	_ =	shalt  }
0x75: {  	_ =	shalt  }
0x76: {  	_ =	shalt  }
0x77: {  	_ =	shalt  }
0x78: {  	_ =	shalt  }
0x79: {  	_ =	shalt  }
0x7a: {  	_ =	shalt  }
0x7b: {  	_ =	shalt  }
0x7c: {  	_ =	shalt  }
0x7d: {  	_ =	shalt  }
0x7e: {  	_ =	shalt  }
0x7f: {  	_ =	shalt  }
0x80: {  	_ =	shalt  }
0x81: {  	_ =	shalt  }
0x82: {  	_ =	shalt  }
0x83: {  	_ =	shalt  }
0x84: {  	_ =	shalt  }
0x85: {  	_ =	shalt  }
0x86: {  	_ =	shalt  }
0x87: {  	_ =	shalt  }
.Lfunc_end0:
.L_simem_size_0:
called_computation.1_lowered:
.L_overlay_start_0:
0x88: {  	s2 =	sld [smem:$0x3FD9]  }
0x89: {  	s3 =	sld [smem:$0x3FFE];
	_ =	sdelay $0x1  }
0x8a: {  	s1 =	srdreg.scid  }
0x8b: {  	s0 =	sand.u32 $0x1, s1  }
0x8c: {  	s16 =	sshll.u32 s0, $0xA;
	s2 =	sadd.s32 s3, s2  }
0x8d: {  	s2 =	sadd.s32 s2, s16  }
0x8e: {  	[smem:$0x3FC2] =	sst s2  }
0x8f: {  	_ = 	snop  }
0x90: {  	(tm) =	ssettm $0x1  }
0x91: {  	s17 =	sld [smem:$0x3FFB];
	_ =	sdelay $0x3  }
0x92: {  	_ =	strace s17  }
0x93: {  	s2 =	sld [smem:$0x3FFC];
	_ =	sdelay $0x3  }
0x94: {  	_ =	strace s2  }
0x95: {  	s2 =	sld [smem:$0x3FFD];
	_ =	sdelay $0x3  }
0x96: {  	_ =	strace s2  }
0x97: {  	_ =	strace $0x8FFFFFFF  }
0x98: {  	s18 =	sld [smem:$0x3FDB];
	_ =	sdelay $0x1  }
0x99: {  	s19 =	simm.s32 $_scs_section_size  }
0x9a: {  	s4 =	simm.s32 $_size__tile_overlayer_lowered;
	s5 =	simm.s32 $_tile_overlayer_lowered  }
0x9b: {  	s22 =	simm.s32 $0x1BFF;
	s21 =	sshll.u32 s5, $0x1;
	s2 =	sadd.s32 s19, s18  }
0x9c: {  	s6 =	simm.s32 $0x0;
	s20 =	sshll.u32 s4, $0x1;
	s4 =	sadd.s32 s21, s2  }
0x9d: {  	[timem:s6], [sflag:s22] =	dma.local [hbm:s4], s20  }
0x9e: {  	_ =	swait.ge [sflag:s22], s20  }
0x9f: {  	s3 =	ssub.s32 $0x0, s20;
	[sflag:s22] =	ssyncset.done $0x0  }
0xa0: {  	[sflag:s22] =	ssyncadd.s32 s3;
	_ =	sdelay $0x1  }
0xa1: {  	s23 =	simm.s32 $0x1B8B  }
0xa2: {  	_ =	swait.ge [sflag:s23], $0x1  }
0xa3: {  	[sflag:s23] =	ssyncset.done $0x0  }
0xa4: {  	s25 =	simm.s32 $0x1B8E;
	s24 =	sld [smem:$0x3FFE];
	[sflag:s23] =	ssyncadd.s32 $0xFFFFFFFF  }
0xa5: {  	s26 =	simm.s32 $execute0_lowered;
	[smem:$0x3FD2] =	sst s25  }
0xa6: {  	s4 =	sshll.u32 s26, $0x1;
	_ =	strace $0x80000049;
	[dreg:$0x1] =	wrdreg $0xFFFFFFFF  }
0xa7: {  	s28 =	simm.s32 $_size_execute0_lowered;
	s2 =	sadd.s32 s2, s4;
	[dreg:$0x0] =	wrdreg $0x0  }
0xa8: {  	s4 =	sshll.u32 s28, $0x1;
	[dreg:$0x2] =	wrdreg s2  }
0xa9: {  	[dreg:$0x3] =	wrdreg s4  }
0xaa: {  	[dreg:$0x4] =	wrdreg $0xC0  }
0xab: {  	_ =	task [dreg:s6], $0x5FFFF  }
0xac: {  	[dreg:$0x1] =	wrdreg $0xFFFFFFFF  }
0xad: {  	[dreg:$0x0] =	wrdreg $0x60  }
0xae: {  	[dreg:$0x2] =	wrdreg s24  }
0xaf: {  	[dreg:$0x3] =	wrdreg $0x9  }
0xb0: {  	_ =	task.clear_ibuf [dreg:s6], $0x4FFFF;
	_ =	strace $0x90000049  }
0xb1: {  	s29 =	simm.s32 $0x9;
	_ =	strace $0x8000004B  }
0xb2: {  	_ =	swait.ge [sflag:s29], $0x1  }
0xb3: {  	[sflag:s29] =	ssyncadd.s32 $0xFFFFFFFF  }
0xb4: {  	_ =	strace $0x9000004B  }
0xb5: {  	_ =	sfence  }
0xb6: {  	s30 =	sld [smem:$0x0];
	_ =	sdelay $0x2  }
0xb7: {  	s31 =	sshll.u32 s1, $0xD;
	s1 =	sshrl.u32 s1, $0x2  }
0xb8: {  	s3 =	sand.u32 $0x4000, s31;
	s1 =	sadd.s32 s1, s30  }
0xb9: {  	s0 =	sor.u32 s3, s0;
	s1 =	sshll.u32 s1, $0x11  }
0xba: {  	s0 =	sor.u32 s1, s0  }
0xbb: {  	s0 =	sadd.s32 $0x8F2B, s0  }
0xbc: {  	[sflag:s0] =	ssyncadd.remote.s32 $0x1  }
0xbd: {  	_ =	sfence.sel $0xFFFF  }
0xbe: {  	[dreg:$0x0] =	wrdreg $0xFFFFFFFF;
	(pc) =	sbr.abs _section_cstart, $3  }
0xbf: {  	[dreg:$0x1] =	wrdreg $0xFFFFFFFF  }
0xc0: {  	_ =	task.clear_ibuf [dreg:s6], $0x2FFFF;
	_ =	strace $0x9FFFFFFF  }
0xc1: {  	(tm) =	ssettm $0x7FFFFFFF  }
tec
execute0_lowered:
.L_overlay_start_1:
0x0: {  	(tag) =	ssettag $0x1  }
0x1: {  	s1 =	srdreg.scid  }
0x2: {  	s0 =	stileid.u32;
	s4 =	rddreg [dreg:$0x0]  }
0x3: {  	s2 =	simm.s32 $0x0;
	s8 =	simm.s32 $0x80;
	s9 =	simm.s32 $0x6400  }
0x4: {  	s10 =	simm.s32 $0x48;
	s11 =	simm.s32 $0x8400;
	s12 =	simm.s32 $0x9600  }
0x5: {  	s13 =	simm.s32 $0xB600;
	s14 =	simm.s32 $0x1;
	s15 =	simm.s32 $0x2  }
0x6: {  	s16 =	simm.s32 $0xC800;
	s17 =	simm.s32 $0x0;
	s3 =	sand.u32 $0x1, s1  }
0x7: {  	s5 =	sshll.u32 s0, $0x8;
	[smem:$0x7FF] =	sst s2;
	s6 =	sshll.u32 s3, $0x7  }
0x8: {  	s1 =	rddreg [dreg:$0x1];
	_ =	strace $0x8000004A;
	s5 =	sor.u32 s6, s5  }
0x9: {  	s7 =	ssub.s32 $0x2, s3;
	s6 =	smul.u32 $0x19, s5;
	s5 =	sshll.u32 s5, $0x3  }
0xa: {  	s3 =	sadd.s32 $0xE00, s4;
	s31 =	sshrl.u32 s7, $0x1;
	s5 =	sadd.s32 s5, s4  }
0xb: {  	s7 =	ssub.s32 s7, s31;
	s6 =	sadd.s32 s6, s4;
	s5 =	sadd.s32 $0x7BB000, s5  }
0xc: {  	s4 =	sadd.s32 $0x7A2000, s6;
	s6 =	smax.u32 s7, $0x1;
	s7 =	simm.s32 $0x3  }
.LBB2_1:
0xd: {  	[tilespmem:s2], [sflag:$0x3] =	stream.linear.gather [hbm4b:s4+s2], $0x6400, $0x38;
	[tilespmem:$0xE800] =	vst v63  }
0xe: {  	_ =	swait.ge [sflag:s7], $0x6400  }
0xf: {  	[sflag:s7] =	ssyncset.done $0x0  }
0x10: {  	[sflag:s7] =	ssyncadd.s32 $0xFFFF9C00  }
0x11: {  	[tilespmem:s9], [sflag:$0x1] =	stream.indirect.gather [hbm4b:s3+s8], $0x40, s2, s8, $0xb8;
	[tilespmem:$0xE800] =	vst v63  }
0x12: {  	s18 =	simm.s32 $0x0  }
0x13: {  	[tilespmem:s11], [sflag:$0x1] =	stream.indirect.gather [hbm4b:s3+s10], $0x40, s8, s10, $0xb8;
	[tilespmem:$0xE800] =	vst v63  }
.LBB2_2:
0x14: {  	s19 =	sshllo.u32 s18, $0x1  }
0x15: {  	s20 =	smul.u32 $0x320, s19;
	_ =	sdelay $0x1  }
0x16: {  	s20 =	sshra.s32 s20, $0x2  }
0x17: {  	[tilespmem:s12], [sflag:$0x2] =	stream.indirect.gather [hbm4b:s3+s8], $0x40, s20, s8, $0xb8;
	[tilespmem:$0xE800] =	vst v63  }
0x18: {  	s20 =	sadd.s32 $0x80, s20  }
0x19: {  	[tilespmem:s13], [sflag:$0x2] =	stream.indirect.gather [hbm4b:s3+s10], $0x40, s20, s10, $0xb8;
	[tilespmem:$0xE800] =	vst v63  }
0x1a: {  	_ =	swait.ge [sflag:s14], $0x3200  }
0x1b: {  	[sflag:s14] =	ssyncset.done $0x0  }
0x1c: {  	s21 =	simm.s32 $0x6500;
	[sflag:s14] =	ssyncadd.s32 $0xFFFFCE00  }
0x1d: {  	v0 =	vld [tilespmem:s21+$0xC0]  }
0x1e: {  	v1 =	vld [tilespmem:s21+$0xD0]  }
0x1f: {  	v2 =	vld [tilespmem:s21+$0x80]  }
0x20: {  	v3 =	vld [tilespmem:s21+$0x90]  }
0x21: {  	v9 =	vld [tilespmem:s21+$0x40]  }
0x22: {  	v12 =	vld [tilespmem:s21+$0x50]  }
0x23: {  	v7 =	vld [tilespmem:s21+$0x0]  }
0x24: {  	v8 =	vld [tilespmem:s21+$0x10]  }
0x25: {  	v5 =	vld [tilespmem:s21+$0xFFFFFFC0]  }
0x26: {  	v6 =	vld [tilespmem:s21+$0xFFFFFFD0]  }
0x27: {  	v4 =	vld [tilespmem:s21+$0xFFFFFF80]  }
0x28: {  	v10 =	vld [tilespmem:s21+$0xFFFFFF90]  }
0x29: {  	v11 =	vld [tilespmem:s21+$0xFFFFFF40]  }
0x2a: {  	v13 =	vld [tilespmem:s21+$0xFFFFFF50]  }
0x2b: {  	v14 =	vld [tilespmem:s21+$0xFFFFFF00]  }
0x2c: {  	v15 =	vld [tilespmem:s21+$0xFFFFFF10]  }
0x2d: {  	v16 =	vld [tilespmem:s21+$0xFFFFFF20]  }
0x2e: {  	v17 =	vld [tilespmem:s21+$0xFFFFFF30]  }
0x2f: {  	v18 =	vld [tilespmem:s21+$0xFFFFFF60]  }
0x30: {  	v19 =	vld [tilespmem:s21+$0xFFFFFF70]  }
0x31: {  	v20 =	vimm.f32 $0.0e+00;
	v21 =	vld [tilespmem:s21+$0xFFFFFFA0]  }
0x32: {  	v22 =	vld [tilespmem:s21+$0xFFFFFFB0];
	v14 =	vadd.f32 v14, v20;
	v15 =	vadd.f32 v15, v20  }
0x33: {  	v59 =	vld [tilespmem:s21+$0xFFFFFFE0];
	v16 =	vadd.f32 v16, v20;
	v17 =	vadd.f32 v17, v20  }
0x34: {  	v11 =	vadd.f32 v11, v14;
	v13 =	vadd.f32 v13, v15;
	v14 =	vld [tilespmem:s21+$0xFFFFFFF0]  }
0x35: {  	v61 =	vld [tilespmem:s21+$0x20];
	v15 =	vadd.f32 v18, v16;
	v60 =	vadd.f32 v19, v17  }
0x36: {  	v11 =	vadd.f32 v4, v11;
	v10 =	vadd.f32 v10, v13;
	v13 =	vld [tilespmem:s21+$0x30]  }
0x37: {  	v15 =	vadd.f32 v21, v15;
	v16 =	vadd.f32 v22, v60;
	v4 =	vld [tilespmem:s21+$0x60]  }
0x38: {  	v11 =	vadd.f32 v5, v11;
	v10 =	vadd.f32 v6, v10;
	v6 =	vld [tilespmem:s21+$0x70]  }
0x39: {  	v15 =	vadd.f32 v59, v15;
	v5 =	vld [tilespmem:s21+$0xA0];
	v14 =	vadd.f32 v14, v16  }
0x3a: {  	v62 =	vadd.f32 v7, v11;
	v63 =	vadd.f32 v8, v10;
	v8 =	vld [tilespmem:s21+$0xB0]  }
0x3b: {  	v11 =	vadd.f32 v61, v15;
	v7 =	vld [tilespmem:s21+$0xE0];
	v10 =	vadd.f32 v13, v14  }
0x3c: {  	s20 =	simm.s32 $0x0;
	v13 =	vadd.f32 v9, v62;
	v12 =	vadd.f32 v12, v63;
	v9 =	vld [tilespmem:s21+$0xF0];
	s21 =	simm.s32 $0x6700  }
.LBB2_3:
0x3d: {  	v14 =	vld [tilespmem:s21+$0xC0];
	v4 =	vadd.f32 v4, v11;
	v6 =	vadd.f32 v6, v10  }
0x3e: {  	v10 =	vld [tilespmem:s21+$0xD0];
	v11 =	vadd.f32 v2, v13;
	v12 =	vadd.f32 v3, v12  }
0x3f: {  	v2 =	vld [tilespmem:s21+$0x80];
	v4 =	vadd.f32 v5, v4;
	v5 =	vadd.f32 v8, v6  }
0x40: {  	v3 =	vld [tilespmem:s21+$0x90];
	v6 =	vadd.f32 v0, v11;
	v8 =	vadd.f32 v1, v12  }
0x41: {  	v12 =	vld [tilespmem:s21+$0x40];
	v4 =	vadd.f32 v7, v4;
	v5 =	vadd.f32 v9, v5  }
0x42: {  	v9 =	vld [tilespmem:s21+$0x50];
	v0 =	vmov v14  }
0x43: {  	v7 =	vld [tilespmem:s21+$0x0];
	v1 =	vmov v10  }
0x44: {  	v10 =	vld [tilespmem:s21+$0x10]  }
0x45: {  	v11 =	vld [tilespmem:s21+$0xFFFFFFC0]  }
0x46: {  	v13 =	vld [tilespmem:s21+$0xFFFFFFD0]  }
0x47: {  	v14 =	vld [tilespmem:s21+$0xFFFFFF80]  }
0x48: {  	v15 =	vld [tilespmem:s21+$0xFFFFFF90]  }
0x49: {  	v16 =	vld [tilespmem:s21+$0xFFFFFF40]  }
0x4a: {  	v17 =	vld [tilespmem:s21+$0xFFFFFF50]  }
0x4b: {  	v18 =	vld [tilespmem:s21+$0xFFFFFF00]  }
0x4c: {  	v19 =	vld [tilespmem:s21+$0xFFFFFF10]  }
0x4d: {  	v20 =	vld [tilespmem:s21+$0xFFFFFF20]  }
0x4e: {  	s20 =	sadd.s32 $0x8, s20;
	v21 =	vld [tilespmem:s21+$0xFFFFFF30]  }
0x4f: {  	p0 =	slt.u32 s20, $0xC0;
	v22 =	vld [tilespmem:s21+$0xFFFFFF60]  }
0x50: {  	v23 =	vld [tilespmem:s21+$0xFFFFFF70]  }
0x51: {  	v24 =	vld [tilespmem:s21+$0xFFFFFFA0]  }
0x52: {  	v6 =	vadd.f32 v18, v6;
	v8 =	vadd.f32 v19, v8;
	v18 =	vld [tilespmem:s21+$0xFFFFFFB0]  }
0x53: {  	v4 =	vadd.f32 v20, v4;
	v5 =	vadd.f32 v21, v5;
	v19 =	vld [tilespmem:s21+$0xFFFFFFE0]  }
0x54: {  	v6 =	vadd.f32 v16, v6;
	v8 =	vadd.f32 v17, v8;
	v16 =	vld [tilespmem:s21+$0xFFFFFFF0]  }
0x55: {  	v4 =	vadd.f32 v22, v4;
	v5 =	vadd.f32 v23, v5;
	v17 =	vld [tilespmem:s21+$0x20]  }
0x56: {  	v6 =	vadd.f32 v14, v6;
	v8 =	vadd.f32 v15, v8;
	v14 =	vld [tilespmem:s21+$0x30]  }
0x57: {  	v15 =	vadd.f32 v24, v4;
	v5 =	vadd.f32 v18, v5;
	v4 =	vld [tilespmem:s21+$0x60]  }
.Ltmp0:
0x58: {  	v11 =	vadd.f32 v11, v6;
	v8 =	vadd.f32 v13, v8;
	v6 =	vld [tilespmem:s21+$0x70];
	(pc) =	sbr.rel @p0 .LBB2_3-.Ltmp0, $4  }
0x59: {  	v13 =	vadd.f32 v19, v15;
	v15 =	vadd.f32 v16, v5;
	v5 =	vld [tilespmem:s21+$0xA0]  }
0x5a: {  	v16 =	vadd.f32 v7, v11;
	v18 =	vadd.f32 v10, v8;
	v8 =	vld [tilespmem:s21+$0xB0]  }
0x5b: {  	v11 =	vadd.f32 v17, v13;
	v10 =	vadd.f32 v14, v15;
	v7 =	vld [tilespmem:s21+$0xE0]  }
0x5c: {  	v13 =	vadd.f32 v12, v16;
	v12 =	vadd.f32 v9, v18;
	v9 =	vld [tilespmem:s21+$0xF0];
	s21 =	sadd.s32 $0x200, s21  }
0x5d: {  	_ = 	snop  }
0x5e: {  	v4 =	vadd.f32 v4, v11;
	v2 =	vadd.f32 v2, v13  }
0x5f: {  	v6 =	vadd.f32 v6, v10;
	v3 =	vadd.f32 v3, v12  }
0x60: {  	v4 =	vadd.f32 v5, v4;
	v0 =	vadd.f32 v0, v2  }
0x61: {  	v2 =	vadd.f32 v8, v6;
	v1 =	vadd.f32 v1, v3  }
0x62: {  	s20 =	sshll.u32 s18, $0x7;
	v3 =	vadd.f32 v7, v4;
	v0 =	vmul.f32 $4.999999890e-03, v0  }
0x63: {  	p0 =	seq.s32 s18, $0x3F;
	s20 =	sand.u32 $0x3FFFFF80, s20;
	v2 =	vadd.f32 v9, v2;
	v1 =	vmul.f32 $4.999999890e-03, v1  }
0x64: {  	s21 =	smul.u32 @!p0 $0x640, s18;
	[tilespmem:s20+$0xC800] =	vst v0;
	v0 =	vmul.f32 $4.999999890e-03, v3  }
0x65: {  	[tilespmem:s20+$0xC810] =	vst v1;
	v1 =	vmul.f32 $4.999999890e-03, v2  }
0x66: {  	s21 =	sshra.s32 @!p0 s21, $0x2;
	[tilespmem:s20+$0xC820] =	vst v0  }
0x67: {  	s22 =	simm.s32 @!p0 $0x80;
	s23 =	simm.s32 @!p0 $0x6400;
	[tilespmem:s20+$0xC830] =	vst v1;
	s20 =	sadd.s32 @!p0 $0x190, s21  }
0x68: {  	[tilespmem:s23], [sflag:$0x1] =	stream.indirect.gather @!p0 [hbm4b:s3+s22], $0x40, s20, s22, $0xb8;
	[tilespmem:$0xE800] =	vst v63  }
0x69: {  	s20 =	sadd.s32 @!p0 $0x210, s21;
	s21 =	simm.s32 @!p0 $0x48;
	s22 =	simm.s32 @!p0 $0x8400  }
0x6a: {  	[tilespmem:s22], [sflag:$0x1] =	stream.indirect.gather @!p0 [hbm4b:s3+s21], $0x40, s20, s21, $0xb8;
	[tilespmem:$0xE800] =	vst v63  }
0x6b: {  	_ =	swait.ge [sflag:s15], $0x3200  }
0x6c: {  	[sflag:s15] =	ssyncset.done $0x0  }
0x6d: {  	s31 =	simm.s32 $0x97F0;
	[sflag:s15] =	ssyncadd.s32 $0xFFFFCE00  }
0x6e: {  	v0 =	vld [tilespmem:s31+$0xFFFFFFD0]  }
0x6f: {  	v1 =	vld [tilespmem:s31+$0xFFFFFFE0]  }
0x70: {  	v2 =	vld [tilespmem:s31+$0xFFFFFF90]  }
0x71: {  	v3 =	vld [tilespmem:s31+$0xFFFFFFA0]  }
0x72: {  	v9 =	vld [tilespmem:s31+$0xFFFFFF50]  }
0x73: {  	v12 =	vld [tilespmem:s31+$0xFFFFFF60]  }
0x74: {  	v7 =	vld [tilespmem:s31+$0xFFFFFF10]  }
0x75: {  	v8 =	vld [tilespmem:s31+$0xFFFFFF20]  }
0x76: {  	v5 =	vld [tilespmem:s31+$0xFFFFFED0]  }
0x77: {  	v6 =	vld [tilespmem:s31+$0xFFFFFEE0]  }
0x78: {  	v4 =	vld [tilespmem:s31+$0xFFFFFE90]  }
0x79: {  	v10 =	vld [tilespmem:s31+$0xFFFFFEA0]  }
0x7a: {  	v11 =	vld [tilespmem:s31+$0xFFFFFE50]  }
0x7b: {  	v13 =	vld [tilespmem:s31+$0xFFFFFE60]  }
0x7c: {  	v14 =	vld [tilespmem:s31+$0xFFFFFE10]  }
0x7d: {  	v15 =	vld [tilespmem:s31+$0xFFFFFE20]  }
0x7e: {  	v16 =	vld [tilespmem:s31+$0xFFFFFE30]  }
0x7f: {  	v17 =	vld [tilespmem:s31+$0xFFFFFE40]  }
0x80: {  	v18 =	vld [tilespmem:s31+$0xFFFFFE70]  }
0x81: {  	v19 =	vld [tilespmem:s31+$0xFFFFFE80]  }
0x82: {  	v20 =	vimm.f32 $0.0e+00;
	v21 =	vld [tilespmem:s31+$0xFFFFFEB0]  }
0x83: {  	v22 =	vld [tilespmem:s31+$0xFFFFFEC0];
	v14 =	vadd.f32 v14, v20;
	v15 =	vadd.f32 v15, v20  }
0x84: {  	v59 =	vld [tilespmem:s31+$0xFFFFFEF0];
	v16 =	vadd.f32 v16, v20;
	v17 =	vadd.f32 v17, v20  }
0x85: {  	v11 =	vadd.f32 v11, v14;
	v13 =	vadd.f32 v13, v15;
	v14 =	vld [tilespmem:s31+$0xFFFFFF00]  }
0x86: {  	v61 =	vld [tilespmem:s31+$0xFFFFFF30];
	v15 =	vadd.f32 v18, v16;
	v60 =	vadd.f32 v19, v17  }
0x87: {  	v11 =	vadd.f32 v4, v11;
	v10 =	vadd.f32 v10, v13;
	v13 =	vld [tilespmem:s31+$0xFFFFFF40]  }
0x88: {  	v15 =	vadd.f32 v21, v15;
	v16 =	vadd.f32 v22, v60;
	v4 =	vld [tilespmem:s31+$0xFFFFFF70]  }
0x89: {  	v11 =	vadd.f32 v5, v11;
	v10 =	vadd.f32 v6, v10;
	v6 =	vld [tilespmem:s31+$0xFFFFFF80]  }
0x8a: {  	v15 =	vadd.f32 v59, v15;
	v5 =	vld [tilespmem:s31+$0xFFFFFFB0];
	v14 =	vadd.f32 v14, v16  }
0x8b: {  	v62 =	vadd.f32 v7, v11;
	v63 =	vadd.f32 v8, v10;
	v8 =	vld [tilespmem:s31+$0xFFFFFFC0]  }
0x8c: {  	v11 =	vadd.f32 v61, v15;
	v7 =	vld [tilespmem:s31+$0xFFFFFFF0];
	v10 =	vadd.f32 v13, v14  }
0x8d: {  	s20 =	simm.s32 $0x0;
	s21 =	simm.s32 $0x99F0;
	v13 =	vadd.f32 v9, v62;
	v12 =	vadd.f32 v12, v63;
	v9 =	vld [tilespmem:s31+$0x0]  }
.LBB2_5:
0x8e: {  	v14 =	vld [tilespmem:s21+$0xFFFFFFD0];
	v4 =	vadd.f32 v4, v11;
	v6 =	vadd.f32 v6, v10  }
0x8f: {  	v10 =	vld [tilespmem:s21+$0xFFFFFFE0];
	v11 =	vadd.f32 v2, v13;
	v12 =	vadd.f32 v3, v12  }
0x90: {  	v2 =	vld [tilespmem:s21+$0xFFFFFF90];
	v4 =	vadd.f32 v5, v4;
	v5 =	vadd.f32 v8, v6  }
0x91: {  	v3 =	vld [tilespmem:s21+$0xFFFFFFA0];
	v6 =	vadd.f32 v0, v11;
	v8 =	vadd.f32 v1, v12  }
0x92: {  	v12 =	vld [tilespmem:s21+$0xFFFFFF50];
	v4 =	vadd.f32 v7, v4;
	v5 =	vadd.f32 v9, v5  }
0x93: {  	v9 =	vld [tilespmem:s21+$0xFFFFFF60];
	v0 =	vmov v14  }
0x94: {  	v7 =	vld [tilespmem:s21+$0xFFFFFF10];
	v1 =	vmov v10  }
0x95: {  	v10 =	vld [tilespmem:s21+$0xFFFFFF20]  }
0x96: {  	v11 =	vld [tilespmem:s21+$0xFFFFFED0]  }
0x97: {  	v13 =	vld [tilespmem:s21+$0xFFFFFEE0]  }
0x98: {  	v14 =	vld [tilespmem:s21+$0xFFFFFE90]  }
0x99: {  	v15 =	vld [tilespmem:s21+$0xFFFFFEA0]  }
0x9a: {  	v16 =	vld [tilespmem:s21+$0xFFFFFE50]  }
0x9b: {  	v17 =	vld [tilespmem:s21+$0xFFFFFE60]  }
0x9c: {  	v18 =	vld [tilespmem:s21+$0xFFFFFE10]  }
0x9d: {  	v19 =	vld [tilespmem:s21+$0xFFFFFE20]  }
0x9e: {  	v20 =	vld [tilespmem:s21+$0xFFFFFE30]  }
0x9f: {  	s20 =	sadd.s32 $0x8, s20;
	v21 =	vld [tilespmem:s21+$0xFFFFFE40]  }
0xa0: {  	p0 =	slt.u32 s20, $0xC0;
	v22 =	vld [tilespmem:s21+$0xFFFFFE70]  }
0xa1: {  	v23 =	vld [tilespmem:s21+$0xFFFFFE80]  }
0xa2: {  	v24 =	vld [tilespmem:s21+$0xFFFFFEB0]  }
0xa3: {  	v6 =	vadd.f32 v18, v6;
	v8 =	vadd.f32 v19, v8;
	v18 =	vld [tilespmem:s21+$0xFFFFFEC0]  }
0xa4: {  	v4 =	vadd.f32 v20, v4;
	v5 =	vadd.f32 v21, v5;
	v19 =	vld [tilespmem:s21+$0xFFFFFEF0]  }
0xa5: {  	v6 =	vadd.f32 v16, v6;
	v8 =	vadd.f32 v17, v8;
	v16 =	vld [tilespmem:s21+$0xFFFFFF00]  }
0xa6: {  	v4 =	vadd.f32 v22, v4;
	v5 =	vadd.f32 v23, v5;
	v17 =	vld [tilespmem:s21+$0xFFFFFF30]  }
0xa7: {  	v6 =	vadd.f32 v14, v6;
	v8 =	vadd.f32 v15, v8;
	v14 =	vld [tilespmem:s21+$0xFFFFFF40]  }
0xa8: {  	v15 =	vadd.f32 v24, v4;
	v5 =	vadd.f32 v18, v5;
	v4 =	vld [tilespmem:s21+$0xFFFFFF70]  }
.Ltmp1:
0xa9: {  	v11 =	vadd.f32 v11, v6;
	v8 =	vadd.f32 v13, v8;
	v6 =	vld [tilespmem:s21+$0xFFFFFF80];
	(pc) =	sbr.rel @p0 .LBB2_5-.Ltmp1, $4  }
0xaa: {  	v13 =	vadd.f32 v19, v15;
	v15 =	vadd.f32 v16, v5;
	v5 =	vld [tilespmem:s21+$0xFFFFFFB0]  }
0xab: {  	v16 =	vadd.f32 v7, v11;
	v18 =	vadd.f32 v10, v8;
	v8 =	vld [tilespmem:s21+$0xFFFFFFC0]  }
0xac: {  	v11 =	vadd.f32 v17, v13;
	v10 =	vadd.f32 v14, v15;
	v7 =	vld [tilespmem:s21+$0xFFFFFFF0]  }
0xad: {  	v13 =	vadd.f32 v12, v16;
	v12 =	vadd.f32 v9, v18;
	v9 =	vld [tilespmem:s21+$0x0];
	s21 =	sadd.s32 $0x200, s21  }
0xae: {  	_ = 	snop  }
0xaf: {  	v4 =	vadd.f32 v4, v11;
	v2 =	vadd.f32 v2, v13  }
0xb0: {  	v6 =	vadd.f32 v6, v10;
	v3 =	vadd.f32 v3, v12  }
0xb1: {  	v4 =	vadd.f32 v5, v4;
	v0 =	vadd.f32 v0, v2  }
0xb2: {  	s18 =	sadd.s32 $0x1, s18;
	v60 =	vadd.f32 v8, v6;
	v1 =	vadd.f32 v1, v3  }
0xb3: {  	s19 =	sshll.u32 s19, $0x6;
	p0 =	sne.s32 s18, $0x40;
	v61 =	vadd.f32 v7, v4;
	v0 =	vmul.f32 $4.999999890e-03, v0  }
.Ltmp2:
0xb4: {  	s19 =	sand.u32 $0x3FFFFFC0, s19;
	v2 =	vadd.f32 v9, v60;
	v1 =	vmul.f32 $4.999999890e-03, v1;
	(pc) =	sbr.rel @p0 .LBB2_2-.Ltmp2, $4  }
0xb5: {  	v62 =	vmul.f32 $4.999999890e-03, v61;
	[tilespmem:s19+$0xC800] =	vst v0  }
0xb6: {  	v63 =	vmul.f32 $4.999999890e-03, v2;
	[tilespmem:s19+$0xC810] =	vst v1  }
0xb7: {  	[tilespmem:s19+$0xC820] =	vst v62  }
0xb8: {  	[tilespmem:s19+$0xC830] =	vst v63  }
0xb9: {  	s17 =	sadd.s32 $0x1, s17  }
0xba: {  	p0 =	sne.s32 s17, s6  }
.Ltmp3:
0xbb: {  	_ = 	snop;
	(pc) =	sbr.rel @p0 .LBB2_1-.Ltmp3, $4  }
0xbc: {  	[hbm4b:s5+s2] =	stream.linear.scatter [tilespmem:s16], [sflag:$0x3], $0x2000, $0x38;
	[tilespmem:$0xE800] =	vst v63  }
0xbd: {  	_ =	swait.ge [sflag:s7], $0x2000  }
0xbe: {  	[sflag:s7] =	ssyncset.done $0x0  }
0xbf: {  	[sflag:s7] =	ssyncadd.s32 $0xFFFFE000  }
0xc0: {  	_ =	sfence.sel $0x180000  }
0xc1: {  	[bflag:$0x0] =	sbarrier.arrive $0xFFFF  }
0xc2: {  	p0 =	sne.s32 s0, $0x0;
	_ =	strace $0x9000004A  }
0xc3: {  	s0 =	sadd.s32 @!p0 $0x100000, s1;
	[bflag:$0x2] =	sbarrier.arrive $0xFFFF  }
0xc4: {  	[sflag:s0] =	ssyncadd.tile.s32 @!p0 $0x1;
	_ =	shalt  }
.Lfunc_end2:
_tile_overlayer_lowered:
.L_overlay_start_2:
0xc5: {  	(tag) =	ssettag $0x2  }
0xc6: {  	s0 =	rddreg [dreg:$0x0];
	s2 =	stileid.u32  }
0xc7: {  	s1 =	rddreg [dreg:$0x1];
	p0 =	sne.s32 s2, $0x0  }
0xc8: {  	s3 =	rddreg [dreg:$0x2];
	[bflag:$0x3] =	sbarrier.arrive $0xFFFF;
	s2 =	simm.s32 @!p0 $0x1C03  }
0xc9: {  	[timem:s3], [sflag:s2] =	dma.local @!p0 [hbm:s0], s1  }
0xca: {  	s0 =	simm.s32 @!p0 $0x3  }
0xcb: {  	_ =	swait.ge @!p0 [sflag:s0], s1  }
0xcc: {  	s1 =	ssub.s32 @!p0 $0x0, s1;
	[sflag:s0] =	ssyncset.done @!p0 $0x0  }
0xcd: {  	[sflag:s0] =	ssyncadd.s32 @!p0 s1  }
0xce: {  	[bflag:$0x3] =	sbarrier.arrive $0xFFFF  }
0xcf: {  	_ =	shalt  }

</sc_bundles>
